<compile_context>
chip_gen: v7x
topology: tpu7x:2x2x1
jax: 0.10.2.dev20260603
libtpu: 0.0.44.dev20260713+nightly
codegen_flags: <defaults>
</compile_context>

<pallas_src>
import jax
import jax.numpy as jnp
from jax import lax
from jax.experimental import pallas as pl
from jax.experimental.pallas import tpu as pltpu
from jax.experimental.pallas import tpu_sc as plsc

N = 10000
E = 320000
D = 128
K = 1000
B = 1024

NC = 2
NS = 16
NW = NC * NS

N_PAD = 10240
E_PW = N_PAD
CH = 128
NCHUNK = E_PW // CH
CPB = 8
NBODY = NCHUNK // CPB
E_PAD = E_PW * NW
ROWS_PT = N_PAD // NS

_mesh = plsc.VectorSubcoreMesh(core_axis_name="c", subcore_axis_name="s")
_f32 = jnp.float32



def _mm2_body(emb_ref, w_ref, m_ref, ew_ref, em_ref):
    e = emb_ref[:]
    dn = (((1,), (1,)), ((), ()))
    ew_ref[:] = lax.dot_general(e, w_ref[:], dn, preferred_element_type=_f32)
    em_ref[:] = lax.dot_general(e, m_ref[:], dn, preferred_element_type=_f32)


def _tc_mm2(emb, w, m):
    return pl.pallas_call(
        _mm2_body,
        out_shape=(jax.ShapeDtypeStruct((K, D), _f32),
                   jax.ShapeDtypeStruct((K, D), _f32)),
    )(emb, w, m)


def _softmax_rows(x):
    mx = jnp.max(x, axis=-1, keepdims=True)
    ex = jnp.exp(x - mx)
    return ex / jnp.sum(ex, axis=-1, keepdims=True)


def _mid_body(sm_ref, p_ref, u_ref, v_ref, s2_ref, n2_ref):
    h = _softmax_rows(jnp.maximum(sm_ref[:] + p_ref[0] + p_ref[1], 0.0))
    dn = (((1,), (1,)), ((), ()))
    s2_ref[:] = lax.dot_general(h, u_ref[:], dn, preferred_element_type=_f32)
    n2_ref[:] = lax.dot_general(h, v_ref[:], dn, preferred_element_type=_f32)


def _tc_mid(self_msg, p, u, v):
    bd = 1280
    grid = (N_PAD // bd,)
    return pl.pallas_call(
        _mid_body,
        grid=grid,
        in_specs=[
            pl.BlockSpec((bd, D), lambda i: (i, 0)),
            pl.BlockSpec((NC, bd, D), lambda i: (0, i, 0)),
            pl.BlockSpec((D, D), lambda i: (0, 0)),
            pl.BlockSpec((D, D), lambda i: (0, 0)),
        ],
        out_specs=(pl.BlockSpec((bd, D), lambda i: (i, 0)),
                   pl.BlockSpec((bd, D), lambda i: (i, 0))),
        out_shape=(jax.ShapeDtypeStruct((N_PAD, D), _f32),
                   jax.ShapeDtypeStruct((N_PAD, D), _f32)),
    )(self_msg, p, u, v)


def _last_body(s2_ref, p_ref, g_ref):
    g_ref[:] = _softmax_rows(jnp.maximum(s2_ref[:] + p_ref[0] + p_ref[1], 0.0))


def _tc_last(self2, p):
    bd = 1280
    return pl.pallas_call(
        _last_body,
        grid=(N_PAD // bd,),
        in_specs=[
            pl.BlockSpec((bd, D), lambda i: (i, 0)),
            pl.BlockSpec((NC, bd, D), lambda i: (0, i, 0)),
        ],
        out_specs=pl.BlockSpec((bd, D), lambda i: (i, 0)),
        out_shape=jax.ShapeDtypeStruct((N_PAD, D), _f32),
    )(self2, p)


def _head_body(a_ref, b_ref, w1_ref, b1_ref, w2_ref, b2_ref, o_ref):
    a = a_ref[:]
    b = b_ref[:]
    dn = (((1,), (1,)), ((), ()))
    z = jnp.concatenate([a * b, a + b], axis=-1)
    x = lax.dot_general(z, w1_ref[:], dn, preferred_element_type=_f32)
    x = x + b1_ref[:]
    lg = lax.dot_general(x, w2_ref[:], dn, preferred_element_type=_f32)
    lg = lg + b2_ref[:]
    col = lax.broadcasted_iota(jnp.int32, lg.shape, 1)
    lg = jnp.where(col < 2, lg, -1e30)
    o_ref[:] = _softmax_rows(lg)


def _tc_head(a, b, w1, b1r, w2p, b2p):
    return pl.pallas_call(
        _head_body,
        out_shape=jax.ShapeDtypeStruct((B, D), _f32),
    )(a, b, w1, b1r, w2p, b2p)



def _gather2_body(tw, tm, idxr, out_w, out_m, idx_v, rows_w, rows_m,
                  sem_w, sem_m):
    c = lax.axis_index("c")
    s = lax.axis_index("s")
    w = c * NS + s
    npw = N_PAD // NW
    pltpu.sync_copy(idxr.at[w], idx_v)
    for ch in range(4):
        dw = pltpu.async_copy(tw.at[idx_v.at[ch]],
                              rows_w.at[pl.ds(ch * 80, 80)], sem_w)
        dm = pltpu.async_copy(tm.at[idx_v.at[ch]],
                              rows_m.at[pl.ds(ch * 80, 80)], sem_m)
        dw.wait()
        dm.wait()
    pltpu.sync_copy(rows_w, out_w.at[pl.ds(w * npw, npw)])
    pltpu.sync_copy(rows_m, out_m.at[pl.ds(w * npw, npw)])


def _sc_gather2(emb_w, emb_m, idx_r):
    npw = N_PAD // NW
    return pl.kernel(
        _gather2_body,
        out_type=(jax.ShapeDtypeStruct((N_PAD, D), _f32),
                  jax.ShapeDtypeStruct((N_PAD, D), _f32)),
        mesh=_mesh,
        scratch_types=[
            pltpu.VMEM((4, 80), jnp.int32),
            pltpu.VMEM((npw, D), _f32),
            pltpu.VMEM((npw, D), _f32),
            pltpu.SemaphoreType.DMA,
            pltpu.SemaphoreType.DMA,
        ],
    )(emb_w, emb_m, idx_r)


def _segsum_body(table, idxr, zeros, out, ib, ra, rb,
                 acc, ga, gb, sa, sb, ia):
    c = lax.axis_index("c")
    s = lax.axis_index("s")
    w = c * NS + s
    pltpu.sync_copy(zeros.at[pl.ds(s * ROWS_PT, ROWS_PT)],
                    acc.at[pl.ds(s * ROWS_PT, ROWS_PT)])
    plsc.subcore_barrier()

    pltpu.async_copy(idxr.at[w].at[pl.ds(0, CPB)], ib.at[0], ia)

    def body(i, carry):
        h = lax.rem(i, 2)
        pltpu.make_async_copy(idxr.at[w].at[pl.ds(i * CPB, CPB)],
                              ib.at[h], ia).wait()
        pltpu.async_copy(idxr.at[w].at[pl.ds((i + 1) * CPB, CPB)],
                         ib.at[1 - h], ia)
        ibh = ib.at[h]
        prev = None
        for j in range(0, CPB, 2):
            if prev is not None:
                prev[0].wait()
            g0 = pltpu.async_copy(table.at[ibh.at[j].at[0]], ra, ga)
            if prev is not None:
                prev[1].wait()
            g1 = pltpu.async_copy(table.at[ibh.at[j + 1].at[0]], rb, gb)
            g0.wait()
            s0 = pltpu.async_copy(ra, acc.at[ibh.at[j].at[1]], sa, add=True)
            g1.wait()
            s1 = pltpu.async_copy(rb, acc.at[ibh.at[j + 1].at[1]], sb,
                                  add=True)
            prev = (s0, s1)
        prev[0].wait()
        prev[1].wait()
        return carry

    lax.fori_loop(0, NBODY, body, 0)
    pltpu.make_async_copy(idxr.at[w].at[pl.ds(0, CPB)],
                          ib.at[0], ia).wait()
    plsc.subcore_barrier()
    pltpu.sync_copy(acc.at[pl.ds(s * ROWS_PT, ROWS_PT)],
                    out.at[c].at[pl.ds(s * ROWS_PT, ROWS_PT)])


def _sc_segsum(table, idx_r, zeros):
    return pl.kernel(
        _segsum_body,
        out_type=jax.ShapeDtypeStruct((NC, N_PAD, D), _f32),
        mesh=_mesh,
        scratch_types=[
            pltpu.VMEM((2, CPB, 2, CH), jnp.int32),
            pltpu.VMEM((CH, D), _f32),
            pltpu.VMEM((CH, D), _f32),
            pltpu.VMEM_SHARED((N_PAD, D), _f32),
            pltpu.SemaphoreType.DMA,
            pltpu.SemaphoreType.DMA,
            pltpu.SemaphoreType.DMA,
            pltpu.SemaphoreType.DMA,
            pltpu.SemaphoreType.DMA,
        ],
    )(table, idx_r, zeros)


def _pairs_body(g, bir, bjr, outa, outb, bi_v, bj_v, arows, brows, sem):
    c = lax.axis_index("c")
    s = lax.axis_index("s")
    w = c * NS + s
    bpw = B // NW
    pltpu.sync_copy(bir.at[w], bi_v)
    pltpu.sync_copy(bjr.at[w], bj_v)
    pltpu.async_copy(g.at[bi_v], arows, sem).wait()
    pltpu.async_copy(g.at[bj_v], brows, sem).wait()
    pltpu.sync_copy(arows, outa.at[pl.ds(w * bpw, bpw)])
    pltpu.sync_copy(brows, outb.at[pl.ds(w * bpw, bpw)])


def _sc_pairs(g, bi_r, bj_r):
    bpw = B // NW
    return pl.kernel(
        _pairs_body,
        out_type=(jax.ShapeDtypeStruct((B, D), _f32),
                  jax.ShapeDtypeStruct((B, D), _f32)),
        mesh=_mesh,
        scratch_types=[
            pltpu.VMEM((bpw,), jnp.int32),
            pltpu.VMEM((bpw,), jnp.int32),
            pltpu.VMEM((bpw, D), _f32),
            pltpu.VMEM((bpw, D), _f32),
            pltpu.SemaphoreType.DMA,
        ],
    )(g, bi_r, bj_r)



def kernel(batch, node_internal_ids, edge_index, Emb, W, M, U, V, W1, b1,
           W2, b2):
    ids = node_internal_ids.astype(jnp.int32)
    src = edge_index[0].astype(jnp.int32)
    dst = edge_index[1].astype(jnp.int32)
    bi = batch[:, 0].astype(jnp.int32)
    bj = batch[:, 1].astype(jnp.int32)

    pad_n = N_PAD - N
    ids_r = jnp.concatenate(
        [ids, (jnp.arange(pad_n, dtype=jnp.int32) % K)]).reshape(NW, 4, 80)
    pad_e = E_PAD - E
    pad_src = (jnp.arange(pad_e, dtype=jnp.int32) * 7) % N
    pad_dst = N + (jnp.arange(pad_e, dtype=jnp.int32) % 16)
    src_r = jnp.concatenate([src, pad_src]).reshape(NW, NCHUNK, 1, CH)
    dst_r = jnp.concatenate([dst, pad_dst]).reshape(NW, NCHUNK, 1, CH)
    idx_r = jnp.concatenate([src_r, dst_r], axis=2)
    idx_r = jnp.concatenate(
        [idx_r, jnp.zeros((NW, CPB, 2, CH), jnp.int32)], axis=1)
    zeros = jnp.zeros((N_PAD, D), _f32)
    bi_r = bi.reshape(NW, B // NW)
    bj_r = bj.reshape(NW, B // NW)
    b1r = b1.reshape(1, D)
    w2p = jnp.pad(W2, ((0, D - 2), (0, 0)))
    b2p = jnp.pad(b2, (0, D - 2)).reshape(1, D)

    emb_w, emb_m = _tc_mm2(Emb, W, M)
    self_msg, nbr_t = _sc_gather2(emb_w, emb_m, ids_r)
    p1 = _sc_segsum(nbr_t, idx_r, zeros)
    self2, nbr2 = _tc_mid(self_msg, p1, U, V)
    p2 = _sc_segsum(nbr2, idx_r, zeros)
    g = _tc_last(self2, p2)
    a_rows, b_rows = _sc_pairs(g, bi_r, bj_r)
    out = _tc_head(a_rows, b_rows, W1, b1r, w2p, b2p)
    return out[:, :2]

# --- scband reference (transcript-rebuilt; emitter-appended) ---
"""Pipeline reference for scband-dcnnv2-63118839382588 (READ-ONLY COPY).

The authoritative reference and input builder live on the scoring server;
editing this copy changes nothing except your own understanding.
"""

import jax, jax.numpy as jnp
import numpy as np

N = 10000   # external graph nodes
E = 320000  # external edges
D = 128     # node_representation_size
K = 1000    # unique_internal_nodes
B = 1024    # link-prediction pairs


def setup_inputs(seed: int = 0) -> dict:
    key = jax.random.key(seed)
    ks = jax.random.split(key, 12)
    batch = jax.random.randint(ks[0], (B, 2), 0, N, dtype=jnp.int64)
    node_internal_ids = jax.random.randint(ks[1], (N,), 0, K, dtype=jnp.int64)
    edge_index = jax.random.randint(ks[2], (2, E), 0, N, dtype=jnp.int64)
    s = 1.0 / np.sqrt(D)
    Emb = jax.random.normal(ks[3], (K, D), dtype=jnp.float32) * s
    W = jax.random.normal(ks[4], (D, D), dtype=jnp.float32) * s
    M = jax.random.normal(ks[5], (D, D), dtype=jnp.float32) * s
    U = jax.random.normal(ks[6], (D, D), dtype=jnp.float32) * s
    V = jax.random.normal(ks[7], (D, D), dtype=jnp.float32) * s
    W1 = jax.random.normal(ks[8], (D, 2 * D), dtype=jnp.float32) * (1.0 / np.sqrt(2 * D))
    b1 = jnp.zeros((D,), dtype=jnp.float32)
    W2 = jax.random.normal(ks[9], (2, D), dtype=jnp.float32) * s
    b2 = jnp.zeros((2,), dtype=jnp.float32)
    return {
        'batch': batch,
        'node_internal_ids': node_internal_ids,
        'edge_index': edge_index,
        'Emb': Emb, 'W': W, 'M': M, 'U': U, 'V': V,
        'W1': W1, 'b1': b1, 'W2': W2, 'b2': b2,
    }


def reference(batch, node_internal_ids, edge_index, Emb, W, M, U, V, W1, b1, W2, b2):
    src = edge_index[0]
    dst = edge_index[1]
    # Internal graph conv layer (vectorized over all external nodes):
    # h_i = softmax(relu(W e_i + sum_{j in N(i)} M e_j))
    e = jnp.take(Emb, node_internal_ids, axis=0)          # [N, D] embedding gather
    self_msg = e @ W.T                                    # [N, D]
    nbr_t = e @ M.T                                       # [N, D] (hoisted: (e[src] @ M.T) == (e @ M.T)[src])
    agg = jax.ops.segment_sum(jnp.take(nbr_t, src, axis=0), dst, num_segments=N)  # [N, D] gather + scatter-add
    h = jax.nn.softmax(jax.nn.relu(self_msg + agg), axis=-1)  # [N, D]
    # External graph conv layer: g_i = softmax(relu(U h_i + sum_{j in N(i)} V h_j))
    self2 = h @ U.T
    nbr2 = h @ V.T
    agg2 = jax.ops.segment_sum(jnp.take(nbr2, src, axis=0), dst, num_segments=N)
    g = jax.nn.softmax(jax.nn.relu(self2 + agg2), axis=-1)   # [N, D]
    # Link prediction over pairs
    a = jnp.take(g, batch[:, 0], axis=0)                  # [B, D]
    b = jnp.take(g, batch[:, 1], axis=0)                  # [B, D]
    z = jnp.concatenate([a * b, a + b], axis=-1)          # [B, 2D]
    x = z @ W1.T + b1                                     # [B, D]
    out = jax.nn.softmax(x @ W2.T + b2, axis=-1)          # [B, 2]
    return out

if __name__ == "__main__":
    import jax
    _d = setup_inputs()
    print(jax.jit(kernel)(*tuple(_d.values())))

</pallas_src>

<mosaic_0001>
#map = affine_map<(d0, d1) -> (0, 0)>
#map1 = affine_map<(d0, d1) -> (0, 0, 0)>
module attributes {stable_mosaic.version = 14 : i64} {
  func.func @_gather2_body(%arg0: i32, %arg1: i32, %arg2: memref<1000x128xf32, #tpu.memory_space<hbm>>, %arg3: memref<1000x128xf32, #tpu.memory_space<hbm>>, %arg4: memref<32x4x80xi32, #tpu.memory_space<hbm>>, %arg5: memref<10240x128xf32, #tpu.memory_space<hbm>>, %arg6: memref<10240x128xf32, #tpu.memory_space<hbm>>, %arg7: memref<4x80xi32, #tpu.memory_space<vmem>>, %arg8: memref<320x128xf32, #tpu.memory_space<vmem>>, %arg9: memref<320x128xf32, #tpu.memory_space<vmem>>, %arg10: memref<!tpu.dma_semaphore, #tpu.memory_space<semaphore_mem>>, %arg11: memref<!tpu.dma_semaphore, #tpu.memory_space<semaphore_mem>>) attributes {dimension_semantics = [#tpu.dimension_semantics<core_parallel>, #tpu.dimension_semantics<subcore_parallel>], iteration_bounds = array<i64: 2, 16>, scalar_prefetch = 0 : i64, scratch_operands = 5 : i64, tpu.core_type = #tpu.core_type<sc_vector_subcore>, window_params = [{transform_indices = #map}, {transform_indices = #map}, {transform_indices = #map1}, {transform_indices = #map}, {transform_indices = #map}]} {
    %mul3A = arith.constant 16 : i32
    %mul3A_0 = arith.muli %arg0, %mul3A : i32
    %add3A = arith.addi %mul3A_0, %arg1 : i32
    "tpu.region"() ({
      %run_scoped3A = tpu.sem_alloc : memref<!tpu.dma_semaphore, #tpu.memory_space<semaphore_mem>>
      %dma_start3A_163 = arith.constant 0 : i32
      %dma_start3A_164 = arith.constant 0 : i32
      %dma_start3A_165 = tpu.memref_slice %arg4[%add3A, %dma_start3A_163, %dma_start3A_164] : memref<32x4x80xi32, #tpu.memory_space<hbm>> -> memref<1x4x80xi32, #tpu.memory_space<hbm>>
      %dma_start3A_166 = tpu.memref_squeeze %dma_start3A_165 : memref<1x4x80xi32, #tpu.memory_space<hbm>> -> memref<4x80xi32, #tpu.memory_space<hbm>>
      %dma_start3A_167 = arith.constant 0 : i32
      %dma_start3A_168 = arith.constant 0 : i32
      %dma_start3A_169 = tpu.memref_slice %arg4[%add3A, %dma_start3A_167, %dma_start3A_168] : memref<32x4x80xi32, #tpu.memory_space<hbm>> -> memref<1x4x80xi32, #tpu.memory_space<hbm>>
      %dma_start3A_170 = tpu.memref_squeeze %dma_start3A_169 : memref<1x4x80xi32, #tpu.memory_space<hbm>> -> memref<4x80xi32, #tpu.memory_space<hbm>>
      tpu.enqueue_dma source(%dma_start3A_170 : memref<4x80xi32, #tpu.memory_space<hbm>>) target(%arg7 : memref<4x80xi32, #tpu.memory_space<vmem>>) target_semaphore(%run_scoped3A : memref<!tpu.dma_semaphore, #tpu.memory_space<semaphore_mem>>)
      %dma_wait3A_171 = arith.constant 0 : i32
      %dma_wait3A_172 = arith.constant 0 : i32
      %dma_wait3A_173 = tpu.memref_slice %arg4[%add3A, %dma_wait3A_171, %dma_wait3A_172] : memref<32x4x80xi32, #tpu.memory_space<hbm>> -> memref<1x4x80xi32, #tpu.memory_space<hbm>>
      %dma_wait3A_174 = tpu.memref_squeeze %dma_wait3A_173 : memref<1x4x80xi32, #tpu.memory_space<hbm>> -> memref<4x80xi32, #tpu.memory_space<hbm>>
      %dma_wait3A_175 = arith.constant 0 : i32
      %dma_wait3A_176 = arith.constant 0 : i32
      %dma_wait3A_177 = tpu.memref_slice %arg4[%add3A, %dma_wait3A_175, %dma_wait3A_176] : memref<32x4x80xi32, #tpu.memory_space<hbm>> -> memref<1x4x80xi32, #tpu.memory_space<hbm>>
      %dma_wait3A_178 = tpu.memref_squeeze %dma_wait3A_177 : memref<1x4x80xi32, #tpu.memory_space<hbm>> -> memref<4x80xi32, #tpu.memory_space<hbm>>
      tpu.wait_dma2 semaphore(%run_scoped3A : memref<!tpu.dma_semaphore, #tpu.memory_space<semaphore_mem>>) src(%dma_wait3A_178 : memref<4x80xi32, #tpu.memory_space<hbm>>) dst(%arg7 : memref<4x80xi32, #tpu.memory_space<vmem>>)
      tpu.yield
    }) : () -> ()
    %dma_start3A = arith.constant 0 : i32
    %dma_start3A_1 = arith.constant 0 : i32
    %dma_start3A_2 = arith.constant 0 : i32
    %dma_start3A_3 = tpu.memref_slice %arg8[%dma_start3A_1, %dma_start3A_2] : memref<320x128xf32, #tpu.memory_space<vmem>> -> memref<80x128xf32, #tpu.memory_space<vmem>>
    %dma_start3A_4 = arith.constant 0 : i32
    %dma_start3A_5 = tpu.memref_slice %arg7[%dma_start3A, %dma_start3A_4] : memref<4x80xi32, #tpu.memory_space<vmem>> -> memref<1x80xi32, #tpu.memory_space<vmem>>
    %dma_start3A_6 = tpu.memref_squeeze %dma_start3A_5 : memref<1x80xi32, #tpu.memory_space<vmem>> -> memref<80xi32, #tpu.memory_space<vmem>>
    %dma_start3A_7 = arith.constant 0 : i32
    %dma_start3A_8 = arith.constant 0 : i32
    %dma_start3A_9 = tpu.memref_slice %arg2[%dma_start3A_7, %dma_start3A_8] : memref<1000x128xf32, #tpu.memory_space<hbm>> -> memref<1000x128xf32, #tpu.memory_space<hbm>>
    tpu.enqueue_indirect_dma source(%dma_start3A_9 : memref<1000x128xf32, #tpu.memory_space<hbm>>) target(%dma_start3A_3 : memref<80x128xf32, #tpu.memory_space<vmem>>) offsets(%dma_start3A_6 : memref<80xi32, #tpu.memory_space<vmem>>) semaphore(%arg10 : memref<!tpu.dma_semaphore, #tpu.memory_space<semaphore_mem>>)
    %dma_start3A_10 = arith.constant 0 : i32
    %dma_start3A_11 = arith.constant 0 : i32
    %dma_start3A_12 = arith.constant 0 : i32
    %dma_start3A_13 = tpu.memref_slice %arg9[%dma_start3A_11, %dma_start3A_12] : memref<320x128xf32, #tpu.memory_space<vmem>> -> memref<80x128xf32, #tpu.memory_space<vmem>>
    %dma_start3A_14 = arith.constant 0 : i32
    %dma_start3A_15 = tpu.memref_slice %arg7[%dma_start3A_10, %dma_start3A_14] : memref<4x80xi32, #tpu.memory_space<vmem>> -> memref<1x80xi32, #tpu.memory_space<vmem>>
    %dma_start3A_16 = tpu.memref_squeeze %dma_start3A_15 : memref<1x80xi32, #tpu.memory_space<vmem>> -> memref<80xi32, #tpu.memory_space<vmem>>
    %dma_start3A_17 = arith.constant 0 : i32
    %dma_start3A_18 = arith.constant 0 : i32
    %dma_start3A_19 = tpu.memref_slice %arg3[%dma_start3A_17, %dma_start3A_18] : memref<1000x128xf32, #tpu.memory_space<hbm>> -> memref<1000x128xf32, #tpu.memory_space<hbm>>
    tpu.enqueue_indirect_dma source(%dma_start3A_19 : memref<1000x128xf32, #tpu.memory_space<hbm>>) target(%dma_start3A_13 : memref<80x128xf32, #tpu.memory_space<vmem>>) offsets(%dma_start3A_16 : memref<80xi32, #tpu.memory_space<vmem>>) semaphore(%arg11 : memref<!tpu.dma_semaphore, #tpu.memory_space<semaphore_mem>>)
    %dma_wait3A = arith.constant 0 : i32
    %dma_wait3A_20 = arith.constant 0 : i32
    %dma_wait3A_21 = arith.constant 0 : i32
    %dma_wait3A_22 = tpu.memref_slice %arg8[%dma_wait3A_20, %dma_wait3A_21] : memref<320x128xf32, #tpu.memory_space<vmem>> -> memref<80x128xf32, #tpu.memory_space<vmem>>
    %dma_wait3A_23 = arith.constant 0 : i32
    %dma_wait3A_24 = tpu.memref_slice %arg7[%dma_wait3A, %dma_wait3A_23] : memref<4x80xi32, #tpu.memory_space<vmem>> -> memref<1x80xi32, #tpu.memory_space<vmem>>
    %dma_wait3A_25 = tpu.memref_squeeze %dma_wait3A_24 : memref<1x80xi32, #tpu.memory_space<vmem>> -> memref<80xi32, #tpu.memory_space<vmem>>
    %dma_wait3A_26 = arith.constant 0 : i32
    %dma_wait3A_27 = arith.constant 0 : i32
    %dma_wait3A_28 = tpu.memref_slice %arg2[%dma_wait3A_26, %dma_wait3A_27] : memref<1000x128xf32, #tpu.memory_space<hbm>> -> memref<1000x128xf32, #tpu.memory_space<hbm>>
    tpu.wait_indirect_dma semaphore(%arg10 : memref<!tpu.dma_semaphore, #tpu.memory_space<semaphore_mem>>) src(%dma_wait3A_28 : memref<1000x128xf32, #tpu.memory_space<hbm>>) dst(%dma_wait3A_22 : memref<80x128xf32, #tpu.memory_space<vmem>>)
    %dma_wait3A_29 = arith.constant 0 : i32
    %dma_wait3A_30 = arith.constant 0 : i32
    %dma_wait3A_31 = arith.constant 0 : i32
    %dma_wait3A_32 = tpu.memref_slice %arg9[%dma_wait3A_30, %dma_wait3A_31] : memref<320x128xf32, #tpu.memory_space<vmem>> -> memref<80x128xf32, #tpu.memory_space<vmem>>
    %dma_wait3A_33 = arith.constant 0 : i32
    %dma_wait3A_34 = tpu.memref_slice %arg7[%dma_wait3A_29, %dma_wait3A_33] : memref<4x80xi32, #tpu.memory_space<vmem>> -> memref<1x80xi32, #tpu.memory_space<vmem>>
    %dma_wait3A_35 = tpu.memref_squeeze %dma_wait3A_34 : memref<1x80xi32, #tpu.memory_space<vmem>> -> memref<80xi32, #tpu.memory_space<vmem>>
    %dma_wait3A_36 = arith.constant 0 : i32
    %dma_wait3A_37 = arith.constant 0 : i32
    %dma_wait3A_38 = tpu.memref_slice %arg3[%dma_wait3A_36, %dma_wait3A_37] : memref<1000x128xf32, #tpu.memory_space<hbm>> -> memref<1000x128xf32, #tpu.memory_space<hbm>>
    tpu.wait_indirect_dma semaphore(%arg11 : memref<!tpu.dma_semaphore, #tpu.memory_space<semaphore_mem>>) src(%dma_wait3A_38 : memref<1000x128xf32, #tpu.memory_space<hbm>>) dst(%dma_wait3A_32 : memref<80x128xf32, #tpu.memory_space<vmem>>)
    %dma_start3A_39 = arith.constant 1 : i32
    %dma_start3A_40 = arith.constant 80 : i32
    %dma_start3A_41 = arith.constant 0 : i32
    %dma_start3A_42 = tpu.memref_slice %arg8[%dma_start3A_40, %dma_start3A_41] : memref<320x128xf32, #tpu.memory_space<vmem>> -> memref<80x128xf32, #tpu.memory_space<vmem>>
    %dma_start3A_43 = arith.constant 0 : i32
    %dma_start3A_44 = tpu.memref_slice %arg7[%dma_start3A_39, %dma_start3A_43] : memref<4x80xi32, #tpu.memory_space<vmem>> -> memref<1x80xi32, #tpu.memory_space<vmem>>
    %dma_start3A_45 = tpu.memref_squeeze %dma_start3A_44 : memref<1x80xi32, #tpu.memory_space<vmem>> -> memref<80xi32, #tpu.memory_space<vmem>>
    %dma_start3A_46 = arith.constant 0 : i32
    %dma_start3A_47 = arith.constant 0 : i32
    %dma_start3A_48 = tpu.memref_slice %arg2[%dma_start3A_46, %dma_start3A_47] : memref<1000x128xf32, #tpu.memory_space<hbm>> -> memref<1000x128xf32, #tpu.memory_space<hbm>>
    tpu.enqueue_indirect_dma source(%dma_start3A_48 : memref<1000x128xf32, #tpu.memory_space<hbm>>) target(%dma_start3A_42 : memref<80x128xf32, #tpu.memory_space<vmem>>) offsets(%dma_start3A_45 : memref<80xi32, #tpu.memory_space<vmem>>) semaphore(%arg10 : memref<!tpu.dma_semaphore, #tpu.memory_space<semaphore_mem>>)
    %dma_start3A_49 = arith.constant 1 : i32
    %dma_start3A_50 = arith.constant 80 : i32
    %dma_start3A_51 = arith.constant 0 : i32
    %dma_start3A_52 = tpu.memref_slice %arg9[%dma_start3A_50, %dma_start3A_51] : memref<320x128xf32, #tpu.memory_space<vmem>> -> memref<80x128xf32, #tpu.memory_space<vmem>>
    %dma_start3A_53 = arith.constant 0 : i32
    %dma_start3A_54 = tpu.memref_slice %arg7[%dma_start3A_49, %dma_start3A_53] : memref<4x80xi32, #tpu.memory_space<vmem>> -> memref<1x80xi32, #tpu.memory_space<vmem>>
    %dma_start3A_55 = tpu.memref_squeeze %dma_start3A_54 : memref<1x80xi32, #tpu.memory_space<vmem>> -> memref<80xi32, #tpu.memory_space<vmem>>
    %dma_start3A_56 = arith.constant 0 : i32
    %dma_start3A_57 = arith.constant 0 : i32
    %dma_start3A_58 = tpu.memref_slice %arg3[%dma_start3A_56, %dma_start3A_57] : memref<1000x128xf32, #tpu.memory_space<hbm>> -> memref<1000x128xf32, #tpu.memory_space<hbm>>
    tpu.enqueue_indirect_dma source(%dma_start3A_58 : memref<1000x128xf32, #tpu.memory_space<hbm>>) target(%dma_start3A_52 : memref<80x128xf32, #tpu.memory_space<vmem>>) offsets(%dma_start3A_55 : memref<80xi32, #tpu.memory_space<vmem>>) semaphore(%arg11 : memref<!tpu.dma_semaphore, #tpu.memory_space<semaphore_mem>>)
    %dma_wait3A_59 = arith.constant 1 : i32
    %dma_wait3A_60 = arith.constant 80 : i32
    %dma_wait3A_61 = arith.constant 0 : i32
    %dma_wait3A_62 = tpu.memref_slice %arg8[%dma_wait3A_60, %dma_wait3A_61] : memref<320x128xf32, #tpu.memory_space<vmem>> -> memref<80x128xf32, #tpu.memory_space<vmem>>
    %dma_wait3A_63 = arith.constant 0 : i32
    %dma_wait3A_64 = tpu.memref_slice %arg7[%dma_wait3A_59, %dma_wait3A_63] : memref<4x80xi32, #tpu.memory_space<vmem>> -> memref<1x80xi32, #tpu.memory_space<vmem>>
    %dma_wait3A_65 = tpu.memref_squeeze %dma_wait3A_64 : memref<1x80xi32, #tpu.memory_space<vmem>> -> memref<80xi32, #tpu.memory_space<vmem>>
    %dma_wait3A_66 = arith.constant 0 : i32
    %dma_wait3A_67 = arith.constant 0 : i32
    %dma_wait3A_68 = tpu.memref_slice %arg2[%dma_wait3A_66, %dma_wait3A_67] : memref<1000x128xf32, #tpu.memory_space<hbm>> -> memref<1000x128xf32, #tpu.memory_space<hbm>>
    tpu.wait_indirect_dma semaphore(%arg10 : memref<!tpu.dma_semaphore, #tpu.memory_space<semaphore_mem>>) src(%dma_wait3A_68 : memref<1000x128xf32, #tpu.memory_space<hbm>>) dst(%dma_wait3A_62 : memref<80x128xf32, #tpu.memory_space<vmem>>)
    %dma_wait3A_69 = arith.constant 1 : i32
    %dma_wait3A_70 = arith.constant 80 : i32
    %dma_wait3A_71 = arith.constant 0 : i32
    %dma_wait3A_72 = tpu.memref_slice %arg9[%dma_wait3A_70, %dma_wait3A_71] : memref<320x128xf32, #tpu.memory_space<vmem>> -> memref<80x128xf32, #tpu.memory_space<vmem>>
    %dma_wait3A_73 = arith.constant 0 : i32
    %dma_wait3A_74 = tpu.memref_slice %arg7[%dma_wait3A_69, %dma_wait3A_73] : memref<4x80xi32, #tpu.memory_space<vmem>> -> memref<1x80xi32, #tpu.memory_space<vmem>>
    %dma_wait3A_75 = tpu.memref_squeeze %dma_wait3A_74 : memref<1x80xi32, #tpu.memory_space<vmem>> -> memref<80xi32, #tpu.memory_space<vmem>>
    %dma_wait3A_76 = arith.constant 0 : i32
    %dma_wait3A_77 = arith.constant 0 : i32
    %dma_wait3A_78 = tpu.memref_slice %arg3[%dma_wait3A_76, %dma_wait3A_77] : memref<1000x128xf32, #tpu.memory_space<hbm>> -> memref<1000x128xf32, #tpu.memory_space<hbm>>
    tpu.wait_indirect_dma semaphore(%arg11 : memref<!tpu.dma_semaphore, #tpu.memory_space<semaphore_mem>>) src(%dma_wait3A_78 : memref<1000x128xf32, #tpu.memory_space<hbm>>) dst(%dma_wait3A_72 : memref<80x128xf32, #tpu.memory_space<vmem>>)
    %dma_start3A_79 = arith.constant 2 : i32
    %dma_start3A_80 = arith.constant 160 : i32
    %dma_start3A_81 = arith.constant 0 : i32
    %dma_start3A_82 = tpu.memref_slice %arg8[%dma_start3A_80, %dma_start3A_81] : memref<320x128xf32, #tpu.memory_space<vmem>> -> memref<80x128xf32, #tpu.memory_space<vmem>>
    %dma_start3A_83 = arith.constant 0 : i32
    %dma_start3A_84 = tpu.memref_slice %arg7[%dma_start3A_79, %dma_start3A_83] : memref<4x80xi32, #tpu.memory_space<vmem>> -> memref<1x80xi32, #tpu.memory_space<vmem>>
    %dma_start3A_85 = tpu.memref_squeeze %dma_start3A_84 : memref<1x80xi32, #tpu.memory_space<vmem>> -> memref<80xi32, #tpu.memory_space<vmem>>
    %dma_start3A_86 = arith.constant 0 : i32
    %dma_start3A_87 = arith.constant 0 : i32
    %dma_start3A_88 = tpu.memref_slice %arg2[%dma_start3A_86, %dma_start3A_87] : memref<1000x128xf32, #tpu.memory_space<hbm>> -> memref<1000x128xf32, #tpu.memory_space<hbm>>
    tpu.enqueue_indirect_dma source(%dma_start3A_88 : memref<1000x128xf32, #tpu.memory_space<hbm>>) target(%dma_start3A_82 : memref<80x128xf32, #tpu.memory_space<vmem>>) offsets(%dma_start3A_85 : memref<80xi32, #tpu.memory_space<vmem>>) semaphore(%arg10 : memref<!tpu.dma_semaphore, #tpu.memory_space<semaphore_mem>>)
    %dma_start3A_89 = arith.constant 2 : i32
    %dma_start3A_90 = arith.constant 160 : i32
    %dma_start3A_91 = arith.constant 0 : i32
    %dma_start3A_92 = tpu.memref_slice %arg9[%dma_start3A_90, %dma_start3A_91] : memref<320x128xf32, #tpu.memory_space<vmem>> -> memref<80x128xf32, #tpu.memory_space<vmem>>
    %dma_start3A_93 = arith.constant 0 : i32
    %dma_start3A_94 = tpu.memref_slice %arg7[%dma_start3A_89, %dma_start3A_93] : memref<4x80xi32, #tpu.memory_space<vmem>> -> memref<1x80xi32, #tpu.memory_space<vmem>>
    %dma_start3A_95 = tpu.memref_squeeze %dma_start3A_94 : memref<1x80xi32, #tpu.memory_space<vmem>> -> memref<80xi32, #tpu.memory_space<vmem>>
    %dma_start3A_96 = arith.constant 0 : i32
    %dma_start3A_97 = arith.constant 0 : i32
    %dma_start3A_98 = tpu.memref_slice %arg3[%dma_start3A_96, %dma_start3A_97] : memref<1000x128xf32, #tpu.memory_space<hbm>> -> memref<1000x128xf32, #tpu.memory_space<hbm>>
    tpu.enqueue_indirect_dma source(%dma_start3A_98 : memref<1000x128xf32, #tpu.memory_space<hbm>>) target(%dma_start3A_92 : memref<80x128xf32, #tpu.memory_space<vmem>>) offsets(%dma_start3A_95 : memref<80xi32, #tpu.memory_space<vmem>>) semaphore(%arg11 : memref<!tpu.dma_semaphore, #tpu.memory_space<semaphore_mem>>)
    %dma_wait3A_99 = arith.constant 2 : i32
    %dma_wait3A_100 = arith.constant 160 : i32
    %dma_wait3A_101 = arith.constant 0 : i32
    %dma_wait3A_102 = tpu.memref_slice %arg8[%dma_wait3A_100, %dma_wait3A_101] : memref<320x128xf32, #tpu.memory_space<vmem>> -> memref<80x128xf32, #tpu.memory_space<vmem>>
    %dma_wait3A_103 = arith.constant 0 : i32
    %dma_wait3A_104 = tpu.memref_slice %arg7[%dma_wait3A_99, %dma_wait3A_103] : memref<4x80xi32, #tpu.memory_space<vmem>> -> memref<1x80xi32, #tpu.memory_space<vmem>>
    %dma_wait3A_105 = tpu.memref_squeeze %dma_wait3A_104 : memref<1x80xi32, #tpu.memory_space<vmem>> -> memref<80xi32, #tpu.memory_space<vmem>>
    %dma_wait3A_106 = arith.constant 0 : i32
    %dma_wait3A_107 = arith.constant 0 : i32
    %dma_wait3A_108 = tpu.memref_slice %arg2[%dma_wait3A_106, %dma_wait3A_107] : memref<1000x128xf32, #tpu.memory_space<hbm>> -> memref<1000x128xf32, #tpu.memory_space<hbm>>
    tpu.wait_indirect_dma semaphore(%arg10 : memref<!tpu.dma_semaphore, #tpu.memory_space<semaphore_mem>>) src(%dma_wait3A_108 : memref<1000x128xf32, #tpu.memory_space<hbm>>) dst(%dma_wait3A_102 : memref<80x128xf32, #tpu.memory_space<vmem>>)
    %dma_wait3A_109 = arith.constant 2 : i32
    %dma_wait3A_110 = arith.constant 160 : i32
    %dma_wait3A_111 = arith.constant 0 : i32
    %dma_wait3A_112 = tpu.memref_slice %arg9[%dma_wait3A_110, %dma_wait3A_111] : memref<320x128xf32, #tpu.memory_space<vmem>> -> memref<80x128xf32, #tpu.memory_space<vmem>>
    %dma_wait3A_113 = arith.constant 0 : i32
    %dma_wait3A_114 = tpu.memref_slice %arg7[%dma_wait3A_109, %dma_wait3A_113] : memref<4x80xi32, #tpu.memory_space<vmem>> -> memref<1x80xi32, #tpu.memory_space<vmem>>
    %dma_wait3A_115 = tpu.memref_squeeze %dma_wait3A_114 : memref<1x80xi32, #tpu.memory_space<vmem>> -> memref<80xi32, #tpu.memory_space<vmem>>
    %dma_wait3A_116 = arith.constant 0 : i32
    %dma_wait3A_117 = arith.constant 0 : i32
    %dma_wait3A_118 = tpu.memref_slice %arg3[%dma_wait3A_116, %dma_wait3A_117] : memref<1000x128xf32, #tpu.memory_space<hbm>> -> memref<1000x128xf32, #tpu.memory_space<hbm>>
    tpu.wait_indirect_dma semaphore(%arg11 : memref<!tpu.dma_semaphore, #tpu.memory_space<semaphore_mem>>) src(%dma_wait3A_118 : memref<1000x128xf32, #tpu.memory_space<hbm>>) dst(%dma_wait3A_112 : memref<80x128xf32, #tpu.memory_space<vmem>>)
    %dma_start3A_119 = arith.constant 3 : i32
    %dma_start3A_120 = arith.constant 240 : i32
    %dma_start3A_121 = arith.constant 0 : i32
    %dma_start3A_122 = tpu.memref_slice %arg8[%dma_start3A_120, %dma_start3A_121] : memref<320x128xf32, #tpu.memory_space<vmem>> -> memref<80x128xf32, #tpu.memory_space<vmem>>
    %dma_start3A_123 = arith.constant 0 : i32
    %dma_start3A_124 = tpu.memref_slice %arg7[%dma_start3A_119, %dma_start3A_123] : memref<4x80xi32, #tpu.memory_space<vmem>> -> memref<1x80xi32, #tpu.memory_space<vmem>>
    %dma_start3A_125 = tpu.memref_squeeze %dma_start3A_124 : memref<1x80xi32, #tpu.memory_space<vmem>> -> memref<80xi32, #tpu.memory_space<vmem>>
    %dma_start3A_126 = arith.constant 0 : i32
    %dma_start3A_127 = arith.constant 0 : i32
    %dma_start3A_128 = tpu.memref_slice %arg2[%dma_start3A_126, %dma_start3A_127] : memref<1000x128xf32, #tpu.memory_space<hbm>> -> memref<1000x128xf32, #tpu.memory_space<hbm>>
    tpu.enqueue_indirect_dma source(%dma_start3A_128 : memref<1000x128xf32, #tpu.memory_space<hbm>>) target(%dma_start3A_122 : memref<80x128xf32, #tpu.memory_space<vmem>>) offsets(%dma_start3A_125 : memref<80xi32, #tpu.memory_space<vmem>>) semaphore(%arg10 : memref<!tpu.dma_semaphore, #tpu.memory_space<semaphore_mem>>)
    %dma_start3A_129 = arith.constant 3 : i32
    %dma_start3A_130 = arith.constant 240 : i32
    %dma_start3A_131 = arith.constant 0 : i32
    %dma_start3A_132 = tpu.memref_slice %arg9[%dma_start3A_130, %dma_start3A_131] : memref<320x128xf32, #tpu.memory_space<vmem>> -> memref<80x128xf32, #tpu.memory_space<vmem>>
    %dma_start3A_133 = arith.constant 0 : i32
    %dma_start3A_134 = tpu.memref_slice %arg7[%dma_start3A_129, %dma_start3A_133] : memref<4x80xi32, #tpu.memory_space<vmem>> -> memref<1x80xi32, #tpu.memory_space<vmem>>
    %dma_start3A_135 = tpu.memref_squeeze %dma_start3A_134 : memref<1x80xi32, #tpu.memory_space<vmem>> -> memref<80xi32, #tpu.memory_space<vmem>>
    %dma_start3A_136 = arith.constant 0 : i32
    %dma_start3A_137 = arith.constant 0 : i32
    %dma_start3A_138 = tpu.memref_slice %arg3[%dma_start3A_136, %dma_start3A_137] : memref<1000x128xf32, #tpu.memory_space<hbm>> -> memref<1000x128xf32, #tpu.memory_space<hbm>>
    tpu.enqueue_indirect_dma source(%dma_start3A_138 : memref<1000x128xf32, #tpu.memory_space<hbm>>) target(%dma_start3A_132 : memref<80x128xf32, #tpu.memory_space<vmem>>) offsets(%dma_start3A_135 : memref<80xi32, #tpu.memory_space<vmem>>) semaphore(%arg11 : memref<!tpu.dma_semaphore, #tpu.memory_space<semaphore_mem>>)
    %dma_wait3A_139 = arith.constant 3 : i32
    %dma_wait3A_140 = arith.constant 240 : i32
    %dma_wait3A_141 = arith.constant 0 : i32
    %dma_wait3A_142 = tpu.memref_slice %arg8[%dma_wait3A_140, %dma_wait3A_141] : memref<320x128xf32, #tpu.memory_space<vmem>> -> memref<80x128xf32, #tpu.memory_space<vmem>>
    %dma_wait3A_143 = arith.constant 0 : i32
    %dma_wait3A_144 = tpu.memref_slice %arg7[%dma_wait3A_139, %dma_wait3A_143] : memref<4x80xi32, #tpu.memory_space<vmem>> -> memref<1x80xi32, #tpu.memory_space<vmem>>
    %dma_wait3A_145 = tpu.memref_squeeze %dma_wait3A_144 : memref<1x80xi32, #tpu.memory_space<vmem>> -> memref<80xi32, #tpu.memory_space<vmem>>
    %dma_wait3A_146 = arith.constant 0 : i32
    %dma_wait3A_147 = arith.constant 0 : i32
    %dma_wait3A_148 = tpu.memref_slice %arg2[%dma_wait3A_146, %dma_wait3A_147] : memref<1000x128xf32, #tpu.memory_space<hbm>> -> memref<1000x128xf32, #tpu.memory_space<hbm>>
    tpu.wait_indirect_dma semaphore(%arg10 : memref<!tpu.dma_semaphore, #tpu.memory_space<semaphore_mem>>) src(%dma_wait3A_148 : memref<1000x128xf32, #tpu.memory_space<hbm>>) dst(%dma_wait3A_142 : memref<80x128xf32, #tpu.memory_space<vmem>>)
    %dma_wait3A_149 = arith.constant 3 : i32
    %dma_wait3A_150 = arith.constant 240 : i32
    %dma_wait3A_151 = arith.constant 0 : i32
    %dma_wait3A_152 = tpu.memref_slice %arg9[%dma_wait3A_150, %dma_wait3A_151] : memref<320x128xf32, #tpu.memory_space<vmem>> -> memref<80x128xf32, #tpu.memory_space<vmem>>
    %dma_wait3A_153 = arith.constant 0 : i32
    %dma_wait3A_154 = tpu.memref_slice %arg7[%dma_wait3A_149, %dma_wait3A_153] : memref<4x80xi32, #tpu.memory_space<vmem>> -> memref<1x80xi32, #tpu.memory_space<vmem>>
    %dma_wait3A_155 = tpu.memref_squeeze %dma_wait3A_154 : memref<1x80xi32, #tpu.memory_space<vmem>> -> memref<80xi32, #tpu.memory_space<vmem>>
    %dma_wait3A_156 = arith.constant 0 : i32
    %dma_wait3A_157 = arith.constant 0 : i32
    %dma_wait3A_158 = tpu.memref_slice %arg3[%dma_wait3A_156, %dma_wait3A_157] : memref<1000x128xf32, #tpu.memory_space<hbm>> -> memref<1000x128xf32, #tpu.memory_space<hbm>>
    tpu.wait_indirect_dma semaphore(%arg11 : memref<!tpu.dma_semaphore, #tpu.memory_space<semaphore_mem>>) src(%dma_wait3A_158 : memref<1000x128xf32, #tpu.memory_space<hbm>>) dst(%dma_wait3A_152 : memref<80x128xf32, #tpu.memory_space<vmem>>)
    %mul3A_159 = arith.constant 320 : i32
    %mul3A_160 = arith.muli %add3A, %mul3A_159 : i32
    "tpu.region"() ({
      %run_scoped3A = tpu.sem_alloc : memref<!tpu.dma_semaphore, #tpu.memory_space<semaphore_mem>>
      %dma_start3A_163 = arith.constant 0 : i32
      %dma_start3A_164 = tpu.memref_slice %arg5[%mul3A_160, %dma_start3A_163] : memref<10240x128xf32, #tpu.memory_space<hbm>> -> memref<320x128xf32, #tpu.memory_space<hbm>>
      %dma_start3A_165 = arith.constant 0 : i32
      %dma_start3A_166 = tpu.memref_slice %arg5[%mul3A_160, %dma_start3A_165] : memref<10240x128xf32, #tpu.memory_space<hbm>> -> memref<320x128xf32, #tpu.memory_space<hbm>>
      tpu.enqueue_dma source(%arg8 : memref<320x128xf32, #tpu.memory_space<vmem>>) target(%dma_start3A_166 : memref<320x128xf32, #tpu.memory_space<hbm>>) target_semaphore(%run_scoped3A : memref<!tpu.dma_semaphore, #tpu.memory_space<semaphore_mem>>)
      %dma_wait3A_167 = arith.constant 0 : i32
      %dma_wait3A_168 = tpu.memref_slice %arg5[%mul3A_160, %dma_wait3A_167] : memref<10240x128xf32, #tpu.memory_space<hbm>> -> memref<320x128xf32, #tpu.memory_space<hbm>>
      %dma_wait3A_169 = arith.constant 0 : i32
      %dma_wait3A_170 = tpu.memref_slice %arg5[%mul3A_160, %dma_wait3A_169] : memref<10240x128xf32, #tpu.memory_space<hbm>> -> memref<320x128xf32, #tpu.memory_space<hbm>>
      tpu.wait_dma2 semaphore(%run_scoped3A : memref<!tpu.dma_semaphore, #tpu.memory_space<semaphore_mem>>) src(%arg8 : memref<320x128xf32, #tpu.memory_space<vmem>>) dst(%dma_wait3A_170 : memref<320x128xf32, #tpu.memory_space<hbm>>)
      tpu.yield
    }) : () -> ()
    %mul3A_161 = arith.constant 320 : i32
    %mul3A_162 = arith.muli %add3A, %mul3A_161 : i32
    "tpu.region"() ({
      %run_scoped3A = tpu.sem_alloc : memref<!tpu.dma_semaphore, #tpu.memory_space<semaphore_mem>>
      %dma_start3A_163 = arith.constant 0 : i32
      %dma_start3A_164 = tpu.memref_slice %arg6[%mul3A_162, %dma_start3A_163] : memref<10240x128xf32, #tpu.memory_space<hbm>> -> memref<320x128xf32, #tpu.memory_space<hbm>>
      %dma_start3A_165 = arith.constant 0 : i32
      %dma_start3A_166 = tpu.memref_slice %arg6[%mul3A_162, %dma_start3A_165] : memref<10240x128xf32, #tpu.memory_space<hbm>> -> memref<320x128xf32, #tpu.memory_space<hbm>>
      tpu.enqueue_dma source(%arg9 : memref<320x128xf32, #tpu.memory_space<vmem>>) target(%dma_start3A_166 : memref<320x128xf32, #tpu.memory_space<hbm>>) target_semaphore(%run_scoped3A : memref<!tpu.dma_semaphore, #tpu.memory_space<semaphore_mem>>)
      %dma_wait3A_167 = arith.constant 0 : i32
      %dma_wait3A_168 = tpu.memref_slice %arg6[%mul3A_162, %dma_wait3A_167] : memref<10240x128xf32, #tpu.memory_space<hbm>> -> memref<320x128xf32, #tpu.memory_space<hbm>>
      %dma_wait3A_169 = arith.constant 0 : i32
      %dma_wait3A_170 = tpu.memref_slice %arg6[%mul3A_162, %dma_wait3A_169] : memref<10240x128xf32, #tpu.memory_space<hbm>> -> memref<320x128xf32, #tpu.memory_space<hbm>>
      tpu.wait_dma2 semaphore(%run_scoped3A : memref<!tpu.dma_semaphore, #tpu.memory_space<semaphore_mem>>) src(%arg9 : memref<320x128xf32, #tpu.memory_space<vmem>>) dst(%dma_wait3A_170 : memref<320x128xf32, #tpu.memory_space<hbm>>)
      tpu.yield
    }) : () -> ()
    return
  }
}

#map = affine_map<(d0, d1) -> (0, 0)>
module attributes {stable_mosaic.version = 14 : i64} {
  func.func @_pairs_body(%arg0: i32, %arg1: i32, %arg2: memref<10240x128xf32, #tpu.memory_space<hbm>>, %arg3: memref<32x32xi32, #tpu.memory_space<hbm>>, %arg4: memref<32x32xi32, #tpu.memory_space<hbm>>, %arg5: memref<1024x128xf32, #tpu.memory_space<hbm>>, %arg6: memref<1024x128xf32, #tpu.memory_space<hbm>>, %arg7: memref<32xi32, #tpu.memory_space<vmem>>, %arg8: memref<32xi32, #tpu.memory_space<vmem>>, %arg9: memref<32x128xf32, #tpu.memory_space<vmem>>, %arg10: memref<32x128xf32, #tpu.memory_space<vmem>>, %arg11: memref<!tpu.dma_semaphore, #tpu.memory_space<semaphore_mem>>) attributes {dimension_semantics = [#tpu.dimension_semantics<core_parallel>, #tpu.dimension_semantics<subcore_parallel>], iteration_bounds = array<i64: 2, 16>, scalar_prefetch = 0 : i64, scratch_operands = 5 : i64, tpu.core_type = #tpu.core_type<sc_vector_subcore>, window_params = [{transform_indices = #map}, {transform_indices = #map}, {transform_indices = #map}, {transform_indices = #map}, {transform_indices = #map}]} {
    %mul3A = arith.constant 16 : i32
    %mul3A_0 = arith.muli %arg0, %mul3A : i32
    %add3A = arith.addi %mul3A_0, %arg1 : i32
    "tpu.region"() ({
      %run_scoped3A = tpu.sem_alloc : memref<!tpu.dma_semaphore, #tpu.memory_space<semaphore_mem>>
      %dma_start3A_15 = arith.constant 0 : i32
      %dma_start3A_16 = tpu.memref_slice %arg3[%add3A, %dma_start3A_15] : memref<32x32xi32, #tpu.memory_space<hbm>> -> memref<1x32xi32, #tpu.memory_space<hbm>>
      %dma_start3A_17 = tpu.memref_squeeze %dma_start3A_16 : memref<1x32xi32, #tpu.memory_space<hbm>> -> memref<32xi32, #tpu.memory_space<hbm>>
      %dma_start3A_18 = arith.constant 0 : i32
      %dma_start3A_19 = tpu.memref_slice %arg3[%add3A, %dma_start3A_18] : memref<32x32xi32, #tpu.memory_space<hbm>> -> memref<1x32xi32, #tpu.memory_space<hbm>>
      %dma_start3A_20 = tpu.memref_squeeze %dma_start3A_19 : memref<1x32xi32, #tpu.memory_space<hbm>> -> memref<32xi32, #tpu.memory_space<hbm>>
      tpu.enqueue_dma source(%dma_start3A_20 : memref<32xi32, #tpu.memory_space<hbm>>) target(%arg7 : memref<32xi32, #tpu.memory_space<vmem>>) target_semaphore(%run_scoped3A : memref<!tpu.dma_semaphore, #tpu.memory_space<semaphore_mem>>)
      %dma_wait3A_21 = arith.constant 0 : i32
      %dma_wait3A_22 = tpu.memref_slice %arg3[%add3A, %dma_wait3A_21] : memref<32x32xi32, #tpu.memory_space<hbm>> -> memref<1x32xi32, #tpu.memory_space<hbm>>
      %dma_wait3A_23 = tpu.memref_squeeze %dma_wait3A_22 : memref<1x32xi32, #tpu.memory_space<hbm>> -> memref<32xi32, #tpu.memory_space<hbm>>
      %dma_wait3A_24 = arith.constant 0 : i32
      %dma_wait3A_25 = tpu.memref_slice %arg3[%add3A, %dma_wait3A_24] : memref<32x32xi32, #tpu.memory_space<hbm>> -> memref<1x32xi32, #tpu.memory_space<hbm>>
      %dma_wait3A_26 = tpu.memref_squeeze %dma_wait3A_25 : memref<1x32xi32, #tpu.memory_space<hbm>> -> memref<32xi32, #tpu.memory_space<hbm>>
      tpu.wait_dma2 semaphore(%run_scoped3A : memref<!tpu.dma_semaphore, #tpu.memory_space<semaphore_mem>>) src(%dma_wait3A_26 : memref<32xi32, #tpu.memory_space<hbm>>) dst(%arg7 : memref<32xi32, #tpu.memory_space<vmem>>)
      tpu.yield
    }) : () -> ()
    "tpu.region"() ({
      %run_scoped3A = tpu.sem_alloc : memref<!tpu.dma_semaphore, #tpu.memory_space<semaphore_mem>>
      %dma_start3A_15 = arith.constant 0 : i32
      %dma_start3A_16 = tpu.memref_slice %arg4[%add3A, %dma_start3A_15] : memref<32x32xi32, #tpu.memory_space<hbm>> -> memref<1x32xi32, #tpu.memory_space<hbm>>
      %dma_start3A_17 = tpu.memref_squeeze %dma_start3A_16 : memref<1x32xi32, #tpu.memory_space<hbm>> -> memref<32xi32, #tpu.memory_space<hbm>>
      %dma_start3A_18 = arith.constant 0 : i32
      %dma_start3A_19 = tpu.memref_slice %arg4[%add3A, %dma_start3A_18] : memref<32x32xi32, #tpu.memory_space<hbm>> -> memref<1x32xi32, #tpu.memory_space<hbm>>
      %dma_start3A_20 = tpu.memref_squeeze %dma_start3A_19 : memref<1x32xi32, #tpu.memory_space<hbm>> -> memref<32xi32, #tpu.memory_space<hbm>>
      tpu.enqueue_dma source(%dma_start3A_20 : memref<32xi32, #tpu.memory_space<hbm>>) target(%arg8 : memref<32xi32, #tpu.memory_space<vmem>>) target_semaphore(%run_scoped3A : memref<!tpu.dma_semaphore, #tpu.memory_space<semaphore_mem>>)
      %dma_wait3A_21 = arith.constant 0 : i32
      %dma_wait3A_22 = tpu.memref_slice %arg4[%add3A, %dma_wait3A_21] : memref<32x32xi32, #tpu.memory_space<hbm>> -> memref<1x32xi32, #tpu.memory_space<hbm>>
      %dma_wait3A_23 = tpu.memref_squeeze %dma_wait3A_22 : memref<1x32xi32, #tpu.memory_space<hbm>> -> memref<32xi32, #tpu.memory_space<hbm>>
      %dma_wait3A_24 = arith.constant 0 : i32
      %dma_wait3A_25 = tpu.memref_slice %arg4[%add3A, %dma_wait3A_24] : memref<32x32xi32, #tpu.memory_space<hbm>> -> memref<1x32xi32, #tpu.memory_space<hbm>>
      %dma_wait3A_26 = tpu.memref_squeeze %dma_wait3A_25 : memref<1x32xi32, #tpu.memory_space<hbm>> -> memref<32xi32, #tpu.memory_space<hbm>>
      tpu.wait_dma2 semaphore(%run_scoped3A : memref<!tpu.dma_semaphore, #tpu.memory_space<semaphore_mem>>) src(%dma_wait3A_26 : memref<32xi32, #tpu.memory_space<hbm>>) dst(%arg8 : memref<32xi32, #tpu.memory_space<vmem>>)
      tpu.yield
    }) : () -> ()
    %dma_start3A = arith.constant 0 : i32
    %dma_start3A_1 = arith.constant 0 : i32
    %dma_start3A_2 = tpu.memref_slice %arg2[%dma_start3A, %dma_start3A_1] : memref<10240x128xf32, #tpu.memory_space<hbm>> -> memref<10240x128xf32, #tpu.memory_space<hbm>>
    tpu.enqueue_indirect_dma source(%dma_start3A_2 : memref<10240x128xf32, #tpu.memory_space<hbm>>) target(%arg9 : memref<32x128xf32, #tpu.memory_space<vmem>>) offsets(%arg7 : memref<32xi32, #tpu.memory_space<vmem>>) semaphore(%arg11 : memref<!tpu.dma_semaphore, #tpu.memory_space<semaphore_mem>>)
    %dma_wait3A = arith.constant 0 : i32
    %dma_wait3A_3 = arith.constant 0 : i32
    %dma_wait3A_4 = tpu.memref_slice %arg2[%dma_wait3A, %dma_wait3A_3] : memref<10240x128xf32, #tpu.memory_space<hbm>> -> memref<10240x128xf32, #tpu.memory_space<hbm>>
    tpu.wait_indirect_dma semaphore(%arg11 : memref<!tpu.dma_semaphore, #tpu.memory_space<semaphore_mem>>) src(%dma_wait3A_4 : memref<10240x128xf32, #tpu.memory_space<hbm>>) dst(%arg9 : memref<32x128xf32, #tpu.memory_space<vmem>>)
    %dma_start3A_5 = arith.constant 0 : i32
    %dma_start3A_6 = arith.constant 0 : i32
    %dma_start3A_7 = tpu.memref_slice %arg2[%dma_start3A_5, %dma_start3A_6] : memref<10240x128xf32, #tpu.memory_space<hbm>> -> memref<10240x128xf32, #tpu.memory_space<hbm>>
    tpu.enqueue_indirect_dma source(%dma_start3A_7 : memref<10240x128xf32, #tpu.memory_space<hbm>>) target(%arg10 : memref<32x128xf32, #tpu.memory_space<vmem>>) offsets(%arg8 : memref<32xi32, #tpu.memory_space<vmem>>) semaphore(%arg11 : memref<!tpu.dma_semaphore, #tpu.memory_space<semaphore_mem>>)
    %dma_wait3A_8 = arith.constant 0 : i32
    %dma_wait3A_9 = arith.constant 0 : i32
    %dma_wait3A_10 = tpu.memref_slice %arg2[%dma_wait3A_8, %dma_wait3A_9] : memref<10240x128xf32, #tpu.memory_space<hbm>> -> memref<10240x128xf32, #tpu.memory_space<hbm>>
    tpu.wait_indirect_dma semaphore(%arg11 : memref<!tpu.dma_semaphore, #tpu.memory_space<semaphore_mem>>) src(%dma_wait3A_10 : memref<10240x128xf32, #tpu.memory_space<hbm>>) dst(%arg10 : memref<32x128xf32, #tpu.memory_space<vmem>>)
    %mul3A_11 = arith.constant 32 : i32
    %mul3A_12 = arith.muli %add3A, %mul3A_11 : i32
    "tpu.region"() ({
      %run_scoped3A = tpu.sem_alloc : memref<!tpu.dma_semaphore, #tpu.memory_space<semaphore_mem>>
      %dma_start3A_15 = arith.constant 0 : i32
      %dma_start3A_16 = tpu.memref_slice %arg5[%mul3A_12, %dma_start3A_15] : memref<1024x128xf32, #tpu.memory_space<hbm>> -> memref<32x128xf32, #tpu.memory_space<hbm>>
      %dma_start3A_17 = arith.constant 0 : i32
      %dma_start3A_18 = tpu.memref_slice %arg5[%mul3A_12, %dma_start3A_17] : memref<1024x128xf32, #tpu.memory_space<hbm>> -> memref<32x128xf32, #tpu.memory_space<hbm>>
      tpu.enqueue_dma source(%arg9 : memref<32x128xf32, #tpu.memory_space<vmem>>) target(%dma_start3A_18 : memref<32x128xf32, #tpu.memory_space<hbm>>) target_semaphore(%run_scoped3A : memref<!tpu.dma_semaphore, #tpu.memory_space<semaphore_mem>>)
      %dma_wait3A_19 = arith.constant 0 : i32
      %dma_wait3A_20 = tpu.memref_slice %arg5[%mul3A_12, %dma_wait3A_19] : memref<1024x128xf32, #tpu.memory_space<hbm>> -> memref<32x128xf32, #tpu.memory_space<hbm>>
      %dma_wait3A_21 = arith.constant 0 : i32
      %dma_wait3A_22 = tpu.memref_slice %arg5[%mul3A_12, %dma_wait3A_21] : memref<1024x128xf32, #tpu.memory_space<hbm>> -> memref<32x128xf32, #tpu.memory_space<hbm>>
      tpu.wait_dma2 semaphore(%run_scoped3A : memref<!tpu.dma_semaphore, #tpu.memory_space<semaphore_mem>>) src(%arg9 : memref<32x128xf32, #tpu.memory_space<vmem>>) dst(%dma_wait3A_22 : memref<32x128xf32, #tpu.memory_space<hbm>>)
      tpu.yield
    }) : () -> ()
    %mul3A_13 = arith.constant 32 : i32
    %mul3A_14 = arith.muli %add3A, %mul3A_13 : i32
    "tpu.region"() ({
      %run_scoped3A = tpu.sem_alloc : memref<!tpu.dma_semaphore, #tpu.memory_space<semaphore_mem>>
      %dma_start3A_15 = arith.constant 0 : i32
      %dma_start3A_16 = tpu.memref_slice %arg6[%mul3A_14, %dma_start3A_15] : memref<1024x128xf32, #tpu.memory_space<hbm>> -> memref<32x128xf32, #tpu.memory_space<hbm>>
      %dma_start3A_17 = arith.constant 0 : i32
      %dma_start3A_18 = tpu.memref_slice %arg6[%mul3A_14, %dma_start3A_17] : memref<1024x128xf32, #tpu.memory_space<hbm>> -> memref<32x128xf32, #tpu.memory_space<hbm>>
      tpu.enqueue_dma source(%arg10 : memref<32x128xf32, #tpu.memory_space<vmem>>) target(%dma_start3A_18 : memref<32x128xf32, #tpu.memory_space<hbm>>) target_semaphore(%run_scoped3A : memref<!tpu.dma_semaphore, #tpu.memory_space<semaphore_mem>>)
      %dma_wait3A_19 = arith.constant 0 : i32
      %dma_wait3A_20 = tpu.memref_slice %arg6[%mul3A_14, %dma_wait3A_19] : memref<1024x128xf32, #tpu.memory_space<hbm>> -> memref<32x128xf32, #tpu.memory_space<hbm>>
      %dma_wait3A_21 = arith.constant 0 : i32
      %dma_wait3A_22 = tpu.memref_slice %arg6[%mul3A_14, %dma_wait3A_21] : memref<1024x128xf32, #tpu.memory_space<hbm>> -> memref<32x128xf32, #tpu.memory_space<hbm>>
      tpu.wait_dma2 semaphore(%run_scoped3A : memref<!tpu.dma_semaphore, #tpu.memory_space<semaphore_mem>>) src(%arg10 : memref<32x128xf32, #tpu.memory_space<vmem>>) dst(%dma_wait3A_22 : memref<32x128xf32, #tpu.memory_space<hbm>>)
      tpu.yield
    }) : () -> ()
    return
  }
}

#map = affine_map<(d0, d1) -> (0, 0)>
#map1 = affine_map<(d0, d1) -> (0, 0, 0, 0)>
#map2 = affine_map<(d0, d1) -> (0, 0, 0)>
module attributes {stable_mosaic.version = 14 : i64} {
  func.func @_segsum_body(%arg0: i32, %arg1: i32, %arg2: memref<10240x128xf32, #tpu.memory_space<hbm>>, %arg3: memref<32x88x2x128xi32, #tpu.memory_space<hbm>>, %arg4: memref<10240x128xf32, #tpu.memory_space<hbm>>, %arg5: memref<2x10240x128xf32, #tpu.memory_space<hbm>>, %arg6: memref<2x8x2x128xi32, #tpu.memory_space<vmem>>, %arg7: memref<128x128xf32, #tpu.memory_space<vmem>>, %arg8: memref<128x128xf32, #tpu.memory_space<vmem>>, %arg9: memref<10240x128xf32, #tpu.memory_space<vmem_shared>>, %arg10: memref<!tpu.dma_semaphore, #tpu.memory_space<semaphore_mem>>, %arg11: memref<!tpu.dma_semaphore, #tpu.memory_space<semaphore_mem>>, %arg12: memref<!tpu.dma_semaphore, #tpu.memory_space<semaphore_mem>>, %arg13: memref<!tpu.dma_semaphore, #tpu.memory_space<semaphore_mem>>, %arg14: memref<!tpu.dma_semaphore, #tpu.memory_space<semaphore_mem>>) attributes {dimension_semantics = [#tpu.dimension_semantics<core_parallel>, #tpu.dimension_semantics<subcore_parallel>], iteration_bounds = array<i64: 2, 16>, scalar_prefetch = 0 : i64, scratch_operands = 9 : i64, tpu.core_type = #tpu.core_type<sc_vector_subcore>, window_params = [{transform_indices = #map}, {transform_indices = #map1}, {transform_indices = #map}, {transform_indices = #map2}]} {
    %mul3A = arith.constant 16 : i32
    %mul3A_0 = arith.muli %arg0, %mul3A : i32
    %add3A = arith.addi %mul3A_0, %arg1 : i32
    %mul3A_1 = arith.constant 640 : i32
    %mul3A_2 = arith.muli %arg1, %mul3A_1 : i32
    %mul3A_3 = arith.constant 640 : i32
    %mul3A_4 = arith.muli %arg1, %mul3A_3 : i32
    "tpu.region"() ({
      %run_scoped3A = tpu.sem_alloc : memref<!tpu.dma_semaphore, #tpu.memory_space<semaphore_mem>>
      %dma_start3A_71 = arith.constant 0 : i32
      %dma_start3A_72 = tpu.memref_slice %arg9[%mul3A_4, %dma_start3A_71] : memref<10240x128xf32, #tpu.memory_space<vmem_shared>> -> memref<640x128xf32, #tpu.memory_space<vmem_shared>>
      %dma_start3A_73 = arith.constant 0 : i32
      %dma_start3A_74 = tpu.memref_slice %arg4[%mul3A_2, %dma_start3A_73] : memref<10240x128xf32, #tpu.memory_space<hbm>> -> memref<640x128xf32, #tpu.memory_space<hbm>>
      tpu.enqueue_dma source(%dma_start3A_74 : memref<640x128xf32, #tpu.memory_space<hbm>>) target(%dma_start3A_72 : memref<640x128xf32, #tpu.memory_space<vmem_shared>>) target_semaphore(%run_scoped3A : memref<!tpu.dma_semaphore, #tpu.memory_space<semaphore_mem>>)
      %dma_wait3A_75 = arith.constant 0 : i32
      %dma_wait3A_76 = tpu.memref_slice %arg9[%mul3A_4, %dma_wait3A_75] : memref<10240x128xf32, #tpu.memory_space<vmem_shared>> -> memref<640x128xf32, #tpu.memory_space<vmem_shared>>
      %dma_wait3A_77 = arith.constant 0 : i32
      %dma_wait3A_78 = tpu.memref_slice %arg4[%mul3A_2, %dma_wait3A_77] : memref<10240x128xf32, #tpu.memory_space<hbm>> -> memref<640x128xf32, #tpu.memory_space<hbm>>
      tpu.wait_dma2 semaphore(%run_scoped3A : memref<!tpu.dma_semaphore, #tpu.memory_space<semaphore_mem>>) src(%dma_wait3A_78 : memref<640x128xf32, #tpu.memory_space<hbm>>) dst(%dma_wait3A_76 : memref<640x128xf32, #tpu.memory_space<vmem_shared>>)
      tpu.yield
    }) : () -> ()
    %barrier3A = arith.constant 0 : index
    tpu.barrier barrier_id(%barrier3A)
    %dma_start3A = arith.constant 0 : i32
    %dma_start3A_5 = arith.constant 0 : i32
    %dma_start3A_6 = arith.constant 0 : i32
    %dma_start3A_7 = arith.constant 0 : i32
    %dma_start3A_8 = tpu.memref_slice %arg6[%dma_start3A, %dma_start3A_5, %dma_start3A_6, %dma_start3A_7] : memref<2x8x2x128xi32, #tpu.memory_space<vmem>> -> memref<1x8x2x128xi32, #tpu.memory_space<vmem>>
    %dma_start3A_9 = tpu.memref_squeeze %dma_start3A_8 : memref<1x8x2x128xi32, #tpu.memory_space<vmem>> -> memref<8x2x128xi32, #tpu.memory_space<vmem>>
    %dma_start3A_10 = arith.constant 0 : i32
    %dma_start3A_11 = arith.constant 0 : i32
    %dma_start3A_12 = arith.constant 0 : i32
    %dma_start3A_13 = tpu.memref_slice %arg3[%add3A, %dma_start3A_10, %dma_start3A_11, %dma_start3A_12] : memref<32x88x2x128xi32, #tpu.memory_space<hbm>> -> memref<1x88x2x128xi32, #tpu.memory_space<hbm>>
    %dma_start3A_14 = tpu.memref_squeeze %dma_start3A_13 : memref<1x88x2x128xi32, #tpu.memory_space<hbm>> -> memref<88x2x128xi32, #tpu.memory_space<hbm>>
    %dma_start3A_15 = arith.constant 0 : i32
    %dma_start3A_16 = arith.constant 0 : i32
    %dma_start3A_17 = arith.constant 0 : i32
    %dma_start3A_18 = tpu.memref_slice %dma_start3A_14[%dma_start3A_15, %dma_start3A_16, %dma_start3A_17] : memref<88x2x128xi32, #tpu.memory_space<hbm>> -> memref<8x2x128xi32, #tpu.memory_space<hbm>>
    %dma_start3A_19 = arith.constant 0 : i32
    %dma_start3A_20 = arith.constant 0 : i32
    %dma_start3A_21 = arith.constant 0 : i32
    %dma_start3A_22 = tpu.memref_slice %arg6[%dma_start3A, %dma_start3A_19, %dma_start3A_20, %dma_start3A_21] : memref<2x8x2x128xi32, #tpu.memory_space<vmem>> -> memref<1x8x2x128xi32, #tpu.memory_space<vmem>>
    %dma_start3A_23 = tpu.memref_squeeze %dma_start3A_22 : memref<1x8x2x128xi32, #tpu.memory_space<vmem>> -> memref<8x2x128xi32, #tpu.memory_space<vmem>>
    %dma_start3A_24 = arith.constant 0 : i32
    %dma_start3A_25 = arith.constant 0 : i32
    %dma_start3A_26 = arith.constant 0 : i32
    %dma_start3A_27 = tpu.memref_slice %arg3[%add3A, %dma_start3A_24, %dma_start3A_25, %dma_start3A_26] : memref<32x88x2x128xi32, #tpu.memory_space<hbm>> -> memref<1x88x2x128xi32, #tpu.memory_space<hbm>>
    %dma_start3A_28 = tpu.memref_squeeze %dma_start3A_27 : memref<1x88x2x128xi32, #tpu.memory_space<hbm>> -> memref<88x2x128xi32, #tpu.memory_space<hbm>>
    %dma_start3A_29 = arith.constant 0 : i32
    %dma_start3A_30 = arith.constant 0 : i32
    %dma_start3A_31 = arith.constant 0 : i32
    %dma_start3A_32 = tpu.memref_slice %dma_start3A_28[%dma_start3A_29, %dma_start3A_30, %dma_start3A_31] : memref<88x2x128xi32, #tpu.memory_space<hbm>> -> memref<8x2x128xi32, #tpu.memory_space<hbm>>
    tpu.enqueue_dma source(%dma_start3A_32 : memref<8x2x128xi32, #tpu.memory_space<hbm>>) target(%dma_start3A_23 : memref<8x2x128xi32, #tpu.memory_space<vmem>>) target_semaphore(%arg14 : memref<!tpu.dma_semaphore, #tpu.memory_space<semaphore_mem>>)
    %scan3A = arith.constant 0 : i32
    %scan3A_33 = arith.constant 0 : i32
    %scan3A_34 = arith.constant 10 : i32
    %scan3A_35 = arith.addi %scan3A_33, %scan3A_34 : i32
    %scan3A_36 = arith.constant 1 : i32
    scf.for %scan3A_71 = %scan3A_33 to %scan3A_35 step %scan3A_36  : i32 {
      %rem3A = arith.constant 2 : i32
      %rem3A_72 = arith.remsi %scan3A_71, %rem3A : i32
      %mul3A_73 = arith.constant 8 : i32
      %mul3A_74 = arith.muli %scan3A_71, %mul3A_73 : i32
      %dma_wait3A_75 = arith.constant 0 : i32
      %dma_wait3A_76 = arith.constant 0 : i32
      %dma_wait3A_77 = arith.constant 0 : i32
      %dma_wait3A_78 = tpu.memref_slice %arg6[%rem3A_72, %dma_wait3A_75, %dma_wait3A_76, %dma_wait3A_77] : memref<2x8x2x128xi32, #tpu.memory_space<vmem>> -> memref<1x8x2x128xi32, #tpu.memory_space<vmem>>
      %dma_wait3A_79 = tpu.memref_squeeze %dma_wait3A_78 : memref<1x8x2x128xi32, #tpu.memory_space<vmem>> -> memref<8x2x128xi32, #tpu.memory_space<vmem>>
      %dma_wait3A_80 = arith.constant 0 : i32
      %dma_wait3A_81 = arith.constant 0 : i32
      %dma_wait3A_82 = arith.constant 0 : i32
      %dma_wait3A_83 = tpu.memref_slice %arg3[%add3A, %dma_wait3A_80, %dma_wait3A_81, %dma_wait3A_82] : memref<32x88x2x128xi32, #tpu.memory_space<hbm>> -> memref<1x88x2x128xi32, #tpu.memory_space<hbm>>
      %dma_wait3A_84 = tpu.memref_squeeze %dma_wait3A_83 : memref<1x88x2x128xi32, #tpu.memory_space<hbm>> -> memref<88x2x128xi32, #tpu.memory_space<hbm>>
      %dma_wait3A_85 = arith.constant 0 : i32
      %dma_wait3A_86 = arith.constant 0 : i32
      %dma_wait3A_87 = tpu.memref_slice %dma_wait3A_84[%mul3A_74, %dma_wait3A_85, %dma_wait3A_86] : memref<88x2x128xi32, #tpu.memory_space<hbm>> -> memref<8x2x128xi32, #tpu.memory_space<hbm>>
      %dma_wait3A_88 = arith.constant 0 : i32
      %dma_wait3A_89 = arith.constant 0 : i32
      %dma_wait3A_90 = arith.constant 0 : i32
      %dma_wait3A_91 = tpu.memref_slice %arg6[%rem3A_72, %dma_wait3A_88, %dma_wait3A_89, %dma_wait3A_90] : memref<2x8x2x128xi32, #tpu.memory_space<vmem>> -> memref<1x8x2x128xi32, #tpu.memory_space<vmem>>
      %dma_wait3A_92 = tpu.memref_squeeze %dma_wait3A_91 : memref<1x8x2x128xi32, #tpu.memory_space<vmem>> -> memref<8x2x128xi32, #tpu.memory_space<vmem>>
      %dma_wait3A_93 = arith.constant 0 : i32
      %dma_wait3A_94 = arith.constant 0 : i32
      %dma_wait3A_95 = arith.constant 0 : i32
      %dma_wait3A_96 = tpu.memref_slice %arg3[%add3A, %dma_wait3A_93, %dma_wait3A_94, %dma_wait3A_95] : memref<32x88x2x128xi32, #tpu.memory_space<hbm>> -> memref<1x88x2x128xi32, #tpu.memory_space<hbm>>
      %dma_wait3A_97 = tpu.memref_squeeze %dma_wait3A_96 : memref<1x88x2x128xi32, #tpu.memory_space<hbm>> -> memref<88x2x128xi32, #tpu.memory_space<hbm>>
      %dma_wait3A_98 = arith.constant 0 : i32
      %dma_wait3A_99 = arith.constant 0 : i32
      %dma_wait3A_100 = tpu.memref_slice %dma_wait3A_97[%mul3A_74, %dma_wait3A_98, %dma_wait3A_99] : memref<88x2x128xi32, #tpu.memory_space<hbm>> -> memref<8x2x128xi32, #tpu.memory_space<hbm>>
      tpu.wait_dma2 semaphore(%arg14 : memref<!tpu.dma_semaphore, #tpu.memory_space<semaphore_mem>>) src(%dma_wait3A_100 : memref<8x2x128xi32, #tpu.memory_space<hbm>>) dst(%dma_wait3A_92 : memref<8x2x128xi32, #tpu.memory_space<vmem>>)
      %add3A_101 = arith.constant 1 : i32
      %add3A_102 = arith.addi %scan3A_71, %add3A_101 : i32
      %mul3A_103 = arith.constant 8 : i32
      %mul3A_104 = arith.muli %add3A_102, %mul3A_103 : i32
      %sub3A = arith.constant 1 : i32
      %sub3A_105 = arith.subi %sub3A, %rem3A_72 : i32
      %dma_start3A_106 = arith.constant 0 : i32
      %dma_start3A_107 = arith.constant 0 : i32
      %dma_start3A_108 = arith.constant 0 : i32
      %dma_start3A_109 = tpu.memref_slice %arg6[%sub3A_105, %dma_start3A_106, %dma_start3A_107, %dma_start3A_108] : memref<2x8x2x128xi32, #tpu.memory_space<vmem>> -> memref<1x8x2x128xi32, #tpu.memory_space<vmem>>
      %dma_start3A_110 = tpu.memref_squeeze %dma_start3A_109 : memref<1x8x2x128xi32, #tpu.memory_space<vmem>> -> memref<8x2x128xi32, #tpu.memory_space<vmem>>
      %dma_start3A_111 = arith.constant 0 : i32
      %dma_start3A_112 = arith.constant 0 : i32
      %dma_start3A_113 = arith.constant 0 : i32
      %dma_start3A_114 = tpu.memref_slice %arg3[%add3A, %dma_start3A_111, %dma_start3A_112, %dma_start3A_113] : memref<32x88x2x128xi32, #tpu.memory_space<hbm>> -> memref<1x88x2x128xi32, #tpu.memory_space<hbm>>
      %dma_start3A_115 = tpu.memref_squeeze %dma_start3A_114 : memref<1x88x2x128xi32, #tpu.memory_space<hbm>> -> memref<88x2x128xi32, #tpu.memory_space<hbm>>
      %dma_start3A_116 = arith.constant 0 : i32
      %dma_start3A_117 = arith.constant 0 : i32
      %dma_start3A_118 = tpu.memref_slice %dma_start3A_115[%mul3A_104, %dma_start3A_116, %dma_start3A_117] : memref<88x2x128xi32, #tpu.memory_space<hbm>> -> memref<8x2x128xi32, #tpu.memory_space<hbm>>
      %dma_start3A_119 = arith.constant 0 : i32
      %dma_start3A_120 = arith.constant 0 : i32
      %dma_start3A_121 = arith.constant 0 : i32
      %dma_start3A_122 = tpu.memref_slice %arg6[%sub3A_105, %dma_start3A_119, %dma_start3A_120, %dma_start3A_121] : memref<2x8x2x128xi32, #tpu.memory_space<vmem>> -> memref<1x8x2x128xi32, #tpu.memory_space<vmem>>
      %dma_start3A_123 = tpu.memref_squeeze %dma_start3A_122 : memref<1x8x2x128xi32, #tpu.memory_space<vmem>> -> memref<8x2x128xi32, #tpu.memory_space<vmem>>
      %dma_start3A_124 = arith.constant 0 : i32
      %dma_start3A_125 = arith.constant 0 : i32
      %dma_start3A_126 = arith.constant 0 : i32
      %dma_start3A_127 = tpu.memref_slice %arg3[%add3A, %dma_start3A_124, %dma_start3A_125, %dma_start3A_126] : memref<32x88x2x128xi32, #tpu.memory_space<hbm>> -> memref<1x88x2x128xi32, #tpu.memory_space<hbm>>
      %dma_start3A_128 = tpu.memref_squeeze %dma_start3A_127 : memref<1x88x2x128xi32, #tpu.memory_space<hbm>> -> memref<88x2x128xi32, #tpu.memory_space<hbm>>
      %dma_start3A_129 = arith.constant 0 : i32
      %dma_start3A_130 = arith.constant 0 : i32
      %dma_start3A_131 = tpu.memref_slice %dma_start3A_128[%mul3A_104, %dma_start3A_129, %dma_start3A_130] : memref<88x2x128xi32, #tpu.memory_space<hbm>> -> memref<8x2x128xi32, #tpu.memory_space<hbm>>
      tpu.enqueue_dma source(%dma_start3A_131 : memref<8x2x128xi32, #tpu.memory_space<hbm>>) target(%dma_start3A_123 : memref<8x2x128xi32, #tpu.memory_space<vmem>>) target_semaphore(%arg14 : memref<!tpu.dma_semaphore, #tpu.memory_space<semaphore_mem>>)
      %dma_start3A_132 = arith.constant 0 : i32
      %dma_start3A_133 = arith.constant 0 : i32
      %dma_start3A_134 = arith.constant 0 : i32
      %dma_start3A_135 = arith.constant 0 : i32
      %dma_start3A_136 = arith.constant 0 : i32
      %dma_start3A_137 = tpu.memref_slice %arg6[%rem3A_72, %dma_start3A_134, %dma_start3A_135, %dma_start3A_136] : memref<2x8x2x128xi32, #tpu.memory_space<vmem>> -> memref<1x8x2x128xi32, #tpu.memory_space<vmem>>
      %dma_start3A_138 = tpu.memref_squeeze %dma_start3A_137 : memref<1x8x2x128xi32, #tpu.memory_space<vmem>> -> memref<8x2x128xi32, #tpu.memory_space<vmem>>
      %dma_start3A_139 = arith.constant 0 : i32
      %dma_start3A_140 = arith.constant 0 : i32
      %dma_start3A_141 = tpu.memref_slice %dma_start3A_138[%dma_start3A_132, %dma_start3A_139, %dma_start3A_140] : memref<8x2x128xi32, #tpu.memory_space<vmem>> -> memref<1x2x128xi32, #tpu.memory_space<vmem>>
      %dma_start3A_142 = tpu.memref_squeeze %dma_start3A_141 : memref<1x2x128xi32, #tpu.memory_space<vmem>> -> memref<2x128xi32, #tpu.memory_space<vmem>>
      %dma_start3A_143 = arith.constant 0 : i32
      %dma_start3A_144 = tpu.memref_slice %dma_start3A_142[%dma_start3A_133, %dma_start3A_143] : memref<2x128xi32, #tpu.memory_space<vmem>> -> memref<1x128xi32, #tpu.memory_space<vmem>>
      %dma_start3A_145 = tpu.memref_squeeze %dma_start3A_144 : memref<1x128xi32, #tpu.memory_space<vmem>> -> memref<128xi32, #tpu.memory_space<vmem>>
      %dma_start3A_146 = arith.constant 0 : i32
      %dma_start3A_147 = arith.constant 0 : i32
      %dma_start3A_148 = tpu.memref_slice %arg2[%dma_start3A_146, %dma_start3A_147] : memref<10240x128xf32, #tpu.memory_space<hbm>> -> memref<10240x128xf32, #tpu.memory_space<hbm>>
      tpu.enqueue_indirect_dma source(%dma_start3A_148 : memref<10240x128xf32, #tpu.memory_space<hbm>>) target(%arg7 : memref<128x128xf32, #tpu.memory_space<vmem>>) offsets(%dma_start3A_145 : memref<128xi32, #tpu.memory_space<vmem>>) semaphore(%arg10 : memref<!tpu.dma_semaphore, #tpu.memory_space<semaphore_mem>>)
      %dma_start3A_149 = arith.constant 1 : i32
      %dma_start3A_150 = arith.constant 0 : i32
      %dma_start3A_151 = arith.constant 0 : i32
      %dma_start3A_152 = arith.constant 0 : i32
      %dma_start3A_153 = arith.constant 0 : i32
      %dma_start3A_154 = tpu.memref_slice %arg6[%rem3A_72, %dma_start3A_151, %dma_start3A_152, %dma_start3A_153] : memref<2x8x2x128xi32, #tpu.memory_space<vmem>> -> memref<1x8x2x128xi32, #tpu.memory_space<vmem>>
      %dma_start3A_155 = tpu.memref_squeeze %dma_start3A_154 : memref<1x8x2x128xi32, #tpu.memory_space<vmem>> -> memref<8x2x128xi32, #tpu.memory_space<vmem>>
      %dma_start3A_156 = arith.constant 0 : i32
      %dma_start3A_157 = arith.constant 0 : i32
      %dma_start3A_158 = tpu.memref_slice %dma_start3A_155[%dma_start3A_149, %dma_start3A_156, %dma_start3A_157] : memref<8x2x128xi32, #tpu.memory_space<vmem>> -> memref<1x2x128xi32, #tpu.memory_space<vmem>>
      %dma_start3A_159 = tpu.memref_squeeze %dma_start3A_158 : memref<1x2x128xi32, #tpu.memory_space<vmem>> -> memref<2x128xi32, #tpu.memory_space<vmem>>
      %dma_start3A_160 = arith.constant 0 : i32
      %dma_start3A_161 = tpu.memref_slice %dma_start3A_159[%dma_start3A_150, %dma_start3A_160] : memref<2x128xi32, #tpu.memory_space<vmem>> -> memref<1x128xi32, #tpu.memory_space<vmem>>
      %dma_start3A_162 = tpu.memref_squeeze %dma_start3A_161 : memref<1x128xi32, #tpu.memory_space<vmem>> -> memref<128xi32, #tpu.memory_space<vmem>>
      %dma_start3A_163 = arith.constant 0 : i32
      %dma_start3A_164 = arith.constant 0 : i32
      %dma_start3A_165 = tpu.memref_slice %arg2[%dma_start3A_163, %dma_start3A_164] : memref<10240x128xf32, #tpu.memory_space<hbm>> -> memref<10240x128xf32, #tpu.memory_space<hbm>>
      tpu.enqueue_indirect_dma source(%dma_start3A_165 : memref<10240x128xf32, #tpu.memory_space<hbm>>) target(%arg8 : memref<128x128xf32, #tpu.memory_space<vmem>>) offsets(%dma_start3A_162 : memref<128xi32, #tpu.memory_space<vmem>>) semaphore(%arg11 : memref<!tpu.dma_semaphore, #tpu.memory_space<semaphore_mem>>)
      %dma_wait3A_166 = arith.constant 0 : i32
      %dma_wait3A_167 = arith.constant 0 : i32
      %dma_wait3A_168 = arith.constant 0 : i32
      %dma_wait3A_169 = arith.constant 0 : i32
      %dma_wait3A_170 = arith.constant 0 : i32
      %dma_wait3A_171 = tpu.memref_slice %arg6[%rem3A_72, %dma_wait3A_168, %dma_wait3A_169, %dma_wait3A_170] : memref<2x8x2x128xi32, #tpu.memory_space<vmem>> -> memref<1x8x2x128xi32, #tpu.memory_space<vmem>>
      %dma_wait3A_172 = tpu.memref_squeeze %dma_wait3A_171 : memref<1x8x2x128xi32, #tpu.memory_space<vmem>> -> memref<8x2x128xi32, #tpu.memory_space<vmem>>
      %dma_wait3A_173 = arith.constant 0 : i32
      %dma_wait3A_174 = arith.constant 0 : i32
      %dma_wait3A_175 = tpu.memref_slice %dma_wait3A_172[%dma_wait3A_166, %dma_wait3A_173, %dma_wait3A_174] : memref<8x2x128xi32, #tpu.memory_space<vmem>> -> memref<1x2x128xi32, #tpu.memory_space<vmem>>
      %dma_wait3A_176 = tpu.memref_squeeze %dma_wait3A_175 : memref<1x2x128xi32, #tpu.memory_space<vmem>> -> memref<2x128xi32, #tpu.memory_space<vmem>>
      %dma_wait3A_177 = arith.constant 0 : i32
      %dma_wait3A_178 = tpu.memref_slice %dma_wait3A_176[%dma_wait3A_167, %dma_wait3A_177] : memref<2x128xi32, #tpu.memory_space<vmem>> -> memref<1x128xi32, #tpu.memory_space<vmem>>
      %dma_wait3A_179 = tpu.memref_squeeze %dma_wait3A_178 : memref<1x128xi32, #tpu.memory_space<vmem>> -> memref<128xi32, #tpu.memory_space<vmem>>
      %dma_wait3A_180 = arith.constant 0 : i32
      %dma_wait3A_181 = arith.constant 0 : i32
      %dma_wait3A_182 = tpu.memref_slice %arg2[%dma_wait3A_180, %dma_wait3A_181] : memref<10240x128xf32, #tpu.memory_space<hbm>> -> memref<10240x128xf32, #tpu.memory_space<hbm>>
      tpu.wait_indirect_dma semaphore(%arg10 : memref<!tpu.dma_semaphore, #tpu.memory_space<semaphore_mem>>) src(%dma_wait3A_182 : memref<10240x128xf32, #tpu.memory_space<hbm>>) dst(%arg7 : memref<128x128xf32, #tpu.memory_space<vmem>>)
      %dma_start3A_183 = arith.constant 0 : i32
      %dma_start3A_184 = arith.constant 1 : i32
      %dma_start3A_185 = arith.constant 0 : i32
      %dma_start3A_186 = arith.constant 0 : i32
      %dma_start3A_187 = arith.constant 0 : i32
      %dma_start3A_188 = tpu.memref_slice %arg6[%rem3A_72, %dma_start3A_185, %dma_start3A_186, %dma_start3A_187] : memref<2x8x2x128xi32, #tpu.memory_space<vmem>> -> memref<1x8x2x128xi32, #tpu.memory_space<vmem>>
      %dma_start3A_189 = tpu.memref_squeeze %dma_start3A_188 : memref<1x8x2x128xi32, #tpu.memory_space<vmem>> -> memref<8x2x128xi32, #tpu.memory_space<vmem>>
      %dma_start3A_190 = arith.constant 0 : i32
      %dma_start3A_191 = arith.constant 0 : i32
      %dma_start3A_192 = tpu.memref_slice %dma_start3A_189[%dma_start3A_183, %dma_start3A_190, %dma_start3A_191] : memref<8x2x128xi32, #tpu.memory_space<vmem>> -> memref<1x2x128xi32, #tpu.memory_space<vmem>>
      %dma_start3A_193 = tpu.memref_squeeze %dma_start3A_192 : memref<1x2x128xi32, #tpu.memory_space<vmem>> -> memref<2x128xi32, #tpu.memory_space<vmem>>
      %dma_start3A_194 = arith.constant 0 : i32
      %dma_start3A_195 = tpu.memref_slice %dma_start3A_193[%dma_start3A_184, %dma_start3A_194] : memref<2x128xi32, #tpu.memory_space<vmem>> -> memref<1x128xi32, #tpu.memory_space<vmem>>
      %dma_start3A_196 = tpu.memref_squeeze %dma_start3A_195 : memref<1x128xi32, #tpu.memory_space<vmem>> -> memref<128xi32, #tpu.memory_space<vmem>>
      %dma_start3A_197 = arith.constant 0 : i32
      %dma_start3A_198 = arith.constant 0 : i32
      %dma_start3A_199 = tpu.memref_slice %arg9[%dma_start3A_197, %dma_start3A_198] : memref<10240x128xf32, #tpu.memory_space<vmem_shared>> -> memref<10240x128xf32, #tpu.memory_space<vmem_shared>>
      tpu.enqueue_indirect_dma source(%arg7 : memref<128x128xf32, #tpu.memory_space<vmem>>) target(%dma_start3A_199 : memref<10240x128xf32, #tpu.memory_space<vmem_shared>>) offsets(%dma_start3A_196 : memref<128xi32, #tpu.memory_space<vmem>>) semaphore(%arg12 : memref<!tpu.dma_semaphore, #tpu.memory_space<semaphore_mem>>) {add = true}
      %dma_wait3A_200 = arith.constant 1 : i32
      %dma_wait3A_201 = arith.constant 0 : i32
      %dma_wait3A_202 = arith.constant 0 : i32
      %dma_wait3A_203 = arith.constant 0 : i32
      %dma_wait3A_204 = arith.constant 0 : i32
      %dma_wait3A_205 = tpu.memref_slice %arg6[%rem3A_72, %dma_wait3A_202, %dma_wait3A_203, %dma_wait3A_204] : memref<2x8x2x128xi32, #tpu.memory_space<vmem>> -> memref<1x8x2x128xi32, #tpu.memory_space<vmem>>
      %dma_wait3A_206 = tpu.memref_squeeze %dma_wait3A_205 : memref<1x8x2x128xi32, #tpu.memory_space<vmem>> -> memref<8x2x128xi32, #tpu.memory_space<vmem>>
      %dma_wait3A_207 = arith.constant 0 : i32
      %dma_wait3A_208 = arith.constant 0 : i32
      %dma_wait3A_209 = tpu.memref_slice %dma_wait3A_206[%dma_wait3A_200, %dma_wait3A_207, %dma_wait3A_208] : memref<8x2x128xi32, #tpu.memory_space<vmem>> -> memref<1x2x128xi32, #tpu.memory_space<vmem>>
      %dma_wait3A_210 = tpu.memref_squeeze %dma_wait3A_209 : memref<1x2x128xi32, #tpu.memory_space<vmem>> -> memref<2x128xi32, #tpu.memory_space<vmem>>
      %dma_wait3A_211 = arith.constant 0 : i32
      %dma_wait3A_212 = tpu.memref_slice %dma_wait3A_210[%dma_wait3A_201, %dma_wait3A_211] : memref<2x128xi32, #tpu.memory_space<vmem>> -> memref<1x128xi32, #tpu.memory_space<vmem>>
      %dma_wait3A_213 = tpu.memref_squeeze %dma_wait3A_212 : memref<1x128xi32, #tpu.memory_space<vmem>> -> memref<128xi32, #tpu.memory_space<vmem>>
      %dma_wait3A_214 = arith.constant 0 : i32
      %dma_wait3A_215 = arith.constant 0 : i32
      %dma_wait3A_216 = tpu.memref_slice %arg2[%dma_wait3A_214, %dma_wait3A_215] : memref<10240x128xf32, #tpu.memory_space<hbm>> -> memref<10240x128xf32, #tpu.memory_space<hbm>>
      tpu.wait_indirect_dma semaphore(%arg11 : memref<!tpu.dma_semaphore, #tpu.memory_space<semaphore_mem>>) src(%dma_wait3A_216 : memref<10240x128xf32, #tpu.memory_space<hbm>>) dst(%arg8 : memref<128x128xf32, #tpu.memory_space<vmem>>)
      %dma_start3A_217 = arith.constant 1 : i32
      %dma_start3A_218 = arith.constant 1 : i32
      %dma_start3A_219 = arith.constant 0 : i32
      %dma_start3A_220 = arith.constant 0 : i32
      %dma_start3A_221 = arith.constant 0 : i32
      %dma_start3A_222 = tpu.memref_slice %arg6[%rem3A_72, %dma_start3A_219, %dma_start3A_220, %dma_start3A_221] : memref<2x8x2x128xi32, #tpu.memory_space<vmem>> -> memref<1x8x2x128xi32, #tpu.memory_space<vmem>>
      %dma_start3A_223 = tpu.memref_squeeze %dma_start3A_222 : memref<1x8x2x128xi32, #tpu.memory_space<vmem>> -> memref<8x2x128xi32, #tpu.memory_space<vmem>>
      %dma_start3A_224 = arith.constant 0 : i32
      %dma_start3A_225 = arith.constant 0 : i32
      %dma_start3A_226 = tpu.memref_slice %dma_start3A_223[%dma_start3A_217, %dma_start3A_224, %dma_start3A_225] : memref<8x2x128xi32, #tpu.memory_space<vmem>> -> memref<1x2x128xi32, #tpu.memory_space<vmem>>
      %dma_start3A_227 = tpu.memref_squeeze %dma_start3A_226 : memref<1x2x128xi32, #tpu.memory_space<vmem>> -> memref<2x128xi32, #tpu.memory_space<vmem>>
      %dma_start3A_228 = arith.constant 0 : i32
      %dma_start3A_229 = tpu.memref_slice %dma_start3A_227[%dma_start3A_218, %dma_start3A_228] : memref<2x128xi32, #tpu.memory_space<vmem>> -> memref<1x128xi32, #tpu.memory_space<vmem>>
      %dma_start3A_230 = tpu.memref_squeeze %dma_start3A_229 : memref<1x128xi32, #tpu.memory_space<vmem>> -> memref<128xi32, #tpu.memory_space<vmem>>
      %dma_start3A_231 = arith.constant 0 : i32
      %dma_start3A_232 = arith.constant 0 : i32
      %dma_start3A_233 = tpu.memref_slice %arg9[%dma_start3A_231, %dma_start3A_232] : memref<10240x128xf32, #tpu.memory_space<vmem_shared>> -> memref<10240x128xf32, #tpu.memory_space<vmem_shared>>
      tpu.enqueue_indirect_dma source(%arg8 : memref<128x128xf32, #tpu.memory_space<vmem>>) target(%dma_start3A_233 : memref<10240x128xf32, #tpu.memory_space<vmem_shared>>) offsets(%dma_start3A_230 : memref<128xi32, #tpu.memory_space<vmem>>) semaphore(%arg13 : memref<!tpu.dma_semaphore, #tpu.memory_space<semaphore_mem>>) {add = true}
      %dma_wait3A_234 = arith.constant 0 : i32
      %dma_wait3A_235 = arith.constant 1 : i32
      %dma_wait3A_236 = arith.constant 0 : i32
      %dma_wait3A_237 = arith.constant 0 : i32
      %dma_wait3A_238 = arith.constant 0 : i32
      %dma_wait3A_239 = tpu.memref_slice %arg6[%rem3A_72, %dma_wait3A_236, %dma_wait3A_237, %dma_wait3A_238] : memref<2x8x2x128xi32, #tpu.memory_space<vmem>> -> memref<1x8x2x128xi32, #tpu.memory_space<vmem>>
      %dma_wait3A_240 = tpu.memref_squeeze %dma_wait3A_239 : memref<1x8x2x128xi32, #tpu.memory_space<vmem>> -> memref<8x2x128xi32, #tpu.memory_space<vmem>>
      %dma_wait3A_241 = arith.constant 0 : i32
      %dma_wait3A_242 = arith.constant 0 : i32
      %dma_wait3A_243 = tpu.memref_slice %dma_wait3A_240[%dma_wait3A_234, %dma_wait3A_241, %dma_wait3A_242] : memref<8x2x128xi32, #tpu.memory_space<vmem>> -> memref<1x2x128xi32, #tpu.memory_space<vmem>>
      %dma_wait3A_244 = tpu.memref_squeeze %dma_wait3A_243 : memref<1x2x128xi32, #tpu.memory_space<vmem>> -> memref<2x128xi32, #tpu.memory_space<vmem>>
      %dma_wait3A_245 = arith.constant 0 : i32
      %dma_wait3A_246 = tpu.memref_slice %dma_wait3A_244[%dma_wait3A_235, %dma_wait3A_245] : memref<2x128xi32, #tpu.memory_space<vmem>> -> memref<1x128xi32, #tpu.memory_space<vmem>>
      %dma_wait3A_247 = tpu.memref_squeeze %dma_wait3A_246 : memref<1x128xi32, #tpu.memory_space<vmem>> -> memref<128xi32, #tpu.memory_space<vmem>>
      %dma_wait3A_248 = arith.constant 0 : i32
      %dma_wait3A_249 = arith.constant 0 : i32
      %dma_wait3A_250 = tpu.memref_slice %arg9[%dma_wait3A_248, %dma_wait3A_249] : memref<10240x128xf32, #tpu.memory_space<vmem_shared>> -> memref<10240x128xf32, #tpu.memory_space<vmem_shared>>
      tpu.wait_indirect_dma semaphore(%arg12 : memref<!tpu.dma_semaphore, #tpu.memory_space<semaphore_mem>>) src(%arg7 : memref<128x128xf32, #tpu.memory_space<vmem>>) dst(%dma_wait3A_250 : memref<10240x128xf32, #tpu.memory_space<vmem_shared>>)
      %dma_start3A_251 = arith.constant 2 : i32
      %dma_start3A_252 = arith.constant 0 : i32
      %dma_start3A_253 = arith.constant 0 : i32
      %dma_start3A_254 = arith.constant 0 : i32
      %dma_start3A_255 = arith.constant 0 : i32
      %dma_start3A_256 = tpu.memref_slice %arg6[%rem3A_72, %dma_start3A_253, %dma_start3A_254, %dma_start3A_255] : memref<2x8x2x128xi32, #tpu.memory_space<vmem>> -> memref<1x8x2x128xi32, #tpu.memory_space<vmem>>
      %dma_start3A_257 = tpu.memref_squeeze %dma_start3A_256 : memref<1x8x2x128xi32, #tpu.memory_space<vmem>> -> memref<8x2x128xi32, #tpu.memory_space<vmem>>
      %dma_start3A_258 = arith.constant 0 : i32
      %dma_start3A_259 = arith.constant 0 : i32
      %dma_start3A_260 = tpu.memref_slice %dma_start3A_257[%dma_start3A_251, %dma_start3A_258, %dma_start3A_259] : memref<8x2x128xi32, #tpu.memory_space<vmem>> -> memref<1x2x128xi32, #tpu.memory_space<vmem>>
      %dma_start3A_261 = tpu.memref_squeeze %dma_start3A_260 : memref<1x2x128xi32, #tpu.memory_space<vmem>> -> memref<2x128xi32, #tpu.memory_space<vmem>>
      %dma_start3A_262 = arith.constant 0 : i32
      %dma_start3A_263 = tpu.memref_slice %dma_start3A_261[%dma_start3A_252, %dma_start3A_262] : memref<2x128xi32, #tpu.memory_space<vmem>> -> memref<1x128xi32, #tpu.memory_space<vmem>>
      %dma_start3A_264 = tpu.memref_squeeze %dma_start3A_263 : memref<1x128xi32, #tpu.memory_space<vmem>> -> memref<128xi32, #tpu.memory_space<vmem>>
      %dma_start3A_265 = arith.constant 0 : i32
      %dma_start3A_266 = arith.constant 0 : i32
      %dma_start3A_267 = tpu.memref_slice %arg2[%dma_start3A_265, %dma_start3A_266] : memref<10240x128xf32, #tpu.memory_space<hbm>> -> memref<10240x128xf32, #tpu.memory_space<hbm>>
      tpu.enqueue_indirect_dma source(%dma_start3A_267 : memref<10240x128xf32, #tpu.memory_space<hbm>>) target(%arg7 : memref<128x128xf32, #tpu.memory_space<vmem>>) offsets(%dma_start3A_264 : memref<128xi32, #tpu.memory_space<vmem>>) semaphore(%arg10 : memref<!tpu.dma_semaphore, #tpu.memory_space<semaphore_mem>>)
      %dma_wait3A_268 = arith.constant 1 : i32
      %dma_wait3A_269 = arith.constant 1 : i32
      %dma_wait3A_270 = arith.constant 0 : i32
      %dma_wait3A_271 = arith.constant 0 : i32
      %dma_wait3A_272 = arith.constant 0 : i32
      %dma_wait3A_273 = tpu.memref_slice %arg6[%rem3A_72, %dma_wait3A_270, %dma_wait3A_271, %dma_wait3A_272] : memref<2x8x2x128xi32, #tpu.memory_space<vmem>> -> memref<1x8x2x128xi32, #tpu.memory_space<vmem>>
      %dma_wait3A_274 = tpu.memref_squeeze %dma_wait3A_273 : memref<1x8x2x128xi32, #tpu.memory_space<vmem>> -> memref<8x2x128xi32, #tpu.memory_space<vmem>>
      %dma_wait3A_275 = arith.constant 0 : i32
      %dma_wait3A_276 = arith.constant 0 : i32
      %dma_wait3A_277 = tpu.memref_slice %dma_wait3A_274[%dma_wait3A_268, %dma_wait3A_275, %dma_wait3A_276] : memref<8x2x128xi32, #tpu.memory_space<vmem>> -> memref<1x2x128xi32, #tpu.memory_space<vmem>>
      %dma_wait3A_278 = tpu.memref_squeeze %dma_wait3A_277 : memref<1x2x128xi32, #tpu.memory_space<vmem>> -> memref<2x128xi32, #tpu.memory_space<vmem>>
      %dma_wait3A_279 = arith.constant 0 : i32
      %dma_wait3A_280 = tpu.memref_slice %dma_wait3A_278[%dma_wait3A_269, %dma_wait3A_279] : memref<2x128xi32, #tpu.memory_space<vmem>> -> memref<1x128xi32, #tpu.memory_space<vmem>>
      %dma_wait3A_281 = tpu.memref_squeeze %dma_wait3A_280 : memref<1x128xi32, #tpu.memory_space<vmem>> -> memref<128xi32, #tpu.memory_space<vmem>>
      %dma_wait3A_282 = arith.constant 0 : i32
      %dma_wait3A_283 = arith.constant 0 : i32
      %dma_wait3A_284 = tpu.memref_slice %arg9[%dma_wait3A_282, %dma_wait3A_283] : memref<10240x128xf32, #tpu.memory_space<vmem_shared>> -> memref<10240x128xf32, #tpu.memory_space<vmem_shared>>
      tpu.wait_indirect_dma semaphore(%arg13 : memref<!tpu.dma_semaphore, #tpu.memory_space<semaphore_mem>>) src(%arg8 : memref<128x128xf32, #tpu.memory_space<vmem>>) dst(%dma_wait3A_284 : memref<10240x128xf32, #tpu.memory_space<vmem_shared>>)
      %dma_start3A_285 = arith.constant 3 : i32
      %dma_start3A_286 = arith.constant 0 : i32
      %dma_start3A_287 = arith.constant 0 : i32
      %dma_start3A_288 = arith.constant 0 : i32
      %dma_start3A_289 = arith.constant 0 : i32
      %dma_start3A_290 = tpu.memref_slice %arg6[%rem3A_72, %dma_start3A_287, %dma_start3A_288, %dma_start3A_289] : memref<2x8x2x128xi32, #tpu.memory_space<vmem>> -> memref<1x8x2x128xi32, #tpu.memory_space<vmem>>
      %dma_start3A_291 = tpu.memref_squeeze %dma_start3A_290 : memref<1x8x2x128xi32, #tpu.memory_space<vmem>> -> memref<8x2x128xi32, #tpu.memory_space<vmem>>
      %dma_start3A_292 = arith.constant 0 : i32
      %dma_start3A_293 = arith.constant 0 : i32
      %dma_start3A_294 = tpu.memref_slice %dma_start3A_291[%dma_start3A_285, %dma_start3A_292, %dma_start3A_293] : memref<8x2x128xi32, #tpu.memory_space<vmem>> -> memref<1x2x128xi32, #tpu.memory_space<vmem>>
      %dma_start3A_295 = tpu.memref_squeeze %dma_start3A_294 : memref<1x2x128xi32, #tpu.memory_space<vmem>> -> memref<2x128xi32, #tpu.memory_space<vmem>>
      %dma_start3A_296 = arith.constant 0 : i32
      %dma_start3A_297 = tpu.memref_slice %dma_start3A_295[%dma_start3A_286, %dma_start3A_296] : memref<2x128xi32, #tpu.memory_space<vmem>> -> memref<1x128xi32, #tpu.memory_space<vmem>>
      %dma_start3A_298 = tpu.memref_squeeze %dma_start3A_297 : memref<1x128xi32, #tpu.memory_space<vmem>> -> memref<128xi32, #tpu.memory_space<vmem>>
      %dma_start3A_299 = arith.constant 0 : i32
      %dma_start3A_300 = arith.constant 0 : i32
      %dma_start3A_301 = tpu.memref_slice %arg2[%dma_start3A_299, %dma_start3A_300] : memref<10240x128xf32, #tpu.memory_space<hbm>> -> memref<10240x128xf32, #tpu.memory_space<hbm>>
      tpu.enqueue_indirect_dma source(%dma_start3A_301 : memref<10240x128xf32, #tpu.memory_space<hbm>>) target(%arg8 : memref<128x128xf32, #tpu.memory_space<vmem>>) offsets(%dma_start3A_298 : memref<128xi32, #tpu.memory_space<vmem>>) semaphore(%arg11 : memref<!tpu.dma_semaphore, #tpu.memory_space<semaphore_mem>>)
      %dma_wait3A_302 = arith.constant 2 : i32
      %dma_wait3A_303 = arith.constant 0 : i32
      %dma_wait3A_304 = arith.constant 0 : i32
      %dma_wait3A_305 = arith.constant 0 : i32
      %dma_wait3A_306 = arith.constant 0 : i32
      %dma_wait3A_307 = tpu.memref_slice %arg6[%rem3A_72, %dma_wait3A_304, %dma_wait3A_305, %dma_wait3A_306] : memref<2x8x2x128xi32, #tpu.memory_space<vmem>> -> memref<1x8x2x128xi32, #tpu.memory_space<vmem>>
      %dma_wait3A_308 = tpu.memref_squeeze %dma_wait3A_307 : memref<1x8x2x128xi32, #tpu.memory_space<vmem>> -> memref<8x2x128xi32, #tpu.memory_space<vmem>>
      %dma_wait3A_309 = arith.constant 0 : i32
      %dma_wait3A_310 = arith.constant 0 : i32
      %dma_wait3A_311 = tpu.memref_slice %dma_wait3A_308[%dma_wait3A_302, %dma_wait3A_309, %dma_wait3A_310] : memref<8x2x128xi32, #tpu.memory_space<vmem>> -> memref<1x2x128xi32, #tpu.memory_space<vmem>>
      %dma_wait3A_312 = tpu.memref_squeeze %dma_wait3A_311 : memref<1x2x128xi32, #tpu.memory_space<vmem>> -> memref<2x128xi32, #tpu.memory_space<vmem>>
      %dma_wait3A_313 = arith.constant 0 : i32
      %dma_wait3A_314 = tpu.memref_slice %dma_wait3A_312[%dma_wait3A_303, %dma_wait3A_313] : memref<2x128xi32, #tpu.memory_space<vmem>> -> memref<1x128xi32, #tpu.memory_space<vmem>>
      %dma_wait3A_315 = tpu.memref_squeeze %dma_wait3A_314 : memref<1x128xi32, #tpu.memory_space<vmem>> -> memref<128xi32, #tpu.memory_space<vmem>>
      %dma_wait3A_316 = arith.constant 0 : i32
      %dma_wait3A_317 = arith.constant 0 : i32
      %dma_wait3A_318 = tpu.memref_slice %arg2[%dma_wait3A_316, %dma_wait3A_317] : memref<10240x128xf32, #tpu.memory_space<hbm>> -> memref<10240x128xf32, #tpu.memory_space<hbm>>
      tpu.wait_indirect_dma semaphore(%arg10 : memref<!tpu.dma_semaphore, #tpu.memory_space<semaphore_mem>>) src(%dma_wait3A_318 : memref<10240x128xf32, #tpu.memory_space<hbm>>) dst(%arg7 : memref<128x128xf32, #tpu.memory_space<vmem>>)
      %dma_start3A_319 = arith.constant 2 : i32
      %dma_start3A_320 = arith.constant 1 : i32
      %dma_start3A_321 = arith.constant 0 : i32
      %dma_start3A_322 = arith.constant 0 : i32
      %dma_start3A_323 = arith.constant 0 : i32
      %dma_start3A_324 = tpu.memref_slice %arg6[%rem3A_72, %dma_start3A_321, %dma_start3A_322, %dma_start3A_323] : memref<2x8x2x128xi32, #tpu.memory_space<vmem>> -> memref<1x8x2x128xi32, #tpu.memory_space<vmem>>
      %dma_start3A_325 = tpu.memref_squeeze %dma_start3A_324 : memref<1x8x2x128xi32, #tpu.memory_space<vmem>> -> memref<8x2x128xi32, #tpu.memory_space<vmem>>
      %dma_start3A_326 = arith.constant 0 : i32
      %dma_start3A_327 = arith.constant 0 : i32
      %dma_start3A_328 = tpu.memref_slice %dma_start3A_325[%dma_start3A_319, %dma_start3A_326, %dma_start3A_327] : memref<8x2x128xi32, #tpu.memory_space<vmem>> -> memref<1x2x128xi32, #tpu.memory_space<vmem>>
      %dma_start3A_329 = tpu.memref_squeeze %dma_start3A_328 : memref<1x2x128xi32, #tpu.memory_space<vmem>> -> memref<2x128xi32, #tpu.memory_space<vmem>>
      %dma_start3A_330 = arith.constant 0 : i32
      %dma_start3A_331 = tpu.memref_slice %dma_start3A_329[%dma_start3A_320, %dma_start3A_330] : memref<2x128xi32, #tpu.memory_space<vmem>> -> memref<1x128xi32, #tpu.memory_space<vmem>>
      %dma_start3A_332 = tpu.memref_squeeze %dma_start3A_331 : memref<1x128xi32, #tpu.memory_space<vmem>> -> memref<128xi32, #tpu.memory_space<vmem>>
      %dma_start3A_333 = arith.constant 0 : i32
      %dma_start3A_334 = arith.constant 0 : i32
      %dma_start3A_335 = tpu.memref_slice %arg9[%dma_start3A_333, %dma_start3A_334] : memref<10240x128xf32, #tpu.memory_space<vmem_shared>> -> memref<10240x128xf32, #tpu.memory_space<vmem_shared>>
      tpu.enqueue_indirect_dma source(%arg7 : memref<128x128xf32, #tpu.memory_space<vmem>>) target(%dma_start3A_335 : memref<10240x128xf32, #tpu.memory_space<vmem_shared>>) offsets(%dma_start3A_332 : memref<128xi32, #tpu.memory_space<vmem>>) semaphore(%arg12 : memref<!tpu.dma_semaphore, #tpu.memory_space<semaphore_mem>>) {add = true}
      %dma_wait3A_336 = arith.constant 3 : i32
      %dma_wait3A_337 = arith.constant 0 : i32
      %dma_wait3A_338 = arith.constant 0 : i32
      %dma_wait3A_339 = arith.constant 0 : i32
      %dma_wait3A_340 = arith.constant 0 : i32
      %dma_wait3A_341 = tpu.memref_slice %arg6[%rem3A_72, %dma_wait3A_338, %dma_wait3A_339, %dma_wait3A_340] : memref<2x8x2x128xi32, #tpu.memory_space<vmem>> -> memref<1x8x2x128xi32, #tpu.memory_space<vmem>>
      %dma_wait3A_342 = tpu.memref_squeeze %dma_wait3A_341 : memref<1x8x2x128xi32, #tpu.memory_space<vmem>> -> memref<8x2x128xi32, #tpu.memory_space<vmem>>
      %dma_wait3A_343 = arith.constant 0 : i32
      %dma_wait3A_344 = arith.constant 0 : i32
      %dma_wait3A_345 = tpu.memref_slice %dma_wait3A_342[%dma_wait3A_336, %dma_wait3A_343, %dma_wait3A_344] : memref<8x2x128xi32, #tpu.memory_space<vmem>> -> memref<1x2x128xi32, #tpu.memory_space<vmem>>
      %dma_wait3A_346 = tpu.memref_squeeze %dma_wait3A_345 : memref<1x2x128xi32, #tpu.memory_space<vmem>> -> memref<2x128xi32, #tpu.memory_space<vmem>>
      %dma_wait3A_347 = arith.constant 0 : i32
      %dma_wait3A_348 = tpu.memref_slice %dma_wait3A_346[%dma_wait3A_337, %dma_wait3A_347] : memref<2x128xi32, #tpu.memory_space<vmem>> -> memref<1x128xi32, #tpu.memory_space<vmem>>
      %dma_wait3A_349 = tpu.memref_squeeze %dma_wait3A_348 : memref<1x128xi32, #tpu.memory_space<vmem>> -> memref<128xi32, #tpu.memory_space<vmem>>
      %dma_wait3A_350 = arith.constant 0 : i32
      %dma_wait3A_351 = arith.constant 0 : i32
      %dma_wait3A_352 = tpu.memref_slice %arg2[%dma_wait3A_350, %dma_wait3A_351] : memref<10240x128xf32, #tpu.memory_space<hbm>> -> memref<10240x128xf32, #tpu.memory_space<hbm>>
      tpu.wait_indirect_dma semaphore(%arg11 : memref<!tpu.dma_semaphore, #tpu.memory_space<semaphore_mem>>) src(%dma_wait3A_352 : memref<10240x128xf32, #tpu.memory_space<hbm>>) dst(%arg8 : memref<128x128xf32, #tpu.memory_space<vmem>>)
      %dma_start3A_353 = arith.constant 3 : i32
      %dma_start3A_354 = arith.constant 1 : i32
      %dma_start3A_355 = arith.constant 0 : i32
      %dma_start3A_356 = arith.constant 0 : i32
      %dma_start3A_357 = arith.constant 0 : i32
      %dma_start3A_358 = tpu.memref_slice %arg6[%rem3A_72, %dma_start3A_355, %dma_start3A_356, %dma_start3A_357] : memref<2x8x2x128xi32, #tpu.memory_space<vmem>> -> memref<1x8x2x128xi32, #tpu.memory_space<vmem>>
      %dma_start3A_359 = tpu.memref_squeeze %dma_start3A_358 : memref<1x8x2x128xi32, #tpu.memory_space<vmem>> -> memref<8x2x128xi32, #tpu.memory_space<vmem>>
      %dma_start3A_360 = arith.constant 0 : i32
      %dma_start3A_361 = arith.constant 0 : i32
      %dma_start3A_362 = tpu.memref_slice %dma_start3A_359[%dma_start3A_353, %dma_start3A_360, %dma_start3A_361] : memref<8x2x128xi32, #tpu.memory_space<vmem>> -> memref<1x2x128xi32, #tpu.memory_space<vmem>>
      %dma_start3A_363 = tpu.memref_squeeze %dma_start3A_362 : memref<1x2x128xi32, #tpu.memory_space<vmem>> -> memref<2x128xi32, #tpu.memory_space<vmem>>
      %dma_start3A_364 = arith.constant 0 : i32
      %dma_start3A_365 = tpu.memref_slice %dma_start3A_363[%dma_start3A_354, %dma_start3A_364] : memref<2x128xi32, #tpu.memory_space<vmem>> -> memref<1x128xi32, #tpu.memory_space<vmem>>
      %dma_start3A_366 = tpu.memref_squeeze %dma_start3A_365 : memref<1x128xi32, #tpu.memory_space<vmem>> -> memref<128xi32, #tpu.memory_space<vmem>>
      %dma_start3A_367 = arith.constant 0 : i32
      %dma_start3A_368 = arith.constant 0 : i32
      %dma_start3A_369 = tpu.memref_slice %arg9[%dma_start3A_367, %dma_start3A_368] : memref<10240x128xf32, #tpu.memory_space<vmem_shared>> -> memref<10240x128xf32, #tpu.memory_space<vmem_shared>>
      tpu.enqueue_indirect_dma source(%arg8 : memref<128x128xf32, #tpu.memory_space<vmem>>) target(%dma_start3A_369 : memref<10240x128xf32, #tpu.memory_space<vmem_shared>>) offsets(%dma_start3A_366 : memref<128xi32, #tpu.memory_space<vmem>>) semaphore(%arg13 : memref<!tpu.dma_semaphore, #tpu.memory_space<semaphore_mem>>) {add = true}
      %dma_wait3A_370 = arith.constant 2 : i32
      %dma_wait3A_371 = arith.constant 1 : i32
      %dma_wait3A_372 = arith.constant 0 : i32
      %dma_wait3A_373 = arith.constant 0 : i32
      %dma_wait3A_374 = arith.constant 0 : i32
      %dma_wait3A_375 = tpu.memref_slice %arg6[%rem3A_72, %dma_wait3A_372, %dma_wait3A_373, %dma_wait3A_374] : memref<2x8x2x128xi32, #tpu.memory_space<vmem>> -> memref<1x8x2x128xi32, #tpu.memory_space<vmem>>
      %dma_wait3A_376 = tpu.memref_squeeze %dma_wait3A_375 : memref<1x8x2x128xi32, #tpu.memory_space<vmem>> -> memref<8x2x128xi32, #tpu.memory_space<vmem>>
      %dma_wait3A_377 = arith.constant 0 : i32
      %dma_wait3A_378 = arith.constant 0 : i32
      %dma_wait3A_379 = tpu.memref_slice %dma_wait3A_376[%dma_wait3A_370, %dma_wait3A_377, %dma_wait3A_378] : memref<8x2x128xi32, #tpu.memory_space<vmem>> -> memref<1x2x128xi32, #tpu.memory_space<vmem>>
      %dma_wait3A_380 = tpu.memref_squeeze %dma_wait3A_379 : memref<1x2x128xi32, #tpu.memory_space<vmem>> -> memref<2x128xi32, #tpu.memory_space<vmem>>
      %dma_wait3A_381 = arith.constant 0 : i32
      %dma_wait3A_382 = tpu.memref_slice %dma_wait3A_380[%dma_wait3A_371, %dma_wait3A_381] : memref<2x128xi32, #tpu.memory_space<vmem>> -> memref<1x128xi32, #tpu.memory_space<vmem>>
      %dma_wait3A_383 = tpu.memref_squeeze %dma_wait3A_382 : memref<1x128xi32, #tpu.memory_space<vmem>> -> memref<128xi32, #tpu.memory_space<vmem>>
      %dma_wait3A_384 = arith.constant 0 : i32
      %dma_wait3A_385 = arith.constant 0 : i32
      %dma_wait3A_386 = tpu.memref_slice %arg9[%dma_wait3A_384, %dma_wait3A_385] : memref<10240x128xf32, #tpu.memory_space<vmem_shared>> -> memref<10240x128xf32, #tpu.memory_space<vmem_shared>>
      tpu.wait_indirect_dma semaphore(%arg12 : memref<!tpu.dma_semaphore, #tpu.memory_space<semaphore_mem>>) src(%arg7 : memref<128x128xf32, #tpu.memory_space<vmem>>) dst(%dma_wait3A_386 : memref<10240x128xf32, #tpu.memory_space<vmem_shared>>)
      %dma_start3A_387 = arith.constant 4 : i32
      %dma_start3A_388 = arith.constant 0 : i32
      %dma_start3A_389 = arith.constant 0 : i32
      %dma_start3A_390 = arith.constant 0 : i32
      %dma_start3A_391 = arith.constant 0 : i32
      %dma_start3A_392 = tpu.memref_slice %arg6[%rem3A_72, %dma_start3A_389, %dma_start3A_390, %dma_start3A_391] : memref<2x8x2x128xi32, #tpu.memory_space<vmem>> -> memref<1x8x2x128xi32, #tpu.memory_space<vmem>>
      %dma_start3A_393 = tpu.memref_squeeze %dma_start3A_392 : memref<1x8x2x128xi32, #tpu.memory_space<vmem>> -> memref<8x2x128xi32, #tpu.memory_space<vmem>>
      %dma_start3A_394 = arith.constant 0 : i32
      %dma_start3A_395 = arith.constant 0 : i32
      %dma_start3A_396 = tpu.memref_slice %dma_start3A_393[%dma_start3A_387, %dma_start3A_394, %dma_start3A_395] : memref<8x2x128xi32, #tpu.memory_space<vmem>> -> memref<1x2x128xi32, #tpu.memory_space<vmem>>
      %dma_start3A_397 = tpu.memref_squeeze %dma_start3A_396 : memref<1x2x128xi32, #tpu.memory_space<vmem>> -> memref<2x128xi32, #tpu.memory_space<vmem>>
      %dma_start3A_398 = arith.constant 0 : i32
      %dma_start3A_399 = tpu.memref_slice %dma_start3A_397[%dma_start3A_388, %dma_start3A_398] : memref<2x128xi32, #tpu.memory_space<vmem>> -> memref<1x128xi32, #tpu.memory_space<vmem>>
      %dma_start3A_400 = tpu.memref_squeeze %dma_start3A_399 : memref<1x128xi32, #tpu.memory_space<vmem>> -> memref<128xi32, #tpu.memory_space<vmem>>
      %dma_start3A_401 = arith.constant 0 : i32
      %dma_start3A_402 = arith.constant 0 : i32
      %dma_start3A_403 = tpu.memref_slice %arg2[%dma_start3A_401, %dma_start3A_402] : memref<10240x128xf32, #tpu.memory_space<hbm>> -> memref<10240x128xf32, #tpu.memory_space<hbm>>
      tpu.enqueue_indirect_dma source(%dma_start3A_403 : memref<10240x128xf32, #tpu.memory_space<hbm>>) target(%arg7 : memref<128x128xf32, #tpu.memory_space<vmem>>) offsets(%dma_start3A_400 : memref<128xi32, #tpu.memory_space<vmem>>) semaphore(%arg10 : memref<!tpu.dma_semaphore, #tpu.memory_space<semaphore_mem>>)
      %dma_wait3A_404 = arith.constant 3 : i32
      %dma_wait3A_405 = arith.constant 1 : i32
      %dma_wait3A_406 = arith.constant 0 : i32
      %dma_wait3A_407 = arith.constant 0 : i32
      %dma_wait3A_408 = arith.constant 0 : i32
      %dma_wait3A_409 = tpu.memref_slice %arg6[%rem3A_72, %dma_wait3A_406, %dma_wait3A_407, %dma_wait3A_408] : memref<2x8x2x128xi32, #tpu.memory_space<vmem>> -> memref<1x8x2x128xi32, #tpu.memory_space<vmem>>
      %dma_wait3A_410 = tpu.memref_squeeze %dma_wait3A_409 : memref<1x8x2x128xi32, #tpu.memory_space<vmem>> -> memref<8x2x128xi32, #tpu.memory_space<vmem>>
      %dma_wait3A_411 = arith.constant 0 : i32
      %dma_wait3A_412 = arith.constant 0 : i32
      %dma_wait3A_413 = tpu.memref_slice %dma_wait3A_410[%dma_wait3A_404, %dma_wait3A_411, %dma_wait3A_412] : memref<8x2x128xi32, #tpu.memory_space<vmem>> -> memref<1x2x128xi32, #tpu.memory_space<vmem>>
      %dma_wait3A_414 = tpu.memref_squeeze %dma_wait3A_413 : memref<1x2x128xi32, #tpu.memory_space<vmem>> -> memref<2x128xi32, #tpu.memory_space<vmem>>
      %dma_wait3A_415 = arith.constant 0 : i32
      %dma_wait3A_416 = tpu.memref_slice %dma_wait3A_414[%dma_wait3A_405, %dma_wait3A_415] : memref<2x128xi32, #tpu.memory_space<vmem>> -> memref<1x128xi32, #tpu.memory_space<vmem>>
      %dma_wait3A_417 = tpu.memref_squeeze %dma_wait3A_416 : memref<1x128xi32, #tpu.memory_space<vmem>> -> memref<128xi32, #tpu.memory_space<vmem>>
      %dma_wait3A_418 = arith.constant 0 : i32
      %dma_wait3A_419 = arith.constant 0 : i32
      %dma_wait3A_420 = tpu.memref_slice %arg9[%dma_wait3A_418, %dma_wait3A_419] : memref<10240x128xf32, #tpu.memory_space<vmem_shared>> -> memref<10240x128xf32, #tpu.memory_space<vmem_shared>>
      tpu.wait_indirect_dma semaphore(%arg13 : memref<!tpu.dma_semaphore, #tpu.memory_space<semaphore_mem>>) src(%arg8 : memref<128x128xf32, #tpu.memory_space<vmem>>) dst(%dma_wait3A_420 : memref<10240x128xf32, #tpu.memory_space<vmem_shared>>)
      %dma_start3A_421 = arith.constant 5 : i32
      %dma_start3A_422 = arith.constant 0 : i32
      %dma_start3A_423 = arith.constant 0 : i32
      %dma_start3A_424 = arith.constant 0 : i32
      %dma_start3A_425 = arith.constant 0 : i32
      %dma_start3A_426 = tpu.memref_slice %arg6[%rem3A_72, %dma_start3A_423, %dma_start3A_424, %dma_start3A_425] : memref<2x8x2x128xi32, #tpu.memory_space<vmem>> -> memref<1x8x2x128xi32, #tpu.memory_space<vmem>>
      %dma_start3A_427 = tpu.memref_squeeze %dma_start3A_426 : memref<1x8x2x128xi32, #tpu.memory_space<vmem>> -> memref<8x2x128xi32, #tpu.memory_space<vmem>>
      %dma_start3A_428 = arith.constant 0 : i32
      %dma_start3A_429 = arith.constant 0 : i32
      %dma_start3A_430 = tpu.memref_slice %dma_start3A_427[%dma_start3A_421, %dma_start3A_428, %dma_start3A_429] : memref<8x2x128xi32, #tpu.memory_space<vmem>> -> memref<1x2x128xi32, #tpu.memory_space<vmem>>
      %dma_start3A_431 = tpu.memref_squeeze %dma_start3A_430 : memref<1x2x128xi32, #tpu.memory_space<vmem>> -> memref<2x128xi32, #tpu.memory_space<vmem>>
      %dma_start3A_432 = arith.constant 0 : i32
      %dma_start3A_433 = tpu.memref_slice %dma_start3A_431[%dma_start3A_422, %dma_start3A_432] : memref<2x128xi32, #tpu.memory_space<vmem>> -> memref<1x128xi32, #tpu.memory_space<vmem>>
      %dma_start3A_434 = tpu.memref_squeeze %dma_start3A_433 : memref<1x128xi32, #tpu.memory_space<vmem>> -> memref<128xi32, #tpu.memory_space<vmem>>
      %dma_start3A_435 = arith.constant 0 : i32
      %dma_start3A_436 = arith.constant 0 : i32
      %dma_start3A_437 = tpu.memref_slice %arg2[%dma_start3A_435, %dma_start3A_436] : memref<10240x128xf32, #tpu.memory_space<hbm>> -> memref<10240x128xf32, #tpu.memory_space<hbm>>
      tpu.enqueue_indirect_dma source(%dma_start3A_437 : memref<10240x128xf32, #tpu.memory_space<hbm>>) target(%arg8 : memref<128x128xf32, #tpu.memory_space<vmem>>) offsets(%dma_start3A_434 : memref<128xi32, #tpu.memory_space<vmem>>) semaphore(%arg11 : memref<!tpu.dma_semaphore, #tpu.memory_space<semaphore_mem>>)
      %dma_wait3A_438 = arith.constant 4 : i32
      %dma_wait3A_439 = arith.constant 0 : i32
      %dma_wait3A_440 = arith.constant 0 : i32
      %dma_wait3A_441 = arith.constant 0 : i32
      %dma_wait3A_442 = arith.constant 0 : i32
      %dma_wait3A_443 = tpu.memref_slice %arg6[%rem3A_72, %dma_wait3A_440, %dma_wait3A_441, %dma_wait3A_442] : memref<2x8x2x128xi32, #tpu.memory_space<vmem>> -> memref<1x8x2x128xi32, #tpu.memory_space<vmem>>
      %dma_wait3A_444 = tpu.memref_squeeze %dma_wait3A_443 : memref<1x8x2x128xi32, #tpu.memory_space<vmem>> -> memref<8x2x128xi32, #tpu.memory_space<vmem>>
      %dma_wait3A_445 = arith.constant 0 : i32
      %dma_wait3A_446 = arith.constant 0 : i32
      %dma_wait3A_447 = tpu.memref_slice %dma_wait3A_444[%dma_wait3A_438, %dma_wait3A_445, %dma_wait3A_446] : memref<8x2x128xi32, #tpu.memory_space<vmem>> -> memref<1x2x128xi32, #tpu.memory_space<vmem>>
      %dma_wait3A_448 = tpu.memref_squeeze %dma_wait3A_447 : memref<1x2x128xi32, #tpu.memory_space<vmem>> -> memref<2x128xi32, #tpu.memory_space<vmem>>
      %dma_wait3A_449 = arith.constant 0 : i32
      %dma_wait3A_450 = tpu.memref_slice %dma_wait3A_448[%dma_wait3A_439, %dma_wait3A_449] : memref<2x128xi32, #tpu.memory_space<vmem>> -> memref<1x128xi32, #tpu.memory_space<vmem>>
      %dma_wait3A_451 = tpu.memref_squeeze %dma_wait3A_450 : memref<1x128xi32, #tpu.memory_space<vmem>> -> memref<128xi32, #tpu.memory_space<vmem>>
      %dma_wait3A_452 = arith.constant 0 : i32
      %dma_wait3A_453 = arith.constant 0 : i32
      %dma_wait3A_454 = tpu.memref_slice %arg2[%dma_wait3A_452, %dma_wait3A_453] : memref<10240x128xf32, #tpu.memory_space<hbm>> -> memref<10240x128xf32, #tpu.memory_space<hbm>>
      tpu.wait_indirect_dma semaphore(%arg10 : memref<!tpu.dma_semaphore, #tpu.memory_space<semaphore_mem>>) src(%dma_wait3A_454 : memref<10240x128xf32, #tpu.memory_space<hbm>>) dst(%arg7 : memref<128x128xf32, #tpu.memory_space<vmem>>)
      %dma_start3A_455 = arith.constant 4 : i32
      %dma_start3A_456 = arith.constant 1 : i32
      %dma_start3A_457 = arith.constant 0 : i32
      %dma_start3A_458 = arith.constant 0 : i32
      %dma_start3A_459 = arith.constant 0 : i32
      %dma_start3A_460 = tpu.memref_slice %arg6[%rem3A_72, %dma_start3A_457, %dma_start3A_458, %dma_start3A_459] : memref<2x8x2x128xi32, #tpu.memory_space<vmem>> -> memref<1x8x2x128xi32, #tpu.memory_space<vmem>>
      %dma_start3A_461 = tpu.memref_squeeze %dma_start3A_460 : memref<1x8x2x128xi32, #tpu.memory_space<vmem>> -> memref<8x2x128xi32, #tpu.memory_space<vmem>>
      %dma_start3A_462 = arith.constant 0 : i32
      %dma_start3A_463 = arith.constant 0 : i32
      %dma_start3A_464 = tpu.memref_slice %dma_start3A_461[%dma_start3A_455, %dma_start3A_462, %dma_start3A_463] : memref<8x2x128xi32, #tpu.memory_space<vmem>> -> memref<1x2x128xi32, #tpu.memory_space<vmem>>
      %dma_start3A_465 = tpu.memref_squeeze %dma_start3A_464 : memref<1x2x128xi32, #tpu.memory_space<vmem>> -> memref<2x128xi32, #tpu.memory_space<vmem>>
      %dma_start3A_466 = arith.constant 0 : i32
      %dma_start3A_467 = tpu.memref_slice %dma_start3A_465[%dma_start3A_456, %dma_start3A_466] : memref<2x128xi32, #tpu.memory_space<vmem>> -> memref<1x128xi32, #tpu.memory_space<vmem>>
      %dma_start3A_468 = tpu.memref_squeeze %dma_start3A_467 : memref<1x128xi32, #tpu.memory_space<vmem>> -> memref<128xi32, #tpu.memory_space<vmem>>
      %dma_start3A_469 = arith.constant 0 : i32
      %dma_start3A_470 = arith.constant 0 : i32
      %dma_start3A_471 = tpu.memref_slice %arg9[%dma_start3A_469, %dma_start3A_470] : memref<10240x128xf32, #tpu.memory_space<vmem_shared>> -> memref<10240x128xf32, #tpu.memory_space<vmem_shared>>
      tpu.enqueue_indirect_dma source(%arg7 : memref<128x128xf32, #tpu.memory_space<vmem>>) target(%dma_start3A_471 : memref<10240x128xf32, #tpu.memory_space<vmem_shared>>) offsets(%dma_start3A_468 : memref<128xi32, #tpu.memory_space<vmem>>) semaphore(%arg12 : memref<!tpu.dma_semaphore, #tpu.memory_space<semaphore_mem>>) {add = true}
      %dma_wait3A_472 = arith.constant 5 : i32
      %dma_wait3A_473 = arith.constant 0 : i32
      %dma_wait3A_474 = arith.constant 0 : i32
      %dma_wait3A_475 = arith.constant 0 : i32
      %dma_wait3A_476 = arith.constant 0 : i32
      %dma_wait3A_477 = tpu.memref_slice %arg6[%rem3A_72, %dma_wait3A_474, %dma_wait3A_475, %dma_wait3A_476] : memref<2x8x2x128xi32, #tpu.memory_space<vmem>> -> memref<1x8x2x128xi32, #tpu.memory_space<vmem>>
      %dma_wait3A_478 = tpu.memref_squeeze %dma_wait3A_477 : memref<1x8x2x128xi32, #tpu.memory_space<vmem>> -> memref<8x2x128xi32, #tpu.memory_space<vmem>>
      %dma_wait3A_479 = arith.constant 0 : i32
      %dma_wait3A_480 = arith.constant 0 : i32
      %dma_wait3A_481 = tpu.memref_slice %dma_wait3A_478[%dma_wait3A_472, %dma_wait3A_479, %dma_wait3A_480] : memref<8x2x128xi32, #tpu.memory_space<vmem>> -> memref<1x2x128xi32, #tpu.memory_space<vmem>>
      %dma_wait3A_482 = tpu.memref_squeeze %dma_wait3A_481 : memref<1x2x128xi32, #tpu.memory_space<vmem>> -> memref<2x128xi32, #tpu.memory_space<vmem>>
      %dma_wait3A_483 = arith.constant 0 : i32
      %dma_wait3A_484 = tpu.memref_slice %dma_wait3A_482[%dma_wait3A_473, %dma_wait3A_483] : memref<2x128xi32, #tpu.memory_space<vmem>> -> memref<1x128xi32, #tpu.memory_space<vmem>>
      %dma_wait3A_485 = tpu.memref_squeeze %dma_wait3A_484 : memref<1x128xi32, #tpu.memory_space<vmem>> -> memref<128xi32, #tpu.memory_space<vmem>>
      %dma_wait3A_486 = arith.constant 0 : i32
      %dma_wait3A_487 = arith.constant 0 : i32
      %dma_wait3A_488 = tpu.memref_slice %arg2[%dma_wait3A_486, %dma_wait3A_487] : memref<10240x128xf32, #tpu.memory_space<hbm>> -> memref<10240x128xf32, #tpu.memory_space<hbm>>
      tpu.wait_indirect_dma semaphore(%arg11 : memref<!tpu.dma_semaphore, #tpu.memory_space<semaphore_mem>>) src(%dma_wait3A_488 : memref<10240x128xf32, #tpu.memory_space<hbm>>) dst(%arg8 : memref<128x128xf32, #tpu.memory_space<vmem>>)
      %dma_start3A_489 = arith.constant 5 : i32
      %dma_start3A_490 = arith.constant 1 : i32
      %dma_start3A_491 = arith.constant 0 : i32
      %dma_start3A_492 = arith.constant 0 : i32
      %dma_start3A_493 = arith.constant 0 : i32
      %dma_start3A_494 = tpu.memref_slice %arg6[%rem3A_72, %dma_start3A_491, %dma_start3A_492, %dma_start3A_493] : memref<2x8x2x128xi32, #tpu.memory_space<vmem>> -> memref<1x8x2x128xi32, #tpu.memory_space<vmem>>
      %dma_start3A_495 = tpu.memref_squeeze %dma_start3A_494 : memref<1x8x2x128xi32, #tpu.memory_space<vmem>> -> memref<8x2x128xi32, #tpu.memory_space<vmem>>
      %dma_start3A_496 = arith.constant 0 : i32
      %dma_start3A_497 = arith.constant 0 : i32
      %dma_start3A_498 = tpu.memref_slice %dma_start3A_495[%dma_start3A_489, %dma_start3A_496, %dma_start3A_497] : memref<8x2x128xi32, #tpu.memory_space<vmem>> -> memref<1x2x128xi32, #tpu.memory_space<vmem>>
      %dma_start3A_499 = tpu.memref_squeeze %dma_start3A_498 : memref<1x2x128xi32, #tpu.memory_space<vmem>> -> memref<2x128xi32, #tpu.memory_space<vmem>>
      %dma_start3A_500 = arith.constant 0 : i32
      %dma_start3A_501 = tpu.memref_slice %dma_start3A_499[%dma_start3A_490, %dma_start3A_500] : memref<2x128xi32, #tpu.memory_space<vmem>> -> memref<1x128xi32, #tpu.memory_space<vmem>>
      %dma_start3A_502 = tpu.memref_squeeze %dma_start3A_501 : memref<1x128xi32, #tpu.memory_space<vmem>> -> memref<128xi32, #tpu.memory_space<vmem>>
      %dma_start3A_503 = arith.constant 0 : i32
      %dma_start3A_504 = arith.constant 0 : i32
      %dma_start3A_505 = tpu.memref_slice %arg9[%dma_start3A_503, %dma_start3A_504] : memref<10240x128xf32, #tpu.memory_space<vmem_shared>> -> memref<10240x128xf32, #tpu.memory_space<vmem_shared>>
      tpu.enqueue_indirect_dma source(%arg8 : memref<128x128xf32, #tpu.memory_space<vmem>>) target(%dma_start3A_505 : memref<10240x128xf32, #tpu.memory_space<vmem_shared>>) offsets(%dma_start3A_502 : memref<128xi32, #tpu.memory_space<vmem>>) semaphore(%arg13 : memref<!tpu.dma_semaphore, #tpu.memory_space<semaphore_mem>>) {add = true}
      %dma_wait3A_506 = arith.constant 4 : i32
      %dma_wait3A_507 = arith.constant 1 : i32
      %dma_wait3A_508 = arith.constant 0 : i32
      %dma_wait3A_509 = arith.constant 0 : i32
      %dma_wait3A_510 = arith.constant 0 : i32
      %dma_wait3A_511 = tpu.memref_slice %arg6[%rem3A_72, %dma_wait3A_508, %dma_wait3A_509, %dma_wait3A_510] : memref<2x8x2x128xi32, #tpu.memory_space<vmem>> -> memref<1x8x2x128xi32, #tpu.memory_space<vmem>>
      %dma_wait3A_512 = tpu.memref_squeeze %dma_wait3A_511 : memref<1x8x2x128xi32, #tpu.memory_space<vmem>> -> memref<8x2x128xi32, #tpu.memory_space<vmem>>
      %dma_wait3A_513 = arith.constant 0 : i32
      %dma_wait3A_514 = arith.constant 0 : i32
      %dma_wait3A_515 = tpu.memref_slice %dma_wait3A_512[%dma_wait3A_506, %dma_wait3A_513, %dma_wait3A_514] : memref<8x2x128xi32, #tpu.memory_space<vmem>> -> memref<1x2x128xi32, #tpu.memory_space<vmem>>
      %dma_wait3A_516 = tpu.memref_squeeze %dma_wait3A_515 : memref<1x2x128xi32, #tpu.memory_space<vmem>> -> memref<2x128xi32, #tpu.memory_space<vmem>>
      %dma_wait3A_517 = arith.constant 0 : i32
      %dma_wait3A_518 = tpu.memref_slice %dma_wait3A_516[%dma_wait3A_507, %dma_wait3A_517] : memref<2x128xi32, #tpu.memory_space<vmem>> -> memref<1x128xi32, #tpu.memory_space<vmem>>
      %dma_wait3A_519 = tpu.memref_squeeze %dma_wait3A_518 : memref<1x128xi32, #tpu.memory_space<vmem>> -> memref<128xi32, #tpu.memory_space<vmem>>
      %dma_wait3A_520 = arith.constant 0 : i32
      %dma_wait3A_521 = arith.constant 0 : i32
      %dma_wait3A_522 = tpu.memref_slice %arg9[%dma_wait3A_520, %dma_wait3A_521] : memref<10240x128xf32, #tpu.memory_space<vmem_shared>> -> memref<10240x128xf32, #tpu.memory_space<vmem_shared>>
      tpu.wait_indirect_dma semaphore(%arg12 : memref<!tpu.dma_semaphore, #tpu.memory_space<semaphore_mem>>) src(%arg7 : memref<128x128xf32, #tpu.memory_space<vmem>>) dst(%dma_wait3A_522 : memref<10240x128xf32, #tpu.memory_space<vmem_shared>>)
      %dma_start3A_523 = arith.constant 6 : i32
      %dma_start3A_524 = arith.constant 0 : i32
      %dma_start3A_525 = arith.constant 0 : i32
      %dma_start3A_526 = arith.constant 0 : i32
      %dma_start3A_527 = arith.constant 0 : i32
      %dma_start3A_528 = tpu.memref_slice %arg6[%rem3A_72, %dma_start3A_525, %dma_start3A_526, %dma_start3A_527] : memref<2x8x2x128xi32, #tpu.memory_space<vmem>> -> memref<1x8x2x128xi32, #tpu.memory_space<vmem>>
      %dma_start3A_529 = tpu.memref_squeeze %dma_start3A_528 : memref<1x8x2x128xi32, #tpu.memory_space<vmem>> -> memref<8x2x128xi32, #tpu.memory_space<vmem>>
      %dma_start3A_530 = arith.constant 0 : i32
      %dma_start3A_531 = arith.constant 0 : i32
      %dma_start3A_532 = tpu.memref_slice %dma_start3A_529[%dma_start3A_523, %dma_start3A_530, %dma_start3A_531] : memref<8x2x128xi32, #tpu.memory_space<vmem>> -> memref<1x2x128xi32, #tpu.memory_space<vmem>>
      %dma_start3A_533 = tpu.memref_squeeze %dma_start3A_532 : memref<1x2x128xi32, #tpu.memory_space<vmem>> -> memref<2x128xi32, #tpu.memory_space<vmem>>
      %dma_start3A_534 = arith.constant 0 : i32
      %dma_start3A_535 = tpu.memref_slice %dma_start3A_533[%dma_start3A_524, %dma_start3A_534] : memref<2x128xi32, #tpu.memory_space<vmem>> -> memref<1x128xi32, #tpu.memory_space<vmem>>
      %dma_start3A_536 = tpu.memref_squeeze %dma_start3A_535 : memref<1x128xi32, #tpu.memory_space<vmem>> -> memref<128xi32, #tpu.memory_space<vmem>>
      %dma_start3A_537 = arith.constant 0 : i32
      %dma_start3A_538 = arith.constant 0 : i32
      %dma_start3A_539 = tpu.memref_slice %arg2[%dma_start3A_537, %dma_start3A_538] : memref<10240x128xf32, #tpu.memory_space<hbm>> -> memref<10240x128xf32, #tpu.memory_space<hbm>>
      tpu.enqueue_indirect_dma source(%dma_start3A_539 : memref<10240x128xf32, #tpu.memory_space<hbm>>) target(%arg7 : memref<128x128xf32, #tpu.memory_space<vmem>>) offsets(%dma_start3A_536 : memref<128xi32, #tpu.memory_space<vmem>>) semaphore(%arg10 : memref<!tpu.dma_semaphore, #tpu.memory_space<semaphore_mem>>)
      %dma_wait3A_540 = arith.constant 5 : i32
      %dma_wait3A_541 = arith.constant 1 : i32
      %dma_wait3A_542 = arith.constant 0 : i32
      %dma_wait3A_543 = arith.constant 0 : i32
      %dma_wait3A_544 = arith.constant 0 : i32
      %dma_wait3A_545 = tpu.memref_slice %arg6[%rem3A_72, %dma_wait3A_542, %dma_wait3A_543, %dma_wait3A_544] : memref<2x8x2x128xi32, #tpu.memory_space<vmem>> -> memref<1x8x2x128xi32, #tpu.memory_space<vmem>>
      %dma_wait3A_546 = tpu.memref_squeeze %dma_wait3A_545 : memref<1x8x2x128xi32, #tpu.memory_space<vmem>> -> memref<8x2x128xi32, #tpu.memory_space<vmem>>
      %dma_wait3A_547 = arith.constant 0 : i32
      %dma_wait3A_548 = arith.constant 0 : i32
      %dma_wait3A_549 = tpu.memref_slice %dma_wait3A_546[%dma_wait3A_540, %dma_wait3A_547, %dma_wait3A_548] : memref<8x2x128xi32, #tpu.memory_space<vmem>> -> memref<1x2x128xi32, #tpu.memory_space<vmem>>
      %dma_wait3A_550 = tpu.memref_squeeze %dma_wait3A_549 : memref<1x2x128xi32, #tpu.memory_space<vmem>> -> memref<2x128xi32, #tpu.memory_space<vmem>>
      %dma_wait3A_551 = arith.constant 0 : i32
      %dma_wait3A_552 = tpu.memref_slice %dma_wait3A_550[%dma_wait3A_541, %dma_wait3A_551] : memref<2x128xi32, #tpu.memory_space<vmem>> -> memref<1x128xi32, #tpu.memory_space<vmem>>
      %dma_wait3A_553 = tpu.memref_squeeze %dma_wait3A_552 : memref<1x128xi32, #tpu.memory_space<vmem>> -> memref<128xi32, #tpu.memory_space<vmem>>
      %dma_wait3A_554 = arith.constant 0 : i32
      %dma_wait3A_555 = arith.constant 0 : i32
      %dma_wait3A_556 = tpu.memref_slice %arg9[%dma_wait3A_554, %dma_wait3A_555] : memref<10240x128xf32, #tpu.memory_space<vmem_shared>> -> memref<10240x128xf32, #tpu.memory_space<vmem_shared>>
      tpu.wait_indirect_dma semaphore(%arg13 : memref<!tpu.dma_semaphore, #tpu.memory_space<semaphore_mem>>) src(%arg8 : memref<128x128xf32, #tpu.memory_space<vmem>>) dst(%dma_wait3A_556 : memref<10240x128xf32, #tpu.memory_space<vmem_shared>>)
      %dma_start3A_557 = arith.constant 7 : i32
      %dma_start3A_558 = arith.constant 0 : i32
      %dma_start3A_559 = arith.constant 0 : i32
      %dma_start3A_560 = arith.constant 0 : i32
      %dma_start3A_561 = arith.constant 0 : i32
      %dma_start3A_562 = tpu.memref_slice %arg6[%rem3A_72, %dma_start3A_559, %dma_start3A_560, %dma_start3A_561] : memref<2x8x2x128xi32, #tpu.memory_space<vmem>> -> memref<1x8x2x128xi32, #tpu.memory_space<vmem>>
      %dma_start3A_563 = tpu.memref_squeeze %dma_start3A_562 : memref<1x8x2x128xi32, #tpu.memory_space<vmem>> -> memref<8x2x128xi32, #tpu.memory_space<vmem>>
      %dma_start3A_564 = arith.constant 0 : i32
      %dma_start3A_565 = arith.constant 0 : i32
      %dma_start3A_566 = tpu.memref_slice %dma_start3A_563[%dma_start3A_557, %dma_start3A_564, %dma_start3A_565] : memref<8x2x128xi32, #tpu.memory_space<vmem>> -> memref<1x2x128xi32, #tpu.memory_space<vmem>>
      %dma_start3A_567 = tpu.memref_squeeze %dma_start3A_566 : memref<1x2x128xi32, #tpu.memory_space<vmem>> -> memref<2x128xi32, #tpu.memory_space<vmem>>
      %dma_start3A_568 = arith.constant 0 : i32
      %dma_start3A_569 = tpu.memref_slice %dma_start3A_567[%dma_start3A_558, %dma_start3A_568] : memref<2x128xi32, #tpu.memory_space<vmem>> -> memref<1x128xi32, #tpu.memory_space<vmem>>
      %dma_start3A_570 = tpu.memref_squeeze %dma_start3A_569 : memref<1x128xi32, #tpu.memory_space<vmem>> -> memref<128xi32, #tpu.memory_space<vmem>>
      %dma_start3A_571 = arith.constant 0 : i32
      %dma_start3A_572 = arith.constant 0 : i32
      %dma_start3A_573 = tpu.memref_slice %arg2[%dma_start3A_571, %dma_start3A_572] : memref<10240x128xf32, #tpu.memory_space<hbm>> -> memref<10240x128xf32, #tpu.memory_space<hbm>>
      tpu.enqueue_indirect_dma source(%dma_start3A_573 : memref<10240x128xf32, #tpu.memory_space<hbm>>) target(%arg8 : memref<128x128xf32, #tpu.memory_space<vmem>>) offsets(%dma_start3A_570 : memref<128xi32, #tpu.memory_space<vmem>>) semaphore(%arg11 : memref<!tpu.dma_semaphore, #tpu.memory_space<semaphore_mem>>)
      %dma_wait3A_574 = arith.constant 6 : i32
      %dma_wait3A_575 = arith.constant 0 : i32
      %dma_wait3A_576 = arith.constant 0 : i32
      %dma_wait3A_577 = arith.constant 0 : i32
      %dma_wait3A_578 = arith.constant 0 : i32
      %dma_wait3A_579 = tpu.memref_slice %arg6[%rem3A_72, %dma_wait3A_576, %dma_wait3A_577, %dma_wait3A_578] : memref<2x8x2x128xi32, #tpu.memory_space<vmem>> -> memref<1x8x2x128xi32, #tpu.memory_space<vmem>>
      %dma_wait3A_580 = tpu.memref_squeeze %dma_wait3A_579 : memref<1x8x2x128xi32, #tpu.memory_space<vmem>> -> memref<8x2x128xi32, #tpu.memory_space<vmem>>
      %dma_wait3A_581 = arith.constant 0 : i32
      %dma_wait3A_582 = arith.constant 0 : i32
      %dma_wait3A_583 = tpu.memref_slice %dma_wait3A_580[%dma_wait3A_574, %dma_wait3A_581, %dma_wait3A_582] : memref<8x2x128xi32, #tpu.memory_space<vmem>> -> memref<1x2x128xi32, #tpu.memory_space<vmem>>
      %dma_wait3A_584 = tpu.memref_squeeze %dma_wait3A_583 : memref<1x2x128xi32, #tpu.memory_space<vmem>> -> memref<2x128xi32, #tpu.memory_space<vmem>>
      %dma_wait3A_585 = arith.constant 0 : i32
      %dma_wait3A_586 = tpu.memref_slice %dma_wait3A_584[%dma_wait3A_575, %dma_wait3A_585] : memref<2x128xi32, #tpu.memory_space<vmem>> -> memref<1x128xi32, #tpu.memory_space<vmem>>
      %dma_wait3A_587 = tpu.memref_squeeze %dma_wait3A_586 : memref<1x128xi32, #tpu.memory_space<vmem>> -> memref<128xi32, #tpu.memory_space<vmem>>
      %dma_wait3A_588 = arith.constant 0 : i32
      %dma_wait3A_589 = arith.constant 0 : i32
      %dma_wait3A_590 = tpu.memref_slice %arg2[%dma_wait3A_588, %dma_wait3A_589] : memref<10240x128xf32, #tpu.memory_space<hbm>> -> memref<10240x128xf32, #tpu.memory_space<hbm>>
      tpu.wait_indirect_dma semaphore(%arg10 : memref<!tpu.dma_semaphore, #tpu.memory_space<semaphore_mem>>) src(%dma_wait3A_590 : memref<10240x128xf32, #tpu.memory_space<hbm>>) dst(%arg7 : memref<128x128xf32, #tpu.memory_space<vmem>>)
      %dma_start3A_591 = arith.constant 6 : i32
      %dma_start3A_592 = arith.constant 1 : i32
      %dma_start3A_593 = arith.constant 0 : i32
      %dma_start3A_594 = arith.constant 0 : i32
      %dma_start3A_595 = arith.constant 0 : i32
      %dma_start3A_596 = tpu.memref_slice %arg6[%rem3A_72, %dma_start3A_593, %dma_start3A_594, %dma_start3A_595] : memref<2x8x2x128xi32, #tpu.memory_space<vmem>> -> memref<1x8x2x128xi32, #tpu.memory_space<vmem>>
      %dma_start3A_597 = tpu.memref_squeeze %dma_start3A_596 : memref<1x8x2x128xi32, #tpu.memory_space<vmem>> -> memref<8x2x128xi32, #tpu.memory_space<vmem>>
      %dma_start3A_598 = arith.constant 0 : i32
      %dma_start3A_599 = arith.constant 0 : i32
      %dma_start3A_600 = tpu.memref_slice %dma_start3A_597[%dma_start3A_591, %dma_start3A_598, %dma_start3A_599] : memref<8x2x128xi32, #tpu.memory_space<vmem>> -> memref<1x2x128xi32, #tpu.memory_space<vmem>>
      %dma_start3A_601 = tpu.memref_squeeze %dma_start3A_600 : memref<1x2x128xi32, #tpu.memory_space<vmem>> -> memref<2x128xi32, #tpu.memory_space<vmem>>
      %dma_start3A_602 = arith.constant 0 : i32
      %dma_start3A_603 = tpu.memref_slice %dma_start3A_601[%dma_start3A_592, %dma_start3A_602] : memref<2x128xi32, #tpu.memory_space<vmem>> -> memref<1x128xi32, #tpu.memory_space<vmem>>
      %dma_start3A_604 = tpu.memref_squeeze %dma_start3A_603 : memref<1x128xi32, #tpu.memory_space<vmem>> -> memref<128xi32, #tpu.memory_space<vmem>>
      %dma_start3A_605 = arith.constant 0 : i32
      %dma_start3A_606 = arith.constant 0 : i32
      %dma_start3A_607 = tpu.memref_slice %arg9[%dma_start3A_605, %dma_start3A_606] : memref<10240x128xf32, #tpu.memory_space<vmem_shared>> -> memref<10240x128xf32, #tpu.memory_space<vmem_shared>>
      tpu.enqueue_indirect_dma source(%arg7 : memref<128x128xf32, #tpu.memory_space<vmem>>) target(%dma_start3A_607 : memref<10240x128xf32, #tpu.memory_space<vmem_shared>>) offsets(%dma_start3A_604 : memref<128xi32, #tpu.memory_space<vmem>>) semaphore(%arg12 : memref<!tpu.dma_semaphore, #tpu.memory_space<semaphore_mem>>) {add = true}
      %dma_wait3A_608 = arith.constant 7 : i32
      %dma_wait3A_609 = arith.constant 0 : i32
      %dma_wait3A_610 = arith.constant 0 : i32
      %dma_wait3A_611 = arith.constant 0 : i32
      %dma_wait3A_612 = arith.constant 0 : i32
      %dma_wait3A_613 = tpu.memref_slice %arg6[%rem3A_72, %dma_wait3A_610, %dma_wait3A_611, %dma_wait3A_612] : memref<2x8x2x128xi32, #tpu.memory_space<vmem>> -> memref<1x8x2x128xi32, #tpu.memory_space<vmem>>
      %dma_wait3A_614 = tpu.memref_squeeze %dma_wait3A_613 : memref<1x8x2x128xi32, #tpu.memory_space<vmem>> -> memref<8x2x128xi32, #tpu.memory_space<vmem>>
      %dma_wait3A_615 = arith.constant 0 : i32
      %dma_wait3A_616 = arith.constant 0 : i32
      %dma_wait3A_617 = tpu.memref_slice %dma_wait3A_614[%dma_wait3A_608, %dma_wait3A_615, %dma_wait3A_616] : memref<8x2x128xi32, #tpu.memory_space<vmem>> -> memref<1x2x128xi32, #tpu.memory_space<vmem>>
      %dma_wait3A_618 = tpu.memref_squeeze %dma_wait3A_617 : memref<1x2x128xi32, #tpu.memory_space<vmem>> -> memref<2x128xi32, #tpu.memory_space<vmem>>
      %dma_wait3A_619 = arith.constant 0 : i32
      %dma_wait3A_620 = tpu.memref_slice %dma_wait3A_618[%dma_wait3A_609, %dma_wait3A_619] : memref<2x128xi32, #tpu.memory_space<vmem>> -> memref<1x128xi32, #tpu.memory_space<vmem>>
      %dma_wait3A_621 = tpu.memref_squeeze %dma_wait3A_620 : memref<1x128xi32, #tpu.memory_space<vmem>> -> memref<128xi32, #tpu.memory_space<vmem>>
      %dma_wait3A_622 = arith.constant 0 : i32
      %dma_wait3A_623 = arith.constant 0 : i32
      %dma_wait3A_624 = tpu.memref_slice %arg2[%dma_wait3A_622, %dma_wait3A_623] : memref<10240x128xf32, #tpu.memory_space<hbm>> -> memref<10240x128xf32, #tpu.memory_space<hbm>>
      tpu.wait_indirect_dma semaphore(%arg11 : memref<!tpu.dma_semaphore, #tpu.memory_space<semaphore_mem>>) src(%dma_wait3A_624 : memref<10240x128xf32, #tpu.memory_space<hbm>>) dst(%arg8 : memref<128x128xf32, #tpu.memory_space<vmem>>)
      %dma_start3A_625 = arith.constant 7 : i32
      %dma_start3A_626 = arith.constant 1 : i32
      %dma_start3A_627 = arith.constant 0 : i32
      %dma_start3A_628 = arith.constant 0 : i32
      %dma_start3A_629 = arith.constant 0 : i32
      %dma_start3A_630 = tpu.memref_slice %arg6[%rem3A_72, %dma_start3A_627, %dma_start3A_628, %dma_start3A_629] : memref<2x8x2x128xi32, #tpu.memory_space<vmem>> -> memref<1x8x2x128xi32, #tpu.memory_space<vmem>>
      %dma_start3A_631 = tpu.memref_squeeze %dma_start3A_630 : memref<1x8x2x128xi32, #tpu.memory_space<vmem>> -> memref<8x2x128xi32, #tpu.memory_space<vmem>>
      %dma_start3A_632 = arith.constant 0 : i32
      %dma_start3A_633 = arith.constant 0 : i32
      %dma_start3A_634 = tpu.memref_slice %dma_start3A_631[%dma_start3A_625, %dma_start3A_632, %dma_start3A_633] : memref<8x2x128xi32, #tpu.memory_space<vmem>> -> memref<1x2x128xi32, #tpu.memory_space<vmem>>
      %dma_start3A_635 = tpu.memref_squeeze %dma_start3A_634 : memref<1x2x128xi32, #tpu.memory_space<vmem>> -> memref<2x128xi32, #tpu.memory_space<vmem>>
      %dma_start3A_636 = arith.constant 0 : i32
      %dma_start3A_637 = tpu.memref_slice %dma_start3A_635[%dma_start3A_626, %dma_start3A_636] : memref<2x128xi32, #tpu.memory_space<vmem>> -> memref<1x128xi32, #tpu.memory_space<vmem>>
      %dma_start3A_638 = tpu.memref_squeeze %dma_start3A_637 : memref<1x128xi32, #tpu.memory_space<vmem>> -> memref<128xi32, #tpu.memory_space<vmem>>
      %dma_start3A_639 = arith.constant 0 : i32
      %dma_start3A_640 = arith.constant 0 : i32
      %dma_start3A_641 = tpu.memref_slice %arg9[%dma_start3A_639, %dma_start3A_640] : memref<10240x128xf32, #tpu.memory_space<vmem_shared>> -> memref<10240x128xf32, #tpu.memory_space<vmem_shared>>
      tpu.enqueue_indirect_dma source(%arg8 : memref<128x128xf32, #tpu.memory_space<vmem>>) target(%dma_start3A_641 : memref<10240x128xf32, #tpu.memory_space<vmem_shared>>) offsets(%dma_start3A_638 : memref<128xi32, #tpu.memory_space<vmem>>) semaphore(%arg13 : memref<!tpu.dma_semaphore, #tpu.memory_space<semaphore_mem>>) {add = true}
      %dma_wait3A_642 = arith.constant 6 : i32
      %dma_wait3A_643 = arith.constant 1 : i32
      %dma_wait3A_644 = arith.constant 0 : i32
      %dma_wait3A_645 = arith.constant 0 : i32
      %dma_wait3A_646 = arith.constant 0 : i32
      %dma_wait3A_647 = tpu.memref_slice %arg6[%rem3A_72, %dma_wait3A_644, %dma_wait3A_645, %dma_wait3A_646] : memref<2x8x2x128xi32, #tpu.memory_space<vmem>> -> memref<1x8x2x128xi32, #tpu.memory_space<vmem>>
      %dma_wait3A_648 = tpu.memref_squeeze %dma_wait3A_647 : memref<1x8x2x128xi32, #tpu.memory_space<vmem>> -> memref<8x2x128xi32, #tpu.memory_space<vmem>>
      %dma_wait3A_649 = arith.constant 0 : i32
      %dma_wait3A_650 = arith.constant 0 : i32
      %dma_wait3A_651 = tpu.memref_slice %dma_wait3A_648[%dma_wait3A_642, %dma_wait3A_649, %dma_wait3A_650] : memref<8x2x128xi32, #tpu.memory_space<vmem>> -> memref<1x2x128xi32, #tpu.memory_space<vmem>>
      %dma_wait3A_652 = tpu.memref_squeeze %dma_wait3A_651 : memref<1x2x128xi32, #tpu.memory_space<vmem>> -> memref<2x128xi32, #tpu.memory_space<vmem>>
      %dma_wait3A_653 = arith.constant 0 : i32
      %dma_wait3A_654 = tpu.memref_slice %dma_wait3A_652[%dma_wait3A_643, %dma_wait3A_653] : memref<2x128xi32, #tpu.memory_space<vmem>> -> memref<1x128xi32, #tpu.memory_space<vmem>>
      %dma_wait3A_655 = tpu.memref_squeeze %dma_wait3A_654 : memref<1x128xi32, #tpu.memory_space<vmem>> -> memref<128xi32, #tpu.memory_space<vmem>>
      %dma_wait3A_656 = arith.constant 0 : i32
      %dma_wait3A_657 = arith.constant 0 : i32
      %dma_wait3A_658 = tpu.memref_slice %arg9[%dma_wait3A_656, %dma_wait3A_657] : memref<10240x128xf32, #tpu.memory_space<vmem_shared>> -> memref<10240x128xf32, #tpu.memory_space<vmem_shared>>
      tpu.wait_indirect_dma semaphore(%arg12 : memref<!tpu.dma_semaphore, #tpu.memory_space<semaphore_mem>>) src(%arg7 : memref<128x128xf32, #tpu.memory_space<vmem>>) dst(%dma_wait3A_658 : memref<10240x128xf32, #tpu.memory_space<vmem_shared>>)
      %dma_wait3A_659 = arith.constant 7 : i32
      %dma_wait3A_660 = arith.constant 1 : i32
      %dma_wait3A_661 = arith.constant 0 : i32
      %dma_wait3A_662 = arith.constant 0 : i32
      %dma_wait3A_663 = arith.constant 0 : i32
      %dma_wait3A_664 = tpu.memref_slice %arg6[%rem3A_72, %dma_wait3A_661, %dma_wait3A_662, %dma_wait3A_663] : memref<2x8x2x128xi32, #tpu.memory_space<vmem>> -> memref<1x8x2x128xi32, #tpu.memory_space<vmem>>
      %dma_wait3A_665 = tpu.memref_squeeze %dma_wait3A_664 : memref<1x8x2x128xi32, #tpu.memory_space<vmem>> -> memref<8x2x128xi32, #tpu.memory_space<vmem>>
      %dma_wait3A_666 = arith.constant 0 : i32
      %dma_wait3A_667 = arith.constant 0 : i32
      %dma_wait3A_668 = tpu.memref_slice %dma_wait3A_665[%dma_wait3A_659, %dma_wait3A_666, %dma_wait3A_667] : memref<8x2x128xi32, #tpu.memory_space<vmem>> -> memref<1x2x128xi32, #tpu.memory_space<vmem>>
      %dma_wait3A_669 = tpu.memref_squeeze %dma_wait3A_668 : memref<1x2x128xi32, #tpu.memory_space<vmem>> -> memref<2x128xi32, #tpu.memory_space<vmem>>
      %dma_wait3A_670 = arith.constant 0 : i32
      %dma_wait3A_671 = tpu.memref_slice %dma_wait3A_669[%dma_wait3A_660, %dma_wait3A_670] : memref<2x128xi32, #tpu.memory_space<vmem>> -> memref<1x128xi32, #tpu.memory_space<vmem>>
      %dma_wait3A_672 = tpu.memref_squeeze %dma_wait3A_671 : memref<1x128xi32, #tpu.memory_space<vmem>> -> memref<128xi32, #tpu.memory_space<vmem>>
      %dma_wait3A_673 = arith.constant 0 : i32
      %dma_wait3A_674 = arith.constant 0 : i32
      %dma_wait3A_675 = tpu.memref_slice %arg9[%dma_wait3A_673, %dma_wait3A_674] : memref<10240x128xf32, #tpu.memory_space<vmem_shared>> -> memref<10240x128xf32, #tpu.memory_space<vmem_shared>>
      tpu.wait_indirect_dma semaphore(%arg13 : memref<!tpu.dma_semaphore, #tpu.memory_space<semaphore_mem>>) src(%arg8 : memref<128x128xf32, #tpu.memory_space<vmem>>) dst(%dma_wait3A_675 : memref<10240x128xf32, #tpu.memory_space<vmem_shared>>)
    }
    %scan3A_37 = arith.constant 10 : i32
    %dma_wait3A = arith.constant 0 : i32
    %dma_wait3A_38 = arith.constant 0 : i32
    %dma_wait3A_39 = arith.constant 0 : i32
    %dma_wait3A_40 = arith.constant 0 : i32
    %dma_wait3A_41 = tpu.memref_slice %arg6[%dma_wait3A, %dma_wait3A_38, %dma_wait3A_39, %dma_wait3A_40] : memref<2x8x2x128xi32, #tpu.memory_space<vmem>> -> memref<1x8x2x128xi32, #tpu.memory_space<vmem>>
    %dma_wait3A_42 = tpu.memref_squeeze %dma_wait3A_41 : memref<1x8x2x128xi32, #tpu.memory_space<vmem>> -> memref<8x2x128xi32, #tpu.memory_space<vmem>>
    %dma_wait3A_43 = arith.constant 0 : i32
    %dma_wait3A_44 = arith.constant 0 : i32
    %dma_wait3A_45 = arith.constant 0 : i32
    %dma_wait3A_46 = tpu.memref_slice %arg3[%add3A, %dma_wait3A_43, %dma_wait3A_44, %dma_wait3A_45] : memref<32x88x2x128xi32, #tpu.memory_space<hbm>> -> memref<1x88x2x128xi32, #tpu.memory_space<hbm>>
    %dma_wait3A_47 = tpu.memref_squeeze %dma_wait3A_46 : memref<1x88x2x128xi32, #tpu.memory_space<hbm>> -> memref<88x2x128xi32, #tpu.memory_space<hbm>>
    %dma_wait3A_48 = arith.constant 0 : i32
    %dma_wait3A_49 = arith.constant 0 : i32
    %dma_wait3A_50 = arith.constant 0 : i32
    %dma_wait3A_51 = tpu.memref_slice %dma_wait3A_47[%dma_wait3A_48, %dma_wait3A_49, %dma_wait3A_50] : memref<88x2x128xi32, #tpu.memory_space<hbm>> -> memref<8x2x128xi32, #tpu.memory_space<hbm>>
    %dma_wait3A_52 = arith.constant 0 : i32
    %dma_wait3A_53 = arith.constant 0 : i32
    %dma_wait3A_54 = arith.constant 0 : i32
    %dma_wait3A_55 = tpu.memref_slice %arg6[%dma_wait3A, %dma_wait3A_52, %dma_wait3A_53, %dma_wait3A_54] : memref<2x8x2x128xi32, #tpu.memory_space<vmem>> -> memref<1x8x2x128xi32, #tpu.memory_space<vmem>>
    %dma_wait3A_56 = tpu.memref_squeeze %dma_wait3A_55 : memref<1x8x2x128xi32, #tpu.memory_space<vmem>> -> memref<8x2x128xi32, #tpu.memory_space<vmem>>
    %dma_wait3A_57 = arith.constant 0 : i32
    %dma_wait3A_58 = arith.constant 0 : i32
    %dma_wait3A_59 = arith.constant 0 : i32
    %dma_wait3A_60 = tpu.memref_slice %arg3[%add3A, %dma_wait3A_57, %dma_wait3A_58, %dma_wait3A_59] : memref<32x88x2x128xi32, #tpu.memory_space<hbm>> -> memref<1x88x2x128xi32, #tpu.memory_space<hbm>>
    %dma_wait3A_61 = tpu.memref_squeeze %dma_wait3A_60 : memref<1x88x2x128xi32, #tpu.memory_space<hbm>> -> memref<88x2x128xi32, #tpu.memory_space<hbm>>
    %dma_wait3A_62 = arith.constant 0 : i32
    %dma_wait3A_63 = arith.constant 0 : i32
    %dma_wait3A_64 = arith.constant 0 : i32
    %dma_wait3A_65 = tpu.memref_slice %dma_wait3A_61[%dma_wait3A_62, %dma_wait3A_63, %dma_wait3A_64] : memref<88x2x128xi32, #tpu.memory_space<hbm>> -> memref<8x2x128xi32, #tpu.memory_space<hbm>>
    tpu.wait_dma2 semaphore(%arg14 : memref<!tpu.dma_semaphore, #tpu.memory_space<semaphore_mem>>) src(%dma_wait3A_65 : memref<8x2x128xi32, #tpu.memory_space<hbm>>) dst(%dma_wait3A_56 : memref<8x2x128xi32, #tpu.memory_space<vmem>>)
    %barrier3A_66 = arith.constant 0 : index
    tpu.barrier barrier_id(%barrier3A_66)
    %mul3A_67 = arith.constant 640 : i32
    %mul3A_68 = arith.muli %arg1, %mul3A_67 : i32
    %mul3A_69 = arith.constant 640 : i32
    %mul3A_70 = arith.muli %arg1, %mul3A_69 : i32
    "tpu.region"() ({
      %run_scoped3A = tpu.sem_alloc : memref<!tpu.dma_semaphore, #tpu.memory_space<semaphore_mem>>
      %dma_start3A_71 = arith.constant 0 : i32
      %dma_start3A_72 = arith.constant 0 : i32
      %dma_start3A_73 = tpu.memref_slice %arg5[%arg0, %dma_start3A_71, %dma_start3A_72] : memref<2x10240x128xf32, #tpu.memory_space<hbm>> -> memref<1x10240x128xf32, #tpu.memory_space<hbm>>
      %dma_start3A_74 = tpu.memref_squeeze %dma_start3A_73 : memref<1x10240x128xf32, #tpu.memory_space<hbm>> -> memref<10240x128xf32, #tpu.memory_space<hbm>>
      %dma_start3A_75 = arith.constant 0 : i32
      %dma_start3A_76 = tpu.memref_slice %dma_start3A_74[%mul3A_70, %dma_start3A_75] : memref<10240x128xf32, #tpu.memory_space<hbm>> -> memref<640x128xf32, #tpu.memory_space<hbm>>
      %dma_start3A_77 = arith.constant 0 : i32
      %dma_start3A_78 = tpu.memref_slice %arg9[%mul3A_68, %dma_start3A_77] : memref<10240x128xf32, #tpu.memory_space<vmem_shared>> -> memref<640x128xf32, #tpu.memory_space<vmem_shared>>
      tpu.enqueue_dma source(%dma_start3A_78 : memref<640x128xf32, #tpu.memory_space<vmem_shared>>) target(%dma_start3A_76 : memref<640x128xf32, #tpu.memory_space<hbm>>) target_semaphore(%run_scoped3A : memref<!tpu.dma_semaphore, #tpu.memory_space<semaphore_mem>>)
      %dma_wait3A_79 = arith.constant 0 : i32
      %dma_wait3A_80 = arith.constant 0 : i32
      %dma_wait3A_81 = tpu.memref_slice %arg5[%arg0, %dma_wait3A_79, %dma_wait3A_80] : memref<2x10240x128xf32, #tpu.memory_space<hbm>> -> memref<1x10240x128xf32, #tpu.memory_space<hbm>>
      %dma_wait3A_82 = tpu.memref_squeeze %dma_wait3A_81 : memref<1x10240x128xf32, #tpu.memory_space<hbm>> -> memref<10240x128xf32, #tpu.memory_space<hbm>>
      %dma_wait3A_83 = arith.constant 0 : i32
      %dma_wait3A_84 = tpu.memref_slice %dma_wait3A_82[%mul3A_70, %dma_wait3A_83] : memref<10240x128xf32, #tpu.memory_space<hbm>> -> memref<640x128xf32, #tpu.memory_space<hbm>>
      %dma_wait3A_85 = arith.constant 0 : i32
      %dma_wait3A_86 = tpu.memref_slice %arg9[%mul3A_68, %dma_wait3A_85] : memref<10240x128xf32, #tpu.memory_space<vmem_shared>> -> memref<640x128xf32, #tpu.memory_space<vmem_shared>>
      tpu.wait_dma2 semaphore(%run_scoped3A : memref<!tpu.dma_semaphore, #tpu.memory_space<semaphore_mem>>) src(%dma_wait3A_86 : memref<640x128xf32, #tpu.memory_space<vmem_shared>>) dst(%dma_wait3A_84 : memref<640x128xf32, #tpu.memory_space<hbm>>)
      tpu.yield
    }) : () -> ()
    return
  }
}

#map = affine_map<(d0, d1) -> (0, 0)>
#map1 = affine_map<(d0, d1) -> (0, 0, 0, 0)>
#map2 = affine_map<(d0, d1) -> (0, 0, 0)>
module attributes {stable_mosaic.version = 14 : i64} {
  func.func @_segsum_body(%arg0: i32, %arg1: i32, %arg2: memref<10240x128xf32, #tpu.memory_space<hbm>>, %arg3: memref<32x88x2x128xi32, #tpu.memory_space<hbm>>, %arg4: memref<10240x128xf32, #tpu.memory_space<hbm>>, %arg5: memref<2x10240x128xf32, #tpu.memory_space<hbm>>, %arg6: memref<2x8x2x128xi32, #tpu.memory_space<vmem>>, %arg7: memref<128x128xf32, #tpu.memory_space<vmem>>, %arg8: memref<128x128xf32, #tpu.memory_space<vmem>>, %arg9: memref<10240x128xf32, #tpu.memory_space<vmem_shared>>, %arg10: memref<!tpu.dma_semaphore, #tpu.memory_space<semaphore_mem>>, %arg11: memref<!tpu.dma_semaphore, #tpu.memory_space<semaphore_mem>>, %arg12: memref<!tpu.dma_semaphore, #tpu.memory_space<semaphore_mem>>, %arg13: memref<!tpu.dma_semaphore, #tpu.memory_space<semaphore_mem>>, %arg14: memref<!tpu.dma_semaphore, #tpu.memory_space<semaphore_mem>>) attributes {dimension_semantics = [#tpu.dimension_semantics<core_parallel>, #tpu.dimension_semantics<subcore_parallel>], iteration_bounds = array<i64: 2, 16>, scalar_prefetch = 0 : i64, scratch_operands = 9 : i64, tpu.core_type = #tpu.core_type<sc_vector_subcore>, window_params = [{transform_indices = #map}, {transform_indices = #map1}, {transform_indices = #map}, {transform_indices = #map2}]} {
    %mul3A = arith.constant 16 : i32
    %mul3A_0 = arith.muli %arg0, %mul3A : i32
    %add3A = arith.addi %mul3A_0, %arg1 : i32
    %mul3A_1 = arith.constant 640 : i32
    %mul3A_2 = arith.muli %arg1, %mul3A_1 : i32
    %mul3A_3 = arith.constant 640 : i32
    %mul3A_4 = arith.muli %arg1, %mul3A_3 : i32
    "tpu.region"() ({
      %run_scoped3A = tpu.sem_alloc : memref<!tpu.dma_semaphore, #tpu.memory_space<semaphore_mem>>
      %dma_start3A_71 = arith.constant 0 : i32
      %dma_start3A_72 = tpu.memref_slice %arg9[%mul3A_4, %dma_start3A_71] : memref<10240x128xf32, #tpu.memory_space<vmem_shared>> -> memref<640x128xf32, #tpu.memory_space<vmem_shared>>
      %dma_start3A_73 = arith.constant 0 : i32
      %dma_start3A_74 = tpu.memref_slice %arg4[%mul3A_2, %dma_start3A_73] : memref<10240x128xf32, #tpu.memory_space<hbm>> -> memref<640x128xf32, #tpu.memory_space<hbm>>
      tpu.enqueue_dma source(%dma_start3A_74 : memref<640x128xf32, #tpu.memory_space<hbm>>) target(%dma_start3A_72 : memref<640x128xf32, #tpu.memory_space<vmem_shared>>) target_semaphore(%run_scoped3A : memref<!tpu.dma_semaphore, #tpu.memory_space<semaphore_mem>>)
      %dma_wait3A_75 = arith.constant 0 : i32
      %dma_wait3A_76 = tpu.memref_slice %arg9[%mul3A_4, %dma_wait3A_75] : memref<10240x128xf32, #tpu.memory_space<vmem_shared>> -> memref<640x128xf32, #tpu.memory_space<vmem_shared>>
      %dma_wait3A_77 = arith.constant 0 : i32
      %dma_wait3A_78 = tpu.memref_slice %arg4[%mul3A_2, %dma_wait3A_77] : memref<10240x128xf32, #tpu.memory_space<hbm>> -> memref<640x128xf32, #tpu.memory_space<hbm>>
      tpu.wait_dma2 semaphore(%run_scoped3A : memref<!tpu.dma_semaphore, #tpu.memory_space<semaphore_mem>>) src(%dma_wait3A_78 : memref<640x128xf32, #tpu.memory_space<hbm>>) dst(%dma_wait3A_76 : memref<640x128xf32, #tpu.memory_space<vmem_shared>>)
      tpu.yield
    }) : () -> ()
    %barrier3A = arith.constant 0 : index
    tpu.barrier barrier_id(%barrier3A)
    %dma_start3A = arith.constant 0 : i32
    %dma_start3A_5 = arith.constant 0 : i32
    %dma_start3A_6 = arith.constant 0 : i32
    %dma_start3A_7 = arith.constant 0 : i32
    %dma_start3A_8 = tpu.memref_slice %arg6[%dma_start3A, %dma_start3A_5, %dma_start3A_6, %dma_start3A_7] : memref<2x8x2x128xi32, #tpu.memory_space<vmem>> -> memref<1x8x2x128xi32, #tpu.memory_space<vmem>>
    %dma_start3A_9 = tpu.memref_squeeze %dma_start3A_8 : memref<1x8x2x128xi32, #tpu.memory_space<vmem>> -> memref<8x2x128xi32, #tpu.memory_space<vmem>>
    %dma_start3A_10 = arith.constant 0 : i32
    %dma_start3A_11 = arith.constant 0 : i32
    %dma_start3A_12 = arith.constant 0 : i32
    %dma_start3A_13 = tpu.memref_slice %arg3[%add3A, %dma_start3A_10, %dma_start3A_11, %dma_start3A_12] : memref<32x88x2x128xi32, #tpu.memory_space<hbm>> -> memref<1x88x2x128xi32, #tpu.memory_space<hbm>>
    %dma_start3A_14 = tpu.memref_squeeze %dma_start3A_13 : memref<1x88x2x128xi32, #tpu.memory_space<hbm>> -> memref<88x2x128xi32, #tpu.memory_space<hbm>>
    %dma_start3A_15 = arith.constant 0 : i32
    %dma_start3A_16 = arith.constant 0 : i32
    %dma_start3A_17 = arith.constant 0 : i32
    %dma_start3A_18 = tpu.memref_slice %dma_start3A_14[%dma_start3A_15, %dma_start3A_16, %dma_start3A_17] : memref<88x2x128xi32, #tpu.memory_space<hbm>> -> memref<8x2x128xi32, #tpu.memory_space<hbm>>
    %dma_start3A_19 = arith.constant 0 : i32
    %dma_start3A_20 = arith.constant 0 : i32
    %dma_start3A_21 = arith.constant 0 : i32
    %dma_start3A_22 = tpu.memref_slice %arg6[%dma_start3A, %dma_start3A_19, %dma_start3A_20, %dma_start3A_21] : memref<2x8x2x128xi32, #tpu.memory_space<vmem>> -> memref<1x8x2x128xi32, #tpu.memory_space<vmem>>
    %dma_start3A_23 = tpu.memref_squeeze %dma_start3A_22 : memref<1x8x2x128xi32, #tpu.memory_space<vmem>> -> memref<8x2x128xi32, #tpu.memory_space<vmem>>
    %dma_start3A_24 = arith.constant 0 : i32
    %dma_start3A_25 = arith.constant 0 : i32
    %dma_start3A_26 = arith.constant 0 : i32
    %dma_start3A_27 = tpu.memref_slice %arg3[%add3A, %dma_start3A_24, %dma_start3A_25, %dma_start3A_26] : memref<32x88x2x128xi32, #tpu.memory_space<hbm>> -> memref<1x88x2x128xi32, #tpu.memory_space<hbm>>
    %dma_start3A_28 = tpu.memref_squeeze %dma_start3A_27 : memref<1x88x2x128xi32, #tpu.memory_space<hbm>> -> memref<88x2x128xi32, #tpu.memory_space<hbm>>
    %dma_start3A_29 = arith.constant 0 : i32
    %dma_start3A_30 = arith.constant 0 : i32
    %dma_start3A_31 = arith.constant 0 : i32
    %dma_start3A_32 = tpu.memref_slice %dma_start3A_28[%dma_start3A_29, %dma_start3A_30, %dma_start3A_31] : memref<88x2x128xi32, #tpu.memory_space<hbm>> -> memref<8x2x128xi32, #tpu.memory_space<hbm>>
    tpu.enqueue_dma source(%dma_start3A_32 : memref<8x2x128xi32, #tpu.memory_space<hbm>>) target(%dma_start3A_23 : memref<8x2x128xi32, #tpu.memory_space<vmem>>) target_semaphore(%arg14 : memref<!tpu.dma_semaphore, #tpu.memory_space<semaphore_mem>>)
    %scan3A = arith.constant 0 : i32
    %scan3A_33 = arith.constant 0 : i32
    %scan3A_34 = arith.constant 10 : i32
    %scan3A_35 = arith.addi %scan3A_33, %scan3A_34 : i32
    %scan3A_36 = arith.constant 1 : i32
    scf.for %scan3A_71 = %scan3A_33 to %scan3A_35 step %scan3A_36  : i32 {
      %rem3A = arith.constant 2 : i32
      %rem3A_72 = arith.remsi %scan3A_71, %rem3A : i32
      %mul3A_73 = arith.constant 8 : i32
      %mul3A_74 = arith.muli %scan3A_71, %mul3A_73 : i32
      %dma_wait3A_75 = arith.constant 0 : i32
      %dma_wait3A_76 = arith.constant 0 : i32
      %dma_wait3A_77 = arith.constant 0 : i32
      %dma_wait3A_78 = tpu.memref_slice %arg6[%rem3A_72, %dma_wait3A_75, %dma_wait3A_76, %dma_wait3A_77] : memref<2x8x2x128xi32, #tpu.memory_space<vmem>> -> memref<1x8x2x128xi32, #tpu.memory_space<vmem>>
      %dma_wait3A_79 = tpu.memref_squeeze %dma_wait3A_78 : memref<1x8x2x128xi32, #tpu.memory_space<vmem>> -> memref<8x2x128xi32, #tpu.memory_space<vmem>>
      %dma_wait3A_80 = arith.constant 0 : i32
      %dma_wait3A_81 = arith.constant 0 : i32
      %dma_wait3A_82 = arith.constant 0 : i32
      %dma_wait3A_83 = tpu.memref_slice %arg3[%add3A, %dma_wait3A_80, %dma_wait3A_81, %dma_wait3A_82] : memref<32x88x2x128xi32, #tpu.memory_space<hbm>> -> memref<1x88x2x128xi32, #tpu.memory_space<hbm>>
      %dma_wait3A_84 = tpu.memref_squeeze %dma_wait3A_83 : memref<1x88x2x128xi32, #tpu.memory_space<hbm>> -> memref<88x2x128xi32, #tpu.memory_space<hbm>>
      %dma_wait3A_85 = arith.constant 0 : i32
      %dma_wait3A_86 = arith.constant 0 : i32
      %dma_wait3A_87 = tpu.memref_slice %dma_wait3A_84[%mul3A_74, %dma_wait3A_85, %dma_wait3A_86] : memref<88x2x128xi32, #tpu.memory_space<hbm>> -> memref<8x2x128xi32, #tpu.memory_space<hbm>>
      %dma_wait3A_88 = arith.constant 0 : i32
      %dma_wait3A_89 = arith.constant 0 : i32
      %dma_wait3A_90 = arith.constant 0 : i32
      %dma_wait3A_91 = tpu.memref_slice %arg6[%rem3A_72, %dma_wait3A_88, %dma_wait3A_89, %dma_wait3A_90] : memref<2x8x2x128xi32, #tpu.memory_space<vmem>> -> memref<1x8x2x128xi32, #tpu.memory_space<vmem>>
      %dma_wait3A_92 = tpu.memref_squeeze %dma_wait3A_91 : memref<1x8x2x128xi32, #tpu.memory_space<vmem>> -> memref<8x2x128xi32, #tpu.memory_space<vmem>>
      %dma_wait3A_93 = arith.constant 0 : i32
      %dma_wait3A_94 = arith.constant 0 : i32
      %dma_wait3A_95 = arith.constant 0 : i32
      %dma_wait3A_96 = tpu.memref_slice %arg3[%add3A, %dma_wait3A_93, %dma_wait3A_94, %dma_wait3A_95] : memref<32x88x2x128xi32, #tpu.memory_space<hbm>> -> memref<1x88x2x128xi32, #tpu.memory_space<hbm>>
      %dma_wait3A_97 = tpu.memref_squeeze %dma_wait3A_96 : memref<1x88x2x128xi32, #tpu.memory_space<hbm>> -> memref<88x2x128xi32, #tpu.memory_space<hbm>>
      %dma_wait3A_98 = arith.constant 0 : i32
      %dma_wait3A_99 = arith.constant 0 : i32
      %dma_wait3A_100 = tpu.memref_slice %dma_wait3A_97[%mul3A_74, %dma_wait3A_98, %dma_wait3A_99] : memref<88x2x128xi32, #tpu.memory_space<hbm>> -> memref<8x2x128xi32, #tpu.memory_space<hbm>>
      tpu.wait_dma2 semaphore(%arg14 : memref<!tpu.dma_semaphore, #tpu.memory_space<semaphore_mem>>) src(%dma_wait3A_100 : memref<8x2x128xi32, #tpu.memory_space<hbm>>) dst(%dma_wait3A_92 : memref<8x2x128xi32, #tpu.memory_space<vmem>>)
      %add3A_101 = arith.constant 1 : i32
      %add3A_102 = arith.addi %scan3A_71, %add3A_101 : i32
      %mul3A_103 = arith.constant 8 : i32
      %mul3A_104 = arith.muli %add3A_102, %mul3A_103 : i32
      %sub3A = arith.constant 1 : i32
      %sub3A_105 = arith.subi %sub3A, %rem3A_72 : i32
      %dma_start3A_106 = arith.constant 0 : i32
      %dma_start3A_107 = arith.constant 0 : i32
      %dma_start3A_108 = arith.constant 0 : i32
      %dma_start3A_109 = tpu.memref_slice %arg6[%sub3A_105, %dma_start3A_106, %dma_start3A_107, %dma_start3A_108] : memref<2x8x2x128xi32, #tpu.memory_space<vmem>> -> memref<1x8x2x128xi32, #tpu.memory_space<vmem>>
      %dma_start3A_110 = tpu.memref_squeeze %dma_start3A_109 : memref<1x8x2x128xi32, #tpu.memory_space<vmem>> -> memref<8x2x128xi32, #tpu.memory_space<vmem>>
      %dma_start3A_111 = arith.constant 0 : i32
      %dma_start3A_112 = arith.constant 0 : i32
      %dma_start3A_113 = arith.constant 0 : i32
      %dma_start3A_114 = tpu.memref_slice %arg3[%add3A, %dma_start3A_111, %dma_start3A_112, %dma_start3A_113] : memref<32x88x2x128xi32, #tpu.memory_space<hbm>> -> memref<1x88x2x128xi32, #tpu.memory_space<hbm>>
      %dma_start3A_115 = tpu.memref_squeeze %dma_start3A_114 : memref<1x88x2x128xi32, #tpu.memory_space<hbm>> -> memref<88x2x128xi32, #tpu.memory_space<hbm>>
      %dma_start3A_116 = arith.constant 0 : i32
      %dma_start3A_117 = arith.constant 0 : i32
      %dma_start3A_118 = tpu.memref_slice %dma_start3A_115[%mul3A_104, %dma_start3A_116, %dma_start3A_117] : memref<88x2x128xi32, #tpu.memory_space<hbm>> -> memref<8x2x128xi32, #tpu.memory_space<hbm>>
      %dma_start3A_119 = arith.constant 0 : i32
      %dma_start3A_120 = arith.constant 0 : i32
      %dma_start3A_121 = arith.constant 0 : i32
      %dma_start3A_122 = tpu.memref_slice %arg6[%sub3A_105, %dma_start3A_119, %dma_start3A_120, %dma_start3A_121] : memref<2x8x2x128xi32, #tpu.memory_space<vmem>> -> memref<1x8x2x128xi32, #tpu.memory_space<vmem>>
      %dma_start3A_123 = tpu.memref_squeeze %dma_start3A_122 : memref<1x8x2x128xi32, #tpu.memory_space<vmem>> -> memref<8x2x128xi32, #tpu.memory_space<vmem>>
      %dma_start3A_124 = arith.constant 0 : i32
      %dma_start3A_125 = arith.constant 0 : i32
      %dma_start3A_126 = arith.constant 0 : i32
      %dma_start3A_127 = tpu.memref_slice %arg3[%add3A, %dma_start3A_124, %dma_start3A_125, %dma_start3A_126] : memref<32x88x2x128xi32, #tpu.memory_space<hbm>> -> memref<1x88x2x128xi32, #tpu.memory_space<hbm>>
      %dma_start3A_128 = tpu.memref_squeeze %dma_start3A_127 : memref<1x88x2x128xi32, #tpu.memory_space<hbm>> -> memref<88x2x128xi32, #tpu.memory_space<hbm>>
      %dma_start3A_129 = arith.constant 0 : i32
      %dma_start3A_130 = arith.constant 0 : i32
      %dma_start3A_131 = tpu.memref_slice %dma_start3A_128[%mul3A_104, %dma_start3A_129, %dma_start3A_130] : memref<88x2x128xi32, #tpu.memory_space<hbm>> -> memref<8x2x128xi32, #tpu.memory_space<hbm>>
      tpu.enqueue_dma source(%dma_start3A_131 : memref<8x2x128xi32, #tpu.memory_space<hbm>>) target(%dma_start3A_123 : memref<8x2x128xi32, #tpu.memory_space<vmem>>) target_semaphore(%arg14 : memref<!tpu.dma_semaphore, #tpu.memory_space<semaphore_mem>>)
      %dma_start3A_132 = arith.constant 0 : i32
      %dma_start3A_133 = arith.constant 0 : i32
      %dma_start3A_134 = arith.constant 0 : i32
      %dma_start3A_135 = arith.constant 0 : i32
      %dma_start3A_136 = arith.constant 0 : i32
      %dma_start3A_137 = tpu.memref_slice %arg6[%rem3A_72, %dma_start3A_134, %dma_start3A_135, %dma_start3A_136] : memref<2x8x2x128xi32, #tpu.memory_space<vmem>> -> memref<1x8x2x128xi32, #tpu.memory_space<vmem>>
      %dma_start3A_138 = tpu.memref_squeeze %dma_start3A_137 : memref<1x8x2x128xi32, #tpu.memory_space<vmem>> -> memref<8x2x128xi32, #tpu.memory_space<vmem>>
      %dma_start3A_139 = arith.constant 0 : i32
      %dma_start3A_140 = arith.constant 0 : i32
      %dma_start3A_141 = tpu.memref_slice %dma_start3A_138[%dma_start3A_132, %dma_start3A_139, %dma_start3A_140] : memref<8x2x128xi32, #tpu.memory_space<vmem>> -> memref<1x2x128xi32, #tpu.memory_space<vmem>>
      %dma_start3A_142 = tpu.memref_squeeze %dma_start3A_141 : memref<1x2x128xi32, #tpu.memory_space<vmem>> -> memref<2x128xi32, #tpu.memory_space<vmem>>
      %dma_start3A_143 = arith.constant 0 : i32
      %dma_start3A_144 = tpu.memref_slice %dma_start3A_142[%dma_start3A_133, %dma_start3A_143] : memref<2x128xi32, #tpu.memory_space<vmem>> -> memref<1x128xi32, #tpu.memory_space<vmem>>
      %dma_start3A_145 = tpu.memref_squeeze %dma_start3A_144 : memref<1x128xi32, #tpu.memory_space<vmem>> -> memref<128xi32, #tpu.memory_space<vmem>>
      %dma_start3A_146 = arith.constant 0 : i32
      %dma_start3A_147 = arith.constant 0 : i32
      %dma_start3A_148 = tpu.memref_slice %arg2[%dma_start3A_146, %dma_start3A_147] : memref<10240x128xf32, #tpu.memory_space<hbm>> -> memref<10240x128xf32, #tpu.memory_space<hbm>>
      tpu.enqueue_indirect_dma source(%dma_start3A_148 : memref<10240x128xf32, #tpu.memory_space<hbm>>) target(%arg7 : memref<128x128xf32, #tpu.memory_space<vmem>>) offsets(%dma_start3A_145 : memref<128xi32, #tpu.memory_space<vmem>>) semaphore(%arg10 : memref<!tpu.dma_semaphore, #tpu.memory_space<semaphore_mem>>)
      %dma_start3A_149 = arith.constant 1 : i32
      %dma_start3A_150 = arith.constant 0 : i32
      %dma_start3A_151 = arith.constant 0 : i32
      %dma_start3A_152 = arith.constant 0 : i32
      %dma_start3A_153 = arith.constant 0 : i32
      %dma_start3A_154 = tpu.memref_slice %arg6[%rem3A_72, %dma_start3A_151, %dma_start3A_152, %dma_start3A_153] : memref<2x8x2x128xi32, #tpu.memory_space<vmem>> -> memref<1x8x2x128xi32, #tpu.memory_space<vmem>>
      %dma_start3A_155 = tpu.memref_squeeze %dma_start3A_154 : memref<1x8x2x128xi32, #tpu.memory_space<vmem>> -> memref<8x2x128xi32, #tpu.memory_space<vmem>>
      %dma_start3A_156 = arith.constant 0 : i32
      %dma_start3A_157 = arith.constant 0 : i32
      %dma_start3A_158 = tpu.memref_slice %dma_start3A_155[%dma_start3A_149, %dma_start3A_156, %dma_start3A_157] : memref<8x2x128xi32, #tpu.memory_space<vmem>> -> memref<1x2x128xi32, #tpu.memory_space<vmem>>
      %dma_start3A_159 = tpu.memref_squeeze %dma_start3A_158 : memref<1x2x128xi32, #tpu.memory_space<vmem>> -> memref<2x128xi32, #tpu.memory_space<vmem>>
      %dma_start3A_160 = arith.constant 0 : i32
      %dma_start3A_161 = tpu.memref_slice %dma_start3A_159[%dma_start3A_150, %dma_start3A_160] : memref<2x128xi32, #tpu.memory_space<vmem>> -> memref<1x128xi32, #tpu.memory_space<vmem>>
      %dma_start3A_162 = tpu.memref_squeeze %dma_start3A_161 : memref<1x128xi32, #tpu.memory_space<vmem>> -> memref<128xi32, #tpu.memory_space<vmem>>
      %dma_start3A_163 = arith.constant 0 : i32
      %dma_start3A_164 = arith.constant 0 : i32
      %dma_start3A_165 = tpu.memref_slice %arg2[%dma_start3A_163, %dma_start3A_164] : memref<10240x128xf32, #tpu.memory_space<hbm>> -> memref<10240x128xf32, #tpu.memory_space<hbm>>
      tpu.enqueue_indirect_dma source(%dma_start3A_165 : memref<10240x128xf32, #tpu.memory_space<hbm>>) target(%arg8 : memref<128x128xf32, #tpu.memory_space<vmem>>) offsets(%dma_start3A_162 : memref<128xi32, #tpu.memory_space<vmem>>) semaphore(%arg11 : memref<!tpu.dma_semaphore, #tpu.memory_space<semaphore_mem>>)
      %dma_wait3A_166 = arith.constant 0 : i32
      %dma_wait3A_167 = arith.constant 0 : i32
      %dma_wait3A_168 = arith.constant 0 : i32
      %dma_wait3A_169 = arith.constant 0 : i32
      %dma_wait3A_170 = arith.constant 0 : i32
      %dma_wait3A_171 = tpu.memref_slice %arg6[%rem3A_72, %dma_wait3A_168, %dma_wait3A_169, %dma_wait3A_170] : memref<2x8x2x128xi32, #tpu.memory_space<vmem>> -> memref<1x8x2x128xi32, #tpu.memory_space<vmem>>
      %dma_wait3A_172 = tpu.memref_squeeze %dma_wait3A_171 : memref<1x8x2x128xi32, #tpu.memory_space<vmem>> -> memref<8x2x128xi32, #tpu.memory_space<vmem>>
      %dma_wait3A_173 = arith.constant 0 : i32
      %dma_wait3A_174 = arith.constant 0 : i32
      %dma_wait3A_175 = tpu.memref_slice %dma_wait3A_172[%dma_wait3A_166, %dma_wait3A_173, %dma_wait3A_174] : memref<8x2x128xi32, #tpu.memory_space<vmem>> -> memref<1x2x128xi32, #tpu.memory_space<vmem>>
      %dma_wait3A_176 = tpu.memref_squeeze %dma_wait3A_175 : memref<1x2x128xi32, #tpu.memory_space<vmem>> -> memref<2x128xi32, #tpu.memory_space<vmem>>
      %dma_wait3A_177 = arith.constant 0 : i32
      %dma_wait3A_178 = tpu.memref_slice %dma_wait3A_176[%dma_wait3A_167, %dma_wait3A_177] : memref<2x128xi32, #tpu.memory_space<vmem>> -> memref<1x128xi32, #tpu.memory_space<vmem>>
      %dma_wait3A_179 = tpu.memref_squeeze %dma_wait3A_178 : memref<1x128xi32, #tpu.memory_space<vmem>> -> memref<128xi32, #tpu.memory_space<vmem>>
      %dma_wait3A_180 = arith.constant 0 : i32
      %dma_wait3A_181 = arith.constant 0 : i32
      %dma_wait3A_182 = tpu.memref_slice %arg2[%dma_wait3A_180, %dma_wait3A_181] : memref<10240x128xf32, #tpu.memory_space<hbm>> -> memref<10240x128xf32, #tpu.memory_space<hbm>>
      tpu.wait_indirect_dma semaphore(%arg10 : memref<!tpu.dma_semaphore, #tpu.memory_space<semaphore_mem>>) src(%dma_wait3A_182 : memref<10240x128xf32, #tpu.memory_space<hbm>>) dst(%arg7 : memref<128x128xf32, #tpu.memory_space<vmem>>)
      %dma_start3A_183 = arith.constant 0 : i32
      %dma_start3A_184 = arith.constant 1 : i32
      %dma_start3A_185 = arith.constant 0 : i32
      %dma_start3A_186 = arith.constant 0 : i32
      %dma_start3A_187 = arith.constant 0 : i32
      %dma_start3A_188 = tpu.memref_slice %arg6[%rem3A_72, %dma_start3A_185, %dma_start3A_186, %dma_start3A_187] : memref<2x8x2x128xi32, #tpu.memory_space<vmem>> -> memref<1x8x2x128xi32, #tpu.memory_space<vmem>>
      %dma_start3A_189 = tpu.memref_squeeze %dma_start3A_188 : memref<1x8x2x128xi32, #tpu.memory_space<vmem>> -> memref<8x2x128xi32, #tpu.memory_space<vmem>>
      %dma_start3A_190 = arith.constant 0 : i32
      %dma_start3A_191 = arith.constant 0 : i32
      %dma_start3A_192 = tpu.memref_slice %dma_start3A_189[%dma_start3A_183, %dma_start3A_190, %dma_start3A_191] : memref<8x2x128xi32, #tpu.memory_space<vmem>> -> memref<1x2x128xi32, #tpu.memory_space<vmem>>
      %dma_start3A_193 = tpu.memref_squeeze %dma_start3A_192 : memref<1x2x128xi32, #tpu.memory_space<vmem>> -> memref<2x128xi32, #tpu.memory_space<vmem>>
      %dma_start3A_194 = arith.constant 0 : i32
      %dma_start3A_195 = tpu.memref_slice %dma_start3A_193[%dma_start3A_184, %dma_start3A_194] : memref<2x128xi32, #tpu.memory_space<vmem>> -> memref<1x128xi32, #tpu.memory_space<vmem>>
      %dma_start3A_196 = tpu.memref_squeeze %dma_start3A_195 : memref<1x128xi32, #tpu.memory_space<vmem>> -> memref<128xi32, #tpu.memory_space<vmem>>
      %dma_start3A_197 = arith.constant 0 : i32
      %dma_start3A_198 = arith.constant 0 : i32
      %dma_start3A_199 = tpu.memref_slice %arg9[%dma_start3A_197, %dma_start3A_198] : memref<10240x128xf32, #tpu.memory_space<vmem_shared>> -> memref<10240x128xf32, #tpu.memory_space<vmem_shared>>
      tpu.enqueue_indirect_dma source(%arg7 : memref<128x128xf32, #tpu.memory_space<vmem>>) target(%dma_start3A_199 : memref<10240x128xf32, #tpu.memory_space<vmem_shared>>) offsets(%dma_start3A_196 : memref<128xi32, #tpu.memory_space<vmem>>) semaphore(%arg12 : memref<!tpu.dma_semaphore, #tpu.memory_space<semaphore_mem>>) {add = true}
      %dma_wait3A_200 = arith.constant 1 : i32
      %dma_wait3A_201 = arith.constant 0 : i32
      %dma_wait3A_202 = arith.constant 0 : i32
      %dma_wait3A_203 = arith.constant 0 : i32
      %dma_wait3A_204 = arith.constant 0 : i32
      %dma_wait3A_205 = tpu.memref_slice %arg6[%rem3A_72, %dma_wait3A_202, %dma_wait3A_203, %dma_wait3A_204] : memref<2x8x2x128xi32, #tpu.memory_space<vmem>> -> memref<1x8x2x128xi32, #tpu.memory_space<vmem>>
      %dma_wait3A_206 = tpu.memref_squeeze %dma_wait3A_205 : memref<1x8x2x128xi32, #tpu.memory_space<vmem>> -> memref<8x2x128xi32, #tpu.memory_space<vmem>>
      %dma_wait3A_207 = arith.constant 0 : i32
      %dma_wait3A_208 = arith.constant 0 : i32
      %dma_wait3A_209 = tpu.memref_slice %dma_wait3A_206[%dma_wait3A_200, %dma_wait3A_207, %dma_wait3A_208] : memref<8x2x128xi32, #tpu.memory_space<vmem>> -> memref<1x2x128xi32, #tpu.memory_space<vmem>>
      %dma_wait3A_210 = tpu.memref_squeeze %dma_wait3A_209 : memref<1x2x128xi32, #tpu.memory_space<vmem>> -> memref<2x128xi32, #tpu.memory_space<vmem>>
      %dma_wait3A_211 = arith.constant 0 : i32
      %dma_wait3A_212 = tpu.memref_slice %dma_wait3A_210[%dma_wait3A_201, %dma_wait3A_211] : memref<2x128xi32, #tpu.memory_space<vmem>> -> memref<1x128xi32, #tpu.memory_space<vmem>>
      %dma_wait3A_213 = tpu.memref_squeeze %dma_wait3A_212 : memref<1x128xi32, #tpu.memory_space<vmem>> -> memref<128xi32, #tpu.memory_space<vmem>>
      %dma_wait3A_214 = arith.constant 0 : i32
      %dma_wait3A_215 = arith.constant 0 : i32
      %dma_wait3A_216 = tpu.memref_slice %arg2[%dma_wait3A_214, %dma_wait3A_215] : memref<10240x128xf32, #tpu.memory_space<hbm>> -> memref<10240x128xf32, #tpu.memory_space<hbm>>
      tpu.wait_indirect_dma semaphore(%arg11 : memref<!tpu.dma_semaphore, #tpu.memory_space<semaphore_mem>>) src(%dma_wait3A_216 : memref<10240x128xf32, #tpu.memory_space<hbm>>) dst(%arg8 : memref<128x128xf32, #tpu.memory_space<vmem>>)
      %dma_start3A_217 = arith.constant 1 : i32
      %dma_start3A_218 = arith.constant 1 : i32
      %dma_start3A_219 = arith.constant 0 : i32
      %dma_start3A_220 = arith.constant 0 : i32
      %dma_start3A_221 = arith.constant 0 : i32
      %dma_start3A_222 = tpu.memref_slice %arg6[%rem3A_72, %dma_start3A_219, %dma_start3A_220, %dma_start3A_221] : memref<2x8x2x128xi32, #tpu.memory_space<vmem>> -> memref<1x8x2x128xi32, #tpu.memory_space<vmem>>
      %dma_start3A_223 = tpu.memref_squeeze %dma_start3A_222 : memref<1x8x2x128xi32, #tpu.memory_space<vmem>> -> memref<8x2x128xi32, #tpu.memory_space<vmem>>
      %dma_start3A_224 = arith.constant 0 : i32
      %dma_start3A_225 = arith.constant 0 : i32
      %dma_start3A_226 = tpu.memref_slice %dma_start3A_223[%dma_start3A_217, %dma_start3A_224, %dma_start3A_225] : memref<8x2x128xi32, #tpu.memory_space<vmem>> -> memref<1x2x128xi32, #tpu.memory_space<vmem>>
      %dma_start3A_227 = tpu.memref_squeeze %dma_start3A_226 : memref<1x2x128xi32, #tpu.memory_space<vmem>> -> memref<2x128xi32, #tpu.memory_space<vmem>>
      %dma_start3A_228 = arith.constant 0 : i32
      %dma_start3A_229 = tpu.memref_slice %dma_start3A_227[%dma_start3A_218, %dma_start3A_228] : memref<2x128xi32, #tpu.memory_space<vmem>> -> memref<1x128xi32, #tpu.memory_space<vmem>>
      %dma_start3A_230 = tpu.memref_squeeze %dma_start3A_229 : memref<1x128xi32, #tpu.memory_space<vmem>> -> memref<128xi32, #tpu.memory_space<vmem>>
      %dma_start3A_231 = arith.constant 0 : i32
      %dma_start3A_232 = arith.constant 0 : i32
      %dma_start3A_233 = tpu.memref_slice %arg9[%dma_start3A_231, %dma_start3A_232] : memref<10240x128xf32, #tpu.memory_space<vmem_shared>> -> memref<10240x128xf32, #tpu.memory_space<vmem_shared>>
      tpu.enqueue_indirect_dma source(%arg8 : memref<128x128xf32, #tpu.memory_space<vmem>>) target(%dma_start3A_233 : memref<10240x128xf32, #tpu.memory_space<vmem_shared>>) offsets(%dma_start3A_230 : memref<128xi32, #tpu.memory_space<vmem>>) semaphore(%arg13 : memref<!tpu.dma_semaphore, #tpu.memory_space<semaphore_mem>>) {add = true}
      %dma_wait3A_234 = arith.constant 0 : i32
      %dma_wait3A_235 = arith.constant 1 : i32
      %dma_wait3A_236 = arith.constant 0 : i32
      %dma_wait3A_237 = arith.constant 0 : i32
      %dma_wait3A_238 = arith.constant 0 : i32
      %dma_wait3A_239 = tpu.memref_slice %arg6[%rem3A_72, %dma_wait3A_236, %dma_wait3A_237, %dma_wait3A_238] : memref<2x8x2x128xi32, #tpu.memory_space<vmem>> -> memref<1x8x2x128xi32, #tpu.memory_space<vmem>>
      %dma_wait3A_240 = tpu.memref_squeeze %dma_wait3A_239 : memref<1x8x2x128xi32, #tpu.memory_space<vmem>> -> memref<8x2x128xi32, #tpu.memory_space<vmem>>
      %dma_wait3A_241 = arith.constant 0 : i32
      %dma_wait3A_242 = arith.constant 0 : i32
      %dma_wait3A_243 = tpu.memref_slice %dma_wait3A_240[%dma_wait3A_234, %dma_wait3A_241, %dma_wait3A_242] : memref<8x2x128xi32, #tpu.memory_space<vmem>> -> memref<1x2x128xi32, #tpu.memory_space<vmem>>
      %dma_wait3A_244 = tpu.memref_squeeze %dma_wait3A_243 : memref<1x2x128xi32, #tpu.memory_space<vmem>> -> memref<2x128xi32, #tpu.memory_space<vmem>>
      %dma_wait3A_245 = arith.constant 0 : i32
      %dma_wait3A_246 = tpu.memref_slice %dma_wait3A_244[%dma_wait3A_235, %dma_wait3A_245] : memref<2x128xi32, #tpu.memory_space<vmem>> -> memref<1x128xi32, #tpu.memory_space<vmem>>
      %dma_wait3A_247 = tpu.memref_squeeze %dma_wait3A_246 : memref<1x128xi32, #tpu.memory_space<vmem>> -> memref<128xi32, #tpu.memory_space<vmem>>
      %dma_wait3A_248 = arith.constant 0 : i32
      %dma_wait3A_249 = arith.constant 0 : i32
      %dma_wait3A_250 = tpu.memref_slice %arg9[%dma_wait3A_248, %dma_wait3A_249] : memref<10240x128xf32, #tpu.memory_space<vmem_shared>> -> memref<10240x128xf32, #tpu.memory_space<vmem_shared>>
      tpu.wait_indirect_dma semaphore(%arg12 : memref<!tpu.dma_semaphore, #tpu.memory_space<semaphore_mem>>) src(%arg7 : memref<128x128xf32, #tpu.memory_space<vmem>>) dst(%dma_wait3A_250 : memref<10240x128xf32, #tpu.memory_space<vmem_shared>>)
      %dma_start3A_251 = arith.constant 2 : i32
      %dma_start3A_252 = arith.constant 0 : i32
      %dma_start3A_253 = arith.constant 0 : i32
      %dma_start3A_254 = arith.constant 0 : i32
      %dma_start3A_255 = arith.constant 0 : i32
      %dma_start3A_256 = tpu.memref_slice %arg6[%rem3A_72, %dma_start3A_253, %dma_start3A_254, %dma_start3A_255] : memref<2x8x2x128xi32, #tpu.memory_space<vmem>> -> memref<1x8x2x128xi32, #tpu.memory_space<vmem>>
      %dma_start3A_257 = tpu.memref_squeeze %dma_start3A_256 : memref<1x8x2x128xi32, #tpu.memory_space<vmem>> -> memref<8x2x128xi32, #tpu.memory_space<vmem>>
      %dma_start3A_258 = arith.constant 0 : i32
      %dma_start3A_259 = arith.constant 0 : i32
      %dma_start3A_260 = tpu.memref_slice %dma_start3A_257[%dma_start3A_251, %dma_start3A_258, %dma_start3A_259] : memref<8x2x128xi32, #tpu.memory_space<vmem>> -> memref<1x2x128xi32, #tpu.memory_space<vmem>>
      %dma_start3A_261 = tpu.memref_squeeze %dma_start3A_260 : memref<1x2x128xi32, #tpu.memory_space<vmem>> -> memref<2x128xi32, #tpu.memory_space<vmem>>
      %dma_start3A_262 = arith.constant 0 : i32
      %dma_start3A_263 = tpu.memref_slice %dma_start3A_261[%dma_start3A_252, %dma_start3A_262] : memref<2x128xi32, #tpu.memory_space<vmem>> -> memref<1x128xi32, #tpu.memory_space<vmem>>
      %dma_start3A_264 = tpu.memref_squeeze %dma_start3A_263 : memref<1x128xi32, #tpu.memory_space<vmem>> -> memref<128xi32, #tpu.memory_space<vmem>>
      %dma_start3A_265 = arith.constant 0 : i32
      %dma_start3A_266 = arith.constant 0 : i32
      %dma_start3A_267 = tpu.memref_slice %arg2[%dma_start3A_265, %dma_start3A_266] : memref<10240x128xf32, #tpu.memory_space<hbm>> -> memref<10240x128xf32, #tpu.memory_space<hbm>>
      tpu.enqueue_indirect_dma source(%dma_start3A_267 : memref<10240x128xf32, #tpu.memory_space<hbm>>) target(%arg7 : memref<128x128xf32, #tpu.memory_space<vmem>>) offsets(%dma_start3A_264 : memref<128xi32, #tpu.memory_space<vmem>>) semaphore(%arg10 : memref<!tpu.dma_semaphore, #tpu.memory_space<semaphore_mem>>)
      %dma_wait3A_268 = arith.constant 1 : i32
      %dma_wait3A_269 = arith.constant 1 : i32
      %dma_wait3A_270 = arith.constant 0 : i32
      %dma_wait3A_271 = arith.constant 0 : i32
      %dma_wait3A_272 = arith.constant 0 : i32
      %dma_wait3A_273 = tpu.memref_slice %arg6[%rem3A_72, %dma_wait3A_270, %dma_wait3A_271, %dma_wait3A_272] : memref<2x8x2x128xi32, #tpu.memory_space<vmem>> -> memref<1x8x2x128xi32, #tpu.memory_space<vmem>>
      %dma_wait3A_274 = tpu.memref_squeeze %dma_wait3A_273 : memref<1x8x2x128xi32, #tpu.memory_space<vmem>> -> memref<8x2x128xi32, #tpu.memory_space<vmem>>
      %dma_wait3A_275 = arith.constant 0 : i32
      %dma_wait3A_276 = arith.constant 0 : i32
      %dma_wait3A_277 = tpu.memref_slice %dma_wait3A_274[%dma_wait3A_268, %dma_wait3A_275, %dma_wait3A_276] : memref<8x2x128xi32, #tpu.memory_space<vmem>> -> memref<1x2x128xi32, #tpu.memory_space<vmem>>
      %dma_wait3A_278 = tpu.memref_squeeze %dma_wait3A_277 : memref<1x2x128xi32, #tpu.memory_space<vmem>> -> memref<2x128xi32, #tpu.memory_space<vmem>>
      %dma_wait3A_279 = arith.constant 0 : i32
      %dma_wait3A_280 = tpu.memref_slice %dma_wait3A_278[%dma_wait3A_269, %dma_wait3A_279] : memref<2x128xi32, #tpu.memory_space<vmem>> -> memref<1x128xi32, #tpu.memory_space<vmem>>
      %dma_wait3A_281 = tpu.memref_squeeze %dma_wait3A_280 : memref<1x128xi32, #tpu.memory_space<vmem>> -> memref<128xi32, #tpu.memory_space<vmem>>
      %dma_wait3A_282 = arith.constant 0 : i32
      %dma_wait3A_283 = arith.constant 0 : i32
      %dma_wait3A_284 = tpu.memref_slice %arg9[%dma_wait3A_282, %dma_wait3A_283] : memref<10240x128xf32, #tpu.memory_space<vmem_shared>> -> memref<10240x128xf32, #tpu.memory_space<vmem_shared>>
      tpu.wait_indirect_dma semaphore(%arg13 : memref<!tpu.dma_semaphore, #tpu.memory_space<semaphore_mem>>) src(%arg8 : memref<128x128xf32, #tpu.memory_space<vmem>>) dst(%dma_wait3A_284 : memref<10240x128xf32, #tpu.memory_space<vmem_shared>>)
      %dma_start3A_285 = arith.constant 3 : i32
      %dma_start3A_286 = arith.constant 0 : i32
      %dma_start3A_287 = arith.constant 0 : i32
      %dma_start3A_288 = arith.constant 0 : i32
      %dma_start3A_289 = arith.constant 0 : i32
      %dma_start3A_290 = tpu.memref_slice %arg6[%rem3A_72, %dma_start3A_287, %dma_start3A_288, %dma_start3A_289] : memref<2x8x2x128xi32, #tpu.memory_space<vmem>> -> memref<1x8x2x128xi32, #tpu.memory_space<vmem>>
      %dma_start3A_291 = tpu.memref_squeeze %dma_start3A_290 : memref<1x8x2x128xi32, #tpu.memory_space<vmem>> -> memref<8x2x128xi32, #tpu.memory_space<vmem>>
      %dma_start3A_292 = arith.constant 0 : i32
      %dma_start3A_293 = arith.constant 0 : i32
      %dma_start3A_294 = tpu.memref_slice %dma_start3A_291[%dma_start3A_285, %dma_start3A_292, %dma_start3A_293] : memref<8x2x128xi32, #tpu.memory_space<vmem>> -> memref<1x2x128xi32, #tpu.memory_space<vmem>>
      %dma_start3A_295 = tpu.memref_squeeze %dma_start3A_294 : memref<1x2x128xi32, #tpu.memory_space<vmem>> -> memref<2x128xi32, #tpu.memory_space<vmem>>
      %dma_start3A_296 = arith.constant 0 : i32
      %dma_start3A_297 = tpu.memref_slice %dma_start3A_295[%dma_start3A_286, %dma_start3A_296] : memref<2x128xi32, #tpu.memory_space<vmem>> -> memref<1x128xi32, #tpu.memory_space<vmem>>
      %dma_start3A_298 = tpu.memref_squeeze %dma_start3A_297 : memref<1x128xi32, #tpu.memory_space<vmem>> -> memref<128xi32, #tpu.memory_space<vmem>>
      %dma_start3A_299 = arith.constant 0 : i32
      %dma_start3A_300 = arith.constant 0 : i32
      %dma_start3A_301 = tpu.memref_slice %arg2[%dma_start3A_299, %dma_start3A_300] : memref<10240x128xf32, #tpu.memory_space<hbm>> -> memref<10240x128xf32, #tpu.memory_space<hbm>>
      tpu.enqueue_indirect_dma source(%dma_start3A_301 : memref<10240x128xf32, #tpu.memory_space<hbm>>) target(%arg8 : memref<128x128xf32, #tpu.memory_space<vmem>>) offsets(%dma_start3A_298 : memref<128xi32, #tpu.memory_space<vmem>>) semaphore(%arg11 : memref<!tpu.dma_semaphore, #tpu.memory_space<semaphore_mem>>)
      %dma_wait3A_302 = arith.constant 2 : i32
      %dma_wait3A_303 = arith.constant 0 : i32
      %dma_wait3A_304 = arith.constant 0 : i32
      %dma_wait3A_305 = arith.constant 0 : i32
      %dma_wait3A_306 = arith.constant 0 : i32
      %dma_wait3A_307 = tpu.memref_slice %arg6[%rem3A_72, %dma_wait3A_304, %dma_wait3A_305, %dma_wait3A_306] : memref<2x8x2x128xi32, #tpu.memory_space<vmem>> -> memref<1x8x2x128xi32, #tpu.memory_space<vmem>>
      %dma_wait3A_308 = tpu.memref_squeeze %dma_wait3A_307 : memref<1x8x2x128xi32, #tpu.memory_space<vmem>> -> memref<8x2x128xi32, #tpu.memory_space<vmem>>
      %dma_wait3A_309 = arith.constant 0 : i32
      %dma_wait3A_310 = arith.constant 0 : i32
      %dma_wait3A_311 = tpu.memref_slice %dma_wait3A_308[%dma_wait3A_302, %dma_wait3A_309, %dma_wait3A_310] : memref<8x2x128xi32, #tpu.memory_space<vmem>> -> memref<1x2x128xi32, #tpu.memory_space<vmem>>
      %dma_wait3A_312 = tpu.memref_squeeze %dma_wait3A_311 : memref<1x2x128xi32, #tpu.memory_space<vmem>> -> memref<2x128xi32, #tpu.memory_space<vmem>>
      %dma_wait3A_313 = arith.constant 0 : i32
      %dma_wait3A_314 = tpu.memref_slice %dma_wait3A_312[%dma_wait3A_303, %dma_wait3A_313] : memref<2x128xi32, #tpu.memory_space<vmem>> -> memref<1x128xi32, #tpu.memory_space<vmem>>
      %dma_wait3A_315 = tpu.memref_squeeze %dma_wait3A_314 : memref<1x128xi32, #tpu.memory_space<vmem>> -> memref<128xi32, #tpu.memory_space<vmem>>
      %dma_wait3A_316 = arith.constant 0 : i32
      %dma_wait3A_317 = arith.constant 0 : i32
      %dma_wait3A_318 = tpu.memref_slice %arg2[%dma_wait3A_316, %dma_wait3A_317] : memref<10240x128xf32, #tpu.memory_space<hbm>> -> memref<10240x128xf32, #tpu.memory_space<hbm>>
      tpu.wait_indirect_dma semaphore(%arg10 : memref<!tpu.dma_semaphore, #tpu.memory_space<semaphore_mem>>) src(%dma_wait3A_318 : memref<10240x128xf32, #tpu.memory_space<hbm>>) dst(%arg7 : memref<128x128xf32, #tpu.memory_space<vmem>>)
      %dma_start3A_319 = arith.constant 2 : i32
      %dma_start3A_320 = arith.constant 1 : i32
      %dma_start3A_321 = arith.constant 0 : i32
      %dma_start3A_322 = arith.constant 0 : i32
      %dma_start3A_323 = arith.constant 0 : i32
      %dma_start3A_324 = tpu.memref_slice %arg6[%rem3A_72, %dma_start3A_321, %dma_start3A_322, %dma_start3A_323] : memref<2x8x2x128xi32, #tpu.memory_space<vmem>> -> memref<1x8x2x128xi32, #tpu.memory_space<vmem>>
      %dma_start3A_325 = tpu.memref_squeeze %dma_start3A_324 : memref<1x8x2x128xi32, #tpu.memory_space<vmem>> -> memref<8x2x128xi32, #tpu.memory_space<vmem>>
      %dma_start3A_326 = arith.constant 0 : i32
      %dma_start3A_327 = arith.constant 0 : i32
      %dma_start3A_328 = tpu.memref_slice %dma_start3A_325[%dma_start3A_319, %dma_start3A_326, %dma_start3A_327] : memref<8x2x128xi32, #tpu.memory_space<vmem>> -> memref<1x2x128xi32, #tpu.memory_space<vmem>>
      %dma_start3A_329 = tpu.memref_squeeze %dma_start3A_328 : memref<1x2x128xi32, #tpu.memory_space<vmem>> -> memref<2x128xi32, #tpu.memory_space<vmem>>
      %dma_start3A_330 = arith.constant 0 : i32
      %dma_start3A_331 = tpu.memref_slice %dma_start3A_329[%dma_start3A_320, %dma_start3A_330] : memref<2x128xi32, #tpu.memory_space<vmem>> -> memref<1x128xi32, #tpu.memory_space<vmem>>
      %dma_start3A_332 = tpu.memref_squeeze %dma_start3A_331 : memref<1x128xi32, #tpu.memory_space<vmem>> -> memref<128xi32, #tpu.memory_space<vmem>>
      %dma_start3A_333 = arith.constant 0 : i32
      %dma_start3A_334 = arith.constant 0 : i32
      %dma_start3A_335 = tpu.memref_slice %arg9[%dma_start3A_333, %dma_start3A_334] : memref<10240x128xf32, #tpu.memory_space<vmem_shared>> -> memref<10240x128xf32, #tpu.memory_space<vmem_shared>>
      tpu.enqueue_indirect_dma source(%arg7 : memref<128x128xf32, #tpu.memory_space<vmem>>) target(%dma_start3A_335 : memref<10240x128xf32, #tpu.memory_space<vmem_shared>>) offsets(%dma_start3A_332 : memref<128xi32, #tpu.memory_space<vmem>>) semaphore(%arg12 : memref<!tpu.dma_semaphore, #tpu.memory_space<semaphore_mem>>) {add = true}
      %dma_wait3A_336 = arith.constant 3 : i32
      %dma_wait3A_337 = arith.constant 0 : i32
      %dma_wait3A_338 = arith.constant 0 : i32
      %dma_wait3A_339 = arith.constant 0 : i32
      %dma_wait3A_340 = arith.constant 0 : i32
      %dma_wait3A_341 = tpu.memref_slice %arg6[%rem3A_72, %dma_wait3A_338, %dma_wait3A_339, %dma_wait3A_340] : memref<2x8x2x128xi32, #tpu.memory_space<vmem>> -> memref<1x8x2x128xi32, #tpu.memory_space<vmem>>
      %dma_wait3A_342 = tpu.memref_squeeze %dma_wait3A_341 : memref<1x8x2x128xi32, #tpu.memory_space<vmem>> -> memref<8x2x128xi32, #tpu.memory_space<vmem>>
      %dma_wait3A_343 = arith.constant 0 : i32
      %dma_wait3A_344 = arith.constant 0 : i32
      %dma_wait3A_345 = tpu.memref_slice %dma_wait3A_342[%dma_wait3A_336, %dma_wait3A_343, %dma_wait3A_344] : memref<8x2x128xi32, #tpu.memory_space<vmem>> -> memref<1x2x128xi32, #tpu.memory_space<vmem>>
      %dma_wait3A_346 = tpu.memref_squeeze %dma_wait3A_345 : memref<1x2x128xi32, #tpu.memory_space<vmem>> -> memref<2x128xi32, #tpu.memory_space<vmem>>
      %dma_wait3A_347 = arith.constant 0 : i32
      %dma_wait3A_348 = tpu.memref_slice %dma_wait3A_346[%dma_wait3A_337, %dma_wait3A_347] : memref<2x128xi32, #tpu.memory_space<vmem>> -> memref<1x128xi32, #tpu.memory_space<vmem>>
      %dma_wait3A_349 = tpu.memref_squeeze %dma_wait3A_348 : memref<1x128xi32, #tpu.memory_space<vmem>> -> memref<128xi32, #tpu.memory_space<vmem>>
      %dma_wait3A_350 = arith.constant 0 : i32
      %dma_wait3A_351 = arith.constant 0 : i32
      %dma_wait3A_352 = tpu.memref_slice %arg2[%dma_wait3A_350, %dma_wait3A_351] : memref<10240x128xf32, #tpu.memory_space<hbm>> -> memref<10240x128xf32, #tpu.memory_space<hbm>>
      tpu.wait_indirect_dma semaphore(%arg11 : memref<!tpu.dma_semaphore, #tpu.memory_space<semaphore_mem>>) src(%dma_wait3A_352 : memref<10240x128xf32, #tpu.memory_space<hbm>>) dst(%arg8 : memref<128x128xf32, #tpu.memory_space<vmem>>)
      %dma_start3A_353 = arith.constant 3 : i32
      %dma_start3A_354 = arith.constant 1 : i32
      %dma_start3A_355 = arith.constant 0 : i32
      %dma_start3A_356 = arith.constant 0 : i32
      %dma_start3A_357 = arith.constant 0 : i32
      %dma_start3A_358 = tpu.memref_slice %arg6[%rem3A_72, %dma_start3A_355, %dma_start3A_356, %dma_start3A_357] : memref<2x8x2x128xi32, #tpu.memory_space<vmem>> -> memref<1x8x2x128xi32, #tpu.memory_space<vmem>>
      %dma_start3A_359 = tpu.memref_squeeze %dma_start3A_358 : memref<1x8x2x128xi32, #tpu.memory_space<vmem>> -> memref<8x2x128xi32, #tpu.memory_space<vmem>>
      %dma_start3A_360 = arith.constant 0 : i32
      %dma_start3A_361 = arith.constant 0 : i32
      %dma_start3A_362 = tpu.memref_slice %dma_start3A_359[%dma_start3A_353, %dma_start3A_360, %dma_start3A_361] : memref<8x2x128xi32, #tpu.memory_space<vmem>> -> memref<1x2x128xi32, #tpu.memory_space<vmem>>
      %dma_start3A_363 = tpu.memref_squeeze %dma_start3A_362 : memref<1x2x128xi32, #tpu.memory_space<vmem>> -> memref<2x128xi32, #tpu.memory_space<vmem>>
      %dma_start3A_364 = arith.constant 0 : i32
      %dma_start3A_365 = tpu.memref_slice %dma_start3A_363[%dma_start3A_354, %dma_start3A_364] : memref<2x128xi32, #tpu.memory_space<vmem>> -> memref<1x128xi32, #tpu.memory_space<vmem>>
      %dma_start3A_366 = tpu.memref_squeeze %dma_start3A_365 : memref<1x128xi32, #tpu.memory_space<vmem>> -> memref<128xi32, #tpu.memory_space<vmem>>
      %dma_start3A_367 = arith.constant 0 : i32
      %dma_start3A_368 = arith.constant 0 : i32
      %dma_start3A_369 = tpu.memref_slice %arg9[%dma_start3A_367, %dma_start3A_368] : memref<10240x128xf32, #tpu.memory_space<vmem_shared>> -> memref<10240x128xf32, #tpu.memory_space<vmem_shared>>
      tpu.enqueue_indirect_dma source(%arg8 : memref<128x128xf32, #tpu.memory_space<vmem>>) target(%dma_start3A_369 : memref<10240x128xf32, #tpu.memory_space<vmem_shared>>) offsets(%dma_start3A_366 : memref<128xi32, #tpu.memory_space<vmem>>) semaphore(%arg13 : memref<!tpu.dma_semaphore, #tpu.memory_space<semaphore_mem>>) {add = true}
      %dma_wait3A_370 = arith.constant 2 : i32
      %dma_wait3A_371 = arith.constant 1 : i32
      %dma_wait3A_372 = arith.constant 0 : i32
      %dma_wait3A_373 = arith.constant 0 : i32
      %dma_wait3A_374 = arith.constant 0 : i32
      %dma_wait3A_375 = tpu.memref_slice %arg6[%rem3A_72, %dma_wait3A_372, %dma_wait3A_373, %dma_wait3A_374] : memref<2x8x2x128xi32, #tpu.memory_space<vmem>> -> memref<1x8x2x128xi32, #tpu.memory_space<vmem>>
      %dma_wait3A_376 = tpu.memref_squeeze %dma_wait3A_375 : memref<1x8x2x128xi32, #tpu.memory_space<vmem>> -> memref<8x2x128xi32, #tpu.memory_space<vmem>>
      %dma_wait3A_377 = arith.constant 0 : i32
      %dma_wait3A_378 = arith.constant 0 : i32
      %dma_wait3A_379 = tpu.memref_slice %dma_wait3A_376[%dma_wait3A_370, %dma_wait3A_377, %dma_wait3A_378] : memref<8x2x128xi32, #tpu.memory_space<vmem>> -> memref<1x2x128xi32, #tpu.memory_space<vmem>>
      %dma_wait3A_380 = tpu.memref_squeeze %dma_wait3A_379 : memref<1x2x128xi32, #tpu.memory_space<vmem>> -> memref<2x128xi32, #tpu.memory_space<vmem>>
      %dma_wait3A_381 = arith.constant 0 : i32
      %dma_wait3A_382 = tpu.memref_slice %dma_wait3A_380[%dma_wait3A_371, %dma_wait3A_381] : memref<2x128xi32, #tpu.memory_space<vmem>> -> memref<1x128xi32, #tpu.memory_space<vmem>>
      %dma_wait3A_383 = tpu.memref_squeeze %dma_wait3A_382 : memref<1x128xi32, #tpu.memory_space<vmem>> -> memref<128xi32, #tpu.memory_space<vmem>>
      %dma_wait3A_384 = arith.constant 0 : i32
      %dma_wait3A_385 = arith.constant 0 : i32
      %dma_wait3A_386 = tpu.memref_slice %arg9[%dma_wait3A_384, %dma_wait3A_385] : memref<10240x128xf32, #tpu.memory_space<vmem_shared>> -> memref<10240x128xf32, #tpu.memory_space<vmem_shared>>
      tpu.wait_indirect_dma semaphore(%arg12 : memref<!tpu.dma_semaphore, #tpu.memory_space<semaphore_mem>>) src(%arg7 : memref<128x128xf32, #tpu.memory_space<vmem>>) dst(%dma_wait3A_386 : memref<10240x128xf32, #tpu.memory_space<vmem_shared>>)
      %dma_start3A_387 = arith.constant 4 : i32
      %dma_start3A_388 = arith.constant 0 : i32
      %dma_start3A_389 = arith.constant 0 : i32
      %dma_start3A_390 = arith.constant 0 : i32
      %dma_start3A_391 = arith.constant 0 : i32
      %dma_start3A_392 = tpu.memref_slice %arg6[%rem3A_72, %dma_start3A_389, %dma_start3A_390, %dma_start3A_391] : memref<2x8x2x128xi32, #tpu.memory_space<vmem>> -> memref<1x8x2x128xi32, #tpu.memory_space<vmem>>
      %dma_start3A_393 = tpu.memref_squeeze %dma_start3A_392 : memref<1x8x2x128xi32, #tpu.memory_space<vmem>> -> memref<8x2x128xi32, #tpu.memory_space<vmem>>
      %dma_start3A_394 = arith.constant 0 : i32
      %dma_start3A_395 = arith.constant 0 : i32
      %dma_start3A_396 = tpu.memref_slice %dma_start3A_393[%dma_start3A_387, %dma_start3A_394, %dma_start3A_395] : memref<8x2x128xi32, #tpu.memory_space<vmem>> -> memref<1x2x128xi32, #tpu.memory_space<vmem>>
      %dma_start3A_397 = tpu.memref_squeeze %dma_start3A_396 : memref<1x2x128xi32, #tpu.memory_space<vmem>> -> memref<2x128xi32, #tpu.memory_space<vmem>>
      %dma_start3A_398 = arith.constant 0 : i32
      %dma_start3A_399 = tpu.memref_slice %dma_start3A_397[%dma_start3A_388, %dma_start3A_398] : memref<2x128xi32, #tpu.memory_space<vmem>> -> memref<1x128xi32, #tpu.memory_space<vmem>>
      %dma_start3A_400 = tpu.memref_squeeze %dma_start3A_399 : memref<1x128xi32, #tpu.memory_space<vmem>> -> memref<128xi32, #tpu.memory_space<vmem>>
      %dma_start3A_401 = arith.constant 0 : i32
      %dma_start3A_402 = arith.constant 0 : i32
      %dma_start3A_403 = tpu.memref_slice %arg2[%dma_start3A_401, %dma_start3A_402] : memref<10240x128xf32, #tpu.memory_space<hbm>> -> memref<10240x128xf32, #tpu.memory_space<hbm>>
      tpu.enqueue_indirect_dma source(%dma_start3A_403 : memref<10240x128xf32, #tpu.memory_space<hbm>>) target(%arg7 : memref<128x128xf32, #tpu.memory_space<vmem>>) offsets(%dma_start3A_400 : memref<128xi32, #tpu.memory_space<vmem>>) semaphore(%arg10 : memref<!tpu.dma_semaphore, #tpu.memory_space<semaphore_mem>>)
      %dma_wait3A_404 = arith.constant 3 : i32
      %dma_wait3A_405 = arith.constant 1 : i32
      %dma_wait3A_406 = arith.constant 0 : i32
      %dma_wait3A_407 = arith.constant 0 : i32
      %dma_wait3A_408 = arith.constant 0 : i32
      %dma_wait3A_409 = tpu.memref_slice %arg6[%rem3A_72, %dma_wait3A_406, %dma_wait3A_407, %dma_wait3A_408] : memref<2x8x2x128xi32, #tpu.memory_space<vmem>> -> memref<1x8x2x128xi32, #tpu.memory_space<vmem>>
      %dma_wait3A_410 = tpu.memref_squeeze %dma_wait3A_409 : memref<1x8x2x128xi32, #tpu.memory_space<vmem>> -> memref<8x2x128xi32, #tpu.memory_space<vmem>>
      %dma_wait3A_411 = arith.constant 0 : i32
      %dma_wait3A_412 = arith.constant 0 : i32
      %dma_wait3A_413 = tpu.memref_slice %dma_wait3A_410[%dma_wait3A_404, %dma_wait3A_411, %dma_wait3A_412] : memref<8x2x128xi32, #tpu.memory_space<vmem>> -> memref<1x2x128xi32, #tpu.memory_space<vmem>>
      %dma_wait3A_414 = tpu.memref_squeeze %dma_wait3A_413 : memref<1x2x128xi32, #tpu.memory_space<vmem>> -> memref<2x128xi32, #tpu.memory_space<vmem>>
      %dma_wait3A_415 = arith.constant 0 : i32
      %dma_wait3A_416 = tpu.memref_slice %dma_wait3A_414[%dma_wait3A_405, %dma_wait3A_415] : memref<2x128xi32, #tpu.memory_space<vmem>> -> memref<1x128xi32, #tpu.memory_space<vmem>>
      %dma_wait3A_417 = tpu.memref_squeeze %dma_wait3A_416 : memref<1x128xi32, #tpu.memory_space<vmem>> -> memref<128xi32, #tpu.memory_space<vmem>>
      %dma_wait3A_418 = arith.constant 0 : i32
      %dma_wait3A_419 = arith.constant 0 : i32
      %dma_wait3A_420 = tpu.memref_slice %arg9[%dma_wait3A_418, %dma_wait3A_419] : memref<10240x128xf32, #tpu.memory_space<vmem_shared>> -> memref<10240x128xf32, #tpu.memory_space<vmem_shared>>
      tpu.wait_indirect_dma semaphore(%arg13 : memref<!tpu.dma_semaphore, #tpu.memory_space<semaphore_mem>>) src(%arg8 : memref<128x128xf32, #tpu.memory_space<vmem>>) dst(%dma_wait3A_420 : memref<10240x128xf32, #tpu.memory_space<vmem_shared>>)
      %dma_start3A_421 = arith.constant 5 : i32
      %dma_start3A_422 = arith.constant 0 : i32
      %dma_start3A_423 = arith.constant 0 : i32
      %dma_start3A_424 = arith.constant 0 : i32
      %dma_start3A_425 = arith.constant 0 : i32
      %dma_start3A_426 = tpu.memref_slice %arg6[%rem3A_72, %dma_start3A_423, %dma_start3A_424, %dma_start3A_425] : memref<2x8x2x128xi32, #tpu.memory_space<vmem>> -> memref<1x8x2x128xi32, #tpu.memory_space<vmem>>
      %dma_start3A_427 = tpu.memref_squeeze %dma_start3A_426 : memref<1x8x2x128xi32, #tpu.memory_space<vmem>> -> memref<8x2x128xi32, #tpu.memory_space<vmem>>
      %dma_start3A_428 = arith.constant 0 : i32
      %dma_start3A_429 = arith.constant 0 : i32
      %dma_start3A_430 = tpu.memref_slice %dma_start3A_427[%dma_start3A_421, %dma_start3A_428, %dma_start3A_429] : memref<8x2x128xi32, #tpu.memory_space<vmem>> -> memref<1x2x128xi32, #tpu.memory_space<vmem>>
      %dma_start3A_431 = tpu.memref_squeeze %dma_start3A_430 : memref<1x2x128xi32, #tpu.memory_space<vmem>> -> memref<2x128xi32, #tpu.memory_space<vmem>>
      %dma_start3A_432 = arith.constant 0 : i32
      %dma_start3A_433 = tpu.memref_slice %dma_start3A_431[%dma_start3A_422, %dma_start3A_432] : memref<2x128xi32, #tpu.memory_space<vmem>> -> memref<1x128xi32, #tpu.memory_space<vmem>>
      %dma_start3A_434 = tpu.memref_squeeze %dma_start3A_433 : memref<1x128xi32, #tpu.memory_space<vmem>> -> memref<128xi32, #tpu.memory_space<vmem>>
      %dma_start3A_435 = arith.constant 0 : i32
      %dma_start3A_436 = arith.constant 0 : i32
      %dma_start3A_437 = tpu.memref_slice %arg2[%dma_start3A_435, %dma_start3A_436] : memref<10240x128xf32, #tpu.memory_space<hbm>> -> memref<10240x128xf32, #tpu.memory_space<hbm>>
      tpu.enqueue_indirect_dma source(%dma_start3A_437 : memref<10240x128xf32, #tpu.memory_space<hbm>>) target(%arg8 : memref<128x128xf32, #tpu.memory_space<vmem>>) offsets(%dma_start3A_434 : memref<128xi32, #tpu.memory_space<vmem>>) semaphore(%arg11 : memref<!tpu.dma_semaphore, #tpu.memory_space<semaphore_mem>>)
      %dma_wait3A_438 = arith.constant 4 : i32
      %dma_wait3A_439 = arith.constant 0 : i32
      %dma_wait3A_440 = arith.constant 0 : i32
      %dma_wait3A_441 = arith.constant 0 : i32
      %dma_wait3A_442 = arith.constant 0 : i32
      %dma_wait3A_443 = tpu.memref_slice %arg6[%rem3A_72, %dma_wait3A_440, %dma_wait3A_441, %dma_wait3A_442] : memref<2x8x2x128xi32, #tpu.memory_space<vmem>> -> memref<1x8x2x128xi32, #tpu.memory_space<vmem>>
      %dma_wait3A_444 = tpu.memref_squeeze %dma_wait3A_443 : memref<1x8x2x128xi32, #tpu.memory_space<vmem>> -> memref<8x2x128xi32, #tpu.memory_space<vmem>>
      %dma_wait3A_445 = arith.constant 0 : i32
      %dma_wait3A_446 = arith.constant 0 : i32
      %dma_wait3A_447 = tpu.memref_slice %dma_wait3A_444[%dma_wait3A_438, %dma_wait3A_445, %dma_wait3A_446] : memref<8x2x128xi32, #tpu.memory_space<vmem>> -> memref<1x2x128xi32, #tpu.memory_space<vmem>>
      %dma_wait3A_448 = tpu.memref_squeeze %dma_wait3A_447 : memref<1x2x128xi32, #tpu.memory_space<vmem>> -> memref<2x128xi32, #tpu.memory_space<vmem>>
      %dma_wait3A_449 = arith.constant 0 : i32
      %dma_wait3A_450 = tpu.memref_slice %dma_wait3A_448[%dma_wait3A_439, %dma_wait3A_449] : memref<2x128xi32, #tpu.memory_space<vmem>> -> memref<1x128xi32, #tpu.memory_space<vmem>>
      %dma_wait3A_451 = tpu.memref_squeeze %dma_wait3A_450 : memref<1x128xi32, #tpu.memory_space<vmem>> -> memref<128xi32, #tpu.memory_space<vmem>>
      %dma_wait3A_452 = arith.constant 0 : i32
      %dma_wait3A_453 = arith.constant 0 : i32
      %dma_wait3A_454 = tpu.memref_slice %arg2[%dma_wait3A_452, %dma_wait3A_453] : memref<10240x128xf32, #tpu.memory_space<hbm>> -> memref<10240x128xf32, #tpu.memory_space<hbm>>
      tpu.wait_indirect_dma semaphore(%arg10 : memref<!tpu.dma_semaphore, #tpu.memory_space<semaphore_mem>>) src(%dma_wait3A_454 : memref<10240x128xf32, #tpu.memory_space<hbm>>) dst(%arg7 : memref<128x128xf32, #tpu.memory_space<vmem>>)
      %dma_start3A_455 = arith.constant 4 : i32
      %dma_start3A_456 = arith.constant 1 : i32
      %dma_start3A_457 = arith.constant 0 : i32
      %dma_start3A_458 = arith.constant 0 : i32
      %dma_start3A_459 = arith.constant 0 : i32
      %dma_start3A_460 = tpu.memref_slice %arg6[%rem3A_72, %dma_start3A_457, %dma_start3A_458, %dma_start3A_459] : memref<2x8x2x128xi32, #tpu.memory_space<vmem>> -> memref<1x8x2x128xi32, #tpu.memory_space<vmem>>
      %dma_start3A_461 = tpu.memref_squeeze %dma_start3A_460 : memref<1x8x2x128xi32, #tpu.memory_space<vmem>> -> memref<8x2x128xi32, #tpu.memory_space<vmem>>
      %dma_start3A_462 = arith.constant 0 : i32
      %dma_start3A_463 = arith.constant 0 : i32
      %dma_start3A_464 = tpu.memref_slice %dma_start3A_461[%dma_start3A_455, %dma_start3A_462, %dma_start3A_463] : memref<8x2x128xi32, #tpu.memory_space<vmem>> -> memref<1x2x128xi32, #tpu.memory_space<vmem>>
      %dma_start3A_465 = tpu.memref_squeeze %dma_start3A_464 : memref<1x2x128xi32, #tpu.memory_space<vmem>> -> memref<2x128xi32, #tpu.memory_space<vmem>>
      %dma_start3A_466 = arith.constant 0 : i32
      %dma_start3A_467 = tpu.memref_slice %dma_start3A_465[%dma_start3A_456, %dma_start3A_466] : memref<2x128xi32, #tpu.memory_space<vmem>> -> memref<1x128xi32, #tpu.memory_space<vmem>>
      %dma_start3A_468 = tpu.memref_squeeze %dma_start3A_467 : memref<1x128xi32, #tpu.memory_space<vmem>> -> memref<128xi32, #tpu.memory_space<vmem>>
      %dma_start3A_469 = arith.constant 0 : i32
      %dma_start3A_470 = arith.constant 0 : i32
      %dma_start3A_471 = tpu.memref_slice %arg9[%dma_start3A_469, %dma_start3A_470] : memref<10240x128xf32, #tpu.memory_space<vmem_shared>> -> memref<10240x128xf32, #tpu.memory_space<vmem_shared>>
      tpu.enqueue_indirect_dma source(%arg7 : memref<128x128xf32, #tpu.memory_space<vmem>>) target(%dma_start3A_471 : memref<10240x128xf32, #tpu.memory_space<vmem_shared>>) offsets(%dma_start3A_468 : memref<128xi32, #tpu.memory_space<vmem>>) semaphore(%arg12 : memref<!tpu.dma_semaphore, #tpu.memory_space<semaphore_mem>>) {add = true}
      %dma_wait3A_472 = arith.constant 5 : i32
      %dma_wait3A_473 = arith.constant 0 : i32
      %dma_wait3A_474 = arith.constant 0 : i32
      %dma_wait3A_475 = arith.constant 0 : i32
      %dma_wait3A_476 = arith.constant 0 : i32
      %dma_wait3A_477 = tpu.memref_slice %arg6[%rem3A_72, %dma_wait3A_474, %dma_wait3A_475, %dma_wait3A_476] : memref<2x8x2x128xi32, #tpu.memory_space<vmem>> -> memref<1x8x2x128xi32, #tpu.memory_space<vmem>>
      %dma_wait3A_478 = tpu.memref_squeeze %dma_wait3A_477 : memref<1x8x2x128xi32, #tpu.memory_space<vmem>> -> memref<8x2x128xi32, #tpu.memory_space<vmem>>
      %dma_wait3A_479 = arith.constant 0 : i32
      %dma_wait3A_480 = arith.constant 0 : i32
      %dma_wait3A_481 = tpu.memref_slice %dma_wait3A_478[%dma_wait3A_472, %dma_wait3A_479, %dma_wait3A_480] : memref<8x2x128xi32, #tpu.memory_space<vmem>> -> memref<1x2x128xi32, #tpu.memory_space<vmem>>
      %dma_wait3A_482 = tpu.memref_squeeze %dma_wait3A_481 : memref<1x2x128xi32, #tpu.memory_space<vmem>> -> memref<2x128xi32, #tpu.memory_space<vmem>>
      %dma_wait3A_483 = arith.constant 0 : i32
      %dma_wait3A_484 = tpu.memref_slice %dma_wait3A_482[%dma_wait3A_473, %dma_wait3A_483] : memref<2x128xi32, #tpu.memory_space<vmem>> -> memref<1x128xi32, #tpu.memory_space<vmem>>
      %dma_wait3A_485 = tpu.memref_squeeze %dma_wait3A_484 : memref<1x128xi32, #tpu.memory_space<vmem>> -> memref<128xi32, #tpu.memory_space<vmem>>
      %dma_wait3A_486 = arith.constant 0 : i32
      %dma_wait3A_487 = arith.constant 0 : i32
      %dma_wait3A_488 = tpu.memref_slice %arg2[%dma_wait3A_486, %dma_wait3A_487] : memref<10240x128xf32, #tpu.memory_space<hbm>> -> memref<10240x128xf32, #tpu.memory_space<hbm>>
      tpu.wait_indirect_dma semaphore(%arg11 : memref<!tpu.dma_semaphore, #tpu.memory_space<semaphore_mem>>) src(%dma_wait3A_488 : memref<10240x128xf32, #tpu.memory_space<hbm>>) dst(%arg8 : memref<128x128xf32, #tpu.memory_space<vmem>>)
      %dma_start3A_489 = arith.constant 5 : i32
      %dma_start3A_490 = arith.constant 1 : i32
      %dma_start3A_491 = arith.constant 0 : i32
      %dma_start3A_492 = arith.constant 0 : i32
      %dma_start3A_493 = arith.constant 0 : i32
      %dma_start3A_494 = tpu.memref_slice %arg6[%rem3A_72, %dma_start3A_491, %dma_start3A_492, %dma_start3A_493] : memref<2x8x2x128xi32, #tpu.memory_space<vmem>> -> memref<1x8x2x128xi32, #tpu.memory_space<vmem>>
      %dma_start3A_495 = tpu.memref_squeeze %dma_start3A_494 : memref<1x8x2x128xi32, #tpu.memory_space<vmem>> -> memref<8x2x128xi32, #tpu.memory_space<vmem>>
      %dma_start3A_496 = arith.constant 0 : i32
      %dma_start3A_497 = arith.constant 0 : i32
      %dma_start3A_498 = tpu.memref_slice %dma_start3A_495[%dma_start3A_489, %dma_start3A_496, %dma_start3A_497] : memref<8x2x128xi32, #tpu.memory_space<vmem>> -> memref<1x2x128xi32, #tpu.memory_space<vmem>>
      %dma_start3A_499 = tpu.memref_squeeze %dma_start3A_498 : memref<1x2x128xi32, #tpu.memory_space<vmem>> -> memref<2x128xi32, #tpu.memory_space<vmem>>
      %dma_start3A_500 = arith.constant 0 : i32
      %dma_start3A_501 = tpu.memref_slice %dma_start3A_499[%dma_start3A_490, %dma_start3A_500] : memref<2x128xi32, #tpu.memory_space<vmem>> -> memref<1x128xi32, #tpu.memory_space<vmem>>
      %dma_start3A_502 = tpu.memref_squeeze %dma_start3A_501 : memref<1x128xi32, #tpu.memory_space<vmem>> -> memref<128xi32, #tpu.memory_space<vmem>>
      %dma_start3A_503 = arith.constant 0 : i32
      %dma_start3A_504 = arith.constant 0 : i32
      %dma_start3A_505 = tpu.memref_slice %arg9[%dma_start3A_503, %dma_start3A_504] : memref<10240x128xf32, #tpu.memory_space<vmem_shared>> -> memref<10240x128xf32, #tpu.memory_space<vmem_shared>>
      tpu.enqueue_indirect_dma source(%arg8 : memref<128x128xf32, #tpu.memory_space<vmem>>) target(%dma_start3A_505 : memref<10240x128xf32, #tpu.memory_space<vmem_shared>>) offsets(%dma_start3A_502 : memref<128xi32, #tpu.memory_space<vmem>>) semaphore(%arg13 : memref<!tpu.dma_semaphore, #tpu.memory_space<semaphore_mem>>) {add = true}
      %dma_wait3A_506 = arith.constant 4 : i32
      %dma_wait3A_507 = arith.constant 1 : i32
      %dma_wait3A_508 = arith.constant 0 : i32
      %dma_wait3A_509 = arith.constant 0 : i32
      %dma_wait3A_510 = arith.constant 0 : i32
      %dma_wait3A_511 = tpu.memref_slice %arg6[%rem3A_72, %dma_wait3A_508, %dma_wait3A_509, %dma_wait3A_510] : memref<2x8x2x128xi32, #tpu.memory_space<vmem>> -> memref<1x8x2x128xi32, #tpu.memory_space<vmem>>
      %dma_wait3A_512 = tpu.memref_squeeze %dma_wait3A_511 : memref<1x8x2x128xi32, #tpu.memory_space<vmem>> -> memref<8x2x128xi32, #tpu.memory_space<vmem>>
      %dma_wait3A_513 = arith.constant 0 : i32
      %dma_wait3A_514 = arith.constant 0 : i32
      %dma_wait3A_515 = tpu.memref_slice %dma_wait3A_512[%dma_wait3A_506, %dma_wait3A_513, %dma_wait3A_514] : memref<8x2x128xi32, #tpu.memory_space<vmem>> -> memref<1x2x128xi32, #tpu.memory_space<vmem>>
      %dma_wait3A_516 = tpu.memref_squeeze %dma_wait3A_515 : memref<1x2x128xi32, #tpu.memory_space<vmem>> -> memref<2x128xi32, #tpu.memory_space<vmem>>
      %dma_wait3A_517 = arith.constant 0 : i32
      %dma_wait3A_518 = tpu.memref_slice %dma_wait3A_516[%dma_wait3A_507, %dma_wait3A_517] : memref<2x128xi32, #tpu.memory_space<vmem>> -> memref<1x128xi32, #tpu.memory_space<vmem>>
      %dma_wait3A_519 = tpu.memref_squeeze %dma_wait3A_518 : memref<1x128xi32, #tpu.memory_space<vmem>> -> memref<128xi32, #tpu.memory_space<vmem>>
      %dma_wait3A_520 = arith.constant 0 : i32
      %dma_wait3A_521 = arith.constant 0 : i32
      %dma_wait3A_522 = tpu.memref_slice %arg9[%dma_wait3A_520, %dma_wait3A_521] : memref<10240x128xf32, #tpu.memory_space<vmem_shared>> -> memref<10240x128xf32, #tpu.memory_space<vmem_shared>>
      tpu.wait_indirect_dma semaphore(%arg12 : memref<!tpu.dma_semaphore, #tpu.memory_space<semaphore_mem>>) src(%arg7 : memref<128x128xf32, #tpu.memory_space<vmem>>) dst(%dma_wait3A_522 : memref<10240x128xf32, #tpu.memory_space<vmem_shared>>)
      %dma_start3A_523 = arith.constant 6 : i32
      %dma_start3A_524 = arith.constant 0 : i32
      %dma_start3A_525 = arith.constant 0 : i32
      %dma_start3A_526 = arith.constant 0 : i32
      %dma_start3A_527 = arith.constant 0 : i32
      %dma_start3A_528 = tpu.memref_slice %arg6[%rem3A_72, %dma_start3A_525, %dma_start3A_526, %dma_start3A_527] : memref<2x8x2x128xi32, #tpu.memory_space<vmem>> -> memref<1x8x2x128xi32, #tpu.memory_space<vmem>>
      %dma_start3A_529 = tpu.memref_squeeze %dma_start3A_528 : memref<1x8x2x128xi32, #tpu.memory_space<vmem>> -> memref<8x2x128xi32, #tpu.memory_space<vmem>>
      %dma_start3A_530 = arith.constant 0 : i32
      %dma_start3A_531 = arith.constant 0 : i32
      %dma_start3A_532 = tpu.memref_slice %dma_start3A_529[%dma_start3A_523, %dma_start3A_530, %dma_start3A_531] : memref<8x2x128xi32, #tpu.memory_space<vmem>> -> memref<1x2x128xi32, #tpu.memory_space<vmem>>
      %dma_start3A_533 = tpu.memref_squeeze %dma_start3A_532 : memref<1x2x128xi32, #tpu.memory_space<vmem>> -> memref<2x128xi32, #tpu.memory_space<vmem>>
      %dma_start3A_534 = arith.constant 0 : i32
      %dma_start3A_535 = tpu.memref_slice %dma_start3A_533[%dma_start3A_524, %dma_start3A_534] : memref<2x128xi32, #tpu.memory_space<vmem>> -> memref<1x128xi32, #tpu.memory_space<vmem>>
      %dma_start3A_536 = tpu.memref_squeeze %dma_start3A_535 : memref<1x128xi32, #tpu.memory_space<vmem>> -> memref<128xi32, #tpu.memory_space<vmem>>
      %dma_start3A_537 = arith.constant 0 : i32
      %dma_start3A_538 = arith.constant 0 : i32
      %dma_start3A_539 = tpu.memref_slice %arg2[%dma_start3A_537, %dma_start3A_538] : memref<10240x128xf32, #tpu.memory_space<hbm>> -> memref<10240x128xf32, #tpu.memory_space<hbm>>
      tpu.enqueue_indirect_dma source(%dma_start3A_539 : memref<10240x128xf32, #tpu.memory_space<hbm>>) target(%arg7 : memref<128x128xf32, #tpu.memory_space<vmem>>) offsets(%dma_start3A_536 : memref<128xi32, #tpu.memory_space<vmem>>) semaphore(%arg10 : memref<!tpu.dma_semaphore, #tpu.memory_space<semaphore_mem>>)
      %dma_wait3A_540 = arith.constant 5 : i32
      %dma_wait3A_541 = arith.constant 1 : i32
      %dma_wait3A_542 = arith.constant 0 : i32
      %dma_wait3A_543 = arith.constant 0 : i32
      %dma_wait3A_544 = arith.constant 0 : i32
      %dma_wait3A_545 = tpu.memref_slice %arg6[%rem3A_72, %dma_wait3A_542, %dma_wait3A_543, %dma_wait3A_544] : memref<2x8x2x128xi32, #tpu.memory_space<vmem>> -> memref<1x8x2x128xi32, #tpu.memory_space<vmem>>
      %dma_wait3A_546 = tpu.memref_squeeze %dma_wait3A_545 : memref<1x8x2x128xi32, #tpu.memory_space<vmem>> -> memref<8x2x128xi32, #tpu.memory_space<vmem>>
      %dma_wait3A_547 = arith.constant 0 : i32
      %dma_wait3A_548 = arith.constant 0 : i32
      %dma_wait3A_549 = tpu.memref_slice %dma_wait3A_546[%dma_wait3A_540, %dma_wait3A_547, %dma_wait3A_548] : memref<8x2x128xi32, #tpu.memory_space<vmem>> -> memref<1x2x128xi32, #tpu.memory_space<vmem>>
      %dma_wait3A_550 = tpu.memref_squeeze %dma_wait3A_549 : memref<1x2x128xi32, #tpu.memory_space<vmem>> -> memref<2x128xi32, #tpu.memory_space<vmem>>
      %dma_wait3A_551 = arith.constant 0 : i32
      %dma_wait3A_552 = tpu.memref_slice %dma_wait3A_550[%dma_wait3A_541, %dma_wait3A_551] : memref<2x128xi32, #tpu.memory_space<vmem>> -> memref<1x128xi32, #tpu.memory_space<vmem>>
      %dma_wait3A_553 = tpu.memref_squeeze %dma_wait3A_552 : memref<1x128xi32, #tpu.memory_space<vmem>> -> memref<128xi32, #tpu.memory_space<vmem>>
      %dma_wait3A_554 = arith.constant 0 : i32
      %dma_wait3A_555 = arith.constant 0 : i32
      %dma_wait3A_556 = tpu.memref_slice %arg9[%dma_wait3A_554, %dma_wait3A_555] : memref<10240x128xf32, #tpu.memory_space<vmem_shared>> -> memref<10240x128xf32, #tpu.memory_space<vmem_shared>>
      tpu.wait_indirect_dma semaphore(%arg13 : memref<!tpu.dma_semaphore, #tpu.memory_space<semaphore_mem>>) src(%arg8 : memref<128x128xf32, #tpu.memory_space<vmem>>) dst(%dma_wait3A_556 : memref<10240x128xf32, #tpu.memory_space<vmem_shared>>)
      %dma_start3A_557 = arith.constant 7 : i32
      %dma_start3A_558 = arith.constant 0 : i32
      %dma_start3A_559 = arith.constant 0 : i32
      %dma_start3A_560 = arith.constant 0 : i32
      %dma_start3A_561 = arith.constant 0 : i32
      %dma_start3A_562 = tpu.memref_slice %arg6[%rem3A_72, %dma_start3A_559, %dma_start3A_560, %dma_start3A_561] : memref<2x8x2x128xi32, #tpu.memory_space<vmem>> -> memref<1x8x2x128xi32, #tpu.memory_space<vmem>>
      %dma_start3A_563 = tpu.memref_squeeze %dma_start3A_562 : memref<1x8x2x128xi32, #tpu.memory_space<vmem>> -> memref<8x2x128xi32, #tpu.memory_space<vmem>>
      %dma_start3A_564 = arith.constant 0 : i32
      %dma_start3A_565 = arith.constant 0 : i32
      %dma_start3A_566 = tpu.memref_slice %dma_start3A_563[%dma_start3A_557, %dma_start3A_564, %dma_start3A_565] : memref<8x2x128xi32, #tpu.memory_space<vmem>> -> memref<1x2x128xi32, #tpu.memory_space<vmem>>
      %dma_start3A_567 = tpu.memref_squeeze %dma_start3A_566 : memref<1x2x128xi32, #tpu.memory_space<vmem>> -> memref<2x128xi32, #tpu.memory_space<vmem>>
      %dma_start3A_568 = arith.constant 0 : i32
      %dma_start3A_569 = tpu.memref_slice %dma_start3A_567[%dma_start3A_558, %dma_start3A_568] : memref<2x128xi32, #tpu.memory_space<vmem>> -> memref<1x128xi32, #tpu.memory_space<vmem>>
      %dma_start3A_570 = tpu.memref_squeeze %dma_start3A_569 : memref<1x128xi32, #tpu.memory_space<vmem>> -> memref<128xi32, #tpu.memory_space<vmem>>
      %dma_start3A_571 = arith.constant 0 : i32
      %dma_start3A_572 = arith.constant 0 : i32
      %dma_start3A_573 = tpu.memref_slice %arg2[%dma_start3A_571, %dma_start3A_572] : memref<10240x128xf32, #tpu.memory_space<hbm>> -> memref<10240x128xf32, #tpu.memory_space<hbm>>
      tpu.enqueue_indirect_dma source(%dma_start3A_573 : memref<10240x128xf32, #tpu.memory_space<hbm>>) target(%arg8 : memref<128x128xf32, #tpu.memory_space<vmem>>) offsets(%dma_start3A_570 : memref<128xi32, #tpu.memory_space<vmem>>) semaphore(%arg11 : memref<!tpu.dma_semaphore, #tpu.memory_space<semaphore_mem>>)
      %dma_wait3A_574 = arith.constant 6 : i32
      %dma_wait3A_575 = arith.constant 0 : i32
      %dma_wait3A_576 = arith.constant 0 : i32
      %dma_wait3A_577 = arith.constant 0 : i32
      %dma_wait3A_578 = arith.constant 0 : i32
      %dma_wait3A_579 = tpu.memref_slice %arg6[%rem3A_72, %dma_wait3A_576, %dma_wait3A_577, %dma_wait3A_578] : memref<2x8x2x128xi32, #tpu.memory_space<vmem>> -> memref<1x8x2x128xi32, #tpu.memory_space<vmem>>
      %dma_wait3A_580 = tpu.memref_squeeze %dma_wait3A_579 : memref<1x8x2x128xi32, #tpu.memory_space<vmem>> -> memref<8x2x128xi32, #tpu.memory_space<vmem>>
      %dma_wait3A_581 = arith.constant 0 : i32
      %dma_wait3A_582 = arith.constant 0 : i32
      %dma_wait3A_583 = tpu.memref_slice %dma_wait3A_580[%dma_wait3A_574, %dma_wait3A_581, %dma_wait3A_582] : memref<8x2x128xi32, #tpu.memory_space<vmem>> -> memref<1x2x128xi32, #tpu.memory_space<vmem>>
      %dma_wait3A_584 = tpu.memref_squeeze %dma_wait3A_583 : memref<1x2x128xi32, #tpu.memory_space<vmem>> -> memref<2x128xi32, #tpu.memory_space<vmem>>
      %dma_wait3A_585 = arith.constant 0 : i32
      %dma_wait3A_586 = tpu.memref_slice %dma_wait3A_584[%dma_wait3A_575, %dma_wait3A_585] : memref<2x128xi32, #tpu.memory_space<vmem>> -> memref<1x128xi32, #tpu.memory_space<vmem>>
      %dma_wait3A_587 = tpu.memref_squeeze %dma_wait3A_586 : memref<1x128xi32, #tpu.memory_space<vmem>> -> memref<128xi32, #tpu.memory_space<vmem>>
      %dma_wait3A_588 = arith.constant 0 : i32
      %dma_wait3A_589 = arith.constant 0 : i32
      %dma_wait3A_590 = tpu.memref_slice %arg2[%dma_wait3A_588, %dma_wait3A_589] : memref<10240x128xf32, #tpu.memory_space<hbm>> -> memref<10240x128xf32, #tpu.memory_space<hbm>>
      tpu.wait_indirect_dma semaphore(%arg10 : memref<!tpu.dma_semaphore, #tpu.memory_space<semaphore_mem>>) src(%dma_wait3A_590 : memref<10240x128xf32, #tpu.memory_space<hbm>>) dst(%arg7 : memref<128x128xf32, #tpu.memory_space<vmem>>)
      %dma_start3A_591 = arith.constant 6 : i32
      %dma_start3A_592 = arith.constant 1 : i32
      %dma_start3A_593 = arith.constant 0 : i32
      %dma_start3A_594 = arith.constant 0 : i32
      %dma_start3A_595 = arith.constant 0 : i32
      %dma_start3A_596 = tpu.memref_slice %arg6[%rem3A_72, %dma_start3A_593, %dma_start3A_594, %dma_start3A_595] : memref<2x8x2x128xi32, #tpu.memory_space<vmem>> -> memref<1x8x2x128xi32, #tpu.memory_space<vmem>>
      %dma_start3A_597 = tpu.memref_squeeze %dma_start3A_596 : memref<1x8x2x128xi32, #tpu.memory_space<vmem>> -> memref<8x2x128xi32, #tpu.memory_space<vmem>>
      %dma_start3A_598 = arith.constant 0 : i32
      %dma_start3A_599 = arith.constant 0 : i32
      %dma_start3A_600 = tpu.memref_slice %dma_start3A_597[%dma_start3A_591, %dma_start3A_598, %dma_start3A_599] : memref<8x2x128xi32, #tpu.memory_space<vmem>> -> memref<1x2x128xi32, #tpu.memory_space<vmem>>
      %dma_start3A_601 = tpu.memref_squeeze %dma_start3A_600 : memref<1x2x128xi32, #tpu.memory_space<vmem>> -> memref<2x128xi32, #tpu.memory_space<vmem>>
      %dma_start3A_602 = arith.constant 0 : i32
      %dma_start3A_603 = tpu.memref_slice %dma_start3A_601[%dma_start3A_592, %dma_start3A_602] : memref<2x128xi32, #tpu.memory_space<vmem>> -> memref<1x128xi32, #tpu.memory_space<vmem>>
      %dma_start3A_604 = tpu.memref_squeeze %dma_start3A_603 : memref<1x128xi32, #tpu.memory_space<vmem>> -> memref<128xi32, #tpu.memory_space<vmem>>
      %dma_start3A_605 = arith.constant 0 : i32
      %dma_start3A_606 = arith.constant 0 : i32
      %dma_start3A_607 = tpu.memref_slice %arg9[%dma_start3A_605, %dma_start3A_606] : memref<10240x128xf32, #tpu.memory_space<vmem_shared>> -> memref<10240x128xf32, #tpu.memory_space<vmem_shared>>
      tpu.enqueue_indirect_dma source(%arg7 : memref<128x128xf32, #tpu.memory_space<vmem>>) target(%dma_start3A_607 : memref<10240x128xf32, #tpu.memory_space<vmem_shared>>) offsets(%dma_start3A_604 : memref<128xi32, #tpu.memory_space<vmem>>) semaphore(%arg12 : memref<!tpu.dma_semaphore, #tpu.memory_space<semaphore_mem>>) {add = true}
      %dma_wait3A_608 = arith.constant 7 : i32
      %dma_wait3A_609 = arith.constant 0 : i32
      %dma_wait3A_610 = arith.constant 0 : i32
      %dma_wait3A_611 = arith.constant 0 : i32
      %dma_wait3A_612 = arith.constant 0 : i32
      %dma_wait3A_613 = tpu.memref_slice %arg6[%rem3A_72, %dma_wait3A_610, %dma_wait3A_611, %dma_wait3A_612] : memref<2x8x2x128xi32, #tpu.memory_space<vmem>> -> memref<1x8x2x128xi32, #tpu.memory_space<vmem>>
      %dma_wait3A_614 = tpu.memref_squeeze %dma_wait3A_613 : memref<1x8x2x128xi32, #tpu.memory_space<vmem>> -> memref<8x2x128xi32, #tpu.memory_space<vmem>>
      %dma_wait3A_615 = arith.constant 0 : i32
      %dma_wait3A_616 = arith.constant 0 : i32
      %dma_wait3A_617 = tpu.memref_slice %dma_wait3A_614[%dma_wait3A_608, %dma_wait3A_615, %dma_wait3A_616] : memref<8x2x128xi32, #tpu.memory_space<vmem>> -> memref<1x2x128xi32, #tpu.memory_space<vmem>>
      %dma_wait3A_618 = tpu.memref_squeeze %dma_wait3A_617 : memref<1x2x128xi32, #tpu.memory_space<vmem>> -> memref<2x128xi32, #tpu.memory_space<vmem>>
      %dma_wait3A_619 = arith.constant 0 : i32
      %dma_wait3A_620 = tpu.memref_slice %dma_wait3A_618[%dma_wait3A_609, %dma_wait3A_619] : memref<2x128xi32, #tpu.memory_space<vmem>> -> memref<1x128xi32, #tpu.memory_space<vmem>>
      %dma_wait3A_621 = tpu.memref_squeeze %dma_wait3A_620 : memref<1x128xi32, #tpu.memory_space<vmem>> -> memref<128xi32, #tpu.memory_space<vmem>>
      %dma_wait3A_622 = arith.constant 0 : i32
      %dma_wait3A_623 = arith.constant 0 : i32
      %dma_wait3A_624 = tpu.memref_slice %arg2[%dma_wait3A_622, %dma_wait3A_623] : memref<10240x128xf32, #tpu.memory_space<hbm>> -> memref<10240x128xf32, #tpu.memory_space<hbm>>
      tpu.wait_indirect_dma semaphore(%arg11 : memref<!tpu.dma_semaphore, #tpu.memory_space<semaphore_mem>>) src(%dma_wait3A_624 : memref<10240x128xf32, #tpu.memory_space<hbm>>) dst(%arg8 : memref<128x128xf32, #tpu.memory_space<vmem>>)
      %dma_start3A_625 = arith.constant 7 : i32
      %dma_start3A_626 = arith.constant 1 : i32
      %dma_start3A_627 = arith.constant 0 : i32
      %dma_start3A_628 = arith.constant 0 : i32
      %dma_start3A_629 = arith.constant 0 : i32
      %dma_start3A_630 = tpu.memref_slice %arg6[%rem3A_72, %dma_start3A_627, %dma_start3A_628, %dma_start3A_629] : memref<2x8x2x128xi32, #tpu.memory_space<vmem>> -> memref<1x8x2x128xi32, #tpu.memory_space<vmem>>
      %dma_start3A_631 = tpu.memref_squeeze %dma_start3A_630 : memref<1x8x2x128xi32, #tpu.memory_space<vmem>> -> memref<8x2x128xi32, #tpu.memory_space<vmem>>
      %dma_start3A_632 = arith.constant 0 : i32
      %dma_start3A_633 = arith.constant 0 : i32
      %dma_start3A_634 = tpu.memref_slice %dma_start3A_631[%dma_start3A_625, %dma_start3A_632, %dma_start3A_633] : memref<8x2x128xi32, #tpu.memory_space<vmem>> -> memref<1x2x128xi32, #tpu.memory_space<vmem>>
      %dma_start3A_635 = tpu.memref_squeeze %dma_start3A_634 : memref<1x2x128xi32, #tpu.memory_space<vmem>> -> memref<2x128xi32, #tpu.memory_space<vmem>>
      %dma_start3A_636 = arith.constant 0 : i32
      %dma_start3A_637 = tpu.memref_slice %dma_start3A_635[%dma_start3A_626, %dma_start3A_636] : memref<2x128xi32, #tpu.memory_space<vmem>> -> memref<1x128xi32, #tpu.memory_space<vmem>>
      %dma_start3A_638 = tpu.memref_squeeze %dma_start3A_637 : memref<1x128xi32, #tpu.memory_space<vmem>> -> memref<128xi32, #tpu.memory_space<vmem>>
      %dma_start3A_639 = arith.constant 0 : i32
      %dma_start3A_640 = arith.constant 0 : i32
      %dma_start3A_641 = tpu.memref_slice %arg9[%dma_start3A_639, %dma_start3A_640] : memref<10240x128xf32, #tpu.memory_space<vmem_shared>> -> memref<10240x128xf32, #tpu.memory_space<vmem_shared>>
      tpu.enqueue_indirect_dma source(%arg8 : memref<128x128xf32, #tpu.memory_space<vmem>>) target(%dma_start3A_641 : memref<10240x128xf32, #tpu.memory_space<vmem_shared>>) offsets(%dma_start3A_638 : memref<128xi32, #tpu.memory_space<vmem>>) semaphore(%arg13 : memref<!tpu.dma_semaphore, #tpu.memory_space<semaphore_mem>>) {add = true}
      %dma_wait3A_642 = arith.constant 6 : i32
      %dma_wait3A_643 = arith.constant 1 : i32
      %dma_wait3A_644 = arith.constant 0 : i32
      %dma_wait3A_645 = arith.constant 0 : i32
      %dma_wait3A_646 = arith.constant 0 : i32
      %dma_wait3A_647 = tpu.memref_slice %arg6[%rem3A_72, %dma_wait3A_644, %dma_wait3A_645, %dma_wait3A_646] : memref<2x8x2x128xi32, #tpu.memory_space<vmem>> -> memref<1x8x2x128xi32, #tpu.memory_space<vmem>>
      %dma_wait3A_648 = tpu.memref_squeeze %dma_wait3A_647 : memref<1x8x2x128xi32, #tpu.memory_space<vmem>> -> memref<8x2x128xi32, #tpu.memory_space<vmem>>
      %dma_wait3A_649 = arith.constant 0 : i32
      %dma_wait3A_650 = arith.constant 0 : i32
      %dma_wait3A_651 = tpu.memref_slice %dma_wait3A_648[%dma_wait3A_642, %dma_wait3A_649, %dma_wait3A_650] : memref<8x2x128xi32, #tpu.memory_space<vmem>> -> memref<1x2x128xi32, #tpu.memory_space<vmem>>
      %dma_wait3A_652 = tpu.memref_squeeze %dma_wait3A_651 : memref<1x2x128xi32, #tpu.memory_space<vmem>> -> memref<2x128xi32, #tpu.memory_space<vmem>>
      %dma_wait3A_653 = arith.constant 0 : i32
      %dma_wait3A_654 = tpu.memref_slice %dma_wait3A_652[%dma_wait3A_643, %dma_wait3A_653] : memref<2x128xi32, #tpu.memory_space<vmem>> -> memref<1x128xi32, #tpu.memory_space<vmem>>
      %dma_wait3A_655 = tpu.memref_squeeze %dma_wait3A_654 : memref<1x128xi32, #tpu.memory_space<vmem>> -> memref<128xi32, #tpu.memory_space<vmem>>
      %dma_wait3A_656 = arith.constant 0 : i32
      %dma_wait3A_657 = arith.constant 0 : i32
      %dma_wait3A_658 = tpu.memref_slice %arg9[%dma_wait3A_656, %dma_wait3A_657] : memref<10240x128xf32, #tpu.memory_space<vmem_shared>> -> memref<10240x128xf32, #tpu.memory_space<vmem_shared>>
      tpu.wait_indirect_dma semaphore(%arg12 : memref<!tpu.dma_semaphore, #tpu.memory_space<semaphore_mem>>) src(%arg7 : memref<128x128xf32, #tpu.memory_space<vmem>>) dst(%dma_wait3A_658 : memref<10240x128xf32, #tpu.memory_space<vmem_shared>>)
      %dma_wait3A_659 = arith.constant 7 : i32
      %dma_wait3A_660 = arith.constant 1 : i32
      %dma_wait3A_661 = arith.constant 0 : i32
      %dma_wait3A_662 = arith.constant 0 : i32
      %dma_wait3A_663 = arith.constant 0 : i32
      %dma_wait3A_664 = tpu.memref_slice %arg6[%rem3A_72, %dma_wait3A_661, %dma_wait3A_662, %dma_wait3A_663] : memref<2x8x2x128xi32, #tpu.memory_space<vmem>> -> memref<1x8x2x128xi32, #tpu.memory_space<vmem>>
      %dma_wait3A_665 = tpu.memref_squeeze %dma_wait3A_664 : memref<1x8x2x128xi32, #tpu.memory_space<vmem>> -> memref<8x2x128xi32, #tpu.memory_space<vmem>>
      %dma_wait3A_666 = arith.constant 0 : i32
      %dma_wait3A_667 = arith.constant 0 : i32
      %dma_wait3A_668 = tpu.memref_slice %dma_wait3A_665[%dma_wait3A_659, %dma_wait3A_666, %dma_wait3A_667] : memref<8x2x128xi32, #tpu.memory_space<vmem>> -> memref<1x2x128xi32, #tpu.memory_space<vmem>>
      %dma_wait3A_669 = tpu.memref_squeeze %dma_wait3A_668 : memref<1x2x128xi32, #tpu.memory_space<vmem>> -> memref<2x128xi32, #tpu.memory_space<vmem>>
      %dma_wait3A_670 = arith.constant 0 : i32
      %dma_wait3A_671 = tpu.memref_slice %dma_wait3A_669[%dma_wait3A_660, %dma_wait3A_670] : memref<2x128xi32, #tpu.memory_space<vmem>> -> memref<1x128xi32, #tpu.memory_space<vmem>>
      %dma_wait3A_672 = tpu.memref_squeeze %dma_wait3A_671 : memref<1x128xi32, #tpu.memory_space<vmem>> -> memref<128xi32, #tpu.memory_space<vmem>>
      %dma_wait3A_673 = arith.constant 0 : i32
      %dma_wait3A_674 = arith.constant 0 : i32
      %dma_wait3A_675 = tpu.memref_slice %arg9[%dma_wait3A_673, %dma_wait3A_674] : memref<10240x128xf32, #tpu.memory_space<vmem_shared>> -> memref<10240x128xf32, #tpu.memory_space<vmem_shared>>
      tpu.wait_indirect_dma semaphore(%arg13 : memref<!tpu.dma_semaphore, #tpu.memory_space<semaphore_mem>>) src(%arg8 : memref<128x128xf32, #tpu.memory_space<vmem>>) dst(%dma_wait3A_675 : memref<10240x128xf32, #tpu.memory_space<vmem_shared>>)
    }
    %scan3A_37 = arith.constant 10 : i32
    %dma_wait3A = arith.constant 0 : i32
    %dma_wait3A_38 = arith.constant 0 : i32
    %dma_wait3A_39 = arith.constant 0 : i32
    %dma_wait3A_40 = arith.constant 0 : i32
    %dma_wait3A_41 = tpu.memref_slice %arg6[%dma_wait3A, %dma_wait3A_38, %dma_wait3A_39, %dma_wait3A_40] : memref<2x8x2x128xi32, #tpu.memory_space<vmem>> -> memref<1x8x2x128xi32, #tpu.memory_space<vmem>>
    %dma_wait3A_42 = tpu.memref_squeeze %dma_wait3A_41 : memref<1x8x2x128xi32, #tpu.memory_space<vmem>> -> memref<8x2x128xi32, #tpu.memory_space<vmem>>
    %dma_wait3A_43 = arith.constant 0 : i32
    %dma_wait3A_44 = arith.constant 0 : i32
    %dma_wait3A_45 = arith.constant 0 : i32
    %dma_wait3A_46 = tpu.memref_slice %arg3[%add3A, %dma_wait3A_43, %dma_wait3A_44, %dma_wait3A_45] : memref<32x88x2x128xi32, #tpu.memory_space<hbm>> -> memref<1x88x2x128xi32, #tpu.memory_space<hbm>>
    %dma_wait3A_47 = tpu.memref_squeeze %dma_wait3A_46 : memref<1x88x2x128xi32, #tpu.memory_space<hbm>> -> memref<88x2x128xi32, #tpu.memory_space<hbm>>
    %dma_wait3A_48 = arith.constant 0 : i32
    %dma_wait3A_49 = arith.constant 0 : i32
    %dma_wait3A_50 = arith.constant 0 : i32
    %dma_wait3A_51 = tpu.memref_slice %dma_wait3A_47[%dma_wait3A_48, %dma_wait3A_49, %dma_wait3A_50] : memref<88x2x128xi32, #tpu.memory_space<hbm>> -> memref<8x2x128xi32, #tpu.memory_space<hbm>>
    %dma_wait3A_52 = arith.constant 0 : i32
    %dma_wait3A_53 = arith.constant 0 : i32
    %dma_wait3A_54 = arith.constant 0 : i32
    %dma_wait3A_55 = tpu.memref_slice %arg6[%dma_wait3A, %dma_wait3A_52, %dma_wait3A_53, %dma_wait3A_54] : memref<2x8x2x128xi32, #tpu.memory_space<vmem>> -> memref<1x8x2x128xi32, #tpu.memory_space<vmem>>
    %dma_wait3A_56 = tpu.memref_squeeze %dma_wait3A_55 : memref<1x8x2x128xi32, #tpu.memory_space<vmem>> -> memref<8x2x128xi32, #tpu.memory_space<vmem>>
    %dma_wait3A_57 = arith.constant 0 : i32
    %dma_wait3A_58 = arith.constant 0 : i32
    %dma_wait3A_59 = arith.constant 0 : i32
    %dma_wait3A_60 = tpu.memref_slice %arg3[%add3A, %dma_wait3A_57, %dma_wait3A_58, %dma_wait3A_59] : memref<32x88x2x128xi32, #tpu.memory_space<hbm>> -> memref<1x88x2x128xi32, #tpu.memory_space<hbm>>
    %dma_wait3A_61 = tpu.memref_squeeze %dma_wait3A_60 : memref<1x88x2x128xi32, #tpu.memory_space<hbm>> -> memref<88x2x128xi32, #tpu.memory_space<hbm>>
    %dma_wait3A_62 = arith.constant 0 : i32
    %dma_wait3A_63 = arith.constant 0 : i32
    %dma_wait3A_64 = arith.constant 0 : i32
    %dma_wait3A_65 = tpu.memref_slice %dma_wait3A_61[%dma_wait3A_62, %dma_wait3A_63, %dma_wait3A_64] : memref<88x2x128xi32, #tpu.memory_space<hbm>> -> memref<8x2x128xi32, #tpu.memory_space<hbm>>
    tpu.wait_dma2 semaphore(%arg14 : memref<!tpu.dma_semaphore, #tpu.memory_space<semaphore_mem>>) src(%dma_wait3A_65 : memref<8x2x128xi32, #tpu.memory_space<hbm>>) dst(%dma_wait3A_56 : memref<8x2x128xi32, #tpu.memory_space<vmem>>)
    %barrier3A_66 = arith.constant 0 : index
    tpu.barrier barrier_id(%barrier3A_66)
    %mul3A_67 = arith.constant 640 : i32
    %mul3A_68 = arith.muli %arg1, %mul3A_67 : i32
    %mul3A_69 = arith.constant 640 : i32
    %mul3A_70 = arith.muli %arg1, %mul3A_69 : i32
    "tpu.region"() ({
      %run_scoped3A = tpu.sem_alloc : memref<!tpu.dma_semaphore, #tpu.memory_space<semaphore_mem>>
      %dma_start3A_71 = arith.constant 0 : i32
      %dma_start3A_72 = arith.constant 0 : i32
      %dma_start3A_73 = tpu.memref_slice %arg5[%arg0, %dma_start3A_71, %dma_start3A_72] : memref<2x10240x128xf32, #tpu.memory_space<hbm>> -> memref<1x10240x128xf32, #tpu.memory_space<hbm>>
      %dma_start3A_74 = tpu.memref_squeeze %dma_start3A_73 : memref<1x10240x128xf32, #tpu.memory_space<hbm>> -> memref<10240x128xf32, #tpu.memory_space<hbm>>
      %dma_start3A_75 = arith.constant 0 : i32
      %dma_start3A_76 = tpu.memref_slice %dma_start3A_74[%mul3A_70, %dma_start3A_75] : memref<10240x128xf32, #tpu.memory_space<hbm>> -> memref<640x128xf32, #tpu.memory_space<hbm>>
      %dma_start3A_77 = arith.constant 0 : i32
      %dma_start3A_78 = tpu.memref_slice %arg9[%mul3A_68, %dma_start3A_77] : memref<10240x128xf32, #tpu.memory_space<vmem_shared>> -> memref<640x128xf32, #tpu.memory_space<vmem_shared>>
      tpu.enqueue_dma source(%dma_start3A_78 : memref<640x128xf32, #tpu.memory_space<vmem_shared>>) target(%dma_start3A_76 : memref<640x128xf32, #tpu.memory_space<hbm>>) target_semaphore(%run_scoped3A : memref<!tpu.dma_semaphore, #tpu.memory_space<semaphore_mem>>)
      %dma_wait3A_79 = arith.constant 0 : i32
      %dma_wait3A_80 = arith.constant 0 : i32
      %dma_wait3A_81 = tpu.memref_slice %arg5[%arg0, %dma_wait3A_79, %dma_wait3A_80] : memref<2x10240x128xf32, #tpu.memory_space<hbm>> -> memref<1x10240x128xf32, #tpu.memory_space<hbm>>
      %dma_wait3A_82 = tpu.memref_squeeze %dma_wait3A_81 : memref<1x10240x128xf32, #tpu.memory_space<hbm>> -> memref<10240x128xf32, #tpu.memory_space<hbm>>
      %dma_wait3A_83 = arith.constant 0 : i32
      %dma_wait3A_84 = tpu.memref_slice %dma_wait3A_82[%mul3A_70, %dma_wait3A_83] : memref<10240x128xf32, #tpu.memory_space<hbm>> -> memref<640x128xf32, #tpu.memory_space<hbm>>
      %dma_wait3A_85 = arith.constant 0 : i32
      %dma_wait3A_86 = tpu.memref_slice %arg9[%mul3A_68, %dma_wait3A_85] : memref<10240x128xf32, #tpu.memory_space<vmem_shared>> -> memref<640x128xf32, #tpu.memory_space<vmem_shared>>
      tpu.wait_dma2 semaphore(%run_scoped3A : memref<!tpu.dma_semaphore, #tpu.memory_space<semaphore_mem>>) src(%dma_wait3A_86 : memref<640x128xf32, #tpu.memory_space<vmem_shared>>) dst(%dma_wait3A_84 : memref<640x128xf32, #tpu.memory_space<hbm>>)
      tpu.yield
    }) : () -> ()
    return
  }
}

module attributes {stable_mosaic.version = 14 : i64} {
  func.func @_mm2_body(%arg0: memref<1000x128xf32, #tpu.memory_space<vmem>>, %arg1: memref<128x128xf32, #tpu.memory_space<vmem>>, %arg2: memref<128x128xf32, #tpu.memory_space<vmem>>, %arg3: memref<1000x128xf32, #tpu.memory_space<vmem>>, %arg4: memref<1000x128xf32, #tpu.memory_space<vmem>>) attributes {dimension_semantics = [], scalar_prefetch = 0 : i64, scratch_operands = 0 : i64, tpu.core_type = #tpu.core_type<tc>} {
    %get3A = arith.constant 0 : index
    %get3A_0 = arith.constant 0 : index
    %get3A_1 = vector.load %arg0[%get3A, %get3A_0] : memref<1000x128xf32, #tpu.memory_space<vmem>>, vector<1000x128xf32>
    %get3A_2 = arith.constant 0 : index
    %get3A_3 = arith.constant 0 : index
    %get3A_4 = vector.load %arg1[%get3A_2, %get3A_3] : memref<128x128xf32, #tpu.memory_space<vmem>>, vector<128x128xf32>
    %dot_general3A = arith.constant dense<0.000000e+00> : vector<1000x128xf32>
    %dot_general3A_5 = tpu.matmul %get3A_1, %get3A_4, %dot_general3A {dimension_numbers = #tpu.dot_dimension_numbers<[1], [1], [0], [0], [0, 0, 1, 0], [], []>, transpose_lhs_hint = false} : vector<1000x128xf32>, vector<128x128xf32>, vector<1000x128xf32> -> vector<1000x128xf32>
    %swap3A = arith.constant 0 : index
    %swap3A_6 = arith.constant 0 : index
    %swap3A_7 = vector.load %arg3[%swap3A, %swap3A_6] : memref<1000x128xf32, #tpu.memory_space<vmem>>, vector<1000x128xf32>
    tpu.vector_store %arg3[%swap3A, %swap3A_6], %dot_general3A_5 {strides = array<i32>} : memref<1000x128xf32, #tpu.memory_space<vmem>>, vector<1000x128xf32>,
    %get3A_8 = arith.constant 0 : index
    %get3A_9 = arith.constant 0 : index
    %get3A_10 = vector.load %arg2[%get3A_8, %get3A_9] : memref<128x128xf32, #tpu.memory_space<vmem>>, vector<128x128xf32>
    %dot_general3A_11 = arith.constant dense<0.000000e+00> : vector<1000x128xf32>
    %dot_general3A_12 = tpu.matmul %get3A_1, %get3A_10, %dot_general3A_11 {dimension_numbers = #tpu.dot_dimension_numbers<[1], [1], [0], [0], [0, 0, 1, 0], [], []>, transpose_lhs_hint = false} : vector<1000x128xf32>, vector<128x128xf32>, vector<1000x128xf32> -> vector<1000x128xf32>
    %swap3A_13 = arith.constant 0 : index
    %swap3A_14 = arith.constant 0 : index
    %swap3A_15 = vector.load %arg4[%swap3A_13, %swap3A_14] : memref<1000x128xf32, #tpu.memory_space<vmem>>, vector<1000x128xf32>
    tpu.vector_store %arg4[%swap3A_13, %swap3A_14], %dot_general3A_12 {strides = array<i32>} : memref<1000x128xf32, #tpu.memory_space<vmem>>, vector<1000x128xf32>,
    return
  }
}

module attributes {stable_mosaic.version = 14 : i64} {
  func.func @_mid_body(%arg0: i32, %arg1: memref<1280x128xf32, #tpu.memory_space<vmem>>, %arg2: memref<2x1280x128xf32, #tpu.memory_space<vmem>>, %arg3: memref<128x128xf32, #tpu.memory_space<vmem>>, %arg4: memref<128x128xf32, #tpu.memory_space<vmem>>, %arg5: memref<1280x128xf32, #tpu.memory_space<vmem>>, %arg6: memref<1280x128xf32, #tpu.memory_space<vmem>>) attributes {dimension_semantics = [#tpu.dimension_semantics<arbitrary>], iteration_bounds = array<i64: 8>, scalar_prefetch = 0 : i64, scratch_operands = 0 : i64, tpu.core_type = #tpu.core_type<tc>, window_params = [{transform_indices = @transform_0, window_bounds = array<i64: 1280, 128>}, {transform_indices = @transform_1, window_bounds = array<i64: 2, 1280, 128>}, {pipeline_mode = #tpu.pipeline_mode<synchronous>, transform_indices = @transform_2, window_bounds = array<i64: 128, 128>}, {pipeline_mode = #tpu.pipeline_mode<synchronous>, transform_indices = @transform_3, window_bounds = array<i64: 128, 128>}, {transform_indices = @transform_4, window_bounds = array<i64: 1280, 128>}, {transform_indices = @transform_5, window_bounds = array<i64: 1280, 128>}]} {
    %get3A = arith.constant 0 : index
    %get3A_0 = arith.constant 0 : index
    %get3A_1 = vector.load %arg1[%get3A, %get3A_0] : memref<1280x128xf32, #tpu.memory_space<vmem>>, vector<1280x128xf32>
    %get3A_2 = arith.constant 0 : index
    %get3A_3 = arith.constant 0 : index
    %get3A_4 = arith.constant 0 : index
    %get3A_5 = vector.load %arg2[%get3A_2, %get3A_3, %get3A_4] : memref<2x1280x128xf32, #tpu.memory_space<vmem>>, vector<1x1280x128xf32>
    %get3A_6 = vector.shape_cast %get3A_5 : vector<1x1280x128xf32> to vector<1280x128xf32>
    %add3A = arith.addf %get3A_1, %get3A_6 : vector<1280x128xf32>
    %get3A_7 = arith.constant 1 : index
    %get3A_8 = arith.constant 0 : index
    %get3A_9 = arith.constant 0 : index
    %get3A_10 = vector.load %arg2[%get3A_7, %get3A_8, %get3A_9] : memref<2x1280x128xf32, #tpu.memory_space<vmem>>, vector<1x1280x128xf32>
    %get3A_11 = vector.shape_cast %get3A_10 : vector<1x1280x128xf32> to vector<1280x128xf32>
    %add3A_12 = arith.addf %add3A, %get3A_11 : vector<1280x128xf32>
    %max3A = arith.constant 0.000000e+00 : f32
    %max3A_13 = vector.broadcast %max3A : f32 to vector<1280x128xf32>
    %max3A_14 = arith.maximumf %add3A_12, %max3A_13 : vector<1280x128xf32>
    %reduce_max3A = arith.constant dense<0xFF800000> : vector<1280xf32>
    %reduce_max3A_15 = vector.multi_reduction <maximumf>, %max3A_14, %reduce_max3A [1] : vector<1280x128xf32> to vector<1280xf32>
    %broadcast_in_dim3A = vector.shape_cast %reduce_max3A_15 : vector<1280xf32> to vector<1280x1xf32>
    %sub3A = vector.broadcast %broadcast_in_dim3A : vector<1280x1xf32> to vector<1280x128xf32>
    %sub3A_16 = arith.subf %max3A_14, %sub3A : vector<1280x128xf32>
    %exp3A = math.exp %sub3A_16 : vector<1280x128xf32>
    %reduce_sum3A = arith.constant dense<0.000000e+00> : vector<1280xf32>
    %reduce_sum3A_17 = vector.multi_reduction <add>, %exp3A, %reduce_sum3A [1] : vector<1280x128xf32> to vector<1280xf32>
    %broadcast_in_dim3A_18 = vector.shape_cast %reduce_sum3A_17 : vector<1280xf32> to vector<1280x1xf32>
    %div3A = vector.broadcast %broadcast_in_dim3A_18 : vector<1280x1xf32> to vector<1280x128xf32>
    %div3A_19 = arith.divf %exp3A, %div3A : vector<1280x128xf32>
    %get3A_20 = arith.constant 0 : index
    %get3A_21 = arith.constant 0 : index
    %get3A_22 = vector.load %arg3[%get3A_20, %get3A_21] : memref<128x128xf32, #tpu.memory_space<vmem>>, vector<128x128xf32>
    %dot_general3A = arith.constant dense<0.000000e+00> : vector<1280x128xf32>
    %dot_general3A_23 = tpu.matmul %div3A_19, %get3A_22, %dot_general3A {dimension_numbers = #tpu.dot_dimension_numbers<[1], [1], [0], [0], [0, 0, 1, 0], [], []>, transpose_lhs_hint = false} : vector<1280x128xf32>, vector<128x128xf32>, vector<1280x128xf32> -> vector<1280x128xf32>
    %swap3A = arith.constant 0 : index
    %swap3A_24 = arith.constant 0 : index
    %swap3A_25 = vector.load %arg5[%swap3A, %swap3A_24] : memref<1280x128xf32, #tpu.memory_space<vmem>>, vector<1280x128xf32>
    tpu.vector_store %arg5[%swap3A, %swap3A_24], %dot_general3A_23 {strides = array<i32>} : memref<1280x128xf32, #tpu.memory_space<vmem>>, vector<1280x128xf32>,
    %get3A_26 = arith.constant 0 : index
    %get3A_27 = arith.constant 0 : index
    %get3A_28 = vector.load %arg4[%get3A_26, %get3A_27] : memref<128x128xf32, #tpu.memory_space<vmem>>, vector<128x128xf32>
    %dot_general3A_29 = arith.constant dense<0.000000e+00> : vector<1280x128xf32>
    %dot_general3A_30 = tpu.matmul %div3A_19, %get3A_28, %dot_general3A_29 {dimension_numbers = #tpu.dot_dimension_numbers<[1], [1], [0], [0], [0, 0, 1, 0], [], []>, transpose_lhs_hint = false} : vector<1280x128xf32>, vector<128x128xf32>, vector<1280x128xf32> -> vector<1280x128xf32>
    %swap3A_31 = arith.constant 0 : index
    %swap3A_32 = arith.constant 0 : index
    %swap3A_33 = vector.load %arg6[%swap3A_31, %swap3A_32] : memref<1280x128xf32, #tpu.memory_space<vmem>>, vector<1280x128xf32>
    tpu.vector_store %arg6[%swap3A_31, %swap3A_32], %dot_general3A_30 {strides = array<i32>} : memref<1280x128xf32, #tpu.memory_space<vmem>>, vector<1280x128xf32>,
    return
  }
  func.func @transform_0(%arg0: i32) -> (i32, i32) {
    %c0_i32 = arith.constant 0 : i32
    %c0_i32_0 = arith.constant 0 : i32
    return %arg0, %c0_i32 : i32, i32
  }
  func.func @transform_1(%arg0: i32) -> (i32, i32, i32) {
    %c0_i32 = arith.constant 0 : i32
    %c0_i32_0 = arith.constant 0 : i32
    %c0_i32_1 = arith.constant 0 : i32
    return %c0_i32, %arg0, %c0_i32_0 : i32, i32, i32
  }
  func.func @transform_2(%arg0: i32) -> (i32, i32) {
    %c0_i32 = arith.constant 0 : i32
    %c0_i32_0 = arith.constant 0 : i32
    %c0_i32_1 = arith.constant 0 : i32
    return %c0_i32, %c0_i32_0 : i32, i32
  }
  func.func @transform_3(%arg0: i32) -> (i32, i32) {
    %c0_i32 = arith.constant 0 : i32
    %c0_i32_0 = arith.constant 0 : i32
    %c0_i32_1 = arith.constant 0 : i32
    return %c0_i32, %c0_i32_0 : i32, i32
  }
  func.func @transform_4(%arg0: i32) -> (i32, i32) {
    %c0_i32 = arith.constant 0 : i32
    %c0_i32_0 = arith.constant 0 : i32
    return %arg0, %c0_i32 : i32, i32
  }
  func.func @transform_5(%arg0: i32) -> (i32, i32) {
    %c0_i32 = arith.constant 0 : i32
    %c0_i32_0 = arith.constant 0 : i32
    return %arg0, %c0_i32 : i32, i32
  }
}

module attributes {stable_mosaic.version = 14 : i64} {
  func.func @_last_body(%arg0: i32, %arg1: memref<1280x128xf32, #tpu.memory_space<vmem>>, %arg2: memref<2x1280x128xf32, #tpu.memory_space<vmem>>, %arg3: memref<1280x128xf32, #tpu.memory_space<vmem>>) attributes {dimension_semantics = [#tpu.dimension_semantics<arbitrary>], iteration_bounds = array<i64: 8>, scalar_prefetch = 0 : i64, scratch_operands = 0 : i64, tpu.core_type = #tpu.core_type<tc>, window_params = [{transform_indices = @transform_0, window_bounds = array<i64: 1280, 128>}, {transform_indices = @transform_1, window_bounds = array<i64: 2, 1280, 128>}, {transform_indices = @transform_2, window_bounds = array<i64: 1280, 128>}]} {
    %get3A = arith.constant 0 : index
    %get3A_0 = arith.constant 0 : index
    %get3A_1 = vector.load %arg1[%get3A, %get3A_0] : memref<1280x128xf32, #tpu.memory_space<vmem>>, vector<1280x128xf32>
    %get3A_2 = arith.constant 0 : index
    %get3A_3 = arith.constant 0 : index
    %get3A_4 = arith.constant 0 : index
    %get3A_5 = vector.load %arg2[%get3A_2, %get3A_3, %get3A_4] : memref<2x1280x128xf32, #tpu.memory_space<vmem>>, vector<1x1280x128xf32>
    %get3A_6 = vector.shape_cast %get3A_5 : vector<1x1280x128xf32> to vector<1280x128xf32>
    %add3A = arith.addf %get3A_1, %get3A_6 : vector<1280x128xf32>
    %get3A_7 = arith.constant 1 : index
    %get3A_8 = arith.constant 0 : index
    %get3A_9 = arith.constant 0 : index
    %get3A_10 = vector.load %arg2[%get3A_7, %get3A_8, %get3A_9] : memref<2x1280x128xf32, #tpu.memory_space<vmem>>, vector<1x1280x128xf32>
    %get3A_11 = vector.shape_cast %get3A_10 : vector<1x1280x128xf32> to vector<1280x128xf32>
    %add3A_12 = arith.addf %add3A, %get3A_11 : vector<1280x128xf32>
    %max3A = arith.constant 0.000000e+00 : f32
    %max3A_13 = vector.broadcast %max3A : f32 to vector<1280x128xf32>
    %max3A_14 = arith.maximumf %add3A_12, %max3A_13 : vector<1280x128xf32>
    %reduce_max3A = arith.constant dense<0xFF800000> : vector<1280xf32>
    %reduce_max3A_15 = vector.multi_reduction <maximumf>, %max3A_14, %reduce_max3A [1] : vector<1280x128xf32> to vector<1280xf32>
    %broadcast_in_dim3A = vector.shape_cast %reduce_max3A_15 : vector<1280xf32> to vector<1280x1xf32>
    %sub3A = vector.broadcast %broadcast_in_dim3A : vector<1280x1xf32> to vector<1280x128xf32>
    %sub3A_16 = arith.subf %max3A_14, %sub3A : vector<1280x128xf32>
    %exp3A = math.exp %sub3A_16 : vector<1280x128xf32>
    %reduce_sum3A = arith.constant dense<0.000000e+00> : vector<1280xf32>
    %reduce_sum3A_17 = vector.multi_reduction <add>, %exp3A, %reduce_sum3A [1] : vector<1280x128xf32> to vector<1280xf32>
    %broadcast_in_dim3A_18 = vector.shape_cast %reduce_sum3A_17 : vector<1280xf32> to vector<1280x1xf32>
    %div3A = vector.broadcast %broadcast_in_dim3A_18 : vector<1280x1xf32> to vector<1280x128xf32>
    %div3A_19 = arith.divf %exp3A, %div3A : vector<1280x128xf32>
    %swap3A = arith.constant 0 : index
    %swap3A_20 = arith.constant 0 : index
    %swap3A_21 = vector.load %arg3[%swap3A, %swap3A_20] : memref<1280x128xf32, #tpu.memory_space<vmem>>, vector<1280x128xf32>
    tpu.vector_store %arg3[%swap3A, %swap3A_20], %div3A_19 {strides = array<i32>} : memref<1280x128xf32, #tpu.memory_space<vmem>>, vector<1280x128xf32>,
    return
  }
  func.func @transform_0(%arg0: i32) -> (i32, i32) {
    %c0_i32 = arith.constant 0 : i32
    %c0_i32_0 = arith.constant 0 : i32
    return %arg0, %c0_i32 : i32, i32
  }
  func.func @transform_1(%arg0: i32) -> (i32, i32, i32) {
    %c0_i32 = arith.constant 0 : i32
    %c0_i32_0 = arith.constant 0 : i32
    %c0_i32_1 = arith.constant 0 : i32
    return %c0_i32, %arg0, %c0_i32_0 : i32, i32, i32
  }
  func.func @transform_2(%arg0: i32) -> (i32, i32) {
    %c0_i32 = arith.constant 0 : i32
    %c0_i32_0 = arith.constant 0 : i32
    return %arg0, %c0_i32 : i32, i32
  }
}

module attributes {stable_mosaic.version = 14 : i64} {
  func.func @_head_body(%arg0: memref<1024x128xf32, #tpu.memory_space<vmem>>, %arg1: memref<1024x128xf32, #tpu.memory_space<vmem>>, %arg2: memref<128x256xf32, #tpu.memory_space<vmem>>, %arg3: memref<1x128xf32, #tpu.memory_space<vmem>>, %arg4: memref<128x128xf32, #tpu.memory_space<vmem>>, %arg5: memref<1x128xf32, #tpu.memory_space<vmem>>, %arg6: memref<1024x128xf32, #tpu.memory_space<vmem>>) attributes {dimension_semantics = [], scalar_prefetch = 0 : i64, scratch_operands = 0 : i64, tpu.core_type = #tpu.core_type<tc>} {
    %get3A = arith.constant 0 : index
    %get3A_0 = arith.constant 0 : index
    %get3A_1 = vector.load %arg0[%get3A, %get3A_0] : memref<1024x128xf32, #tpu.memory_space<vmem>>, vector<1024x128xf32>
    %get3A_2 = arith.constant 0 : index
    %get3A_3 = arith.constant 0 : index
    %get3A_4 = vector.load %arg1[%get3A_2, %get3A_3] : memref<1024x128xf32, #tpu.memory_space<vmem>>, vector<1024x128xf32>
    %mul3A = arith.mulf %get3A_1, %get3A_4 : vector<1024x128xf32>
    %add3A = arith.addf %get3A_1, %get3A_4 : vector<1024x128xf32>
    %concatenate3A = tpu.concatenate %mul3A, %add3A in 1 : vector<1024x128xf32>, vector<1024x128xf32> -> vector<1024x256xf32>
    %get3A_5 = arith.constant 0 : index
    %get3A_6 = arith.constant 0 : index
    %get3A_7 = vector.load %arg2[%get3A_5, %get3A_6] : memref<128x256xf32, #tpu.memory_space<vmem>>, vector<128x256xf32>
    %dot_general3A = arith.constant dense<0.000000e+00> : vector<1024x128xf32>
    %dot_general3A_8 = tpu.matmul %concatenate3A, %get3A_7, %dot_general3A {dimension_numbers = #tpu.dot_dimension_numbers<[1], [1], [0], [0], [0, 0, 1, 0], [], []>, transpose_lhs_hint = false} : vector<1024x256xf32>, vector<128x256xf32>, vector<1024x128xf32> -> vector<1024x128xf32>
    %get3A_9 = arith.constant 0 : index
    %get3A_10 = arith.constant 0 : index
    %get3A_11 = vector.load %arg3[%get3A_9, %get3A_10] : memref<1x128xf32, #tpu.memory_space<vmem>>, vector<1x128xf32>
    %add3A_12 = vector.broadcast %get3A_11 : vector<1x128xf32> to vector<1024x128xf32>
    %add3A_13 = arith.addf %dot_general3A_8, %add3A_12 : vector<1024x128xf32>
    %get3A_14 = arith.constant 0 : index
    %get3A_15 = arith.constant 0 : index
    %get3A_16 = vector.load %arg4[%get3A_14, %get3A_15] : memref<128x128xf32, #tpu.memory_space<vmem>>, vector<128x128xf32>
    %dot_general3A_17 = arith.constant dense<0.000000e+00> : vector<1024x128xf32>
    %dot_general3A_18 = tpu.matmul %add3A_13, %get3A_16, %dot_general3A_17 {dimension_numbers = #tpu.dot_dimension_numbers<[1], [1], [0], [0], [0, 0, 1, 0], [], []>, transpose_lhs_hint = false} : vector<1024x128xf32>, vector<128x128xf32>, vector<1024x128xf32> -> vector<1024x128xf32>
    %get3A_19 = arith.constant 0 : index
    %get3A_20 = arith.constant 0 : index
    %get3A_21 = vector.load %arg5[%get3A_19, %get3A_20] : memref<1x128xf32, #tpu.memory_space<vmem>>, vector<1x128xf32>
    %add3A_22 = vector.broadcast %get3A_21 : vector<1x128xf32> to vector<1024x128xf32>
    %add3A_23 = arith.addf %dot_general3A_18, %add3A_22 : vector<1024x128xf32>
    %iota3A = tpu.iota {dimensions = array<i32: 1>} : vector<1024x128xi32>
    %lt3A = arith.constant 2 : i32
    %lt3A_24 = vector.broadcast %lt3A : i32 to vector<1024x128xi32>
    %lt3A_25 = arith.cmpi slt, %iota3A, %lt3A_24 : vector<1024x128xi32>
    %jit3A = arith.constant -1.000000e+30 : f32
    %broadcast_in_dim3A = vector.broadcast %jit3A : f32 to vector<1024x128xf32>
    %select_n3A = arith.select %lt3A_25, %add3A_23, %broadcast_in_dim3A : vector<1024x128xi1>, vector<1024x128xf32>
    %reduce_max3A = arith.constant dense<0xFF800000> : vector<1024xf32>
    %reduce_max3A_26 = vector.multi_reduction <maximumf>, %select_n3A, %reduce_max3A [1] : vector<1024x128xf32> to vector<1024xf32>
    %broadcast_in_dim3A_27 = vector.shape_cast %reduce_max3A_26 : vector<1024xf32> to vector<1024x1xf32>
    %sub3A = vector.broadcast %broadcast_in_dim3A_27 : vector<1024x1xf32> to vector<1024x128xf32>
    %sub3A_28 = arith.subf %select_n3A, %sub3A : vector<1024x128xf32>
    %exp3A = math.exp %sub3A_28 : vector<1024x128xf32>
    %reduce_sum3A = arith.constant dense<0.000000e+00> : vector<1024xf32>
    %reduce_sum3A_29 = vector.multi_reduction <add>, %exp3A, %reduce_sum3A [1] : vector<1024x128xf32> to vector<1024xf32>
    %broadcast_in_dim3A_30 = vector.shape_cast %reduce_sum3A_29 : vector<1024xf32> to vector<1024x1xf32>
    %div3A = vector.broadcast %broadcast_in_dim3A_30 : vector<1024x1xf32> to vector<1024x128xf32>
    %div3A_31 = arith.divf %exp3A, %div3A : vector<1024x128xf32>
    %swap3A = arith.constant 0 : index
    %swap3A_32 = arith.constant 0 : index
    %swap3A_33 = vector.load %arg6[%swap3A, %swap3A_32] : memref<1024x128xf32, #tpu.memory_space<vmem>>, vector<1024x128xf32>
    tpu.vector_store %arg6[%swap3A, %swap3A_32], %div3A_31 {strides = array<i32>} : memref<1024x128xf32, #tpu.memory_space<vmem>>, vector<1024x128xf32>,
    return
  }
}

</mosaic_0001>

<sc_bundles>
// kernel: kernel.10.cloned.1.call-start
scs
__scs_entry_jumppad:
0x0: {  	(pc) =	sbr.rel $0x88, $3  }
0x1: {  	(tag) =	ssettag $0x0;
	lr =	simm.s32 $0x1  }
0x2: {  	[smem:$0x3F95] =	sst lr;
	_ =	strace $0xD0000000  }
0x3: {  	_ = 	snop  }
0x4: {  	_ = 	snop  }
0x5: {  	_ = 	snop  }
0x6: {  	_ = 	snop  }
0x7: {  	_ = 	snop  }
__scs_overlays_trampoline_lowered:
0x8: {  	[smem:$0x3FA4] =	sst s0  }
0x9: {  	[smem:$0x3FA5] =	sst s1  }
0xa: {  	[smem:$0x3FA6] =	sst s2  }
0xb: {  	[smem:$0x3FA7] =	sst s3  }
0xc: {  	[smem:$0x3FA8] =	sst s4  }
0xd: {  	[smem:$0x3FA9] =	sst s5  }
0xe: {  	[smem:$0x3FAA] =	sst s6  }
0xf: {  	[smem:$0x3FAB] =	sst s7  }
0x10: {  	[smem:$0x3FAC] =	sst s8  }
0x11: {  	[smem:$0x3FAD] =	sst s9;
	s0 =	simm.s32 @!p0 $0x0  }
0x12: {  	s1 =	sld [smem:$0x3F93];
	s0 =	simm.s32 @p0 $0x1  }
0x13: {  	[smem:$0x3FAE] =	sst s0;
	s0 =	simm.s32 @!p1 $0x0  }
0x14: {  	s2 =	sld [smem:$0x3F92];
	s0 =	simm.s32 @p1 $0x1  }
0x15: {  	[smem:$0x3FAF] =	sst s0;
	s0 =	simm.s32 @!p2 $0x0  }
0x16: {  	s3 =	sld [smem:$0x3FDB];
	s0 =	simm.s32 @p2 $0x1  }
0x17: {  	s4 =	simm.s32 $0x1BF5;
	[smem:$0x3FB1] =	sst s0  }
0x18: {  	s0 =	sld [smem:$0x3F94];
	_ =	swait.ge [sflag:s4], $0x0  }
0x19: {  	s7 =	sld [smem:$0x3F95]  }
0x1a: {  	s8 =	sadd.s32 $0xFFFFE003, lr  }
0x1b: {  	s9 =	sadd.s32 $0xFFFFFEF7, lr;
	s5 =	simm.s32 $0xFFFFFFFF;
	p2 =	slt.u32 s8, $0xFFFFF086  }
0x1c: {  	p1 =	slt.u32 s9, $0xF7A;
	s5 =	simm.s32 @!p2 $0x0  }
0x1d: {  	s5 =	simm.s32 @p1 $0x1;
	p0 =	seq.s32 s7, s2  }
0x1e: {  	s7 =	smul.u32 @!p0 $0xF7A, s2;
	p2 =	seq.s32 @!p0 s5, $0x0  }
0x1f: {  	s9 =	smul.u32 $0xF7A, s1;
	s8 =	simm.s32 @!p0 $0x1BF5;
	p2 =	por !p2, p0  }
0x20: {  	[sflag:s8] =	ssyncset.s32 @!p0 $0xFFFFF086;
	s6 =	sadd.s32 @!p0 s3, s7;
	s7 =	simm.s32 @!p0 $0x108  }
0x21: {  	s3 =	sadd.s32 s3, s9;
	s6 =	sadd.s32 @!p0 $0x88, s6;
	s7 =	simm.s32 @p2 $0x1082  }
0x22: {  	[simem:s7], [sflag:s8] =	dma.local @!p0 [hbm:s6], $0xF7A  }
0x23: {  	s9 =	sor.u32 $0xD0000000, s2;
	s6 =	simm.s32 $0x108;
	_ =	swait.ge @!p0 [sflag:s8], $0x0  }
0x24: {  	s3 =	sadd.s32 $0x88, s3;
	s6 =	simm.s32 @!p1 $0x1082;
	[sflag:s4] =	ssyncset.s32 $0xFFFFF086  }
0x25: {  	[simem:s6], [sflag:s4] =	dma.local [hbm:s3], $0xF7A  }
0x26: {  	[smem:$0x3F95] =	sst s1;
	(tag) =	ssettag s2;
	_ =	strace s9  }
0x27: {  	s1 =	sld [smem:$0x3FA5]  }
0x28: {  	s2 =	sld [smem:$0x3FA6]  }
0x29: {  	s4 =	sld [smem:$0x3FA8]  }
0x2a: {  	p0 =	seq.s32 s5, $0x0;
	s5 =	sld [smem:$0x3FA9]  }
0x2b: {  	s6 =	sld [smem:$0x3FAA]  }
0x2c: {  	s7 =	sld [smem:$0x3FAB]  }
0x2d: {  	s3 =	simm.s32 $0x108;
	s8 =	sld [smem:$0x3FAC]  }
0x2e: {  	s3 =	simm.s32 @!p0 $0x1082;
	s9 =	sld [smem:$0x3FAD]  }
0x2f: {  	lr =	sadd.s32 s0, s3;
	s0 =	sld [smem:$0x3FA4]  }
0x30: {  	s3 =	sld [smem:$0x3FA7]  }
0x31: {  	[smem:$0x3FB0] =	sst s10  }
0x32: {  	s10 =	sld [smem:$0x3FAE];
	_ =	sdelay $0x3  }
0x33: {  	p0 =	seq.s32 s10, $0x1;
	s10 =	sld [smem:$0x3FB0];
	_ =	sdelay $0x3  }
0x34: {  	[smem:$0x3FB0] =	sst s10  }
0x35: {  	s10 =	sld [smem:$0x3FAF];
	_ =	sdelay $0x3  }
0x36: {  	p1 =	seq.s32 s10, $0x1;
	s10 =	sld [smem:$0x3FB0];
	_ =	sdelay $0x3  }
0x37: {  	[smem:$0x3FB0] =	sst s10  }
0x38: {  	s10 =	sld [smem:$0x3FB1]  }
0x39: {  	_ = 	snop;
	(pc) =	sbr.ind lr, $3  }
0x3a: {  	_ = 	snop  }
0x3b: {  	_ = 	snop  }
0x3c: {  	p2 =	seq.s32 s10, $0x1;
	s10 =	sld [smem:$0x3FB0]  }
0x3d: {  	_ =	shalt  }
0x3e: {  	_ =	shalt  }
0x3f: {  	_ =	shalt  }
0x40: {  	_ =	shalt  }
0x41: {  	_ =	shalt  }
0x42: {  	_ =	shalt  }
0x43: {  	_ =	shalt  }
0x44: {  	_ =	shalt  }
0x45: {  	_ =	shalt  }
0x46: {  	_ =	shalt  }
0x47: {  	_ =	shalt  }
0x48: {  	_ =	shalt  }
0x49: {  	_ =	shalt  }
0x4a: {  	_ =	shalt  }
0x4b: {  	_ =	shalt  }
0x4c: {  	_ =	shalt  }
0x4d: {  	_ =	shalt  }
0x4e: {  	_ =	shalt  }
0x4f: {  	_ =	shalt  }
0x50: {  	_ =	shalt  }
0x51: {  	_ =	shalt  }
0x52: {  	_ =	shalt  }
0x53: {  	_ =	shalt  }
0x54: {  	_ =	shalt  }
0x55: {  	_ =	shalt  }
0x56: {  	_ =	shalt  }
0x57: {  	_ =	shalt  }
0x58: {  	_ =	shalt  }
0x59: {  	_ =	shalt  }
0x5a: {  	_ =	shalt  }
0x5b: {  	_ =	shalt  }
0x5c: {  	_ =	shalt  }
0x5d: {  	_ =	shalt  }
0x5e: {  	_ =	shalt  }
0x5f: {  	_ =	shalt  }
0x60: {  	_ =	shalt  }
0x61: {  	_ =	shalt  }
0x62: {  	_ =	shalt  }
0x63: {  	_ =	shalt  }
0x64: {  	_ =	shalt  }
0x65: {  	_ =	shalt  }
0x66: {  	_ =	shalt  }
0x67: {  	_ =	shalt  }
0x68: {  	_ =	shalt  }
0x69: {  	_ =	shalt  }
0x6a: {  	_ =	shalt  }
0x6b: {  	_ =	shalt  }
0x6c: {  	_ =	shalt  }
0x6d: {  	_ =	shalt  }
0x6e: {  	_ =	shalt  }
0x6f: {  	_ =	shalt  }
0x70: {  	_ =	shalt  }
0x71: {  	_ =	shalt  }
0x72: {  	_ =	shalt  }
0x73: {  	_ =	shalt  }
0x74: {  	_ =	shalt  }
0x75: {  	_ =	shalt  }
0x76: {  	_ =	shalt  }
0x77: {  	_ =	shalt  }
0x78: {  	_ =	shalt  }
0x79: {  	_ =	shalt  }
0x7a: {  	_ =	shalt  }
0x7b: {  	_ =	shalt  }
0x7c: {  	_ =	shalt  }
0x7d: {  	_ =	shalt  }
0x7e: {  	_ =	shalt  }
0x7f: {  	_ =	shalt  }
0x80: {  	_ =	shalt  }
0x81: {  	_ =	shalt  }
0x82: {  	_ =	shalt  }
0x83: {  	_ =	shalt  }
0x84: {  	_ =	shalt  }
0x85: {  	_ =	shalt  }
0x86: {  	_ =	shalt  }
0x87: {  	_ =	shalt  }
.Lfunc_end0:
.L_simem_size_0:
called_computation_lowered:
.L_overlay_start_0:
0x88: {  	s2 =	sld [smem:$0x3FD9]  }
0x89: {  	s3 =	sld [smem:$0x3FFE];
	_ =	sdelay $0x1  }
0x8a: {  	s1 =	srdreg.scid  }
0x8b: {  	s0 =	sand.u32 $0x1, s1  }
0x8c: {  	s16 =	sshll.u32 s0, $0xA;
	s2 =	sadd.s32 s3, s2  }
0x8d: {  	s2 =	sadd.s32 s2, s16  }
0x8e: {  	[smem:$0x3FBC] =	sst s2  }
0x8f: {  	_ = 	snop  }
0x90: {  	(tm) =	ssettm $0x1  }
0x91: {  	s17 =	sld [smem:$0x3FFB];
	_ =	sdelay $0x3  }
0x92: {  	_ =	strace s17  }
0x93: {  	s2 =	sld [smem:$0x3FFC];
	_ =	sdelay $0x3  }
0x94: {  	_ =	strace s2  }
0x95: {  	s2 =	sld [smem:$0x3FFD];
	_ =	sdelay $0x3  }
0x96: {  	_ =	strace s2  }
0x97: {  	_ =	strace $0x8FFFFFFF  }
0x98: {  	s18 =	sld [smem:$0x3FDB];
	_ =	sdelay $0x1  }
0x99: {  	s19 =	simm.s32 $_scs_section_size  }
0x9a: {  	s4 =	simm.s32 $_size__tile_overlayer_lowered;
	s5 =	simm.s32 $_tile_overlayer_lowered  }
0x9b: {  	s22 =	simm.s32 $0x1BFF;
	s21 =	sshll.u32 s5, $0x1;
	s2 =	sadd.s32 s19, s18  }
0x9c: {  	s6 =	simm.s32 $0x0;
	s20 =	sshll.u32 s4, $0x1;
	s4 =	sadd.s32 s21, s2  }
0x9d: {  	[timem:s6], [sflag:s22] =	dma.local [hbm:s4], s20  }
0x9e: {  	_ =	swait.ge [sflag:s22], s20  }
0x9f: {  	s3 =	ssub.s32 $0x0, s20;
	[sflag:s22] =	ssyncset.done $0x0  }
0xa0: {  	[sflag:s22] =	ssyncadd.s32 s3;
	_ =	sdelay $0x1  }
0xa1: {  	s23 =	simm.s32 $0x1B8B  }
0xa2: {  	_ =	swait.ge [sflag:s23], $0x1  }
0xa3: {  	[sflag:s23] =	ssyncset.done $0x0  }
0xa4: {  	s25 =	simm.s32 $0x1B8E;
	s24 =	sld [smem:$0x3FFE];
	[sflag:s23] =	ssyncadd.s32 $0xFFFFFFFF  }
0xa5: {  	s26 =	simm.s32 $execute0_lowered;
	[smem:$0x3FD2] =	sst s25  }
0xa6: {  	s4 =	sshll.u32 s26, $0x1;
	_ =	strace $0x80000046;
	[dreg:$0x1] =	wrdreg $0xFFFFFFFF  }
0xa7: {  	s28 =	simm.s32 $_size_execute0_lowered;
	s2 =	sadd.s32 s2, s4;
	[dreg:$0x0] =	wrdreg $0x0  }
0xa8: {  	s4 =	sshll.u32 s28, $0x1;
	[dreg:$0x2] =	wrdreg s2  }
0xa9: {  	[dreg:$0x3] =	wrdreg s4  }
0xaa: {  	[dreg:$0x4] =	wrdreg $0xC0  }
0xab: {  	_ =	task [dreg:s6], $0x5FFFF  }
0xac: {  	[dreg:$0x1] =	wrdreg $0xFFFFFFFF  }
0xad: {  	[dreg:$0x0] =	wrdreg $0x60  }
0xae: {  	[dreg:$0x2] =	wrdreg s24  }
0xaf: {  	[dreg:$0x3] =	wrdreg $0x9  }
0xb0: {  	_ =	task.clear_ibuf [dreg:s6], $0x4FFFF;
	_ =	strace $0x90000046  }
0xb1: {  	s29 =	simm.s32 $0x9;
	_ =	strace $0x80000048  }
0xb2: {  	_ =	swait.ge [sflag:s29], $0x1  }
0xb3: {  	[sflag:s29] =	ssyncadd.s32 $0xFFFFFFFF  }
0xb4: {  	_ =	strace $0x90000048  }
0xb5: {  	_ =	sfence  }
0xb6: {  	s30 =	sld [smem:$0x0];
	_ =	sdelay $0x2  }
0xb7: {  	s31 =	sshll.u32 s1, $0xD;
	s1 =	sshrl.u32 s1, $0x2  }
0xb8: {  	s3 =	sand.u32 $0x4000, s31;
	s1 =	sadd.s32 s1, s30  }
0xb9: {  	s0 =	sor.u32 s3, s0;
	s1 =	sshll.u32 s1, $0x11  }
0xba: {  	s0 =	sor.u32 s1, s0  }
0xbb: {  	s0 =	sadd.s32 $0x8F2B, s0  }
0xbc: {  	[sflag:s0] =	ssyncadd.remote.s32 $0x1  }
0xbd: {  	_ =	sfence.sel $0xFFFF  }
0xbe: {  	[dreg:$0x0] =	wrdreg $0xFFFFFFFF;
	(pc) =	sbr.abs _section_cstart, $3  }
0xbf: {  	[dreg:$0x1] =	wrdreg $0xFFFFFFFF  }
0xc0: {  	_ =	task.clear_ibuf [dreg:s6], $0x2FFFF;
	_ =	strace $0x9FFFFFFF  }
0xc1: {  	(tm) =	ssettm $0x7FFFFFFF  }
tec
execute0_lowered:
.L_overlay_start_1:
0x0: {  	(tag) =	ssettag $0x1  }
0x1: {  	s0 =	srdreg.scid  }
0x2: {  	s21 =	sand.u32 $0x1, s0  }
0x3: {  	s0 =	stileid.u32;
	s1 =	sshll.u32 s21, $0x4  }
0x4: {  	s22 =	rddreg [dreg:$0x0];
	s2 =	simm.s32 $0x0;
	s23 =	sor.u32 s0, s1  }
0x5: {  	[smem:$0x7FF] =	sst s2;
	s3 =	sshll.u32 s23, $0x6  }
0x6: {  	s1 =	rddreg [dreg:$0x1];
	s3 =	sadd.s32 s3, s22  }
0x7: {  	_ =	strace $0x80000047;
	s4 =	sadd.s32 $0x3800, s3;
	s3 =	simm.s32 $0x3  }
0x8: {  	[tilespmem:s2], [sflag:$0x3] =	stream.linear.gather [hbm4b:s4+s2], $0x200, $0x38;
	[tilespmem:$0x14200] =	vst v63  }
0x9: {  	_ =	swait.ge [sflag:s3], $0x200  }
0xa: {  	s6 =	simm.s32 $0x50;
	[sflag:s3] =	ssyncset.done $0x0  }
0xb: {  	s7 =	simm.s32 $0x200;
	s5 =	sadd.s32 $0x4000, s22;
	[sflag:s3] =	ssyncadd.s32 $0xFFFFFE00  }
0xc: {  	[tilespmem:s7], [sflag:$0x1] =	stream.indirect.gather [hbm4b:s5+s6], $0x80, s2, s6, $0xb8;
	[tilespmem:$0x14200] =	vst v63  }
0xd: {  	s9 =	simm.s32 $0xA200;
	s10 =	simm.s32 $0x1;
	s8 =	sadd.s32 $0x8000, s22  }
0xe: {  	[tilespmem:s9], [sflag:$0x2] =	stream.indirect.gather [hbm4b:s8+s6], $0x80, s2, s6, $0xb8;
	[tilespmem:$0x14200] =	vst v63  }
0xf: {  	_ =	swait.ge [sflag:s10], $0x2800  }
0x10: {  	[sflag:s10] =	ssyncset.done $0x0  }
0x11: {  	s11 =	simm.s32 $0x2;
	[sflag:s10] =	ssyncadd.s32 $0xFFFFD800  }
0x12: {  	_ =	swait.ge [sflag:s11], $0x2800  }
0x13: {  	[sflag:s11] =	ssyncset.done $0x0  }
0x14: {  	s12 =	simm.s32 $0x80;
	s13 =	simm.s32 $0x2A00;
	[sflag:s11] =	ssyncadd.s32 $0xFFFFD800  }
0x15: {  	[tilespmem:s13], [sflag:$0x1] =	stream.indirect.gather [hbm4b:s5+s6], $0x80, s12, s6, $0xb8;
	[tilespmem:$0x14200] =	vst v63  }
0x16: {  	s14 =	simm.s32 $0xCA00  }
0x17: {  	[tilespmem:s14], [sflag:$0x2] =	stream.indirect.gather [hbm4b:s8+s6], $0x80, s12, s6, $0xb8;
	[tilespmem:$0x14200] =	vst v63  }
0x18: {  	_ =	swait.ge [sflag:s10], $0x2800  }
0x19: {  	[sflag:s10] =	ssyncset.done $0x0  }
0x1a: {  	[sflag:s10] =	ssyncadd.s32 $0xFFFFD800  }
0x1b: {  	_ =	swait.ge [sflag:s11], $0x2800  }
0x1c: {  	[sflag:s11] =	ssyncset.done $0x0  }
0x1d: {  	s15 =	simm.s32 $0x100;
	s16 =	simm.s32 $0x5200;
	[sflag:s11] =	ssyncadd.s32 $0xFFFFD800  }
0x1e: {  	[tilespmem:s16], [sflag:$0x1] =	stream.indirect.gather [hbm4b:s5+s6], $0x80, s15, s6, $0xb8;
	[tilespmem:$0x14200] =	vst v63  }
0x1f: {  	s17 =	simm.s32 $0xF200  }
0x20: {  	[tilespmem:s17], [sflag:$0x2] =	stream.indirect.gather [hbm4b:s8+s6], $0x80, s15, s6, $0xb8;
	[tilespmem:$0x14200] =	vst v63  }
0x21: {  	_ =	swait.ge [sflag:s10], $0x2800  }
0x22: {  	[sflag:s10] =	ssyncset.done $0x0  }
0x23: {  	[sflag:s10] =	ssyncadd.s32 $0xFFFFD800  }
0x24: {  	_ =	swait.ge [sflag:s11], $0x2800  }
0x25: {  	[sflag:s11] =	ssyncset.done $0x0  }
0x26: {  	s18 =	simm.s32 $0x180;
	s19 =	simm.s32 $0x7A00;
	[sflag:s11] =	ssyncadd.s32 $0xFFFFD800  }
0x27: {  	[tilespmem:s19], [sflag:$0x1] =	stream.indirect.gather [hbm4b:s5+s6], $0x80, s18, s6, $0xb8;
	[tilespmem:$0x14200] =	vst v63  }
0x28: {  	s20 =	simm.s32 $0x11A00  }
0x29: {  	[tilespmem:s20], [sflag:$0x2] =	stream.indirect.gather [hbm4b:s8+s6], $0x80, s18, s6, $0xb8;
	[tilespmem:$0x14200] =	vst v63  }
0x2a: {  	_ =	swait.ge [sflag:s10], $0x2800  }
0x2b: {  	[sflag:s10] =	ssyncset.done $0x0  }
0x2c: {  	s31 =	ssub.s32 $0x2, s21;
	s23 =	smul.u32 $0x1400, s23;
	[sflag:s10] =	ssyncadd.s32 $0xFFFFD800  }
0x2d: {  	s24 =	sshrl.u32 s31, $0x1;
	_ =	swait.ge [sflag:s11], $0x2800  }
0x2e: {  	s22 =	sadd.s32 s23, s22;
	s23 =	ssub.s32 s31, s24;
	[sflag:s11] =	ssyncset.done $0x0  }
0x2f: {  	s21 =	sadd.s32 $0x34000, s22;
	s23 =	smax.u32 s23, $0x1;
	[sflag:s11] =	ssyncadd.s32 $0xFFFFD800  }
0x30: {  	[hbm4b:s21+s2] =	stream.linear.scatter [tilespmem:s7], [sflag:$0x3], $0xA000, $0x38;
	[tilespmem:$0x14200] =	vst v63  }
0x31: {  	p0 =	sne.s32 s23, $0x1;
	_ =	swait.ge [sflag:s3], $0xA000  }
.Ltmp0:
0x32: {  	[sflag:s3] =	ssyncset.done $0x0;
	(pc) =	sbr.rel @!p0 .LBB2_2-.Ltmp0, $4  }
0x33: {  	s22 =	sadd.s32 $0xC000, s22;
	[sflag:s3] =	ssyncadd.s32 $0xFFFF6000  }
0x34: {  	[hbm4b:s22+s2] =	stream.linear.scatter [tilespmem:s9], [sflag:$0x3], $0xA000, $0x38;
	[tilespmem:$0x14200] =	vst v63  }
0x35: {  	_ =	swait.ge [sflag:s3], $0xA000  }
0x36: {  	s23 =	sadd.s32 $0xFFFFFFFF, s23;
	[sflag:s3] =	ssyncset.done $0x0  }
.LBB2_1:
0x37: {  	p0 =	sne.s32 s23, $0x1;
	s23 =	sadd.s32 $0xFFFFFFFF, s23;
	[sflag:s3] =	ssyncadd.s32 $0xFFFF6000  }
0x38: {  	[tilespmem:s2], [sflag:$0x3] =	stream.linear.gather [hbm4b:s4+s2], $0x200, $0x38;
	[tilespmem:$0x14200] =	vst v63  }
0x39: {  	_ =	swait.ge [sflag:s3], $0x200  }
0x3a: {  	[sflag:s3] =	ssyncset.done $0x0  }
0x3b: {  	[sflag:s3] =	ssyncadd.s32 $0xFFFFFE00  }
0x3c: {  	[tilespmem:s7], [sflag:$0x1] =	stream.indirect.gather [hbm4b:s5+s6], $0x80, s2, s6, $0xb8;
	[tilespmem:$0x14200] =	vst v63  }
0x3d: {  	_ = 	snop  }
0x3e: {  	[tilespmem:s9], [sflag:$0x2] =	stream.indirect.gather [hbm4b:s8+s6], $0x80, s2, s6, $0xb8;
	[tilespmem:$0x14200] =	vst v63  }
0x3f: {  	_ =	swait.ge [sflag:s10], $0x2800  }
0x40: {  	[sflag:s10] =	ssyncset.done $0x0  }
0x41: {  	[sflag:s10] =	ssyncadd.s32 $0xFFFFD800  }
0x42: {  	_ =	swait.ge [sflag:s11], $0x2800  }
0x43: {  	[sflag:s11] =	ssyncset.done $0x0  }
0x44: {  	[sflag:s11] =	ssyncadd.s32 $0xFFFFD800  }
0x45: {  	[tilespmem:s13], [sflag:$0x1] =	stream.indirect.gather [hbm4b:s5+s6], $0x80, s12, s6, $0xb8;
	[tilespmem:$0x14200] =	vst v63  }
0x46: {  	_ = 	snop  }
0x47: {  	[tilespmem:s14], [sflag:$0x2] =	stream.indirect.gather [hbm4b:s8+s6], $0x80, s12, s6, $0xb8;
	[tilespmem:$0x14200] =	vst v63  }
0x48: {  	_ =	swait.ge [sflag:s10], $0x2800  }
0x49: {  	[sflag:s10] =	ssyncset.done $0x0  }
0x4a: {  	[sflag:s10] =	ssyncadd.s32 $0xFFFFD800  }
0x4b: {  	_ =	swait.ge [sflag:s11], $0x2800  }
0x4c: {  	[sflag:s11] =	ssyncset.done $0x0  }
0x4d: {  	[sflag:s11] =	ssyncadd.s32 $0xFFFFD800  }
0x4e: {  	[tilespmem:s16], [sflag:$0x1] =	stream.indirect.gather [hbm4b:s5+s6], $0x80, s15, s6, $0xb8;
	[tilespmem:$0x14200] =	vst v63  }
0x4f: {  	_ = 	snop  }
0x50: {  	[tilespmem:s17], [sflag:$0x2] =	stream.indirect.gather [hbm4b:s8+s6], $0x80, s15, s6, $0xb8;
	[tilespmem:$0x14200] =	vst v63  }
0x51: {  	_ =	swait.ge [sflag:s10], $0x2800  }
0x52: {  	[sflag:s10] =	ssyncset.done $0x0  }
0x53: {  	[sflag:s10] =	ssyncadd.s32 $0xFFFFD800  }
0x54: {  	_ =	swait.ge [sflag:s11], $0x2800  }
0x55: {  	[sflag:s11] =	ssyncset.done $0x0  }
0x56: {  	[sflag:s11] =	ssyncadd.s32 $0xFFFFD800  }
0x57: {  	[tilespmem:s19], [sflag:$0x1] =	stream.indirect.gather [hbm4b:s5+s6], $0x80, s18, s6, $0xb8;
	[tilespmem:$0x14200] =	vst v63  }
0x58: {  	_ = 	snop  }
0x59: {  	[tilespmem:s20], [sflag:$0x2] =	stream.indirect.gather [hbm4b:s8+s6], $0x80, s18, s6, $0xb8;
	[tilespmem:$0x14200] =	vst v63  }
0x5a: {  	_ =	swait.ge [sflag:s10], $0x2800  }
0x5b: {  	[sflag:s10] =	ssyncset.done $0x0  }
0x5c: {  	[sflag:s10] =	ssyncadd.s32 $0xFFFFD800  }
0x5d: {  	_ =	swait.ge [sflag:s11], $0x2800  }
0x5e: {  	[sflag:s11] =	ssyncset.done $0x0  }
0x5f: {  	[sflag:s11] =	ssyncadd.s32 $0xFFFFD800  }
0x60: {  	[hbm4b:s21+s2] =	stream.linear.scatter [tilespmem:s7], [sflag:$0x3], $0xA000, $0x38;
	[tilespmem:$0x14200] =	vst v63  }
0x61: {  	_ =	swait.ge [sflag:s3], $0xA000  }
.Ltmp1:
0x62: {  	[sflag:s3] =	ssyncset.done $0x0;
	(pc) =	sbr.rel @p0 .LBB2_1-.Ltmp1, $4  }
0x63: {  	[sflag:s3] =	ssyncadd.s32 $0xFFFF6000  }
0x64: {  	[hbm4b:s22+s2] =	stream.linear.scatter [tilespmem:s9], [sflag:$0x3], $0xA000, $0x38;
	[tilespmem:$0x14200] =	vst v63  }
0x65: {  	_ =	swait.ge [sflag:s3], $0xA000  }
0x66: {  	[sflag:s3] =	ssyncset.done $0x0  }
.LBB2_2:
0x67: {  	[sflag:s3] =	ssyncadd.s32 $0xFFFF6000  }
0x68: {  	_ =	sfence.sel $0x180000  }
0x69: {  	[bflag:$0x0] =	sbarrier.arrive $0xFFFF  }
0x6a: {  	p0 =	sne.s32 s0, $0x0;
	_ =	strace $0x90000047  }
0x6b: {  	s0 =	sadd.s32 @!p0 $0x100000, s1;
	[bflag:$0x2] =	sbarrier.arrive $0xFFFF  }
0x6c: {  	[sflag:s0] =	ssyncadd.tile.s32 @!p0 $0x1;
	_ =	shalt  }
.Lfunc_end2:
_tile_overlayer_lowered:
.L_overlay_start_2:
0x6d: {  	(tag) =	ssettag $0x2  }
0x6e: {  	s0 =	rddreg [dreg:$0x0];
	s2 =	stileid.u32  }
0x6f: {  	s1 =	rddreg [dreg:$0x1];
	p0 =	sne.s32 s2, $0x0  }
0x70: {  	s3 =	rddreg [dreg:$0x2];
	[bflag:$0x3] =	sbarrier.arrive $0xFFFF;
	s2 =	simm.s32 @!p0 $0x1C03  }
0x71: {  	[timem:s3], [sflag:s2] =	dma.local @!p0 [hbm:s0], s1  }
0x72: {  	s0 =	simm.s32 @!p0 $0x3  }
0x73: {  	_ =	swait.ge @!p0 [sflag:s0], s1  }
0x74: {  	s1 =	ssub.s32 @!p0 $0x0, s1;
	[sflag:s0] =	ssyncset.done @!p0 $0x0  }
0x75: {  	[sflag:s0] =	ssyncadd.s32 @!p0 s1  }
0x76: {  	[bflag:$0x3] =	sbarrier.arrive $0xFFFF  }
0x77: {  	_ =	shalt  }

// kernel: kernel.13.cloned.1.call-start
scs
__scs_entry_jumppad:
0x0: {  	(pc) =	sbr.rel $0x88, $3  }
0x1: {  	(tag) =	ssettag $0x0;
	lr =	simm.s32 $0x1  }
0x2: {  	[smem:$0x3F95] =	sst lr;
	_ =	strace $0xD0000000  }
0x3: {  	_ = 	snop  }
0x4: {  	_ = 	snop  }
0x5: {  	_ = 	snop  }
0x6: {  	_ = 	snop  }
0x7: {  	_ = 	snop  }
__scs_overlays_trampoline_lowered:
0x8: {  	[smem:$0x3FA4] =	sst s0  }
0x9: {  	[smem:$0x3FA5] =	sst s1  }
0xa: {  	[smem:$0x3FA6] =	sst s2  }
0xb: {  	[smem:$0x3FA7] =	sst s3  }
0xc: {  	[smem:$0x3FA8] =	sst s4  }
0xd: {  	[smem:$0x3FA9] =	sst s5  }
0xe: {  	[smem:$0x3FAA] =	sst s6  }
0xf: {  	[smem:$0x3FAB] =	sst s7  }
0x10: {  	[smem:$0x3FAC] =	sst s8  }
0x11: {  	[smem:$0x3FAD] =	sst s9;
	s0 =	simm.s32 @!p0 $0x0  }
0x12: {  	s1 =	sld [smem:$0x3F93];
	s0 =	simm.s32 @p0 $0x1  }
0x13: {  	[smem:$0x3FAE] =	sst s0;
	s0 =	simm.s32 @!p1 $0x0  }
0x14: {  	s2 =	sld [smem:$0x3F92];
	s0 =	simm.s32 @p1 $0x1  }
0x15: {  	[smem:$0x3FAF] =	sst s0;
	s0 =	simm.s32 @!p2 $0x0  }
0x16: {  	s3 =	sld [smem:$0x3FDB];
	s0 =	simm.s32 @p2 $0x1  }
0x17: {  	s4 =	simm.s32 $0x1BF5;
	[smem:$0x3FB1] =	sst s0  }
0x18: {  	s0 =	sld [smem:$0x3F94];
	_ =	swait.ge [sflag:s4], $0x0  }
0x19: {  	s7 =	sld [smem:$0x3F95]  }
0x1a: {  	s8 =	sadd.s32 $0xFFFFE003, lr  }
0x1b: {  	s9 =	sadd.s32 $0xFFFFFEF7, lr;
	s5 =	simm.s32 $0xFFFFFFFF;
	p2 =	slt.u32 s8, $0xFFFFF086  }
0x1c: {  	p1 =	slt.u32 s9, $0xF7A;
	s5 =	simm.s32 @!p2 $0x0  }
0x1d: {  	s5 =	simm.s32 @p1 $0x1;
	p0 =	seq.s32 s7, s2  }
0x1e: {  	s7 =	smul.u32 @!p0 $0xF7A, s2;
	p2 =	seq.s32 @!p0 s5, $0x0  }
0x1f: {  	s9 =	smul.u32 $0xF7A, s1;
	s8 =	simm.s32 @!p0 $0x1BF5;
	p2 =	por !p2, p0  }
0x20: {  	[sflag:s8] =	ssyncset.s32 @!p0 $0xFFFFF086;
	s6 =	sadd.s32 @!p0 s3, s7;
	s7 =	simm.s32 @!p0 $0x108  }
0x21: {  	s3 =	sadd.s32 s3, s9;
	s6 =	sadd.s32 @!p0 $0x88, s6;
	s7 =	simm.s32 @p2 $0x1082  }
0x22: {  	[simem:s7], [sflag:s8] =	dma.local @!p0 [hbm:s6], $0xF7A  }
0x23: {  	s9 =	sor.u32 $0xD0000000, s2;
	s6 =	simm.s32 $0x108;
	_ =	swait.ge @!p0 [sflag:s8], $0x0  }
0x24: {  	s3 =	sadd.s32 $0x88, s3;
	s6 =	simm.s32 @!p1 $0x1082;
	[sflag:s4] =	ssyncset.s32 $0xFFFFF086  }
0x25: {  	[simem:s6], [sflag:s4] =	dma.local [hbm:s3], $0xF7A  }
0x26: {  	[smem:$0x3F95] =	sst s1;
	(tag) =	ssettag s2;
	_ =	strace s9  }
0x27: {  	s1 =	sld [smem:$0x3FA5]  }
0x28: {  	s2 =	sld [smem:$0x3FA6]  }
0x29: {  	s4 =	sld [smem:$0x3FA8]  }
0x2a: {  	p0 =	seq.s32 s5, $0x0;
	s5 =	sld [smem:$0x3FA9]  }
0x2b: {  	s6 =	sld [smem:$0x3FAA]  }
0x2c: {  	s7 =	sld [smem:$0x3FAB]  }
0x2d: {  	s3 =	simm.s32 $0x108;
	s8 =	sld [smem:$0x3FAC]  }
0x2e: {  	s3 =	simm.s32 @!p0 $0x1082;
	s9 =	sld [smem:$0x3FAD]  }
0x2f: {  	lr =	sadd.s32 s0, s3;
	s0 =	sld [smem:$0x3FA4]  }
0x30: {  	s3 =	sld [smem:$0x3FA7]  }
0x31: {  	[smem:$0x3FB0] =	sst s10  }
0x32: {  	s10 =	sld [smem:$0x3FAE];
	_ =	sdelay $0x3  }
0x33: {  	p0 =	seq.s32 s10, $0x1;
	s10 =	sld [smem:$0x3FB0];
	_ =	sdelay $0x3  }
0x34: {  	[smem:$0x3FB0] =	sst s10  }
0x35: {  	s10 =	sld [smem:$0x3FAF];
	_ =	sdelay $0x3  }
0x36: {  	p1 =	seq.s32 s10, $0x1;
	s10 =	sld [smem:$0x3FB0];
	_ =	sdelay $0x3  }
0x37: {  	[smem:$0x3FB0] =	sst s10  }
0x38: {  	s10 =	sld [smem:$0x3FB1]  }
0x39: {  	_ = 	snop;
	(pc) =	sbr.ind lr, $3  }
0x3a: {  	_ = 	snop  }
0x3b: {  	_ = 	snop  }
0x3c: {  	p2 =	seq.s32 s10, $0x1;
	s10 =	sld [smem:$0x3FB0]  }
0x3d: {  	_ =	shalt  }
0x3e: {  	_ =	shalt  }
0x3f: {  	_ =	shalt  }
0x40: {  	_ =	shalt  }
0x41: {  	_ =	shalt  }
0x42: {  	_ =	shalt  }
0x43: {  	_ =	shalt  }
0x44: {  	_ =	shalt  }
0x45: {  	_ =	shalt  }
0x46: {  	_ =	shalt  }
0x47: {  	_ =	shalt  }
0x48: {  	_ =	shalt  }
0x49: {  	_ =	shalt  }
0x4a: {  	_ =	shalt  }
0x4b: {  	_ =	shalt  }
0x4c: {  	_ =	shalt  }
0x4d: {  	_ =	shalt  }
0x4e: {  	_ =	shalt  }
0x4f: {  	_ =	shalt  }
0x50: {  	_ =	shalt  }
0x51: {  	_ =	shalt  }
0x52: {  	_ =	shalt  }
0x53: {  	_ =	shalt  }
0x54: {  	_ =	shalt  }
0x55: {  	_ =	shalt  }
0x56: {  	_ =	shalt  }
0x57: {  	_ =	shalt  }
0x58: {  	_ =	shalt  }
0x59: {  	_ =	shalt  }
0x5a: {  	_ =	shalt  }
0x5b: {  	_ =	shalt  }
0x5c: {  	_ =	shalt  }
0x5d: {  	_ =	shalt  }
0x5e: {  	_ =	shalt  }
0x5f: {  	_ =	shalt  }
0x60: {  	_ =	shalt  }
0x61: {  	_ =	shalt  }
0x62: {  	_ =	shalt  }
0x63: {  	_ =	shalt  }
0x64: {  	_ =	shalt  }
0x65: {  	_ =	shalt  }
0x66: {  	_ =	shalt  }
0x67: {  	_ =	shalt  }
0x68: {  	_ =	shalt  }
0x69: {  	_ =	shalt  }
0x6a: {  	_ =	shalt  }
0x6b: {  	_ =	shalt  }
0x6c: {  	_ =	shalt  }
0x6d: {  	_ =	shalt  }
0x6e: {  	_ =	shalt  }
0x6f: {  	_ =	shalt  }
0x70: {  	_ =	shalt  }
0x71: {  	_ =	shalt  }
0x72: {  	_ =	shalt  }
0x73: {  	_ =	shalt  }
0x74: {  	_ =	shalt  }
0x75: {  	_ =	shalt  }
0x76: {  	_ =	shalt  }
0x77: {  	_ =	shalt  }
0x78: {  	_ =	shalt  }
0x79: {  	_ =	shalt  }
0x7a: {  	_ =	shalt  }
0x7b: {  	_ =	shalt  }
0x7c: {  	_ =	shalt  }
0x7d: {  	_ =	shalt  }
0x7e: {  	_ =	shalt  }
0x7f: {  	_ =	shalt  }
0x80: {  	_ =	shalt  }
0x81: {  	_ =	shalt  }
0x82: {  	_ =	shalt  }
0x83: {  	_ =	shalt  }
0x84: {  	_ =	shalt  }
0x85: {  	_ =	shalt  }
0x86: {  	_ =	shalt  }
0x87: {  	_ =	shalt  }
.Lfunc_end0:
.L_simem_size_0:
called_computation.1_lowered:
.L_overlay_start_0:
0x88: {  	s2 =	sld [smem:$0x3FD9]  }
0x89: {  	s3 =	sld [smem:$0x3FFE];
	_ =	sdelay $0x1  }
0x8a: {  	s1 =	srdreg.scid  }
0x8b: {  	s0 =	sand.u32 $0x1, s1  }
0x8c: {  	s16 =	sshll.u32 s0, $0xA;
	s2 =	sadd.s32 s3, s2  }
0x8d: {  	s2 =	sadd.s32 s2, s16  }
0x8e: {  	[smem:$0x3FBC] =	sst s2  }
0x8f: {  	_ = 	snop  }
0x90: {  	(tm) =	ssettm $0x1  }
0x91: {  	s17 =	sld [smem:$0x3FFB];
	_ =	sdelay $0x3  }
0x92: {  	_ =	strace s17  }
0x93: {  	s2 =	sld [smem:$0x3FFC];
	_ =	sdelay $0x3  }
0x94: {  	_ =	strace s2  }
0x95: {  	s2 =	sld [smem:$0x3FFD];
	_ =	sdelay $0x3  }
0x96: {  	_ =	strace s2  }
0x97: {  	_ =	strace $0x8FFFFFFF  }
0x98: {  	s18 =	sld [smem:$0x3FDB];
	_ =	sdelay $0x1  }
0x99: {  	s19 =	simm.s32 $_scs_section_size  }
0x9a: {  	s4 =	simm.s32 $_size__tile_overlayer_lowered;
	s5 =	simm.s32 $_tile_overlayer_lowered  }
0x9b: {  	s22 =	simm.s32 $0x1BFF;
	s21 =	sshll.u32 s5, $0x1;
	s2 =	sadd.s32 s19, s18  }
0x9c: {  	s6 =	simm.s32 $0x0;
	s20 =	sshll.u32 s4, $0x1;
	s4 =	sadd.s32 s21, s2  }
0x9d: {  	[timem:s6], [sflag:s22] =	dma.local [hbm:s4], s20  }
0x9e: {  	_ =	swait.ge [sflag:s22], s20  }
0x9f: {  	s3 =	ssub.s32 $0x0, s20;
	[sflag:s22] =	ssyncset.done $0x0  }
0xa0: {  	[sflag:s22] =	ssyncadd.s32 s3;
	_ =	sdelay $0x1  }
0xa1: {  	s23 =	simm.s32 $0x1B8B  }
0xa2: {  	_ =	swait.ge [sflag:s23], $0x1  }
0xa3: {  	[sflag:s23] =	ssyncset.done $0x0  }
0xa4: {  	s25 =	simm.s32 $0x1B8E;
	s24 =	sld [smem:$0x3FFE];
	[sflag:s23] =	ssyncadd.s32 $0xFFFFFFFF  }
0xa5: {  	s26 =	simm.s32 $execute0_lowered;
	[smem:$0x3FD2] =	sst s25  }
0xa6: {  	s4 =	sshll.u32 s26, $0x1;
	_ =	strace $0x80000049;
	[dreg:$0x1] =	wrdreg $0xFFFFFFFF  }
0xa7: {  	s28 =	simm.s32 $_size_execute0_lowered;
	s2 =	sadd.s32 s2, s4;
	[dreg:$0x0] =	wrdreg $0x0  }
0xa8: {  	s4 =	sshll.u32 s28, $0x1;
	[dreg:$0x2] =	wrdreg s2  }
0xa9: {  	[dreg:$0x3] =	wrdreg s4  }
0xaa: {  	[dreg:$0x4] =	wrdreg $0xC0  }
0xab: {  	_ =	task [dreg:s6], $0x5FFFF  }
0xac: {  	[dreg:$0x1] =	wrdreg $0xFFFFFFFF  }
0xad: {  	[dreg:$0x0] =	wrdreg $0x60  }
0xae: {  	[dreg:$0x2] =	wrdreg s24  }
0xaf: {  	[dreg:$0x3] =	wrdreg $0x90000  }
0xb0: {  	[dreg:$0x4] =	wrdreg $0x9  }
0xb1: {  	_ =	task.clear_ibuf [dreg:s6], $0x5FFFF;
	_ =	strace $0x90000049  }
0xb2: {  	s29 =	simm.s32 $0x9;
	_ =	strace $0x8000004B  }
0xb3: {  	_ =	swait.ge [sflag:s29], $0x1  }
0xb4: {  	[sflag:s29] =	ssyncadd.s32 $0xFFFFFFFF  }
0xb5: {  	_ =	strace $0x9000004B  }
0xb6: {  	_ =	sfence  }
0xb7: {  	s30 =	sld [smem:$0x0];
	_ =	sdelay $0x2  }
0xb8: {  	s31 =	sshll.u32 s1, $0xD;
	s1 =	sshrl.u32 s1, $0x2  }
0xb9: {  	s3 =	sand.u32 $0x4000, s31;
	s1 =	sadd.s32 s1, s30  }
0xba: {  	s0 =	sor.u32 s3, s0;
	s1 =	sshll.u32 s1, $0x11  }
0xbb: {  	s0 =	sor.u32 s1, s0  }
0xbc: {  	s0 =	sadd.s32 $0x8F2B, s0  }
0xbd: {  	[sflag:s0] =	ssyncadd.remote.s32 $0x1  }
0xbe: {  	_ =	sfence.sel $0xFFFF  }
0xbf: {  	[dreg:$0x0] =	wrdreg $0xFFFFFFFF;
	(pc) =	sbr.abs _section_cstart, $3  }
0xc0: {  	[dreg:$0x1] =	wrdreg $0xFFFFFFFF  }
0xc1: {  	_ =	task.clear_ibuf [dreg:s6], $0x2FFFF;
	_ =	strace $0x9FFFFFFF  }
0xc2: {  	(tm) =	ssettm $0x7FFFFFFF  }
0xc3: {  	_ =	shalt  }
tec
execute0_lowered:
.L_overlay_start_1:
0x0: {  	(tag) =	ssettag $0x1  }
0x1: {  	s6 =	rddreg [dreg:$0x0]  }
0x2: {  	s0 =	srdreg.scid;
	s2 =	rddreg [dreg:$0x1];
	s3 =	simm.s32 $0x0  }
0x3: {  	s12 =	simm.s32 $0x5;
	s13 =	simm.s32 $0x80;
	s14 =	simm.s32 $0x1000  }
0x4: {  	s15 =	simm.s32 $0x5000;
	s16 =	simm.s32 $0x1;
	s17 =	simm.s32 $0x2  }
0x5: {  	s18 =	simm.s32 $0x3;
	s5 =	sand.u32 $0x1, s0;
	s0 =	stileid.u32  }
0x6: {  	s19 =	simm.s32 $0x4;
	[smem:$0x7FF] =	sst s3;
	s20 =	smul.u32 $0x2800, s0  }
0x7: {  	s4 =	sadd.s32 $0xC000, s6;
	s1 =	sshll.u32 s5, $0x4;
	s8 =	smul.u32 $0x28000, s5  }
0x8: {  	s9 =	smul.u32 $0x50000, s0;
	s5 =	ssub.s32 $0x2, s5;
	s1 =	sor.u32 s0, s1  }
0x9: {  	s31 =	sshll.u32 s0, $0x6;
	s30 =	sshrl.u32 s5, $0x1;
	s7 =	smul.u32 $0xB00, s1  }
0xa: {  	s1 =	rddreg [dreg:$0x2];
	_ =	strace $0x8000004A;
	s10 =	sadd.s32 s20, s6  }
0xb: {  	s8 =	sadd.s32 s8, s6;
	s9 =	sshrl.u32 s9, $0x2;
	s11 =	ssub.s32 s5, s30  }
0xc: {  	s9 =	sadd.s32 s9, s2;
	s5 =	sadd.s32 $0x72000, s10;
	s21 =	sadd.s32 $0x9A000, s8  }
0xd: {  	s8 =	smax.u32 s11, $0x1;
	s10 =	simm.s32 $0x6;
	s7 =	sadd.s32 s7, s6  }
0xe: {  	s6 =	sor.u32 $0x1C06, s31;
	s9 =	sshrl.u32 s9, $0x3;
	s7 =	sadd.s32 $0x5C000, s7  }
0xf: {  	s20 =	sadd.s32 s20, s21;
	s21 =	simm.s32 $0x0;
	s11 =	sadd.s32 $0x100, s7  }
.LBB2_1:
0x10: {  	[spmem:s9], [sflag:s6] =	dma.local [hbm:s5], $0x2800  }
0x11: {  	_ =	swait.ge [sflag:s10], $0x2800  }
0x12: {  	[sflag:s10] =	ssyncset.done $0x0  }
0x13: {  	[sflag:s10] =	ssyncadd.s32 $0xFFFFD800  }
0x14: {  	[bflag:$0x0] =	sbarrier.arrive $0xFFFF  }
0x15: {  	[tilespmem:s3], [sflag:$0x5] =	stream.linear.gather [hbm4b:s7+s3], $0x800, $0x38;
	[tilespmem:$0x1D000] =	vst v63  }
0x16: {  	s22 =	simm.s32 $0x0;
	_ =	swait.ge [sflag:s12], $0x800  }
0x17: {  	s22 =	sand.u32 $0x800, s22;
	[sflag:s12] =	ssyncset.done $0x0  }
0x18: {  	s23 =	sxor.u32 $0x800, s22;
	[sflag:s12] =	ssyncadd.s32 $0xFFFFF800  }
0x19: {  	[tilespmem:s23], [sflag:$0x5] =	stream.linear.gather [hbm4b:s11+s3], $0x800, $0x38;
	[tilespmem:$0x1D000] =	vst v63  }
0x1a: {  	_ = 	snop  }
0x1b: {  	[tilespmem:s14], [sflag:$0x1] =	stream.indirect.gather [hbm4b:s4+s13], $0x80, s22, s13, $0xb8;
	[tilespmem:$0x1D000] =	vst v63  }
0x1c: {  	s24 =	sor.u32 $0x100, s22  }
0x1d: {  	[tilespmem:s15], [sflag:$0x2] =	stream.indirect.gather [hbm4b:s4+s13], $0x80, s24, s13, $0xb8;
	[tilespmem:$0x1D000] =	vst v63  }
0x1e: {  	_ =	swait.ge [sflag:s16], $0x4000  }
0x1f: {  	[sflag:s16] =	ssyncset.done $0x0  }
0x20: {  	s25 =	sor.u32 $0x80, s22;
	[sflag:s16] =	ssyncadd.s32 $0xFFFFC000  }
0x21: {  	[spmem:s2] =	stream.indirect.scatter.add.f32 [tilespmem:s14], [sflag:$0x3], $0x80, s25, s13, $0xb8;
	[tilespmem:$0x1D000] =	vst v63  }
0x22: {  	_ =	swait.ge [sflag:s17], $0x4000  }
0x23: {  	[sflag:s17] =	ssyncset.done $0x0  }
0x24: {  	s26 =	sor.u32 $0x180, s22;
	[sflag:s17] =	ssyncadd.s32 $0xFFFFC000  }
0x25: {  	[spmem:s2] =	stream.indirect.scatter.add.f32 [tilespmem:s15], [sflag:$0x4], $0x80, s26, s13, $0xb8;
	[tilespmem:$0x1D000] =	vst v63  }
0x26: {  	_ =	swait.ge [sflag:s18], $0x4000  }
0x27: {  	[sflag:s18] =	ssyncset.done $0x0  }
0x28: {  	s28 =	sor.u32 $0x200, s22;
	[sflag:s18] =	ssyncadd.s32 $0xFFFFC000  }
0x29: {  	[tilespmem:s14], [sflag:$0x1] =	stream.indirect.gather [hbm4b:s4+s13], $0x80, s28, s13, $0xb8;
	[tilespmem:$0x1D000] =	vst v63  }
0x2a: {  	_ =	swait.ge [sflag:s19], $0x4000  }
0x2b: {  	[sflag:s19] =	ssyncset.done $0x0  }
0x2c: {  	s29 =	sor.u32 $0x300, s22;
	[sflag:s19] =	ssyncadd.s32 $0xFFFFC000  }
0x2d: {  	[tilespmem:s15], [sflag:$0x2] =	stream.indirect.gather [hbm4b:s4+s13], $0x80, s29, s13, $0xb8;
	[tilespmem:$0x1D000] =	vst v63  }
0x2e: {  	_ =	swait.ge [sflag:s16], $0x4000  }
0x2f: {  	[sflag:s16] =	ssyncset.done $0x0  }
0x30: {  	s30 =	sor.u32 $0x280, s22;
	[sflag:s16] =	ssyncadd.s32 $0xFFFFC000  }
0x31: {  	[spmem:s2] =	stream.indirect.scatter.add.f32 [tilespmem:s14], [sflag:$0x3], $0x80, s30, s13, $0xb8;
	[tilespmem:$0x1D000] =	vst v63  }
0x32: {  	_ =	swait.ge [sflag:s17], $0x4000  }
0x33: {  	[sflag:s17] =	ssyncset.done $0x0  }
0x34: {  	s31 =	sor.u32 $0x380, s22;
	[sflag:s17] =	ssyncadd.s32 $0xFFFFC000  }
0x35: {  	[spmem:s2] =	stream.indirect.scatter.add.f32 [tilespmem:s15], [sflag:$0x4], $0x80, s31, s13, $0xb8;
	[tilespmem:$0x1D000] =	vst v63  }
0x36: {  	_ =	swait.ge [sflag:s18], $0x4000  }
0x37: {  	[sflag:s18] =	ssyncset.done $0x0  }
0x38: {  	s24 =	sor.u32 $0x400, s22;
	[sflag:s18] =	ssyncadd.s32 $0xFFFFC000  }
0x39: {  	[tilespmem:s14], [sflag:$0x1] =	stream.indirect.gather [hbm4b:s4+s13], $0x80, s24, s13, $0xb8;
	[tilespmem:$0x1D000] =	vst v63  }
0x3a: {  	_ =	swait.ge [sflag:s19], $0x4000  }
0x3b: {  	[sflag:s19] =	ssyncset.done $0x0  }
0x3c: {  	s25 =	sor.u32 $0x500, s22;
	[sflag:s19] =	ssyncadd.s32 $0xFFFFC000  }
0x3d: {  	[tilespmem:s15], [sflag:$0x2] =	stream.indirect.gather [hbm4b:s4+s13], $0x80, s25, s13, $0xb8;
	[tilespmem:$0x1D000] =	vst v63  }
0x3e: {  	_ =	swait.ge [sflag:s16], $0x4000  }
0x3f: {  	[sflag:s16] =	ssyncset.done $0x0  }
0x40: {  	s26 =	sor.u32 $0x480, s22;
	[sflag:s16] =	ssyncadd.s32 $0xFFFFC000  }
0x41: {  	[spmem:s2] =	stream.indirect.scatter.add.f32 [tilespmem:s14], [sflag:$0x3], $0x80, s26, s13, $0xb8;
	[tilespmem:$0x1D000] =	vst v63  }
0x42: {  	_ =	swait.ge [sflag:s17], $0x4000  }
0x43: {  	[sflag:s17] =	ssyncset.done $0x0  }
0x44: {  	s28 =	sor.u32 $0x580, s22;
	[sflag:s17] =	ssyncadd.s32 $0xFFFFC000  }
0x45: {  	[spmem:s2] =	stream.indirect.scatter.add.f32 [tilespmem:s15], [sflag:$0x4], $0x80, s28, s13, $0xb8;
	[tilespmem:$0x1D000] =	vst v63  }
0x46: {  	_ =	swait.ge [sflag:s18], $0x4000  }
0x47: {  	[sflag:s18] =	ssyncset.done $0x0  }
0x48: {  	s29 =	sor.u32 $0x600, s22;
	[sflag:s18] =	ssyncadd.s32 $0xFFFFC000  }
0x49: {  	[tilespmem:s14], [sflag:$0x1] =	stream.indirect.gather [hbm4b:s4+s13], $0x80, s29, s13, $0xb8;
	[tilespmem:$0x1D000] =	vst v63  }
0x4a: {  	_ =	swait.ge [sflag:s19], $0x4000  }
0x4b: {  	[sflag:s19] =	ssyncset.done $0x0  }
0x4c: {  	s30 =	sor.u32 $0x700, s22;
	[sflag:s19] =	ssyncadd.s32 $0xFFFFC000  }
0x4d: {  	[tilespmem:s15], [sflag:$0x2] =	stream.indirect.gather [hbm4b:s4+s13], $0x80, s30, s13, $0xb8;
	[tilespmem:$0x1D000] =	vst v63  }
0x4e: {  	_ =	swait.ge [sflag:s16], $0x4000  }
0x4f: {  	[sflag:s16] =	ssyncset.done $0x0  }
0x50: {  	s31 =	sor.u32 $0x680, s22;
	[sflag:s16] =	ssyncadd.s32 $0xFFFFC000  }
0x51: {  	[spmem:s2] =	stream.indirect.scatter.add.f32 [tilespmem:s14], [sflag:$0x3], $0x80, s31, s13, $0xb8;
	[tilespmem:$0x1D000] =	vst v63  }
0x52: {  	_ =	swait.ge [sflag:s17], $0x4000  }
0x53: {  	[sflag:s17] =	ssyncset.done $0x0  }
0x54: {  	s22 =	sor.u32 $0x780, s22;
	[sflag:s17] =	ssyncadd.s32 $0xFFFFC000  }
0x55: {  	[spmem:s2] =	stream.indirect.scatter.add.f32 [tilespmem:s15], [sflag:$0x4], $0x80, s22, s13, $0xb8;
	[tilespmem:$0x1D000] =	vst v63  }
0x56: {  	_ =	swait.ge [sflag:s18], $0x4000  }
0x57: {  	[sflag:s18] =	ssyncset.done $0x0  }
0x58: {  	[sflag:s18] =	ssyncadd.s32 $0xFFFFC000  }
0x59: {  	_ =	swait.ge [sflag:s19], $0x4000  }
0x5a: {  	s23 =	smov.u32 s11;
	s22 =	simm.s32 $0x1;
	[sflag:s19] =	ssyncset.done $0x0  }
.LBB2_2:
0x5b: {  	p0 =	sne.s32 s22, $0x9;
	[sflag:s19] =	ssyncadd.s32 $0xFFFFC000;
	s23 =	sadd.s32 $0x100, s23  }
0x5c: {  	s24 =	sshll.u32 s22, $0xB;
	s22 =	sadd.s32 $0x1, s22;
	_ =	swait.ge [sflag:s12], $0x800  }
0x5d: {  	s24 =	sand.u32 $0x800, s24;
	[sflag:s12] =	ssyncset.done $0x0  }
0x5e: {  	s25 =	sxor.u32 $0x800, s24;
	[sflag:s12] =	ssyncadd.s32 $0xFFFFF800  }
0x5f: {  	[tilespmem:s25], [sflag:$0x5] =	stream.linear.gather [hbm4b:s23+s3], $0x800, $0x38;
	[tilespmem:$0x1D000] =	vst v63  }
0x60: {  	_ = 	snop  }
0x61: {  	[tilespmem:s14], [sflag:$0x1] =	stream.indirect.gather [hbm4b:s4+s13], $0x80, s24, s13, $0xb8;
	[tilespmem:$0x1D000] =	vst v63  }
0x62: {  	s25 =	sor.u32 $0x100, s24  }
0x63: {  	[tilespmem:s15], [sflag:$0x2] =	stream.indirect.gather [hbm4b:s4+s13], $0x80, s25, s13, $0xb8;
	[tilespmem:$0x1D000] =	vst v63  }
0x64: {  	_ =	swait.ge [sflag:s16], $0x4000  }
0x65: {  	[sflag:s16] =	ssyncset.done $0x0  }
0x66: {  	s25 =	sor.u32 $0x80, s24;
	[sflag:s16] =	ssyncadd.s32 $0xFFFFC000  }
0x67: {  	[spmem:s2] =	stream.indirect.scatter.add.f32 [tilespmem:s14], [sflag:$0x3], $0x80, s25, s13, $0xb8;
	[tilespmem:$0x1D000] =	vst v63  }
0x68: {  	_ =	swait.ge [sflag:s17], $0x4000  }
0x69: {  	[sflag:s17] =	ssyncset.done $0x0  }
0x6a: {  	s25 =	sor.u32 $0x180, s24;
	[sflag:s17] =	ssyncadd.s32 $0xFFFFC000  }
0x6b: {  	[spmem:s2] =	stream.indirect.scatter.add.f32 [tilespmem:s15], [sflag:$0x4], $0x80, s25, s13, $0xb8;
	[tilespmem:$0x1D000] =	vst v63  }
0x6c: {  	_ =	swait.ge [sflag:s18], $0x4000  }
0x6d: {  	[sflag:s18] =	ssyncset.done $0x0  }
0x6e: {  	s25 =	sor.u32 $0x200, s24;
	[sflag:s18] =	ssyncadd.s32 $0xFFFFC000  }
0x6f: {  	[tilespmem:s14], [sflag:$0x1] =	stream.indirect.gather [hbm4b:s4+s13], $0x80, s25, s13, $0xb8;
	[tilespmem:$0x1D000] =	vst v63  }
0x70: {  	_ =	swait.ge [sflag:s19], $0x4000  }
0x71: {  	[sflag:s19] =	ssyncset.done $0x0  }
0x72: {  	s25 =	sor.u32 $0x300, s24;
	[sflag:s19] =	ssyncadd.s32 $0xFFFFC000  }
0x73: {  	[tilespmem:s15], [sflag:$0x2] =	stream.indirect.gather [hbm4b:s4+s13], $0x80, s25, s13, $0xb8;
	[tilespmem:$0x1D000] =	vst v63  }
0x74: {  	_ =	swait.ge [sflag:s16], $0x4000  }
0x75: {  	[sflag:s16] =	ssyncset.done $0x0  }
0x76: {  	s25 =	sor.u32 $0x280, s24;
	[sflag:s16] =	ssyncadd.s32 $0xFFFFC000  }
0x77: {  	[spmem:s2] =	stream.indirect.scatter.add.f32 [tilespmem:s14], [sflag:$0x3], $0x80, s25, s13, $0xb8;
	[tilespmem:$0x1D000] =	vst v63  }
0x78: {  	_ =	swait.ge [sflag:s17], $0x4000  }
0x79: {  	[sflag:s17] =	ssyncset.done $0x0  }
0x7a: {  	s25 =	sor.u32 $0x380, s24;
	[sflag:s17] =	ssyncadd.s32 $0xFFFFC000  }
0x7b: {  	[spmem:s2] =	stream.indirect.scatter.add.f32 [tilespmem:s15], [sflag:$0x4], $0x80, s25, s13, $0xb8;
	[tilespmem:$0x1D000] =	vst v63  }
0x7c: {  	_ =	swait.ge [sflag:s18], $0x4000  }
0x7d: {  	[sflag:s18] =	ssyncset.done $0x0  }
0x7e: {  	s25 =	sor.u32 $0x400, s24;
	[sflag:s18] =	ssyncadd.s32 $0xFFFFC000  }
0x7f: {  	[tilespmem:s14], [sflag:$0x1] =	stream.indirect.gather [hbm4b:s4+s13], $0x80, s25, s13, $0xb8;
	[tilespmem:$0x1D000] =	vst v63  }
0x80: {  	_ =	swait.ge [sflag:s19], $0x4000  }
0x81: {  	[sflag:s19] =	ssyncset.done $0x0  }
0x82: {  	s25 =	sor.u32 $0x500, s24;
	[sflag:s19] =	ssyncadd.s32 $0xFFFFC000  }
0x83: {  	[tilespmem:s15], [sflag:$0x2] =	stream.indirect.gather [hbm4b:s4+s13], $0x80, s25, s13, $0xb8;
	[tilespmem:$0x1D000] =	vst v63  }
0x84: {  	_ =	swait.ge [sflag:s16], $0x4000  }
0x85: {  	[sflag:s16] =	ssyncset.done $0x0  }
0x86: {  	s25 =	sor.u32 $0x480, s24;
	[sflag:s16] =	ssyncadd.s32 $0xFFFFC000  }
0x87: {  	[spmem:s2] =	stream.indirect.scatter.add.f32 [tilespmem:s14], [sflag:$0x3], $0x80, s25, s13, $0xb8;
	[tilespmem:$0x1D000] =	vst v63  }
0x88: {  	_ =	swait.ge [sflag:s17], $0x4000  }
0x89: {  	[sflag:s17] =	ssyncset.done $0x0  }
0x8a: {  	s25 =	sor.u32 $0x580, s24;
	[sflag:s17] =	ssyncadd.s32 $0xFFFFC000  }
0x8b: {  	[spmem:s2] =	stream.indirect.scatter.add.f32 [tilespmem:s15], [sflag:$0x4], $0x80, s25, s13, $0xb8;
	[tilespmem:$0x1D000] =	vst v63  }
0x8c: {  	_ =	swait.ge [sflag:s18], $0x4000  }
0x8d: {  	[sflag:s18] =	ssyncset.done $0x0  }
0x8e: {  	s25 =	sor.u32 $0x600, s24;
	[sflag:s18] =	ssyncadd.s32 $0xFFFFC000  }
0x8f: {  	[tilespmem:s14], [sflag:$0x1] =	stream.indirect.gather [hbm4b:s4+s13], $0x80, s25, s13, $0xb8;
	[tilespmem:$0x1D000] =	vst v63  }
0x90: {  	_ =	swait.ge [sflag:s19], $0x4000  }
0x91: {  	[sflag:s19] =	ssyncset.done $0x0  }
0x92: {  	s25 =	sor.u32 $0x700, s24;
	[sflag:s19] =	ssyncadd.s32 $0xFFFFC000  }
0x93: {  	[tilespmem:s15], [sflag:$0x2] =	stream.indirect.gather [hbm4b:s4+s13], $0x80, s25, s13, $0xb8;
	[tilespmem:$0x1D000] =	vst v63  }
0x94: {  	_ =	swait.ge [sflag:s16], $0x4000  }
0x95: {  	[sflag:s16] =	ssyncset.done $0x0  }
0x96: {  	s25 =	sor.u32 $0x680, s24;
	[sflag:s16] =	ssyncadd.s32 $0xFFFFC000  }
0x97: {  	[spmem:s2] =	stream.indirect.scatter.add.f32 [tilespmem:s14], [sflag:$0x3], $0x80, s25, s13, $0xb8;
	[tilespmem:$0x1D000] =	vst v63  }
0x98: {  	_ =	swait.ge [sflag:s17], $0x4000  }
0x99: {  	[sflag:s17] =	ssyncset.done $0x0  }
0x9a: {  	s24 =	sor.u32 $0x780, s24;
	[sflag:s17] =	ssyncadd.s32 $0xFFFFC000  }
0x9b: {  	[spmem:s2] =	stream.indirect.scatter.add.f32 [tilespmem:s15], [sflag:$0x4], $0x80, s24, s13, $0xb8;
	[tilespmem:$0x1D000] =	vst v63  }
.Ltmp0:
0x9c: {  	_ =	swait.ge [sflag:s18], $0x4000;
	(pc) =	sbr.rel @p0 .LBB2_2-.Ltmp0, $4  }
0x9d: {  	[sflag:s18] =	ssyncset.done $0x0  }
0x9e: {  	[sflag:s18] =	ssyncadd.s32 $0xFFFFC000  }
0x9f: {  	_ =	swait.ge [sflag:s19], $0x4000  }
0xa0: {  	[sflag:s19] =	ssyncset.done $0x0  }
0xa1: {  	[sflag:s19] =	ssyncadd.s32 $0xFFFFC000  }
0xa2: {  	_ =	swait.ge [sflag:s12], $0x800  }
0xa3: {  	s21 =	sadd.s32 $0x1, s21;
	[sflag:s12] =	ssyncset.done $0x0  }
0xa4: {  	p0 =	sne.s32 s21, s8;
	[sflag:s12] =	ssyncadd.s32 $0xFFFFF800  }
.Ltmp1:
0xa5: {  	[bflag:$0x0] =	sbarrier.arrive $0xFFFF;
	(pc) =	sbr.rel @p0 .LBB2_1-.Ltmp1, $4  }
0xa6: {  	[hbm:s20], [sflag:s6] =	dma.local [spmem:s9], $0x2800  }
0xa7: {  	_ =	swait.ge [sflag:s10], $0x2800  }
0xa8: {  	[sflag:s10] =	ssyncset.done $0x0  }
0xa9: {  	[sflag:s10] =	ssyncadd.s32 $0xFFFFD800  }
0xaa: {  	_ =	sfence.sel $0x180000  }
0xab: {  	[bflag:$0x0] =	sbarrier.arrive $0xFFFF  }
0xac: {  	p0 =	sne.s32 s0, $0x0;
	_ =	strace $0x9000004A  }
0xad: {  	s0 =	sadd.s32 @!p0 $0x100000, s1;
	[bflag:$0x2] =	sbarrier.arrive $0xFFFF  }
0xae: {  	[sflag:s0] =	ssyncadd.tile.s32 @!p0 $0x1;
	_ =	shalt  }
.Lfunc_end2:
_tile_overlayer_lowered:
.L_overlay_start_2:
0xaf: {  	(tag) =	ssettag $0x2  }
0xb0: {  	s0 =	rddreg [dreg:$0x0];
	s2 =	stileid.u32  }
0xb1: {  	s1 =	rddreg [dreg:$0x1];
	p0 =	sne.s32 s2, $0x0  }
0xb2: {  	s3 =	rddreg [dreg:$0x2];
	[bflag:$0x3] =	sbarrier.arrive $0xFFFF;
	s2 =	simm.s32 @!p0 $0x1C06  }
0xb3: {  	[timem:s3], [sflag:s2] =	dma.local @!p0 [hbm:s0], s1  }
0xb4: {  	s0 =	simm.s32 @!p0 $0x6  }
0xb5: {  	_ =	swait.ge @!p0 [sflag:s0], s1  }
0xb6: {  	s1 =	ssub.s32 @!p0 $0x0, s1;
	[sflag:s0] =	ssyncset.done @!p0 $0x0  }
0xb7: {  	[sflag:s0] =	ssyncadd.s32 @!p0 s1  }
0xb8: {  	[bflag:$0x3] =	sbarrier.arrive $0xFFFF  }
0xb9: {  	_ =	shalt  }

// kernel: kernel.16.cloned.1.call-start
scs
__scs_entry_jumppad:
0x0: {  	(pc) =	sbr.rel $0x88, $3  }
0x1: {  	(tag) =	ssettag $0x0;
	lr =	simm.s32 $0x1  }
0x2: {  	[smem:$0x3F95] =	sst lr;
	_ =	strace $0xD0000000  }
0x3: {  	_ = 	snop  }
0x4: {  	_ = 	snop  }
0x5: {  	_ = 	snop  }
0x6: {  	_ = 	snop  }
0x7: {  	_ = 	snop  }
__scs_overlays_trampoline_lowered:
0x8: {  	[smem:$0x3FA4] =	sst s0  }
0x9: {  	[smem:$0x3FA5] =	sst s1  }
0xa: {  	[smem:$0x3FA6] =	sst s2  }
0xb: {  	[smem:$0x3FA7] =	sst s3  }
0xc: {  	[smem:$0x3FA8] =	sst s4  }
0xd: {  	[smem:$0x3FA9] =	sst s5  }
0xe: {  	[smem:$0x3FAA] =	sst s6  }
0xf: {  	[smem:$0x3FAB] =	sst s7  }
0x10: {  	[smem:$0x3FAC] =	sst s8  }
0x11: {  	[smem:$0x3FAD] =	sst s9;
	s0 =	simm.s32 @!p0 $0x0  }
0x12: {  	s1 =	sld [smem:$0x3F93];
	s0 =	simm.s32 @p0 $0x1  }
0x13: {  	[smem:$0x3FAE] =	sst s0;
	s0 =	simm.s32 @!p1 $0x0  }
0x14: {  	s2 =	sld [smem:$0x3F92];
	s0 =	simm.s32 @p1 $0x1  }
0x15: {  	[smem:$0x3FAF] =	sst s0;
	s0 =	simm.s32 @!p2 $0x0  }
0x16: {  	s3 =	sld [smem:$0x3FDB];
	s0 =	simm.s32 @p2 $0x1  }
0x17: {  	s4 =	simm.s32 $0x1BF5;
	[smem:$0x3FB1] =	sst s0  }
0x18: {  	s0 =	sld [smem:$0x3F94];
	_ =	swait.ge [sflag:s4], $0x0  }
0x19: {  	s7 =	sld [smem:$0x3F95]  }
0x1a: {  	s8 =	sadd.s32 $0xFFFFE003, lr  }
0x1b: {  	s9 =	sadd.s32 $0xFFFFFEF7, lr;
	s5 =	simm.s32 $0xFFFFFFFF;
	p2 =	slt.u32 s8, $0xFFFFF086  }
0x1c: {  	p1 =	slt.u32 s9, $0xF7A;
	s5 =	simm.s32 @!p2 $0x0  }
0x1d: {  	s5 =	simm.s32 @p1 $0x1;
	p0 =	seq.s32 s7, s2  }
0x1e: {  	s7 =	smul.u32 @!p0 $0xF7A, s2;
	p2 =	seq.s32 @!p0 s5, $0x0  }
0x1f: {  	s9 =	smul.u32 $0xF7A, s1;
	s8 =	simm.s32 @!p0 $0x1BF5;
	p2 =	por !p2, p0  }
0x20: {  	[sflag:s8] =	ssyncset.s32 @!p0 $0xFFFFF086;
	s6 =	sadd.s32 @!p0 s3, s7;
	s7 =	simm.s32 @!p0 $0x108  }
0x21: {  	s3 =	sadd.s32 s3, s9;
	s6 =	sadd.s32 @!p0 $0x88, s6;
	s7 =	simm.s32 @p2 $0x1082  }
0x22: {  	[simem:s7], [sflag:s8] =	dma.local @!p0 [hbm:s6], $0xF7A  }
0x23: {  	s9 =	sor.u32 $0xD0000000, s2;
	s6 =	simm.s32 $0x108;
	_ =	swait.ge @!p0 [sflag:s8], $0x0  }
0x24: {  	s3 =	sadd.s32 $0x88, s3;
	s6 =	simm.s32 @!p1 $0x1082;
	[sflag:s4] =	ssyncset.s32 $0xFFFFF086  }
0x25: {  	[simem:s6], [sflag:s4] =	dma.local [hbm:s3], $0xF7A  }
0x26: {  	[smem:$0x3F95] =	sst s1;
	(tag) =	ssettag s2;
	_ =	strace s9  }
0x27: {  	s1 =	sld [smem:$0x3FA5]  }
0x28: {  	s2 =	sld [smem:$0x3FA6]  }
0x29: {  	s4 =	sld [smem:$0x3FA8]  }
0x2a: {  	p0 =	seq.s32 s5, $0x0;
	s5 =	sld [smem:$0x3FA9]  }
0x2b: {  	s6 =	sld [smem:$0x3FAA]  }
0x2c: {  	s7 =	sld [smem:$0x3FAB]  }
0x2d: {  	s3 =	simm.s32 $0x108;
	s8 =	sld [smem:$0x3FAC]  }
0x2e: {  	s3 =	simm.s32 @!p0 $0x1082;
	s9 =	sld [smem:$0x3FAD]  }
0x2f: {  	lr =	sadd.s32 s0, s3;
	s0 =	sld [smem:$0x3FA4]  }
0x30: {  	s3 =	sld [smem:$0x3FA7]  }
0x31: {  	[smem:$0x3FB0] =	sst s10  }
0x32: {  	s10 =	sld [smem:$0x3FAE];
	_ =	sdelay $0x3  }
0x33: {  	p0 =	seq.s32 s10, $0x1;
	s10 =	sld [smem:$0x3FB0];
	_ =	sdelay $0x3  }
0x34: {  	[smem:$0x3FB0] =	sst s10  }
0x35: {  	s10 =	sld [smem:$0x3FAF];
	_ =	sdelay $0x3  }
0x36: {  	p1 =	seq.s32 s10, $0x1;
	s10 =	sld [smem:$0x3FB0];
	_ =	sdelay $0x3  }
0x37: {  	[smem:$0x3FB0] =	sst s10  }
0x38: {  	s10 =	sld [smem:$0x3FB1]  }
0x39: {  	_ = 	snop;
	(pc) =	sbr.ind lr, $3  }
0x3a: {  	_ = 	snop  }
0x3b: {  	_ = 	snop  }
0x3c: {  	p2 =	seq.s32 s10, $0x1;
	s10 =	sld [smem:$0x3FB0]  }
0x3d: {  	_ =	shalt  }
0x3e: {  	_ =	shalt  }
0x3f: {  	_ =	shalt  }
0x40: {  	_ =	shalt  }
0x41: {  	_ =	shalt  }
0x42: {  	_ =	shalt  }
0x43: {  	_ =	shalt  }
0x44: {  	_ =	shalt  }
0x45: {  	_ =	shalt  }
0x46: {  	_ =	shalt  }
0x47: {  	_ =	shalt  }
0x48: {  	_ =	shalt  }
0x49: {  	_ =	shalt  }
0x4a: {  	_ =	shalt  }
0x4b: {  	_ =	shalt  }
0x4c: {  	_ =	shalt  }
0x4d: {  	_ =	shalt  }
0x4e: {  	_ =	shalt  }
0x4f: {  	_ =	shalt  }
0x50: {  	_ =	shalt  }
0x51: {  	_ =	shalt  }
0x52: {  	_ =	shalt  }
0x53: {  	_ =	shalt  }
0x54: {  	_ =	shalt  }
0x55: {  	_ =	shalt  }
0x56: {  	_ =	shalt  }
0x57: {  	_ =	shalt  }
0x58: {  	_ =	shalt  }
0x59: {  	_ =	shalt  }
0x5a: {  	_ =	shalt  }
0x5b: {  	_ =	shalt  }
0x5c: {  	_ =	shalt  }
0x5d: {  	_ =	shalt  }
0x5e: {  	_ =	shalt  }
0x5f: {  	_ =	shalt  }
0x60: {  	_ =	shalt  }
0x61: {  	_ =	shalt  }
0x62: {  	_ =	shalt  }
0x63: {  	_ =	shalt  }
0x64: {  	_ =	shalt  }
0x65: {  	_ =	shalt  }
0x66: {  	_ =	shalt  }
0x67: {  	_ =	shalt  }
0x68: {  	_ =	shalt  }
0x69: {  	_ =	shalt  }
0x6a: {  	_ =	shalt  }
0x6b: {  	_ =	shalt  }
0x6c: {  	_ =	shalt  }
0x6d: {  	_ =	shalt  }
0x6e: {  	_ =	shalt  }
0x6f: {  	_ =	shalt  }
0x70: {  	_ =	shalt  }
0x71: {  	_ =	shalt  }
0x72: {  	_ =	shalt  }
0x73: {  	_ =	shalt  }
0x74: {  	_ =	shalt  }
0x75: {  	_ =	shalt  }
0x76: {  	_ =	shalt  }
0x77: {  	_ =	shalt  }
0x78: {  	_ =	shalt  }
0x79: {  	_ =	shalt  }
0x7a: {  	_ =	shalt  }
0x7b: {  	_ =	shalt  }
0x7c: {  	_ =	shalt  }
0x7d: {  	_ =	shalt  }
0x7e: {  	_ =	shalt  }
0x7f: {  	_ =	shalt  }
0x80: {  	_ =	shalt  }
0x81: {  	_ =	shalt  }
0x82: {  	_ =	shalt  }
0x83: {  	_ =	shalt  }
0x84: {  	_ =	shalt  }
0x85: {  	_ =	shalt  }
0x86: {  	_ =	shalt  }
0x87: {  	_ =	shalt  }
.Lfunc_end0:
.L_simem_size_0:
called_computation.2_lowered:
.L_overlay_start_0:
0x88: {  	s2 =	sld [smem:$0x3FD9]  }
0x89: {  	s3 =	sld [smem:$0x3FFE];
	_ =	sdelay $0x1  }
0x8a: {  	s1 =	srdreg.scid  }
0x8b: {  	s0 =	sand.u32 $0x1, s1  }
0x8c: {  	s16 =	sshll.u32 s0, $0xA;
	s2 =	sadd.s32 s3, s2  }
0x8d: {  	s2 =	sadd.s32 s2, s16  }
0x8e: {  	[smem:$0x3FBC] =	sst s2  }
0x8f: {  	_ = 	snop  }
0x90: {  	(tm) =	ssettm $0x1  }
0x91: {  	s17 =	sld [smem:$0x3FFB];
	_ =	sdelay $0x3  }
0x92: {  	_ =	strace s17  }
0x93: {  	s2 =	sld [smem:$0x3FFC];
	_ =	sdelay $0x3  }
0x94: {  	_ =	strace s2  }
0x95: {  	s2 =	sld [smem:$0x3FFD];
	_ =	sdelay $0x3  }
0x96: {  	_ =	strace s2  }
0x97: {  	_ =	strace $0x8FFFFFFF  }
0x98: {  	s18 =	sld [smem:$0x3FDB];
	_ =	sdelay $0x1  }
0x99: {  	s19 =	simm.s32 $_scs_section_size  }
0x9a: {  	s4 =	simm.s32 $_size__tile_overlayer_lowered;
	s5 =	simm.s32 $_tile_overlayer_lowered  }
0x9b: {  	s22 =	simm.s32 $0x1BFF;
	s21 =	sshll.u32 s5, $0x1;
	s2 =	sadd.s32 s19, s18  }
0x9c: {  	s6 =	simm.s32 $0x0;
	s20 =	sshll.u32 s4, $0x1;
	s4 =	sadd.s32 s21, s2  }
0x9d: {  	[timem:s6], [sflag:s22] =	dma.local [hbm:s4], s20  }
0x9e: {  	_ =	swait.ge [sflag:s22], s20  }
0x9f: {  	s3 =	ssub.s32 $0x0, s20;
	[sflag:s22] =	ssyncset.done $0x0  }
0xa0: {  	[sflag:s22] =	ssyncadd.s32 s3;
	_ =	sdelay $0x1  }
0xa1: {  	s23 =	simm.s32 $0x1B8B  }
0xa2: {  	_ =	swait.ge [sflag:s23], $0x1  }
0xa3: {  	[sflag:s23] =	ssyncset.done $0x0  }
0xa4: {  	s25 =	simm.s32 $0x1B8E;
	s24 =	sld [smem:$0x3FFE];
	[sflag:s23] =	ssyncadd.s32 $0xFFFFFFFF  }
0xa5: {  	s26 =	simm.s32 $execute0_lowered;
	[smem:$0x3FD2] =	sst s25  }
0xa6: {  	s4 =	sshll.u32 s26, $0x1;
	_ =	strace $0x8000004C;
	[dreg:$0x1] =	wrdreg $0xFFFFFFFF  }
0xa7: {  	s28 =	simm.s32 $_size_execute0_lowered;
	s2 =	sadd.s32 s2, s4;
	[dreg:$0x0] =	wrdreg $0x0  }
0xa8: {  	s4 =	sshll.u32 s28, $0x1;
	[dreg:$0x2] =	wrdreg s2  }
0xa9: {  	[dreg:$0x3] =	wrdreg s4  }
0xaa: {  	[dreg:$0x4] =	wrdreg $0xC0  }
0xab: {  	_ =	task [dreg:s6], $0x5FFFF  }
0xac: {  	[dreg:$0x1] =	wrdreg $0xFFFFFFFF  }
0xad: {  	[dreg:$0x0] =	wrdreg $0x60  }
0xae: {  	[dreg:$0x2] =	wrdreg s24  }
0xaf: {  	[dreg:$0x3] =	wrdreg $0x90000  }
0xb0: {  	[dreg:$0x4] =	wrdreg $0x9  }
0xb1: {  	_ =	task.clear_ibuf [dreg:s6], $0x5FFFF;
	_ =	strace $0x9000004C  }
0xb2: {  	s29 =	simm.s32 $0x9;
	_ =	strace $0x8000004E  }
0xb3: {  	_ =	swait.ge [sflag:s29], $0x1  }
0xb4: {  	[sflag:s29] =	ssyncadd.s32 $0xFFFFFFFF  }
0xb5: {  	_ =	strace $0x9000004E  }
0xb6: {  	_ =	sfence  }
0xb7: {  	s30 =	sld [smem:$0x0];
	_ =	sdelay $0x2  }
0xb8: {  	s31 =	sshll.u32 s1, $0xD;
	s1 =	sshrl.u32 s1, $0x2  }
0xb9: {  	s3 =	sand.u32 $0x4000, s31;
	s1 =	sadd.s32 s1, s30  }
0xba: {  	s0 =	sor.u32 s3, s0;
	s1 =	sshll.u32 s1, $0x11  }
0xbb: {  	s0 =	sor.u32 s1, s0  }
0xbc: {  	s0 =	sadd.s32 $0x8F2B, s0  }
0xbd: {  	[sflag:s0] =	ssyncadd.remote.s32 $0x1  }
0xbe: {  	_ =	sfence.sel $0xFFFF  }
0xbf: {  	[dreg:$0x0] =	wrdreg $0xFFFFFFFF;
	(pc) =	sbr.abs _section_cstart, $3  }
0xc0: {  	[dreg:$0x1] =	wrdreg $0xFFFFFFFF  }
0xc1: {  	_ =	task.clear_ibuf [dreg:s6], $0x2FFFF;
	_ =	strace $0x9FFFFFFF  }
0xc2: {  	(tm) =	ssettm $0x7FFFFFFF  }
0xc3: {  	_ =	shalt  }
tec
execute0_lowered:
.L_overlay_start_1:
0x0: {  	(tag) =	ssettag $0x1  }
0x1: {  	s6 =	rddreg [dreg:$0x0]  }
0x2: {  	s0 =	srdreg.scid;
	s2 =	rddreg [dreg:$0x1];
	s3 =	simm.s32 $0x0  }
0x3: {  	s12 =	simm.s32 $0x5;
	s13 =	simm.s32 $0x80;
	s14 =	simm.s32 $0x1000  }
0x4: {  	s15 =	simm.s32 $0x5000;
	s16 =	simm.s32 $0x1;
	s17 =	simm.s32 $0x2  }
0x5: {  	s18 =	simm.s32 $0x3;
	s5 =	sand.u32 $0x1, s0;
	s0 =	stileid.u32  }
0x6: {  	s19 =	simm.s32 $0x4;
	[smem:$0x7FF] =	sst s3;
	s20 =	smul.u32 $0x2800, s0  }
0x7: {  	s4 =	sadd.s32 $0x3800, s6;
	s1 =	sshll.u32 s5, $0x4;
	s8 =	smul.u32 $0x28000, s5  }
0x8: {  	s9 =	smul.u32 $0x50000, s0;
	s5 =	ssub.s32 $0x2, s5;
	s1 =	sor.u32 s0, s1  }
0x9: {  	s31 =	sshll.u32 s0, $0x6;
	s30 =	sshrl.u32 s5, $0x1;
	s7 =	smul.u32 $0xB00, s1  }
0xa: {  	s1 =	rddreg [dreg:$0x2];
	_ =	strace $0x8000004D;
	s10 =	sadd.s32 s20, s6  }
0xb: {  	s8 =	sadd.s32 s8, s6;
	s9 =	sshrl.u32 s9, $0x2;
	s11 =	ssub.s32 s5, s30  }
0xc: {  	s9 =	sadd.s32 s9, s2;
	s5 =	sadd.s32 $0x72000, s10;
	s21 =	sadd.s32 $0x9A000, s8  }
0xd: {  	s8 =	smax.u32 s11, $0x1;
	s10 =	simm.s32 $0x6;
	s7 =	sadd.s32 s7, s6  }
0xe: {  	s6 =	sor.u32 $0x1C06, s31;
	s9 =	sshrl.u32 s9, $0x3;
	s7 =	sadd.s32 $0x5C000, s7  }
0xf: {  	s20 =	sadd.s32 s20, s21;
	s21 =	simm.s32 $0x0;
	s11 =	sadd.s32 $0x100, s7  }
.LBB2_1:
0x10: {  	[spmem:s9], [sflag:s6] =	dma.local [hbm:s5], $0x2800  }
0x11: {  	_ =	swait.ge [sflag:s10], $0x2800  }
0x12: {  	[sflag:s10] =	ssyncset.done $0x0  }
0x13: {  	[sflag:s10] =	ssyncadd.s32 $0xFFFFD800  }
0x14: {  	[bflag:$0x0] =	sbarrier.arrive $0xFFFF  }
0x15: {  	[tilespmem:s3], [sflag:$0x5] =	stream.linear.gather [hbm4b:s7+s3], $0x800, $0x38;
	[tilespmem:$0x1D000] =	vst v63  }
0x16: {  	s22 =	simm.s32 $0x0;
	_ =	swait.ge [sflag:s12], $0x800  }
0x17: {  	s22 =	sand.u32 $0x800, s22;
	[sflag:s12] =	ssyncset.done $0x0  }
0x18: {  	s23 =	sxor.u32 $0x800, s22;
	[sflag:s12] =	ssyncadd.s32 $0xFFFFF800  }
0x19: {  	[tilespmem:s23], [sflag:$0x5] =	stream.linear.gather [hbm4b:s11+s3], $0x800, $0x38;
	[tilespmem:$0x1D000] =	vst v63  }
0x1a: {  	_ = 	snop  }
0x1b: {  	[tilespmem:s14], [sflag:$0x1] =	stream.indirect.gather [hbm4b:s4+s13], $0x80, s22, s13, $0xb8;
	[tilespmem:$0x1D000] =	vst v63  }
0x1c: {  	s24 =	sor.u32 $0x100, s22  }
0x1d: {  	[tilespmem:s15], [sflag:$0x2] =	stream.indirect.gather [hbm4b:s4+s13], $0x80, s24, s13, $0xb8;
	[tilespmem:$0x1D000] =	vst v63  }
0x1e: {  	_ =	swait.ge [sflag:s16], $0x4000  }
0x1f: {  	[sflag:s16] =	ssyncset.done $0x0  }
0x20: {  	s25 =	sor.u32 $0x80, s22;
	[sflag:s16] =	ssyncadd.s32 $0xFFFFC000  }
0x21: {  	[spmem:s2] =	stream.indirect.scatter.add.f32 [tilespmem:s14], [sflag:$0x3], $0x80, s25, s13, $0xb8;
	[tilespmem:$0x1D000] =	vst v63  }
0x22: {  	_ =	swait.ge [sflag:s17], $0x4000  }
0x23: {  	[sflag:s17] =	ssyncset.done $0x0  }
0x24: {  	s26 =	sor.u32 $0x180, s22;
	[sflag:s17] =	ssyncadd.s32 $0xFFFFC000  }
0x25: {  	[spmem:s2] =	stream.indirect.scatter.add.f32 [tilespmem:s15], [sflag:$0x4], $0x80, s26, s13, $0xb8;
	[tilespmem:$0x1D000] =	vst v63  }
0x26: {  	_ =	swait.ge [sflag:s18], $0x4000  }
0x27: {  	[sflag:s18] =	ssyncset.done $0x0  }
0x28: {  	s28 =	sor.u32 $0x200, s22;
	[sflag:s18] =	ssyncadd.s32 $0xFFFFC000  }
0x29: {  	[tilespmem:s14], [sflag:$0x1] =	stream.indirect.gather [hbm4b:s4+s13], $0x80, s28, s13, $0xb8;
	[tilespmem:$0x1D000] =	vst v63  }
0x2a: {  	_ =	swait.ge [sflag:s19], $0x4000  }
0x2b: {  	[sflag:s19] =	ssyncset.done $0x0  }
0x2c: {  	s29 =	sor.u32 $0x300, s22;
	[sflag:s19] =	ssyncadd.s32 $0xFFFFC000  }
0x2d: {  	[tilespmem:s15], [sflag:$0x2] =	stream.indirect.gather [hbm4b:s4+s13], $0x80, s29, s13, $0xb8;
	[tilespmem:$0x1D000] =	vst v63  }
0x2e: {  	_ =	swait.ge [sflag:s16], $0x4000  }
0x2f: {  	[sflag:s16] =	ssyncset.done $0x0  }
0x30: {  	s30 =	sor.u32 $0x280, s22;
	[sflag:s16] =	ssyncadd.s32 $0xFFFFC000  }
0x31: {  	[spmem:s2] =	stream.indirect.scatter.add.f32 [tilespmem:s14], [sflag:$0x3], $0x80, s30, s13, $0xb8;
	[tilespmem:$0x1D000] =	vst v63  }
0x32: {  	_ =	swait.ge [sflag:s17], $0x4000  }
0x33: {  	[sflag:s17] =	ssyncset.done $0x0  }
0x34: {  	s31 =	sor.u32 $0x380, s22;
	[sflag:s17] =	ssyncadd.s32 $0xFFFFC000  }
0x35: {  	[spmem:s2] =	stream.indirect.scatter.add.f32 [tilespmem:s15], [sflag:$0x4], $0x80, s31, s13, $0xb8;
	[tilespmem:$0x1D000] =	vst v63  }
0x36: {  	_ =	swait.ge [sflag:s18], $0x4000  }
0x37: {  	[sflag:s18] =	ssyncset.done $0x0  }
0x38: {  	s24 =	sor.u32 $0x400, s22;
	[sflag:s18] =	ssyncadd.s32 $0xFFFFC000  }
0x39: {  	[tilespmem:s14], [sflag:$0x1] =	stream.indirect.gather [hbm4b:s4+s13], $0x80, s24, s13, $0xb8;
	[tilespmem:$0x1D000] =	vst v63  }
0x3a: {  	_ =	swait.ge [sflag:s19], $0x4000  }
0x3b: {  	[sflag:s19] =	ssyncset.done $0x0  }
0x3c: {  	s25 =	sor.u32 $0x500, s22;
	[sflag:s19] =	ssyncadd.s32 $0xFFFFC000  }
0x3d: {  	[tilespmem:s15], [sflag:$0x2] =	stream.indirect.gather [hbm4b:s4+s13], $0x80, s25, s13, $0xb8;
	[tilespmem:$0x1D000] =	vst v63  }
0x3e: {  	_ =	swait.ge [sflag:s16], $0x4000  }
0x3f: {  	[sflag:s16] =	ssyncset.done $0x0  }
0x40: {  	s26 =	sor.u32 $0x480, s22;
	[sflag:s16] =	ssyncadd.s32 $0xFFFFC000  }
0x41: {  	[spmem:s2] =	stream.indirect.scatter.add.f32 [tilespmem:s14], [sflag:$0x3], $0x80, s26, s13, $0xb8;
	[tilespmem:$0x1D000] =	vst v63  }
0x42: {  	_ =	swait.ge [sflag:s17], $0x4000  }
0x43: {  	[sflag:s17] =	ssyncset.done $0x0  }
0x44: {  	s28 =	sor.u32 $0x580, s22;
	[sflag:s17] =	ssyncadd.s32 $0xFFFFC000  }
0x45: {  	[spmem:s2] =	stream.indirect.scatter.add.f32 [tilespmem:s15], [sflag:$0x4], $0x80, s28, s13, $0xb8;
	[tilespmem:$0x1D000] =	vst v63  }
0x46: {  	_ =	swait.ge [sflag:s18], $0x4000  }
0x47: {  	[sflag:s18] =	ssyncset.done $0x0  }
0x48: {  	s29 =	sor.u32 $0x600, s22;
	[sflag:s18] =	ssyncadd.s32 $0xFFFFC000  }
0x49: {  	[tilespmem:s14], [sflag:$0x1] =	stream.indirect.gather [hbm4b:s4+s13], $0x80, s29, s13, $0xb8;
	[tilespmem:$0x1D000] =	vst v63  }
0x4a: {  	_ =	swait.ge [sflag:s19], $0x4000  }
0x4b: {  	[sflag:s19] =	ssyncset.done $0x0  }
0x4c: {  	s30 =	sor.u32 $0x700, s22;
	[sflag:s19] =	ssyncadd.s32 $0xFFFFC000  }
0x4d: {  	[tilespmem:s15], [sflag:$0x2] =	stream.indirect.gather [hbm4b:s4+s13], $0x80, s30, s13, $0xb8;
	[tilespmem:$0x1D000] =	vst v63  }
0x4e: {  	_ =	swait.ge [sflag:s16], $0x4000  }
0x4f: {  	[sflag:s16] =	ssyncset.done $0x0  }
0x50: {  	s31 =	sor.u32 $0x680, s22;
	[sflag:s16] =	ssyncadd.s32 $0xFFFFC000  }
0x51: {  	[spmem:s2] =	stream.indirect.scatter.add.f32 [tilespmem:s14], [sflag:$0x3], $0x80, s31, s13, $0xb8;
	[tilespmem:$0x1D000] =	vst v63  }
0x52: {  	_ =	swait.ge [sflag:s17], $0x4000  }
0x53: {  	[sflag:s17] =	ssyncset.done $0x0  }
0x54: {  	s22 =	sor.u32 $0x780, s22;
	[sflag:s17] =	ssyncadd.s32 $0xFFFFC000  }
0x55: {  	[spmem:s2] =	stream.indirect.scatter.add.f32 [tilespmem:s15], [sflag:$0x4], $0x80, s22, s13, $0xb8;
	[tilespmem:$0x1D000] =	vst v63  }
0x56: {  	_ =	swait.ge [sflag:s18], $0x4000  }
0x57: {  	[sflag:s18] =	ssyncset.done $0x0  }
0x58: {  	[sflag:s18] =	ssyncadd.s32 $0xFFFFC000  }
0x59: {  	_ =	swait.ge [sflag:s19], $0x4000  }
0x5a: {  	s23 =	smov.u32 s11;
	s22 =	simm.s32 $0x1;
	[sflag:s19] =	ssyncset.done $0x0  }
.LBB2_2:
0x5b: {  	p0 =	sne.s32 s22, $0x9;
	[sflag:s19] =	ssyncadd.s32 $0xFFFFC000;
	s23 =	sadd.s32 $0x100, s23  }
0x5c: {  	s24 =	sshll.u32 s22, $0xB;
	s22 =	sadd.s32 $0x1, s22;
	_ =	swait.ge [sflag:s12], $0x800  }
0x5d: {  	s24 =	sand.u32 $0x800, s24;
	[sflag:s12] =	ssyncset.done $0x0  }
0x5e: {  	s25 =	sxor.u32 $0x800, s24;
	[sflag:s12] =	ssyncadd.s32 $0xFFFFF800  }
0x5f: {  	[tilespmem:s25], [sflag:$0x5] =	stream.linear.gather [hbm4b:s23+s3], $0x800, $0x38;
	[tilespmem:$0x1D000] =	vst v63  }
0x60: {  	_ = 	snop  }
0x61: {  	[tilespmem:s14], [sflag:$0x1] =	stream.indirect.gather [hbm4b:s4+s13], $0x80, s24, s13, $0xb8;
	[tilespmem:$0x1D000] =	vst v63  }
0x62: {  	s25 =	sor.u32 $0x100, s24  }
0x63: {  	[tilespmem:s15], [sflag:$0x2] =	stream.indirect.gather [hbm4b:s4+s13], $0x80, s25, s13, $0xb8;
	[tilespmem:$0x1D000] =	vst v63  }
0x64: {  	_ =	swait.ge [sflag:s16], $0x4000  }
0x65: {  	[sflag:s16] =	ssyncset.done $0x0  }
0x66: {  	s25 =	sor.u32 $0x80, s24;
	[sflag:s16] =	ssyncadd.s32 $0xFFFFC000  }
0x67: {  	[spmem:s2] =	stream.indirect.scatter.add.f32 [tilespmem:s14], [sflag:$0x3], $0x80, s25, s13, $0xb8;
	[tilespmem:$0x1D000] =	vst v63  }
0x68: {  	_ =	swait.ge [sflag:s17], $0x4000  }
0x69: {  	[sflag:s17] =	ssyncset.done $0x0  }
0x6a: {  	s25 =	sor.u32 $0x180, s24;
	[sflag:s17] =	ssyncadd.s32 $0xFFFFC000  }
0x6b: {  	[spmem:s2] =	stream.indirect.scatter.add.f32 [tilespmem:s15], [sflag:$0x4], $0x80, s25, s13, $0xb8;
	[tilespmem:$0x1D000] =	vst v63  }
0x6c: {  	_ =	swait.ge [sflag:s18], $0x4000  }
0x6d: {  	[sflag:s18] =	ssyncset.done $0x0  }
0x6e: {  	s25 =	sor.u32 $0x200, s24;
	[sflag:s18] =	ssyncadd.s32 $0xFFFFC000  }
0x6f: {  	[tilespmem:s14], [sflag:$0x1] =	stream.indirect.gather [hbm4b:s4+s13], $0x80, s25, s13, $0xb8;
	[tilespmem:$0x1D000] =	vst v63  }
0x70: {  	_ =	swait.ge [sflag:s19], $0x4000  }
0x71: {  	[sflag:s19] =	ssyncset.done $0x0  }
0x72: {  	s25 =	sor.u32 $0x300, s24;
	[sflag:s19] =	ssyncadd.s32 $0xFFFFC000  }
0x73: {  	[tilespmem:s15], [sflag:$0x2] =	stream.indirect.gather [hbm4b:s4+s13], $0x80, s25, s13, $0xb8;
	[tilespmem:$0x1D000] =	vst v63  }
0x74: {  	_ =	swait.ge [sflag:s16], $0x4000  }
0x75: {  	[sflag:s16] =	ssyncset.done $0x0  }
0x76: {  	s25 =	sor.u32 $0x280, s24;
	[sflag:s16] =	ssyncadd.s32 $0xFFFFC000  }
0x77: {  	[spmem:s2] =	stream.indirect.scatter.add.f32 [tilespmem:s14], [sflag:$0x3], $0x80, s25, s13, $0xb8;
	[tilespmem:$0x1D000] =	vst v63  }
0x78: {  	_ =	swait.ge [sflag:s17], $0x4000  }
0x79: {  	[sflag:s17] =	ssyncset.done $0x0  }
0x7a: {  	s25 =	sor.u32 $0x380, s24;
	[sflag:s17] =	ssyncadd.s32 $0xFFFFC000  }
0x7b: {  	[spmem:s2] =	stream.indirect.scatter.add.f32 [tilespmem:s15], [sflag:$0x4], $0x80, s25, s13, $0xb8;
	[tilespmem:$0x1D000] =	vst v63  }
0x7c: {  	_ =	swait.ge [sflag:s18], $0x4000  }
0x7d: {  	[sflag:s18] =	ssyncset.done $0x0  }
0x7e: {  	s25 =	sor.u32 $0x400, s24;
	[sflag:s18] =	ssyncadd.s32 $0xFFFFC000  }
0x7f: {  	[tilespmem:s14], [sflag:$0x1] =	stream.indirect.gather [hbm4b:s4+s13], $0x80, s25, s13, $0xb8;
	[tilespmem:$0x1D000] =	vst v63  }
0x80: {  	_ =	swait.ge [sflag:s19], $0x4000  }
0x81: {  	[sflag:s19] =	ssyncset.done $0x0  }
0x82: {  	s25 =	sor.u32 $0x500, s24;
	[sflag:s19] =	ssyncadd.s32 $0xFFFFC000  }
0x83: {  	[tilespmem:s15], [sflag:$0x2] =	stream.indirect.gather [hbm4b:s4+s13], $0x80, s25, s13, $0xb8;
	[tilespmem:$0x1D000] =	vst v63  }
0x84: {  	_ =	swait.ge [sflag:s16], $0x4000  }
0x85: {  	[sflag:s16] =	ssyncset.done $0x0  }
0x86: {  	s25 =	sor.u32 $0x480, s24;
	[sflag:s16] =	ssyncadd.s32 $0xFFFFC000  }
0x87: {  	[spmem:s2] =	stream.indirect.scatter.add.f32 [tilespmem:s14], [sflag:$0x3], $0x80, s25, s13, $0xb8;
	[tilespmem:$0x1D000] =	vst v63  }
0x88: {  	_ =	swait.ge [sflag:s17], $0x4000  }
0x89: {  	[sflag:s17] =	ssyncset.done $0x0  }
0x8a: {  	s25 =	sor.u32 $0x580, s24;
	[sflag:s17] =	ssyncadd.s32 $0xFFFFC000  }
0x8b: {  	[spmem:s2] =	stream.indirect.scatter.add.f32 [tilespmem:s15], [sflag:$0x4], $0x80, s25, s13, $0xb8;
	[tilespmem:$0x1D000] =	vst v63  }
0x8c: {  	_ =	swait.ge [sflag:s18], $0x4000  }
0x8d: {  	[sflag:s18] =	ssyncset.done $0x0  }
0x8e: {  	s25 =	sor.u32 $0x600, s24;
	[sflag:s18] =	ssyncadd.s32 $0xFFFFC000  }
0x8f: {  	[tilespmem:s14], [sflag:$0x1] =	stream.indirect.gather [hbm4b:s4+s13], $0x80, s25, s13, $0xb8;
	[tilespmem:$0x1D000] =	vst v63  }
0x90: {  	_ =	swait.ge [sflag:s19], $0x4000  }
0x91: {  	[sflag:s19] =	ssyncset.done $0x0  }
0x92: {  	s25 =	sor.u32 $0x700, s24;
	[sflag:s19] =	ssyncadd.s32 $0xFFFFC000  }
0x93: {  	[tilespmem:s15], [sflag:$0x2] =	stream.indirect.gather [hbm4b:s4+s13], $0x80, s25, s13, $0xb8;
	[tilespmem:$0x1D000] =	vst v63  }
0x94: {  	_ =	swait.ge [sflag:s16], $0x4000  }
0x95: {  	[sflag:s16] =	ssyncset.done $0x0  }
0x96: {  	s25 =	sor.u32 $0x680, s24;
	[sflag:s16] =	ssyncadd.s32 $0xFFFFC000  }
0x97: {  	[spmem:s2] =	stream.indirect.scatter.add.f32 [tilespmem:s14], [sflag:$0x3], $0x80, s25, s13, $0xb8;
	[tilespmem:$0x1D000] =	vst v63  }
0x98: {  	_ =	swait.ge [sflag:s17], $0x4000  }
0x99: {  	[sflag:s17] =	ssyncset.done $0x0  }
0x9a: {  	s24 =	sor.u32 $0x780, s24;
	[sflag:s17] =	ssyncadd.s32 $0xFFFFC000  }
0x9b: {  	[spmem:s2] =	stream.indirect.scatter.add.f32 [tilespmem:s15], [sflag:$0x4], $0x80, s24, s13, $0xb8;
	[tilespmem:$0x1D000] =	vst v63  }
.Ltmp0:
0x9c: {  	_ =	swait.ge [sflag:s18], $0x4000;
	(pc) =	sbr.rel @p0 .LBB2_2-.Ltmp0, $4  }
0x9d: {  	[sflag:s18] =	ssyncset.done $0x0  }
0x9e: {  	[sflag:s18] =	ssyncadd.s32 $0xFFFFC000  }
0x9f: {  	_ =	swait.ge [sflag:s19], $0x4000  }
0xa0: {  	[sflag:s19] =	ssyncset.done $0x0  }
0xa1: {  	[sflag:s19] =	ssyncadd.s32 $0xFFFFC000  }
0xa2: {  	_ =	swait.ge [sflag:s12], $0x800  }
0xa3: {  	s21 =	sadd.s32 $0x1, s21;
	[sflag:s12] =	ssyncset.done $0x0  }
0xa4: {  	p0 =	sne.s32 s21, s8;
	[sflag:s12] =	ssyncadd.s32 $0xFFFFF800  }
.Ltmp1:
0xa5: {  	[bflag:$0x0] =	sbarrier.arrive $0xFFFF;
	(pc) =	sbr.rel @p0 .LBB2_1-.Ltmp1, $4  }
0xa6: {  	[hbm:s20], [sflag:s6] =	dma.local [spmem:s9], $0x2800  }
0xa7: {  	_ =	swait.ge [sflag:s10], $0x2800  }
0xa8: {  	[sflag:s10] =	ssyncset.done $0x0  }
0xa9: {  	[sflag:s10] =	ssyncadd.s32 $0xFFFFD800  }
0xaa: {  	_ =	sfence.sel $0x180000  }
0xab: {  	[bflag:$0x0] =	sbarrier.arrive $0xFFFF  }
0xac: {  	p0 =	sne.s32 s0, $0x0;
	_ =	strace $0x9000004D  }
0xad: {  	s0 =	sadd.s32 @!p0 $0x100000, s1;
	[bflag:$0x2] =	sbarrier.arrive $0xFFFF  }
0xae: {  	[sflag:s0] =	ssyncadd.tile.s32 @!p0 $0x1;
	_ =	shalt  }
.Lfunc_end2:
_tile_overlayer_lowered:
.L_overlay_start_2:
0xaf: {  	(tag) =	ssettag $0x2  }
0xb0: {  	s0 =	rddreg [dreg:$0x0];
	s2 =	stileid.u32  }
0xb1: {  	s1 =	rddreg [dreg:$0x1];
	p0 =	sne.s32 s2, $0x0  }
0xb2: {  	s3 =	rddreg [dreg:$0x2];
	[bflag:$0x3] =	sbarrier.arrive $0xFFFF;
	s2 =	simm.s32 @!p0 $0x1C06  }
0xb3: {  	[timem:s3], [sflag:s2] =	dma.local @!p0 [hbm:s0], s1  }
0xb4: {  	s0 =	simm.s32 @!p0 $0x6  }
0xb5: {  	_ =	swait.ge @!p0 [sflag:s0], s1  }
0xb6: {  	s1 =	ssub.s32 @!p0 $0x0, s1;
	[sflag:s0] =	ssyncset.done @!p0 $0x0  }
0xb7: {  	[sflag:s0] =	ssyncadd.s32 @!p0 s1  }
0xb8: {  	[bflag:$0x3] =	sbarrier.arrive $0xFFFF  }
0xb9: {  	_ =	shalt  }

// kernel: kernel.19.cloned.1.call-start
scs
__scs_entry_jumppad:
0x0: {  	(pc) =	sbr.rel $0x88, $3  }
0x1: {  	(tag) =	ssettag $0x0;
	lr =	simm.s32 $0x1  }
0x2: {  	[smem:$0x3F95] =	sst lr;
	_ =	strace $0xD0000000  }
0x3: {  	_ = 	snop  }
0x4: {  	_ = 	snop  }
0x5: {  	_ = 	snop  }
0x6: {  	_ = 	snop  }
0x7: {  	_ = 	snop  }
__scs_overlays_trampoline_lowered:
0x8: {  	[smem:$0x3FA4] =	sst s0  }
0x9: {  	[smem:$0x3FA5] =	sst s1  }
0xa: {  	[smem:$0x3FA6] =	sst s2  }
0xb: {  	[smem:$0x3FA7] =	sst s3  }
0xc: {  	[smem:$0x3FA8] =	sst s4  }
0xd: {  	[smem:$0x3FA9] =	sst s5  }
0xe: {  	[smem:$0x3FAA] =	sst s6  }
0xf: {  	[smem:$0x3FAB] =	sst s7  }
0x10: {  	[smem:$0x3FAC] =	sst s8  }
0x11: {  	[smem:$0x3FAD] =	sst s9;
	s0 =	simm.s32 @!p0 $0x0  }
0x12: {  	s1 =	sld [smem:$0x3F93];
	s0 =	simm.s32 @p0 $0x1  }
0x13: {  	[smem:$0x3FAE] =	sst s0;
	s0 =	simm.s32 @!p1 $0x0  }
0x14: {  	s2 =	sld [smem:$0x3F92];
	s0 =	simm.s32 @p1 $0x1  }
0x15: {  	[smem:$0x3FAF] =	sst s0;
	s0 =	simm.s32 @!p2 $0x0  }
0x16: {  	s3 =	sld [smem:$0x3FDB];
	s0 =	simm.s32 @p2 $0x1  }
0x17: {  	s4 =	simm.s32 $0x1BF5;
	[smem:$0x3FB1] =	sst s0  }
0x18: {  	s0 =	sld [smem:$0x3F94];
	_ =	swait.ge [sflag:s4], $0x0  }
0x19: {  	s7 =	sld [smem:$0x3F95]  }
0x1a: {  	s8 =	sadd.s32 $0xFFFFE003, lr  }
0x1b: {  	s9 =	sadd.s32 $0xFFFFFEF7, lr;
	s5 =	simm.s32 $0xFFFFFFFF;
	p2 =	slt.u32 s8, $0xFFFFF086  }
0x1c: {  	p1 =	slt.u32 s9, $0xF7A;
	s5 =	simm.s32 @!p2 $0x0  }
0x1d: {  	s5 =	simm.s32 @p1 $0x1;
	p0 =	seq.s32 s7, s2  }
0x1e: {  	s7 =	smul.u32 @!p0 $0xF7A, s2;
	p2 =	seq.s32 @!p0 s5, $0x0  }
0x1f: {  	s9 =	smul.u32 $0xF7A, s1;
	s8 =	simm.s32 @!p0 $0x1BF5;
	p2 =	por !p2, p0  }
0x20: {  	[sflag:s8] =	ssyncset.s32 @!p0 $0xFFFFF086;
	s6 =	sadd.s32 @!p0 s3, s7;
	s7 =	simm.s32 @!p0 $0x108  }
0x21: {  	s3 =	sadd.s32 s3, s9;
	s6 =	sadd.s32 @!p0 $0x88, s6;
	s7 =	simm.s32 @p2 $0x1082  }
0x22: {  	[simem:s7], [sflag:s8] =	dma.local @!p0 [hbm:s6], $0xF7A  }
0x23: {  	s9 =	sor.u32 $0xD0000000, s2;
	s6 =	simm.s32 $0x108;
	_ =	swait.ge @!p0 [sflag:s8], $0x0  }
0x24: {  	s3 =	sadd.s32 $0x88, s3;
	s6 =	simm.s32 @!p1 $0x1082;
	[sflag:s4] =	ssyncset.s32 $0xFFFFF086  }
0x25: {  	[simem:s6], [sflag:s4] =	dma.local [hbm:s3], $0xF7A  }
0x26: {  	[smem:$0x3F95] =	sst s1;
	(tag) =	ssettag s2;
	_ =	strace s9  }
0x27: {  	s1 =	sld [smem:$0x3FA5]  }
0x28: {  	s2 =	sld [smem:$0x3FA6]  }
0x29: {  	s4 =	sld [smem:$0x3FA8]  }
0x2a: {  	p0 =	seq.s32 s5, $0x0;
	s5 =	sld [smem:$0x3FA9]  }
0x2b: {  	s6 =	sld [smem:$0x3FAA]  }
0x2c: {  	s7 =	sld [smem:$0x3FAB]  }
0x2d: {  	s3 =	simm.s32 $0x108;
	s8 =	sld [smem:$0x3FAC]  }
0x2e: {  	s3 =	simm.s32 @!p0 $0x1082;
	s9 =	sld [smem:$0x3FAD]  }
0x2f: {  	lr =	sadd.s32 s0, s3;
	s0 =	sld [smem:$0x3FA4]  }
0x30: {  	s3 =	sld [smem:$0x3FA7]  }
0x31: {  	[smem:$0x3FB0] =	sst s10  }
0x32: {  	s10 =	sld [smem:$0x3FAE];
	_ =	sdelay $0x3  }
0x33: {  	p0 =	seq.s32 s10, $0x1;
	s10 =	sld [smem:$0x3FB0];
	_ =	sdelay $0x3  }
0x34: {  	[smem:$0x3FB0] =	sst s10  }
0x35: {  	s10 =	sld [smem:$0x3FAF];
	_ =	sdelay $0x3  }
0x36: {  	p1 =	seq.s32 s10, $0x1;
	s10 =	sld [smem:$0x3FB0];
	_ =	sdelay $0x3  }
0x37: {  	[smem:$0x3FB0] =	sst s10  }
0x38: {  	s10 =	sld [smem:$0x3FB1]  }
0x39: {  	_ = 	snop;
	(pc) =	sbr.ind lr, $3  }
0x3a: {  	_ = 	snop  }
0x3b: {  	_ = 	snop  }
0x3c: {  	p2 =	seq.s32 s10, $0x1;
	s10 =	sld [smem:$0x3FB0]  }
0x3d: {  	_ =	shalt  }
0x3e: {  	_ =	shalt  }
0x3f: {  	_ =	shalt  }
0x40: {  	_ =	shalt  }
0x41: {  	_ =	shalt  }
0x42: {  	_ =	shalt  }
0x43: {  	_ =	shalt  }
0x44: {  	_ =	shalt  }
0x45: {  	_ =	shalt  }
0x46: {  	_ =	shalt  }
0x47: {  	_ =	shalt  }
0x48: {  	_ =	shalt  }
0x49: {  	_ =	shalt  }
0x4a: {  	_ =	shalt  }
0x4b: {  	_ =	shalt  }
0x4c: {  	_ =	shalt  }
0x4d: {  	_ =	shalt  }
0x4e: {  	_ =	shalt  }
0x4f: {  	_ =	shalt  }
0x50: {  	_ =	shalt  }
0x51: {  	_ =	shalt  }
0x52: {  	_ =	shalt  }
0x53: {  	_ =	shalt  }
0x54: {  	_ =	shalt  }
0x55: {  	_ =	shalt  }
0x56: {  	_ =	shalt  }
0x57: {  	_ =	shalt  }
0x58: {  	_ =	shalt  }
0x59: {  	_ =	shalt  }
0x5a: {  	_ =	shalt  }
0x5b: {  	_ =	shalt  }
0x5c: {  	_ =	shalt  }
0x5d: {  	_ =	shalt  }
0x5e: {  	_ =	shalt  }
0x5f: {  	_ =	shalt  }
0x60: {  	_ =	shalt  }
0x61: {  	_ =	shalt  }
0x62: {  	_ =	shalt  }
0x63: {  	_ =	shalt  }
0x64: {  	_ =	shalt  }
0x65: {  	_ =	shalt  }
0x66: {  	_ =	shalt  }
0x67: {  	_ =	shalt  }
0x68: {  	_ =	shalt  }
0x69: {  	_ =	shalt  }
0x6a: {  	_ =	shalt  }
0x6b: {  	_ =	shalt  }
0x6c: {  	_ =	shalt  }
0x6d: {  	_ =	shalt  }
0x6e: {  	_ =	shalt  }
0x6f: {  	_ =	shalt  }
0x70: {  	_ =	shalt  }
0x71: {  	_ =	shalt  }
0x72: {  	_ =	shalt  }
0x73: {  	_ =	shalt  }
0x74: {  	_ =	shalt  }
0x75: {  	_ =	shalt  }
0x76: {  	_ =	shalt  }
0x77: {  	_ =	shalt  }
0x78: {  	_ =	shalt  }
0x79: {  	_ =	shalt  }
0x7a: {  	_ =	shalt  }
0x7b: {  	_ =	shalt  }
0x7c: {  	_ =	shalt  }
0x7d: {  	_ =	shalt  }
0x7e: {  	_ =	shalt  }
0x7f: {  	_ =	shalt  }
0x80: {  	_ =	shalt  }
0x81: {  	_ =	shalt  }
0x82: {  	_ =	shalt  }
0x83: {  	_ =	shalt  }
0x84: {  	_ =	shalt  }
0x85: {  	_ =	shalt  }
0x86: {  	_ =	shalt  }
0x87: {  	_ =	shalt  }
.Lfunc_end0:
.L_simem_size_0:
called_computation.3_lowered:
.L_overlay_start_0:
0x88: {  	s2 =	sld [smem:$0x3FD9]  }
0x89: {  	s3 =	sld [smem:$0x3FFE];
	_ =	sdelay $0x1  }
0x8a: {  	s1 =	srdreg.scid  }
0x8b: {  	s0 =	sand.u32 $0x1, s1  }
0x8c: {  	s16 =	sshll.u32 s0, $0xA;
	s2 =	sadd.s32 s3, s2  }
0x8d: {  	s2 =	sadd.s32 s2, s16  }
0x8e: {  	[smem:$0x3FBC] =	sst s2  }
0x8f: {  	_ = 	snop  }
0x90: {  	(tm) =	ssettm $0x1  }
0x91: {  	s17 =	sld [smem:$0x3FFB];
	_ =	sdelay $0x3  }
0x92: {  	_ =	strace s17  }
0x93: {  	s2 =	sld [smem:$0x3FFC];
	_ =	sdelay $0x3  }
0x94: {  	_ =	strace s2  }
0x95: {  	s2 =	sld [smem:$0x3FFD];
	_ =	sdelay $0x3  }
0x96: {  	_ =	strace s2  }
0x97: {  	_ =	strace $0x8FFFFFFF  }
0x98: {  	s18 =	sld [smem:$0x3FDB];
	_ =	sdelay $0x1  }
0x99: {  	s19 =	simm.s32 $_scs_section_size  }
0x9a: {  	s4 =	simm.s32 $_size__tile_overlayer_lowered;
	s5 =	simm.s32 $_tile_overlayer_lowered  }
0x9b: {  	s22 =	simm.s32 $0x1BFF;
	s21 =	sshll.u32 s5, $0x1;
	s2 =	sadd.s32 s19, s18  }
0x9c: {  	s6 =	simm.s32 $0x0;
	s20 =	sshll.u32 s4, $0x1;
	s4 =	sadd.s32 s21, s2  }
0x9d: {  	[timem:s6], [sflag:s22] =	dma.local [hbm:s4], s20  }
0x9e: {  	_ =	swait.ge [sflag:s22], s20  }
0x9f: {  	s3 =	ssub.s32 $0x0, s20;
	[sflag:s22] =	ssyncset.done $0x0  }
0xa0: {  	[sflag:s22] =	ssyncadd.s32 s3;
	_ =	sdelay $0x1  }
0xa1: {  	s23 =	simm.s32 $0x1B8B  }
0xa2: {  	_ =	swait.ge [sflag:s23], $0x1  }
0xa3: {  	[sflag:s23] =	ssyncset.done $0x0  }
0xa4: {  	s25 =	simm.s32 $0x1B8E;
	s24 =	sld [smem:$0x3FFE];
	[sflag:s23] =	ssyncadd.s32 $0xFFFFFFFF  }
0xa5: {  	s26 =	simm.s32 $execute0_lowered;
	[smem:$0x3FD2] =	sst s25  }
0xa6: {  	s4 =	sshll.u32 s26, $0x1;
	_ =	strace $0x8000004F;
	[dreg:$0x1] =	wrdreg $0xFFFFFFFF  }
0xa7: {  	s28 =	simm.s32 $_size_execute0_lowered;
	s2 =	sadd.s32 s2, s4;
	[dreg:$0x0] =	wrdreg $0x0  }
0xa8: {  	s4 =	sshll.u32 s28, $0x1;
	[dreg:$0x2] =	wrdreg s2  }
0xa9: {  	[dreg:$0x3] =	wrdreg s4  }
0xaa: {  	[dreg:$0x4] =	wrdreg $0xC0  }
0xab: {  	_ =	task [dreg:s6], $0x5FFFF  }
0xac: {  	[dreg:$0x1] =	wrdreg $0xFFFFFFFF  }
0xad: {  	[dreg:$0x0] =	wrdreg $0x60  }
0xae: {  	[dreg:$0x2] =	wrdreg s24  }
0xaf: {  	[dreg:$0x3] =	wrdreg $0x9  }
0xb0: {  	_ =	task.clear_ibuf [dreg:s6], $0x4FFFF;
	_ =	strace $0x9000004F  }
0xb1: {  	s29 =	simm.s32 $0x9;
	_ =	strace $0x80000051  }
0xb2: {  	_ =	swait.ge [sflag:s29], $0x1  }
0xb3: {  	[sflag:s29] =	ssyncadd.s32 $0xFFFFFFFF  }
0xb4: {  	_ =	strace $0x90000051  }
0xb5: {  	_ =	sfence  }
0xb6: {  	s30 =	sld [smem:$0x0];
	_ =	sdelay $0x2  }
0xb7: {  	s31 =	sshll.u32 s1, $0xD;
	s1 =	sshrl.u32 s1, $0x2  }
0xb8: {  	s3 =	sand.u32 $0x4000, s31;
	s1 =	sadd.s32 s1, s30  }
0xb9: {  	s0 =	sor.u32 s3, s0;
	s1 =	sshll.u32 s1, $0x11  }
0xba: {  	s0 =	sor.u32 s1, s0  }
0xbb: {  	s0 =	sadd.s32 $0x8F2B, s0  }
0xbc: {  	[sflag:s0] =	ssyncadd.remote.s32 $0x1  }
0xbd: {  	_ =	sfence.sel $0xFFFF  }
0xbe: {  	[dreg:$0x0] =	wrdreg $0xFFFFFFFF;
	(pc) =	sbr.abs _section_cstart, $3  }
0xbf: {  	[dreg:$0x1] =	wrdreg $0xFFFFFFFF  }
0xc0: {  	_ =	task.clear_ibuf [dreg:s6], $0x2FFFF;
	_ =	strace $0x9FFFFFFF  }
0xc1: {  	(tm) =	ssettm $0x7FFFFFFF  }
tec
execute0_lowered:
.L_overlay_start_1:
0x0: {  	(tag) =	ssettag $0x1  }
0x1: {  	s0 =	srdreg.scid  }
0x2: {  	s12 =	sand.u32 $0x1, s0  }
0x3: {  	s0 =	stileid.u32;
	s1 =	sshll.u32 s12, $0x4  }
0x4: {  	s13 =	sor.u32 s0, s1  }
0x5: {  	s14 =	rddreg [dreg:$0x0];
	s2 =	sshll.u32 s0, $0x4;
	s1 =	sshll.u32 s13, $0x4  }
0x6: {  	s4 =	sand.u32 $0x70, s2;
	s2 =	simm.s32 $0x0;
	s3 =	sand.u32 $0x180, s1  }
0x7: {  	[smem:$0x7FF] =	sst s2;
	s3 =	sor.u32 s4, s3  }
0x8: {  	s1 =	rddreg [dreg:$0x1];
	s5 =	sadd.s32 s3, s14  }
0x9: {  	_ =	strace $0x80000050;
	s3 =	simm.s32 $0x2;
	s4 =	sadd.s32 $0x2B800, s5  }
0xa: {  	[tilespmem:s2], [sflag:$0x2] =	stream.linear.gather [hbm4b:s4+s2], $0x80, $0x38;
	[tilespmem:$0x2100] =	vst v63  }
0xb: {  	_ =	swait.ge [sflag:s3], $0x80  }
0xc: {  	[sflag:s3] =	ssyncset.done $0x0  }
0xd: {  	s6 =	simm.s32 $0x80;
	s5 =	sadd.s32 $0x2BA00, s5;
	[sflag:s3] =	ssyncadd.s32 $0xFFFFFF80  }
0xe: {  	[tilespmem:s6], [sflag:$0x2] =	stream.linear.gather [hbm4b:s5+s2], $0x80, $0x38;
	[tilespmem:$0x2100] =	vst v63  }
0xf: {  	_ =	swait.ge [sflag:s3], $0x80  }
0x10: {  	s8 =	simm.s32 $0x20;
	s9 =	simm.s32 $0x100;
	[sflag:s3] =	ssyncset.done $0x0  }
0x11: {  	s10 =	simm.s32 $0x1;
	s7 =	sadd.s32 $0x3800, s14;
	[sflag:s3] =	ssyncadd.s32 $0xFFFFFF80  }
0x12: {  	[tilespmem:s9], [sflag:$0x1] =	stream.indirect.gather [hbm4b:s7+s8], $0x80, s2, s8, $0xb8;
	[tilespmem:$0x2100] =	vst v63  }
0x13: {  	_ =	swait.ge [sflag:s10], $0x1000  }
0x14: {  	[sflag:s10] =	ssyncset.done $0x0  }
0x15: {  	s11 =	simm.s32 $0x1100;
	s31 =	ssub.s32 $0x2, s12;
	[sflag:s10] =	ssyncadd.s32 $0xFFFFF000  }
0x16: {  	[tilespmem:s11], [sflag:$0x1] =	stream.indirect.gather [hbm4b:s7+s8], $0x80, s6, s8, $0xb8;
	[tilespmem:$0x2100] =	vst v63  }
0x17: {  	s15 =	sshrl.u32 s31, $0x1;
	s13 =	sshll.u32 s13, $0x9;
	_ =	swait.ge [sflag:s10], $0x1000  }
0x18: {  	s13 =	sadd.s32 s13, s14;
	s14 =	ssub.s32 s31, s15;
	[sflag:s10] =	ssyncset.done $0x0  }
0x19: {  	s12 =	sadd.s32 $0x2BC00, s13;
	s14 =	smax.u32 s14, $0x1;
	[sflag:s10] =	ssyncadd.s32 $0xFFFFF000  }
0x1a: {  	[hbm4b:s12+s2] =	stream.linear.scatter [tilespmem:s9], [sflag:$0x2], $0x1000, $0x38;
	[tilespmem:$0x2100] =	vst v63  }
0x1b: {  	p0 =	sne.s32 s14, $0x1;
	_ =	swait.ge [sflag:s3], $0x1000  }
.Ltmp0:
0x1c: {  	[sflag:s3] =	ssyncset.done $0x0;
	(pc) =	sbr.rel @!p0 .LBB2_2-.Ltmp0, $4  }
0x1d: {  	s13 =	sadd.s32 $0x2FC00, s13;
	[sflag:s3] =	ssyncadd.s32 $0xFFFFF000  }
0x1e: {  	[hbm4b:s13+s2] =	stream.linear.scatter [tilespmem:s11], [sflag:$0x2], $0x1000, $0x38;
	[tilespmem:$0x2100] =	vst v63  }
0x1f: {  	_ =	swait.ge [sflag:s3], $0x1000  }
0x20: {  	s14 =	sadd.s32 $0xFFFFFFFF, s14;
	[sflag:s3] =	ssyncset.done $0x0  }
.LBB2_1:
0x21: {  	p0 =	sne.s32 s14, $0x1;
	s14 =	sadd.s32 $0xFFFFFFFF, s14;
	[sflag:s3] =	ssyncadd.s32 $0xFFFFF000  }
0x22: {  	[tilespmem:s2], [sflag:$0x2] =	stream.linear.gather [hbm4b:s4+s2], $0x80, $0x38;
	[tilespmem:$0x2100] =	vst v63  }
0x23: {  	_ =	swait.ge [sflag:s3], $0x80  }
0x24: {  	[sflag:s3] =	ssyncset.done $0x0  }
0x25: {  	[sflag:s3] =	ssyncadd.s32 $0xFFFFFF80  }
0x26: {  	[tilespmem:s6], [sflag:$0x2] =	stream.linear.gather [hbm4b:s5+s2], $0x80, $0x38;
	[tilespmem:$0x2100] =	vst v63  }
0x27: {  	_ =	swait.ge [sflag:s3], $0x80  }
0x28: {  	[sflag:s3] =	ssyncset.done $0x0  }
0x29: {  	[sflag:s3] =	ssyncadd.s32 $0xFFFFFF80  }
0x2a: {  	[tilespmem:s9], [sflag:$0x1] =	stream.indirect.gather [hbm4b:s7+s8], $0x80, s2, s8, $0xb8;
	[tilespmem:$0x2100] =	vst v63  }
0x2b: {  	_ =	swait.ge [sflag:s10], $0x1000  }
0x2c: {  	[sflag:s10] =	ssyncset.done $0x0  }
0x2d: {  	[sflag:s10] =	ssyncadd.s32 $0xFFFFF000  }
0x2e: {  	[tilespmem:s11], [sflag:$0x1] =	stream.indirect.gather [hbm4b:s7+s8], $0x80, s6, s8, $0xb8;
	[tilespmem:$0x2100] =	vst v63  }
0x2f: {  	_ =	swait.ge [sflag:s10], $0x1000  }
0x30: {  	[sflag:s10] =	ssyncset.done $0x0  }
0x31: {  	[sflag:s10] =	ssyncadd.s32 $0xFFFFF000  }
0x32: {  	[hbm4b:s12+s2] =	stream.linear.scatter [tilespmem:s9], [sflag:$0x2], $0x1000, $0x38;
	[tilespmem:$0x2100] =	vst v63  }
0x33: {  	_ =	swait.ge [sflag:s3], $0x1000  }
.Ltmp1:
0x34: {  	[sflag:s3] =	ssyncset.done $0x0;
	(pc) =	sbr.rel @p0 .LBB2_1-.Ltmp1, $4  }
0x35: {  	[sflag:s3] =	ssyncadd.s32 $0xFFFFF000  }
0x36: {  	[hbm4b:s13+s2] =	stream.linear.scatter [tilespmem:s11], [sflag:$0x2], $0x1000, $0x38;
	[tilespmem:$0x2100] =	vst v63  }
0x37: {  	_ =	swait.ge [sflag:s3], $0x1000  }
0x38: {  	[sflag:s3] =	ssyncset.done $0x0  }
.LBB2_2:
0x39: {  	[sflag:s3] =	ssyncadd.s32 $0xFFFFF000  }
0x3a: {  	_ =	sfence.sel $0x180000  }
0x3b: {  	[bflag:$0x0] =	sbarrier.arrive $0xFFFF  }
0x3c: {  	p0 =	sne.s32 s0, $0x0;
	_ =	strace $0x90000050  }
0x3d: {  	s0 =	sadd.s32 @!p0 $0x100000, s1;
	[bflag:$0x2] =	sbarrier.arrive $0xFFFF  }
0x3e: {  	[sflag:s0] =	ssyncadd.tile.s32 @!p0 $0x1;
	_ =	shalt  }
.Lfunc_end2:
_tile_overlayer_lowered:
.L_overlay_start_2:
0x3f: {  	(tag) =	ssettag $0x2  }
0x40: {  	s0 =	rddreg [dreg:$0x0];
	s2 =	stileid.u32  }
0x41: {  	s1 =	rddreg [dreg:$0x1];
	p0 =	sne.s32 s2, $0x0  }
0x42: {  	s3 =	rddreg [dreg:$0x2];
	[bflag:$0x3] =	sbarrier.arrive $0xFFFF;
	s2 =	simm.s32 @!p0 $0x1C02  }
0x43: {  	[timem:s3], [sflag:s2] =	dma.local @!p0 [hbm:s0], s1  }
0x44: {  	s0 =	simm.s32 @!p0 $0x2  }
0x45: {  	_ =	swait.ge @!p0 [sflag:s0], s1  }
0x46: {  	s1 =	ssub.s32 @!p0 $0x0, s1;
	[sflag:s0] =	ssyncset.done @!p0 $0x0  }
0x47: {  	[sflag:s0] =	ssyncadd.s32 @!p0 s1  }
0x48: {  	[bflag:$0x3] =	sbarrier.arrive $0xFFFF  }
0x49: {  	_ =	shalt  }

</sc_bundles>
